<compile_context>
chip_gen: v7x
topology: tpu7x:2x2x1
jax: 0.10.2.dev20260603
libtpu: 0.0.44.dev20260713+nightly
codegen_flags: <defaults>
</compile_context>

<pallas_src>
import functools

import jax
import jax.numpy as jnp
from jax import lax
from jax.experimental import pallas as pl
from jax.experimental.pallas import tpu as pltpu
from jax.experimental.pallas import tpu_sc as plsc

F32 = jnp.float32
NUM_GRAPHS = 64


def _elu(v):
    return jnp.where(v > 0, v, jnp.exp(jnp.minimum(v, 0.0)) - 1.0)



def _in_proj_body(x_ref, w_ref, b_ref, o_ref):
    o_ref[...] = _elu(
        jnp.dot(x_ref[...], w_ref[...], preferred_element_type=F32) + b_ref[...]
    )


def _mm_split_body(h_ref, w_ref, d0_ref, d1_ref, o0_ref, o1_ref):
    dis = lax.rsqrt(d0_ref[...] + d1_ref[...] + 1.0)
    xw = jnp.dot(h_ref[...], w_ref[...], preferred_element_type=F32) * dis
    hh = xw.shape[1] // 2
    o0_ref[...] = xw[:, :hh]
    o1_ref[...] = xw[:, hh:]


def _post(s0, s1, xp0, xp1, d0, d1, bc, gm, bt):
    dis = lax.rsqrt(d0 + d1 + 1.0)
    p = jnp.concatenate([s0 + xp0, s1 + xp1], axis=1)
    agg = p * dis + bc
    e = _elu(agg)
    mu = jnp.mean(e, axis=1, keepdims=True)
    var = jnp.mean((e - mu) ** 2, axis=1, keepdims=True)
    return (e - mu) * lax.rsqrt(var + 1e-5) * gm + bt


def _step_body(s0_ref, s1_ref, xp0_ref, xp1_ref, d0_ref, d1_ref, bc_ref,
               gm_ref, bt_ref, w_ref, o0_ref, o1_ref):
    h = _post(s0_ref[...], s1_ref[...], xp0_ref[...], xp1_ref[...],
              d0_ref[...], d1_ref[...], bc_ref[...], gm_ref[...], bt_ref[...])
    dis = lax.rsqrt(d0_ref[...] + d1_ref[...] + 1.0)
    xw = jnp.dot(h, w_ref[...], preferred_element_type=F32) * dis
    hh = xw.shape[1] // 2
    o0_ref[...] = xw[:, :hh]
    o1_ref[...] = xw[:, hh:]


def _post_body(s0_ref, s1_ref, xp0_ref, xp1_ref, d0_ref, d1_ref, bc_ref,
               gm_ref, bt_ref, o_ref):
    o_ref[...] = _post(s0_ref[...], s1_ref[...], xp0_ref[...], xp1_ref[...],
                       d0_ref[...], d1_ref[...], bc_ref[...], gm_ref[...],
                       bt_ref[...])


def _pool_body(h_ref, batch_ref, sums_ref, maxs_ref, cnts_ref):
    step = pl.program_id(0)
    b = batch_ref[...]
    hdim = h_ref.shape[1]
    sm_list, mx_list, ct_list = [], [], []
    for j in range(8):
        g = step * 8 + j
        s = jnp.sum((b < g).astype(jnp.int32))
        e = jnp.sum((b < g + 1).astype(jnp.int32))
        c0 = s // 8
        c1 = (e + 7) // 8

        def body(i, carry, s=s, e=e):
            sm, mx = carry
            blk = h_ref[pl.ds(i * 8, 8), :]
            rid = lax.broadcasted_iota(jnp.int32, (8, 1), 0) + i * 8
            m = (rid >= s) & (rid < e)
            sm = sm + jnp.sum(jnp.where(m, blk, 0.0), axis=0, keepdims=True)
            mx = jnp.maximum(
                mx, jnp.max(jnp.where(m, blk, -jnp.inf), axis=0, keepdims=True))
            return sm, mx

        sm, mx = lax.fori_loop(
            c0, c1, body,
            (jnp.zeros((1, hdim), F32), jnp.full((1, hdim), -jnp.inf, F32)))
        sm_list.append(sm)
        mx_list.append(mx)
        ct_list.append((e - s).astype(F32).reshape(1, 1))
    sums_ref[...] = jnp.concatenate(sm_list, axis=0)
    maxs_ref[...] = jnp.concatenate(mx_list, axis=0)
    cnts_ref[...] = jnp.concatenate(ct_list, axis=0)


def _mlp_body(sm_ref, mx_ref, ct_ref, w1_ref, b1_ref, w2_ref, b2_ref,
              w3_ref, b3_ref, o_ref):
    mean = sm_ref[...] / jnp.maximum(ct_ref[...], 1.0)
    hp = jnp.concatenate([mean, mx_ref[...]], axis=1)
    z = _elu(jnp.dot(hp, w1_ref[...], preferred_element_type=F32) + b1_ref[...])
    z = _elu(jnp.dot(z, w2_ref[...], preferred_element_type=F32) + b2_ref[...])
    o_ref[...] = jnp.dot(z, w3_ref[...], preferred_element_type=F32) + b3_ref[...]



def _make_deg_kernel(n_pad, n_edges):
    mesh = plsc.VectorSubcoreMesh(core_axis_name="c", subcore_axis_name="s")
    stripe = n_pad // 16
    ept = n_edges // 32
    ke = 40
    nch = ept // ke

    @functools.partial(
        pl.kernel, mesh=mesh,
        out_type=[jax.ShapeDtypeStruct((n_pad,), F32),
                  jax.ShapeDtypeStruct((n_pad,), F32)],
        scratch_types=[
            pltpu.VMEM((ke,), jnp.int32),
            pltpu.VMEM((48,), F32),
            pltpu.VMEM((stripe,), F32),
            pltpu.VMEM_SHARED((n_pad,), F32),
        ],
    )
    def deg_kernel(ed_hbm, d0_hbm, d1_hbm, idx_v, ones_v, zb_v, acc_sh):
        c = lax.axis_index("c")
        s = lax.axis_index("s")
        for i in range(3):
            ones_v[pl.ds(i * 16, 16)] = jnp.ones((16,), F32)
        for i in range(stripe // 16):
            zb_v[pl.ds(i * 16, 16)] = jnp.zeros((16,), F32)
        pltpu.sync_copy(zb_v, acc_sh.at[pl.ds(s * stripe, stripe)])
        plsc.subcore_barrier()

        base = c * (n_edges // 2) + s * ept

        def body(k, carry):
            e0 = base + k * ke
            pltpu.sync_copy(ed_hbm.at[pl.ds(e0, ke)], idx_v)
            pltpu.sync_copy(ones_v.at[pl.ds(0, ke)], acc_sh.at[idx_v],
                            add=True)
            return carry

        lax.fori_loop(0, nch, body, 0)
        plsc.subcore_barrier()

        @pl.when(c == 0)
        def _():
            pltpu.sync_copy(acc_sh.at[pl.ds(s * stripe, stripe)],
                            d0_hbm.at[pl.ds(s * stripe, stripe)])

        @pl.when(c == 1)
        def _():
            pltpu.sync_copy(acc_sh.at[pl.ds(s * stripe, stripe)],
                            d1_hbm.at[pl.ds(s * stripe, stripe)])

    return deg_kernel


def _make_edge_kernel(n_pad, n_edges, hh):
    mesh = plsc.VectorSubcoreMesh(core_axis_name="c", subcore_axis_name="s")
    stripe = n_pad // 16
    ept = n_edges // 16
    ke = 80
    nch = ept // ke

    @functools.partial(
        pl.kernel, mesh=mesh,
        out_type=[jax.ShapeDtypeStruct((n_pad, hh), F32),
                  jax.ShapeDtypeStruct((n_pad, hh), F32)],
        scratch_types=[
            pltpu.VMEM((ke,), jnp.int32),
            pltpu.VMEM((ke,), jnp.int32),
            pltpu.VMEM((ke, hh), F32),
            pltpu.VMEM_SHARED((n_pad, hh), F32),
            pltpu.SemaphoreType.DMA,
        ],
    )
    def edge_kernel(xw0_hbm, xw1_hbm, es_hbm, ed_hbm, s0_hbm, s1_hbm,
                    esc_v, edc_v, rows_v, acc_sh, sem):
        c = lax.axis_index("c")
        s = lax.axis_index("s")

        def zb_body(r, carry):
            for j in range(hh // 16):
                rows_v[r, pl.ds(j * 16, 16)] = jnp.zeros((16,), F32)
            return carry

        lax.fori_loop(0, ke, zb_body, 0)
        for t in range(stripe // ke):
            pltpu.sync_copy(rows_v,
                            acc_sh.at[pl.ds(s * stripe + t * ke, ke)])
        plsc.subcore_barrier()

        def edge_loop(xw_hbm):
            base = s * ept

            def body(k, carry):
                e0 = base + k * ke
                pltpu.sync_copy(es_hbm.at[pl.ds(e0, ke)], esc_v)
                pltpu.sync_copy(ed_hbm.at[pl.ds(e0, ke)], edc_v)
                pltpu.async_copy(xw_hbm.at[esc_v], rows_v, sem).wait()
                pltpu.sync_copy(rows_v, acc_sh.at[edc_v], add=True)
                return carry

            lax.fori_loop(0, nch, body, 0)

        @pl.when(c == 0)
        def _():
            edge_loop(xw0_hbm)

        @pl.when(c == 1)
        def _():
            edge_loop(xw1_hbm)

        plsc.subcore_barrier()

        @pl.when(c == 0)
        def _():
            pltpu.sync_copy(acc_sh.at[pl.ds(s * stripe, stripe)],
                            s0_hbm.at[pl.ds(s * stripe, stripe)])

        @pl.when(c == 1)
        def _():
            pltpu.sync_copy(acc_sh.at[pl.ds(s * stripe, stripe)],
                            s1_hbm.at[pl.ds(s * stripe, stripe)])

    return edge_kernel



def kernel(x, edge_index, batch, W0, b0, Wc, bc, gamma, beta,
           W1, b1, W2, b2, W3, b3):
    n, d = x.shape
    e_cnt = edge_index.shape[1]
    h_dim = W0.shape[1]
    n_layers = Wc.shape[0]
    hh = h_dim // 2
    n_pad = ((n + 255) // 256) * 256
    rb = 1000
    n_row_blocks = n // rb

    es = edge_index[0]
    ed = edge_index[1]
    b0r = b0.reshape(1, h_dim)

    full = lambda shp: pl.BlockSpec(shp, lambda i: tuple(0 for _ in shp))
    rowblk = lambda cols: pl.BlockSpec((rb, cols), lambda i: (i, 0))

    h0 = pl.pallas_call(
        _in_proj_body,
        grid=(n_row_blocks,),
        in_specs=[rowblk(d), full((d, h_dim)), full((1, h_dim))],
        out_specs=rowblk(h_dim),
        out_shape=jax.ShapeDtypeStruct((n, h_dim), F32),
    )(x, W0, b0r)

    deg_k = _make_deg_kernel(n_pad, e_cnt)
    d0p, d1p = deg_k(ed)
    d0 = d0p[:n].reshape(n, 1)
    d1 = d1p[:n].reshape(n, 1)

    xw0, xw1 = pl.pallas_call(
        _mm_split_body,
        grid=(n_row_blocks,),
        in_specs=[rowblk(h_dim), full((h_dim, h_dim)), rowblk(1), rowblk(1)],
        out_specs=[rowblk(hh), rowblk(hh)],
        out_shape=[jax.ShapeDtypeStruct((n, hh), F32),
                   jax.ShapeDtypeStruct((n, hh), F32)],
    )(h0, Wc[0], d0, d1)

    edge_k = _make_edge_kernel(n_pad, e_cnt, hh)

    step_specs = [rowblk(hh), rowblk(hh), rowblk(hh), rowblk(hh),
                  rowblk(1), rowblk(1), full((1, h_dim)), full((1, h_dim)),
                  full((1, h_dim))]

    for l in range(n_layers):
        s0p, s1p = edge_k(xw0, xw1, es, ed)
        s0 = s0p[:n]
        s1 = s1p[:n]
        args = (s0, s1, xw0, xw1, d0, d1, bc[l].reshape(1, h_dim),
                gamma[l].reshape(1, h_dim), beta[l].reshape(1, h_dim))
        if l < n_layers - 1:
            xw0, xw1 = pl.pallas_call(
                _step_body,
                grid=(n_row_blocks,),
                in_specs=step_specs + [full((h_dim, h_dim))],
                out_specs=[rowblk(hh), rowblk(hh)],
                out_shape=[jax.ShapeDtypeStruct((n, hh), F32),
                           jax.ShapeDtypeStruct((n, hh), F32)],
            )(*args, Wc[l + 1])
        else:
            h_fin = pl.pallas_call(
                _post_body,
                grid=(n_row_blocks,),
                in_specs=step_specs,
                out_specs=rowblk(h_dim),
                out_shape=jax.ShapeDtypeStruct((n, h_dim), F32),
            )(*args)

    bpad = 10240
    batch_pad = jnp.pad(batch.astype(jnp.int32), (0, bpad - n),
                        constant_values=NUM_GRAPHS).reshape(bpad // 128, 128)
    sums, maxs, cnts = pl.pallas_call(
        _pool_body,
        grid=(NUM_GRAPHS // 8,),
        in_specs=[full((n, h_dim)), full((bpad // 128, 128))],
        out_specs=[pl.BlockSpec((8, h_dim), lambda i: (i, 0)),
                   pl.BlockSpec((8, h_dim), lambda i: (i, 0)),
                   pl.BlockSpec((8, 1), lambda i: (i, 0))],
        out_shape=[jax.ShapeDtypeStruct((NUM_GRAPHS, h_dim), F32),
                   jax.ShapeDtypeStruct((NUM_GRAPHS, h_dim), F32),
                   jax.ShapeDtypeStruct((NUM_GRAPHS, 1), F32)],
    )(h_fin, batch_pad)

    c_out = W3.shape[1]
    c_pad = 128
    W3p = jnp.pad(W3, ((0, 0), (0, c_pad - c_out)))
    b3p = jnp.pad(b3, (0, c_pad - c_out)).reshape(1, c_pad)
    out = pl.pallas_call(
        _mlp_body,
        grid=(1,),
        in_specs=[full((NUM_GRAPHS, h_dim)), full((NUM_GRAPHS, h_dim)),
                  full((NUM_GRAPHS, 1)), full((2 * h_dim, h_dim)),
                  full((1, h_dim)), full((h_dim, hh)), full((1, hh)),
                  full((hh, c_pad)), full((1, c_pad))],
        out_specs=full((NUM_GRAPHS, c_pad)),
        out_shape=jax.ShapeDtypeStruct((NUM_GRAPHS, c_pad), F32),
    )(sums, maxs, cnts, W1, b1.reshape(1, h_dim), W2, b2.reshape(1, hh),
      W3p, b3p)
    return out[:, :c_out]

# --- scband reference (transcript-rebuilt; emitter-appended) ---
"""Pipeline reference for scband-gcnmodel-2662879724266 (READ-ONLY COPY).

The authoritative reference and input builder live on the scoring server;
editing this copy changes nothing except your own understanding.
"""

import jax, jax.numpy as jnp
import numpy as np

N = 10000
E = 160000
D = 256
H = 256
L = 3
C = 10
G = 64


def setup_inputs(seed: int = 0) -> dict:
    key = jax.random.key(seed)
    ks = jax.random.split(key, 16)
    x = jax.random.normal(ks[0], (N, D), dtype=jnp.float32)
    edge_index = jax.random.randint(ks[1], (2, E), 0, N)
    batch = jnp.sort(jax.random.randint(ks[2], (N,), 0, G))
    # input_proj Linear(D -> H)
    W0 = jax.random.normal(ks[3], (D, H), jnp.float32) * (1.0 / np.sqrt(D))
    b0 = jnp.zeros((H,), jnp.float32)
    # L GCNConv layers (H -> H), stacked
    Wc = jax.random.normal(ks[4], (L, H, H), jnp.float32) * (1.0 / np.sqrt(H))
    bc = jnp.zeros((L, H), jnp.float32)
    # LayerNorm params
    gamma = jnp.ones((L, H), jnp.float32)
    beta = jnp.zeros((L, H), jnp.float32)
    # classifier: Linear(2H->H), Linear(H->H//2), Linear(H//2->C)
    W1 = jax.random.normal(ks[5], (2 * H, H), jnp.float32) * (1.0 / np.sqrt(2 * H))
    b1 = jnp.zeros((H,), jnp.float32)
    W2 = jax.random.normal(ks[6], (H, H // 2), jnp.float32) * (1.0 / np.sqrt(H))
    b2 = jnp.zeros((H // 2,), jnp.float32)
    W3 = jax.random.normal(ks[7], (H // 2, C), jnp.float32) * (1.0 / np.sqrt(H // 2))
    b3 = jnp.zeros((C,), jnp.float32)
    return {"x": x, "edge_index": edge_index, "batch": batch, "W0": W0, "b0": b0,
            "Wc": Wc, "bc": bc, "gamma": gamma, "beta": beta,
            "W1": W1, "b1": b1, "W2": W2, "b2": b2, "W3": W3, "b3": b3}


def _layernorm(h, g, b):
    mu = jnp.mean(h, axis=-1, keepdims=True)
    var = jnp.var(h, axis=-1, keepdims=True)
    return (h - mu) / jnp.sqrt(var + 1e-5) * g + b


def reference(x, edge_index, batch, W0, b0, Wc, bc, gamma, beta, W1, b1, W2, b2, W3, b3):
    # input projection (dropout p=0.0 -> identity at eval)
    h = jax.nn.elu(x @ W0 + b0)
    src = edge_index[0]
    dst = edge_index[1]
    loop = jnp.arange(N, dtype=src.dtype)
    es = jnp.concatenate([src, loop])
    ed = jnp.concatenate([dst, loop])
    # symmetric normalization with self-loops (PyG GCNConv default)
    deg = jnp.zeros((N,), x.dtype).at[ed].add(1.0)
    dis = jnp.where(deg > 0, jax.lax.rsqrt(deg), 0.0)
    norm = (dis[es] * dis[ed])[:, None]
    for l in range(L):
        xw = h @ Wc[l]
        msg = xw[es] * norm
        agg = jnp.zeros((N, H), h.dtype).at[ed].add(msg) + bc[l]
        h = jax.nn.elu(agg)
        h = _layernorm(h, gamma[l], beta[l])
    # global mean + max pool over graphs
    ones = jnp.ones((N, 1), h.dtype)
    cnt = jnp.maximum(jax.ops.segment_sum(ones, batch, num_segments=G), 1.0)
    h_mean = jax.ops.segment_sum(h, batch, num_segments=G) / cnt
    h_max = jax.ops.segment_max(h, batch, num_segments=G)
    hp = jnp.concatenate([h_mean, h_max], axis=-1)
    z = jax.nn.elu(hp @ W1 + b1)
    z = jax.nn.elu(z @ W2 + b2)
    return z @ W3 + b3

if __name__ == "__main__":
    import jax
    _d = setup_inputs()
    print(jax.jit(kernel)(*tuple(_d.values())))

</pallas_src>

<mosaic_0001>
#map = affine_map<(d0, d1) -> (0)>
module attributes {stable_mosaic.version = 14 : i64} {
  func.func @deg_kernel(%arg0: i32, %arg1: i32, %arg2: memref<160000xi32, #tpu.memory_space<hbm>>, %arg3: memref<10240xf32, #tpu.memory_space<hbm>>, %arg4: memref<10240xf32, #tpu.memory_space<hbm>>, %arg5: memref<40xi32, #tpu.memory_space<vmem>>, %arg6: memref<48xf32, #tpu.memory_space<vmem>>, %arg7: memref<640xf32, #tpu.memory_space<vmem>>, %arg8: memref<10240xf32, #tpu.memory_space<vmem_shared>>) attributes {dimension_semantics = [#tpu.dimension_semantics<core_parallel>, #tpu.dimension_semantics<subcore_parallel>], iteration_bounds = array<i64: 2, 16>, scalar_prefetch = 0 : i64, scratch_operands = 4 : i64, tpu.core_type = #tpu.core_type<sc_vector_subcore>, window_params = [{transform_indices = #map}, {transform_indices = #map}, {transform_indices = #map}]} {
    %broadcast_in_dim3A = arith.constant 1.000000e+00 : f32
    %broadcast_in_dim3A_0 = vector.broadcast %broadcast_in_dim3A : f32 to vector<16xf32>
    %swap3A = arith.constant 0 : index
    %swap3A_1 = tpu.vector_load %arg6[%swap3A] {strides = array<i32>} : memref<48xf32, #tpu.memory_space<vmem>>, vector<16xf32>,
    %swap3A_2 = vector.shape_cast %swap3A_1 : vector<16xf32> to vector<16xf32>
    %swap3A_3 = vector.shape_cast %broadcast_in_dim3A_0 : vector<16xf32> to vector<16xf32>
    tpu.vector_store %arg6[%swap3A], %swap3A_3 {strides = array<i32>} : memref<48xf32, #tpu.memory_space<vmem>>, vector<16xf32>,
    %broadcast_in_dim3A_4 = arith.constant 1.000000e+00 : f32
    %broadcast_in_dim3A_5 = vector.broadcast %broadcast_in_dim3A_4 : f32 to vector<16xf32>
    %swap3A_6 = arith.constant 16 : index
    %swap3A_7 = tpu.vector_load %arg6[%swap3A_6] {strides = array<i32>} : memref<48xf32, #tpu.memory_space<vmem>>, vector<16xf32>,
    %swap3A_8 = vector.shape_cast %swap3A_7 : vector<16xf32> to vector<16xf32>
    %swap3A_9 = vector.shape_cast %broadcast_in_dim3A_5 : vector<16xf32> to vector<16xf32>
    tpu.vector_store %arg6[%swap3A_6], %swap3A_9 {strides = array<i32>} : memref<48xf32, #tpu.memory_space<vmem>>, vector<16xf32>,
    %broadcast_in_dim3A_10 = arith.constant 1.000000e+00 : f32
    %broadcast_in_dim3A_11 = vector.broadcast %broadcast_in_dim3A_10 : f32 to vector<16xf32>
    %swap3A_12 = arith.constant 32 : index
    %swap3A_13 = tpu.vector_load %arg6[%swap3A_12] {strides = array<i32>} : memref<48xf32, #tpu.memory_space<vmem>>, vector<16xf32>,
    %swap3A_14 = vector.shape_cast %swap3A_13 : vector<16xf32> to vector<16xf32>
    %swap3A_15 = vector.shape_cast %broadcast_in_dim3A_11 : vector<16xf32> to vector<16xf32>
    tpu.vector_store %arg6[%swap3A_12], %swap3A_15 {strides = array<i32>} : memref<48xf32, #tpu.memory_space<vmem>>, vector<16xf32>,
    %broadcast_in_dim3A_16 = arith.constant 0.000000e+00 : f32
    %broadcast_in_dim3A_17 = vector.broadcast %broadcast_in_dim3A_16 : f32 to vector<16xf32>
    %swap3A_18 = arith.constant 0 : index
    %swap3A_19 = tpu.vector_load %arg7[%swap3A_18] {strides = array<i32>} : memref<640xf32, #tpu.memory_space<vmem>>, vector<16xf32>,
    %swap3A_20 = vector.shape_cast %swap3A_19 : vector<16xf32> to vector<16xf32>
    %swap3A_21 = vector.shape_cast %broadcast_in_dim3A_17 : vector<16xf32> to vector<16xf32>
    tpu.vector_store %arg7[%swap3A_18], %swap3A_21 {strides = array<i32>} : memref<640xf32, #tpu.memory_space<vmem>>, vector<16xf32>,
    %broadcast_in_dim3A_22 = arith.constant 0.000000e+00 : f32
    %broadcast_in_dim3A_23 = vector.broadcast %broadcast_in_dim3A_22 : f32 to vector<16xf32>
    %swap3A_24 = arith.constant 16 : index
    %swap3A_25 = tpu.vector_load %arg7[%swap3A_24] {strides = array<i32>} : memref<640xf32, #tpu.memory_space<vmem>>, vector<16xf32>,
    %swap3A_26 = vector.shape_cast %swap3A_25 : vector<16xf32> to vector<16xf32>
    %swap3A_27 = vector.shape_cast %broadcast_in_dim3A_23 : vector<16xf32> to vector<16xf32>
    tpu.vector_store %arg7[%swap3A_24], %swap3A_27 {strides = array<i32>} : memref<640xf32, #tpu.memory_space<vmem>>, vector<16xf32>,
    %broadcast_in_dim3A_28 = arith.constant 0.000000e+00 : f32
    %broadcast_in_dim3A_29 = vector.broadcast %broadcast_in_dim3A_28 : f32 to vector<16xf32>
    %swap3A_30 = arith.constant 32 : index
    %swap3A_31 = tpu.vector_load %arg7[%swap3A_30] {strides = array<i32>} : memref<640xf32, #tpu.memory_space<vmem>>, vector<16xf32>,
    %swap3A_32 = vector.shape_cast %swap3A_31 : vector<16xf32> to vector<16xf32>
    %swap3A_33 = vector.shape_cast %broadcast_in_dim3A_29 : vector<16xf32> to vector<16xf32>
    tpu.vector_store %arg7[%swap3A_30], %swap3A_33 {strides = array<i32>} : memref<640xf32, #tpu.memory_space<vmem>>, vector<16xf32>,
    %broadcast_in_dim3A_34 = arith.constant 0.000000e+00 : f32
    %broadcast_in_dim3A_35 = vector.broadcast %broadcast_in_dim3A_34 : f32 to vector<16xf32>
    %swap3A_36 = arith.constant 48 : index
    %swap3A_37 = tpu.vector_load %arg7[%swap3A_36] {strides = array<i32>} : memref<640xf32, #tpu.memory_space<vmem>>, vector<16xf32>,
    %swap3A_38 = vector.shape_cast %swap3A_37 : vector<16xf32> to vector<16xf32>
    %swap3A_39 = vector.shape_cast %broadcast_in_dim3A_35 : vector<16xf32> to vector<16xf32>
    tpu.vector_store %arg7[%swap3A_36], %swap3A_39 {strides = array<i32>} : memref<640xf32, #tpu.memory_space<vmem>>, vector<16xf32>,
    %broadcast_in_dim3A_40 = arith.constant 0.000000e+00 : f32
    %broadcast_in_dim3A_41 = vector.broadcast %broadcast_in_dim3A_40 : f32 to vector<16xf32>
    %swap3A_42 = arith.constant 64 : index
    %swap3A_43 = tpu.vector_load %arg7[%swap3A_42] {strides = array<i32>} : memref<640xf32, #tpu.memory_space<vmem>>, vector<16xf32>,
    %swap3A_44 = vector.shape_cast %swap3A_43 : vector<16xf32> to vector<16xf32>
    %swap3A_45 = vector.shape_cast %broadcast_in_dim3A_41 : vector<16xf32> to vector<16xf32>
    tpu.vector_store %arg7[%swap3A_42], %swap3A_45 {strides = array<i32>} : memref<640xf32, #tpu.memory_space<vmem>>, vector<16xf32>,
    %broadcast_in_dim3A_46 = arith.constant 0.000000e+00 : f32
    %broadcast_in_dim3A_47 = vector.broadcast %broadcast_in_dim3A_46 : f32 to vector<16xf32>
    %swap3A_48 = arith.constant 80 : index
    %swap3A_49 = tpu.vector_load %arg7[%swap3A_48] {strides = array<i32>} : memref<640xf32, #tpu.memory_space<vmem>>, vector<16xf32>,
    %swap3A_50 = vector.shape_cast %swap3A_49 : vector<16xf32> to vector<16xf32>
    %swap3A_51 = vector.shape_cast %broadcast_in_dim3A_47 : vector<16xf32> to vector<16xf32>
    tpu.vector_store %arg7[%swap3A_48], %swap3A_51 {strides = array<i32>} : memref<640xf32, #tpu.memory_space<vmem>>, vector<16xf32>,
    %broadcast_in_dim3A_52 = arith.constant 0.000000e+00 : f32
    %broadcast_in_dim3A_53 = vector.broadcast %broadcast_in_dim3A_52 : f32 to vector<16xf32>
    %swap3A_54 = arith.constant 96 : index
    %swap3A_55 = tpu.vector_load %arg7[%swap3A_54] {strides = array<i32>} : memref<640xf32, #tpu.memory_space<vmem>>, vector<16xf32>,
    %swap3A_56 = vector.shape_cast %swap3A_55 : vector<16xf32> to vector<16xf32>
    %swap3A_57 = vector.shape_cast %broadcast_in_dim3A_53 : vector<16xf32> to vector<16xf32>
    tpu.vector_store %arg7[%swap3A_54], %swap3A_57 {strides = array<i32>} : memref<640xf32, #tpu.memory_space<vmem>>, vector<16xf32>,
    %broadcast_in_dim3A_58 = arith.constant 0.000000e+00 : f32
    %broadcast_in_dim3A_59 = vector.broadcast %broadcast_in_dim3A_58 : f32 to vector<16xf32>
    %swap3A_60 = arith.constant 112 : index
    %swap3A_61 = tpu.vector_load %arg7[%swap3A_60] {strides = array<i32>} : memref<640xf32, #tpu.memory_space<vmem>>, vector<16xf32>,
    %swap3A_62 = vector.shape_cast %swap3A_61 : vector<16xf32> to vector<16xf32>
    %swap3A_63 = vector.shape_cast %broadcast_in_dim3A_59 : vector<16xf32> to vector<16xf32>
    tpu.vector_store %arg7[%swap3A_60], %swap3A_63 {strides = array<i32>} : memref<640xf32, #tpu.memory_space<vmem>>, vector<16xf32>,
    %broadcast_in_dim3A_64 = arith.constant 0.000000e+00 : f32
    %broadcast_in_dim3A_65 = vector.broadcast %broadcast_in_dim3A_64 : f32 to vector<16xf32>
    %swap3A_66 = arith.constant 128 : index
    %swap3A_67 = tpu.vector_load %arg7[%swap3A_66] {strides = array<i32>} : memref<640xf32, #tpu.memory_space<vmem>>, vector<16xf32>,
    %swap3A_68 = vector.shape_cast %swap3A_67 : vector<16xf32> to vector<16xf32>
    %swap3A_69 = vector.shape_cast %broadcast_in_dim3A_65 : vector<16xf32> to vector<16xf32>
    tpu.vector_store %arg7[%swap3A_66], %swap3A_69 {strides = array<i32>} : memref<640xf32, #tpu.memory_space<vmem>>, vector<16xf32>,
    %broadcast_in_dim3A_70 = arith.constant 0.000000e+00 : f32
    %broadcast_in_dim3A_71 = vector.broadcast %broadcast_in_dim3A_70 : f32 to vector<16xf32>
    %swap3A_72 = arith.constant 144 : index
    %swap3A_73 = tpu.vector_load %arg7[%swap3A_72] {strides = array<i32>} : memref<640xf32, #tpu.memory_space<vmem>>, vector<16xf32>,
    %swap3A_74 = vector.shape_cast %swap3A_73 : vector<16xf32> to vector<16xf32>
    %swap3A_75 = vector.shape_cast %broadcast_in_dim3A_71 : vector<16xf32> to vector<16xf32>
    tpu.vector_store %arg7[%swap3A_72], %swap3A_75 {strides = array<i32>} : memref<640xf32, #tpu.memory_space<vmem>>, vector<16xf32>,
    %broadcast_in_dim3A_76 = arith.constant 0.000000e+00 : f32
    %broadcast_in_dim3A_77 = vector.broadcast %broadcast_in_dim3A_76 : f32 to vector<16xf32>
    %swap3A_78 = arith.constant 160 : index
    %swap3A_79 = tpu.vector_load %arg7[%swap3A_78] {strides = array<i32>} : memref<640xf32, #tpu.memory_space<vmem>>, vector<16xf32>,
    %swap3A_80 = vector.shape_cast %swap3A_79 : vector<16xf32> to vector<16xf32>
    %swap3A_81 = vector.shape_cast %broadcast_in_dim3A_77 : vector<16xf32> to vector<16xf32>
    tpu.vector_store %arg7[%swap3A_78], %swap3A_81 {strides = array<i32>} : memref<640xf32, #tpu.memory_space<vmem>>, vector<16xf32>,
    %broadcast_in_dim3A_82 = arith.constant 0.000000e+00 : f32
    %broadcast_in_dim3A_83 = vector.broadcast %broadcast_in_dim3A_82 : f32 to vector<16xf32>
    %swap3A_84 = arith.constant 176 : index
    %swap3A_85 = tpu.vector_load %arg7[%swap3A_84] {strides = array<i32>} : memref<640xf32, #tpu.memory_space<vmem>>, vector<16xf32>,
    %swap3A_86 = vector.shape_cast %swap3A_85 : vector<16xf32> to vector<16xf32>
    %swap3A_87 = vector.shape_cast %broadcast_in_dim3A_83 : vector<16xf32> to vector<16xf32>
    tpu.vector_store %arg7[%swap3A_84], %swap3A_87 {strides = array<i32>} : memref<640xf32, #tpu.memory_space<vmem>>, vector<16xf32>,
    %broadcast_in_dim3A_88 = arith.constant 0.000000e+00 : f32
    %broadcast_in_dim3A_89 = vector.broadcast %broadcast_in_dim3A_88 : f32 to vector<16xf32>
    %swap3A_90 = arith.constant 192 : index
    %swap3A_91 = tpu.vector_load %arg7[%swap3A_90] {strides = array<i32>} : memref<640xf32, #tpu.memory_space<vmem>>, vector<16xf32>,
    %swap3A_92 = vector.shape_cast %swap3A_91 : vector<16xf32> to vector<16xf32>
    %swap3A_93 = vector.shape_cast %broadcast_in_dim3A_89 : vector<16xf32> to vector<16xf32>
    tpu.vector_store %arg7[%swap3A_90], %swap3A_93 {strides = array<i32>} : memref<640xf32, #tpu.memory_space<vmem>>, vector<16xf32>,
    %broadcast_in_dim3A_94 = arith.constant 0.000000e+00 : f32
    %broadcast_in_dim3A_95 = vector.broadcast %broadcast_in_dim3A_94 : f32 to vector<16xf32>
    %swap3A_96 = arith.constant 208 : index
    %swap3A_97 = tpu.vector_load %arg7[%swap3A_96] {strides = array<i32>} : memref<640xf32, #tpu.memory_space<vmem>>, vector<16xf32>,
    %swap3A_98 = vector.shape_cast %swap3A_97 : vector<16xf32> to vector<16xf32>
    %swap3A_99 = vector.shape_cast %broadcast_in_dim3A_95 : vector<16xf32> to vector<16xf32>
    tpu.vector_store %arg7[%swap3A_96], %swap3A_99 {strides = array<i32>} : memref<640xf32, #tpu.memory_space<vmem>>, vector<16xf32>,
    %broadcast_in_dim3A_100 = arith.constant 0.000000e+00 : f32
    %broadcast_in_dim3A_101 = vector.broadcast %broadcast_in_dim3A_100 : f32 to vector<16xf32>
    %swap3A_102 = arith.constant 224 : index
    %swap3A_103 = tpu.vector_load %arg7[%swap3A_102] {strides = array<i32>} : memref<640xf32, #tpu.memory_space<vmem>>, vector<16xf32>,
    %swap3A_104 = vector.shape_cast %swap3A_103 : vector<16xf32> to vector<16xf32>
    %swap3A_105 = vector.shape_cast %broadcast_in_dim3A_101 : vector<16xf32> to vector<16xf32>
    tpu.vector_store %arg7[%swap3A_102], %swap3A_105 {strides = array<i32>} : memref<640xf32, #tpu.memory_space<vmem>>, vector<16xf32>,
    %broadcast_in_dim3A_106 = arith.constant 0.000000e+00 : f32
    %broadcast_in_dim3A_107 = vector.broadcast %broadcast_in_dim3A_106 : f32 to vector<16xf32>
    %swap3A_108 = arith.constant 240 : index
    %swap3A_109 = tpu.vector_load %arg7[%swap3A_108] {strides = array<i32>} : memref<640xf32, #tpu.memory_space<vmem>>, vector<16xf32>,
    %swap3A_110 = vector.shape_cast %swap3A_109 : vector<16xf32> to vector<16xf32>
    %swap3A_111 = vector.shape_cast %broadcast_in_dim3A_107 : vector<16xf32> to vector<16xf32>
    tpu.vector_store %arg7[%swap3A_108], %swap3A_111 {strides = array<i32>} : memref<640xf32, #tpu.memory_space<vmem>>, vector<16xf32>,
    %broadcast_in_dim3A_112 = arith.constant 0.000000e+00 : f32
    %broadcast_in_dim3A_113 = vector.broadcast %broadcast_in_dim3A_112 : f32 to vector<16xf32>
    %swap3A_114 = arith.constant 256 : index
    %swap3A_115 = tpu.vector_load %arg7[%swap3A_114] {strides = array<i32>} : memref<640xf32, #tpu.memory_space<vmem>>, vector<16xf32>,
    %swap3A_116 = vector.shape_cast %swap3A_115 : vector<16xf32> to vector<16xf32>
    %swap3A_117 = vector.shape_cast %broadcast_in_dim3A_113 : vector<16xf32> to vector<16xf32>
    tpu.vector_store %arg7[%swap3A_114], %swap3A_117 {strides = array<i32>} : memref<640xf32, #tpu.memory_space<vmem>>, vector<16xf32>,
    %broadcast_in_dim3A_118 = arith.constant 0.000000e+00 : f32
    %broadcast_in_dim3A_119 = vector.broadcast %broadcast_in_dim3A_118 : f32 to vector<16xf32>
    %swap3A_120 = arith.constant 272 : index
    %swap3A_121 = tpu.vector_load %arg7[%swap3A_120] {strides = array<i32>} : memref<640xf32, #tpu.memory_space<vmem>>, vector<16xf32>,
    %swap3A_122 = vector.shape_cast %swap3A_121 : vector<16xf32> to vector<16xf32>
    %swap3A_123 = vector.shape_cast %broadcast_in_dim3A_119 : vector<16xf32> to vector<16xf32>
    tpu.vector_store %arg7[%swap3A_120], %swap3A_123 {strides = array<i32>} : memref<640xf32, #tpu.memory_space<vmem>>, vector<16xf32>,
    %broadcast_in_dim3A_124 = arith.constant 0.000000e+00 : f32
    %broadcast_in_dim3A_125 = vector.broadcast %broadcast_in_dim3A_124 : f32 to vector<16xf32>
    %swap3A_126 = arith.constant 288 : index
    %swap3A_127 = tpu.vector_load %arg7[%swap3A_126] {strides = array<i32>} : memref<640xf32, #tpu.memory_space<vmem>>, vector<16xf32>,
    %swap3A_128 = vector.shape_cast %swap3A_127 : vector<16xf32> to vector<16xf32>
    %swap3A_129 = vector.shape_cast %broadcast_in_dim3A_125 : vector<16xf32> to vector<16xf32>
    tpu.vector_store %arg7[%swap3A_126], %swap3A_129 {strides = array<i32>} : memref<640xf32, #tpu.memory_space<vmem>>, vector<16xf32>,
    %broadcast_in_dim3A_130 = arith.constant 0.000000e+00 : f32
    %broadcast_in_dim3A_131 = vector.broadcast %broadcast_in_dim3A_130 : f32 to vector<16xf32>
    %swap3A_132 = arith.constant 304 : index
    %swap3A_133 = tpu.vector_load %arg7[%swap3A_132] {strides = array<i32>} : memref<640xf32, #tpu.memory_space<vmem>>, vector<16xf32>,
    %swap3A_134 = vector.shape_cast %swap3A_133 : vector<16xf32> to vector<16xf32>
    %swap3A_135 = vector.shape_cast %broadcast_in_dim3A_131 : vector<16xf32> to vector<16xf32>
    tpu.vector_store %arg7[%swap3A_132], %swap3A_135 {strides = array<i32>} : memref<640xf32, #tpu.memory_space<vmem>>, vector<16xf32>,
    %broadcast_in_dim3A_136 = arith.constant 0.000000e+00 : f32
    %broadcast_in_dim3A_137 = vector.broadcast %broadcast_in_dim3A_136 : f32 to vector<16xf32>
    %swap3A_138 = arith.constant 320 : index
    %swap3A_139 = tpu.vector_load %arg7[%swap3A_138] {strides = array<i32>} : memref<640xf32, #tpu.memory_space<vmem>>, vector<16xf32>,
    %swap3A_140 = vector.shape_cast %swap3A_139 : vector<16xf32> to vector<16xf32>
    %swap3A_141 = vector.shape_cast %broadcast_in_dim3A_137 : vector<16xf32> to vector<16xf32>
    tpu.vector_store %arg7[%swap3A_138], %swap3A_141 {strides = array<i32>} : memref<640xf32, #tpu.memory_space<vmem>>, vector<16xf32>,
    %broadcast_in_dim3A_142 = arith.constant 0.000000e+00 : f32
    %broadcast_in_dim3A_143 = vector.broadcast %broadcast_in_dim3A_142 : f32 to vector<16xf32>
    %swap3A_144 = arith.constant 336 : index
    %swap3A_145 = tpu.vector_load %arg7[%swap3A_144] {strides = array<i32>} : memref<640xf32, #tpu.memory_space<vmem>>, vector<16xf32>,
    %swap3A_146 = vector.shape_cast %swap3A_145 : vector<16xf32> to vector<16xf32>
    %swap3A_147 = vector.shape_cast %broadcast_in_dim3A_143 : vector<16xf32> to vector<16xf32>
    tpu.vector_store %arg7[%swap3A_144], %swap3A_147 {strides = array<i32>} : memref<640xf32, #tpu.memory_space<vmem>>, vector<16xf32>,
    %broadcast_in_dim3A_148 = arith.constant 0.000000e+00 : f32
    %broadcast_in_dim3A_149 = vector.broadcast %broadcast_in_dim3A_148 : f32 to vector<16xf32>
    %swap3A_150 = arith.constant 352 : index
    %swap3A_151 = tpu.vector_load %arg7[%swap3A_150] {strides = array<i32>} : memref<640xf32, #tpu.memory_space<vmem>>, vector<16xf32>,
    %swap3A_152 = vector.shape_cast %swap3A_151 : vector<16xf32> to vector<16xf32>
    %swap3A_153 = vector.shape_cast %broadcast_in_dim3A_149 : vector<16xf32> to vector<16xf32>
    tpu.vector_store %arg7[%swap3A_150], %swap3A_153 {strides = array<i32>} : memref<640xf32, #tpu.memory_space<vmem>>, vector<16xf32>,
    %broadcast_in_dim3A_154 = arith.constant 0.000000e+00 : f32
    %broadcast_in_dim3A_155 = vector.broadcast %broadcast_in_dim3A_154 : f32 to vector<16xf32>
    %swap3A_156 = arith.constant 368 : index
    %swap3A_157 = tpu.vector_load %arg7[%swap3A_156] {strides = array<i32>} : memref<640xf32, #tpu.memory_space<vmem>>, vector<16xf32>,
    %swap3A_158 = vector.shape_cast %swap3A_157 : vector<16xf32> to vector<16xf32>
    %swap3A_159 = vector.shape_cast %broadcast_in_dim3A_155 : vector<16xf32> to vector<16xf32>
    tpu.vector_store %arg7[%swap3A_156], %swap3A_159 {strides = array<i32>} : memref<640xf32, #tpu.memory_space<vmem>>, vector<16xf32>,
    %broadcast_in_dim3A_160 = arith.constant 0.000000e+00 : f32
    %broadcast_in_dim3A_161 = vector.broadcast %broadcast_in_dim3A_160 : f32 to vector<16xf32>
    %swap3A_162 = arith.constant 384 : index
    %swap3A_163 = tpu.vector_load %arg7[%swap3A_162] {strides = array<i32>} : memref<640xf32, #tpu.memory_space<vmem>>, vector<16xf32>,
    %swap3A_164 = vector.shape_cast %swap3A_163 : vector<16xf32> to vector<16xf32>
    %swap3A_165 = vector.shape_cast %broadcast_in_dim3A_161 : vector<16xf32> to vector<16xf32>
    tpu.vector_store %arg7[%swap3A_162], %swap3A_165 {strides = array<i32>} : memref<640xf32, #tpu.memory_space<vmem>>, vector<16xf32>,
    %broadcast_in_dim3A_166 = arith.constant 0.000000e+00 : f32
    %broadcast_in_dim3A_167 = vector.broadcast %broadcast_in_dim3A_166 : f32 to vector<16xf32>
    %swap3A_168 = arith.constant 400 : index
    %swap3A_169 = tpu.vector_load %arg7[%swap3A_168] {strides = array<i32>} : memref<640xf32, #tpu.memory_space<vmem>>, vector<16xf32>,
    %swap3A_170 = vector.shape_cast %swap3A_169 : vector<16xf32> to vector<16xf32>
    %swap3A_171 = vector.shape_cast %broadcast_in_dim3A_167 : vector<16xf32> to vector<16xf32>
    tpu.vector_store %arg7[%swap3A_168], %swap3A_171 {strides = array<i32>} : memref<640xf32, #tpu.memory_space<vmem>>, vector<16xf32>,
    %broadcast_in_dim3A_172 = arith.constant 0.000000e+00 : f32
    %broadcast_in_dim3A_173 = vector.broadcast %broadcast_in_dim3A_172 : f32 to vector<16xf32>
    %swap3A_174 = arith.constant 416 : index
    %swap3A_175 = tpu.vector_load %arg7[%swap3A_174] {strides = array<i32>} : memref<640xf32, #tpu.memory_space<vmem>>, vector<16xf32>,
    %swap3A_176 = vector.shape_cast %swap3A_175 : vector<16xf32> to vector<16xf32>
    %swap3A_177 = vector.shape_cast %broadcast_in_dim3A_173 : vector<16xf32> to vector<16xf32>
    tpu.vector_store %arg7[%swap3A_174], %swap3A_177 {strides = array<i32>} : memref<640xf32, #tpu.memory_space<vmem>>, vector<16xf32>,
    %broadcast_in_dim3A_178 = arith.constant 0.000000e+00 : f32
    %broadcast_in_dim3A_179 = vector.broadcast %broadcast_in_dim3A_178 : f32 to vector<16xf32>
    %swap3A_180 = arith.constant 432 : index
    %swap3A_181 = tpu.vector_load %arg7[%swap3A_180] {strides = array<i32>} : memref<640xf32, #tpu.memory_space<vmem>>, vector<16xf32>,
    %swap3A_182 = vector.shape_cast %swap3A_181 : vector<16xf32> to vector<16xf32>
    %swap3A_183 = vector.shape_cast %broadcast_in_dim3A_179 : vector<16xf32> to vector<16xf32>
    tpu.vector_store %arg7[%swap3A_180], %swap3A_183 {strides = array<i32>} : memref<640xf32, #tpu.memory_space<vmem>>, vector<16xf32>,
    %broadcast_in_dim3A_184 = arith.constant 0.000000e+00 : f32
    %broadcast_in_dim3A_185 = vector.broadcast %broadcast_in_dim3A_184 : f32 to vector<16xf32>
    %swap3A_186 = arith.constant 448 : index
    %swap3A_187 = tpu.vector_load %arg7[%swap3A_186] {strides = array<i32>} : memref<640xf32, #tpu.memory_space<vmem>>, vector<16xf32>,
    %swap3A_188 = vector.shape_cast %swap3A_187 : vector<16xf32> to vector<16xf32>
    %swap3A_189 = vector.shape_cast %broadcast_in_dim3A_185 : vector<16xf32> to vector<16xf32>
    tpu.vector_store %arg7[%swap3A_186], %swap3A_189 {strides = array<i32>} : memref<640xf32, #tpu.memory_space<vmem>>, vector<16xf32>,
    %broadcast_in_dim3A_190 = arith.constant 0.000000e+00 : f32
    %broadcast_in_dim3A_191 = vector.broadcast %broadcast_in_dim3A_190 : f32 to vector<16xf32>
    %swap3A_192 = arith.constant 464 : index
    %swap3A_193 = tpu.vector_load %arg7[%swap3A_192] {strides = array<i32>} : memref<640xf32, #tpu.memory_space<vmem>>, vector<16xf32>,
    %swap3A_194 = vector.shape_cast %swap3A_193 : vector<16xf32> to vector<16xf32>
    %swap3A_195 = vector.shape_cast %broadcast_in_dim3A_191 : vector<16xf32> to vector<16xf32>
    tpu.vector_store %arg7[%swap3A_192], %swap3A_195 {strides = array<i32>} : memref<640xf32, #tpu.memory_space<vmem>>, vector<16xf32>,
    %broadcast_in_dim3A_196 = arith.constant 0.000000e+00 : f32
    %broadcast_in_dim3A_197 = vector.broadcast %broadcast_in_dim3A_196 : f32 to vector<16xf32>
    %swap3A_198 = arith.constant 480 : index
    %swap3A_199 = tpu.vector_load %arg7[%swap3A_198] {strides = array<i32>} : memref<640xf32, #tpu.memory_space<vmem>>, vector<16xf32>,
    %swap3A_200 = vector.shape_cast %swap3A_199 : vector<16xf32> to vector<16xf32>
    %swap3A_201 = vector.shape_cast %broadcast_in_dim3A_197 : vector<16xf32> to vector<16xf32>
    tpu.vector_store %arg7[%swap3A_198], %swap3A_201 {strides = array<i32>} : memref<640xf32, #tpu.memory_space<vmem>>, vector<16xf32>,
    %broadcast_in_dim3A_202 = arith.constant 0.000000e+00 : f32
    %broadcast_in_dim3A_203 = vector.broadcast %broadcast_in_dim3A_202 : f32 to vector<16xf32>
    %swap3A_204 = arith.constant 496 : index
    %swap3A_205 = tpu.vector_load %arg7[%swap3A_204] {strides = array<i32>} : memref<640xf32, #tpu.memory_space<vmem>>, vector<16xf32>,
    %swap3A_206 = vector.shape_cast %swap3A_205 : vector<16xf32> to vector<16xf32>
    %swap3A_207 = vector.shape_cast %broadcast_in_dim3A_203 : vector<16xf32> to vector<16xf32>
    tpu.vector_store %arg7[%swap3A_204], %swap3A_207 {strides = array<i32>} : memref<640xf32, #tpu.memory_space<vmem>>, vector<16xf32>,
    %broadcast_in_dim3A_208 = arith.constant 0.000000e+00 : f32
    %broadcast_in_dim3A_209 = vector.broadcast %broadcast_in_dim3A_208 : f32 to vector<16xf32>
    %swap3A_210 = arith.constant 512 : index
    %swap3A_211 = tpu.vector_load %arg7[%swap3A_210] {strides = array<i32>} : memref<640xf32, #tpu.memory_space<vmem>>, vector<16xf32>,
    %swap3A_212 = vector.shape_cast %swap3A_211 : vector<16xf32> to vector<16xf32>
    %swap3A_213 = vector.shape_cast %broadcast_in_dim3A_209 : vector<16xf32> to vector<16xf32>
    tpu.vector_store %arg7[%swap3A_210], %swap3A_213 {strides = array<i32>} : memref<640xf32, #tpu.memory_space<vmem>>, vector<16xf32>,
    %broadcast_in_dim3A_214 = arith.constant 0.000000e+00 : f32
    %broadcast_in_dim3A_215 = vector.broadcast %broadcast_in_dim3A_214 : f32 to vector<16xf32>
    %swap3A_216 = arith.constant 528 : index
    %swap3A_217 = tpu.vector_load %arg7[%swap3A_216] {strides = array<i32>} : memref<640xf32, #tpu.memory_space<vmem>>, vector<16xf32>,
    %swap3A_218 = vector.shape_cast %swap3A_217 : vector<16xf32> to vector<16xf32>
    %swap3A_219 = vector.shape_cast %broadcast_in_dim3A_215 : vector<16xf32> to vector<16xf32>
    tpu.vector_store %arg7[%swap3A_216], %swap3A_219 {strides = array<i32>} : memref<640xf32, #tpu.memory_space<vmem>>, vector<16xf32>,
    %broadcast_in_dim3A_220 = arith.constant 0.000000e+00 : f32
    %broadcast_in_dim3A_221 = vector.broadcast %broadcast_in_dim3A_220 : f32 to vector<16xf32>
    %swap3A_222 = arith.constant 544 : index
    %swap3A_223 = tpu.vector_load %arg7[%swap3A_222] {strides = array<i32>} : memref<640xf32, #tpu.memory_space<vmem>>, vector<16xf32>,
    %swap3A_224 = vector.shape_cast %swap3A_223 : vector<16xf32> to vector<16xf32>
    %swap3A_225 = vector.shape_cast %broadcast_in_dim3A_221 : vector<16xf32> to vector<16xf32>
    tpu.vector_store %arg7[%swap3A_222], %swap3A_225 {strides = array<i32>} : memref<640xf32, #tpu.memory_space<vmem>>, vector<16xf32>,
    %broadcast_in_dim3A_226 = arith.constant 0.000000e+00 : f32
    %broadcast_in_dim3A_227 = vector.broadcast %broadcast_in_dim3A_226 : f32 to vector<16xf32>
    %swap3A_228 = arith.constant 560 : index
    %swap3A_229 = tpu.vector_load %arg7[%swap3A_228] {strides = array<i32>} : memref<640xf32, #tpu.memory_space<vmem>>, vector<16xf32>,
    %swap3A_230 = vector.shape_cast %swap3A_229 : vector<16xf32> to vector<16xf32>
    %swap3A_231 = vector.shape_cast %broadcast_in_dim3A_227 : vector<16xf32> to vector<16xf32>
    tpu.vector_store %arg7[%swap3A_228], %swap3A_231 {strides = array<i32>} : memref<640xf32, #tpu.memory_space<vmem>>, vector<16xf32>,
    %broadcast_in_dim3A_232 = arith.constant 0.000000e+00 : f32
    %broadcast_in_dim3A_233 = vector.broadcast %broadcast_in_dim3A_232 : f32 to vector<16xf32>
    %swap3A_234 = arith.constant 576 : index
    %swap3A_235 = tpu.vector_load %arg7[%swap3A_234] {strides = array<i32>} : memref<640xf32, #tpu.memory_space<vmem>>, vector<16xf32>,
    %swap3A_236 = vector.shape_cast %swap3A_235 : vector<16xf32> to vector<16xf32>
    %swap3A_237 = vector.shape_cast %broadcast_in_dim3A_233 : vector<16xf32> to vector<16xf32>
    tpu.vector_store %arg7[%swap3A_234], %swap3A_237 {strides = array<i32>} : memref<640xf32, #tpu.memory_space<vmem>>, vector<16xf32>,
    %broadcast_in_dim3A_238 = arith.constant 0.000000e+00 : f32
    %broadcast_in_dim3A_239 = vector.broadcast %broadcast_in_dim3A_238 : f32 to vector<16xf32>
    %swap3A_240 = arith.constant 592 : index
    %swap3A_241 = tpu.vector_load %arg7[%swap3A_240] {strides = array<i32>} : memref<640xf32, #tpu.memory_space<vmem>>, vector<16xf32>,
    %swap3A_242 = vector.shape_cast %swap3A_241 : vector<16xf32> to vector<16xf32>
    %swap3A_243 = vector.shape_cast %broadcast_in_dim3A_239 : vector<16xf32> to vector<16xf32>
    tpu.vector_store %arg7[%swap3A_240], %swap3A_243 {strides = array<i32>} : memref<640xf32, #tpu.memory_space<vmem>>, vector<16xf32>,
    %broadcast_in_dim3A_244 = arith.constant 0.000000e+00 : f32
    %broadcast_in_dim3A_245 = vector.broadcast %broadcast_in_dim3A_244 : f32 to vector<16xf32>
    %swap3A_246 = arith.constant 608 : index
    %swap3A_247 = tpu.vector_load %arg7[%swap3A_246] {strides = array<i32>} : memref<640xf32, #tpu.memory_space<vmem>>, vector<16xf32>,
    %swap3A_248 = vector.shape_cast %swap3A_247 : vector<16xf32> to vector<16xf32>
    %swap3A_249 = vector.shape_cast %broadcast_in_dim3A_245 : vector<16xf32> to vector<16xf32>
    tpu.vector_store %arg7[%swap3A_246], %swap3A_249 {strides = array<i32>} : memref<640xf32, #tpu.memory_space<vmem>>, vector<16xf32>,
    %broadcast_in_dim3A_250 = arith.constant 0.000000e+00 : f32
    %broadcast_in_dim3A_251 = vector.broadcast %broadcast_in_dim3A_250 : f32 to vector<16xf32>
    %swap3A_252 = arith.constant 624 : index
    %swap3A_253 = tpu.vector_load %arg7[%swap3A_252] {strides = array<i32>} : memref<640xf32, #tpu.memory_space<vmem>>, vector<16xf32>,
    %swap3A_254 = vector.shape_cast %swap3A_253 : vector<16xf32> to vector<16xf32>
    %swap3A_255 = vector.shape_cast %broadcast_in_dim3A_251 : vector<16xf32> to vector<16xf32>
    tpu.vector_store %arg7[%swap3A_252], %swap3A_255 {strides = array<i32>} : memref<640xf32, #tpu.memory_space<vmem>>, vector<16xf32>,
    %mul3A = arith.constant 640 : i32
    %mul3A_256 = arith.muli %arg1, %mul3A : i32
    "tpu.region"() ({
      %run_scoped3A = tpu.sem_alloc : memref<!tpu.dma_semaphore, #tpu.memory_space<semaphore_mem>>
      %dma_start3A = tpu.memref_slice %arg8[%mul3A_256] : memref<10240xf32, #tpu.memory_space<vmem_shared>> -> memref<640xf32, #tpu.memory_space<vmem_shared>>
      %dma_start3A_274 = tpu.memref_slice %arg8[%mul3A_256] : memref<10240xf32, #tpu.memory_space<vmem_shared>> -> memref<640xf32, #tpu.memory_space<vmem_shared>>
      tpu.enqueue_dma source(%arg7 : memref<640xf32, #tpu.memory_space<vmem>>) target(%dma_start3A_274 : memref<640xf32, #tpu.memory_space<vmem_shared>>) target_semaphore(%run_scoped3A : memref<!tpu.dma_semaphore, #tpu.memory_space<semaphore_mem>>)
      %dma_wait3A = tpu.memref_slice %arg8[%mul3A_256] : memref<10240xf32, #tpu.memory_space<vmem_shared>> -> memref<640xf32, #tpu.memory_space<vmem_shared>>
      %dma_wait3A_275 = tpu.memref_slice %arg8[%mul3A_256] : memref<10240xf32, #tpu.memory_space<vmem_shared>> -> memref<640xf32, #tpu.memory_space<vmem_shared>>
      tpu.wait_dma2 semaphore(%run_scoped3A : memref<!tpu.dma_semaphore, #tpu.memory_space<semaphore_mem>>) src(%arg7 : memref<640xf32, #tpu.memory_space<vmem>>) dst(%dma_wait3A_275 : memref<640xf32, #tpu.memory_space<vmem_shared>>)
      tpu.yield
    }) : () -> ()
    %barrier3A = arith.constant 0 : index
    tpu.barrier barrier_id(%barrier3A)
    %mul3A_257 = arith.constant 80000 : i32
    %mul3A_258 = arith.muli %arg0, %mul3A_257 : i32
    %mul3A_259 = arith.constant 5000 : i32
    %mul3A_260 = arith.muli %arg1, %mul3A_259 : i32
    %add3A = arith.addi %mul3A_258, %mul3A_260 : i32
    %scan3A = arith.constant 0 : i32
    %scan3A_261 = arith.constant 0 : i32
    %scan3A_262 = arith.constant 125 : i32
    %scan3A_263 = arith.addi %scan3A_261, %scan3A_262 : i32
    %scan3A_264 = arith.constant 1 : i32
    scf.for %scan3A_274 = %scan3A_261 to %scan3A_263 step %scan3A_264  : i32 {
      %mul3A_275 = arith.constant 40 : i32
      %mul3A_276 = arith.muli %scan3A_274, %mul3A_275 : i32
      %add3A_277 = arith.addi %add3A, %mul3A_276 : i32
      "tpu.region"() ({
        %run_scoped3A = tpu.sem_alloc : memref<!tpu.dma_semaphore, #tpu.memory_space<semaphore_mem>>
        %dma_start3A = tpu.memref_slice %arg2[%add3A_277] : memref<160000xi32, #tpu.memory_space<hbm>> -> memref<40xi32, #tpu.memory_space<hbm>>
        %dma_start3A_278 = tpu.memref_slice %arg2[%add3A_277] : memref<160000xi32, #tpu.memory_space<hbm>> -> memref<40xi32, #tpu.memory_space<hbm>>
        tpu.enqueue_dma source(%dma_start3A_278 : memref<40xi32, #tpu.memory_space<hbm>>) target(%arg5 : memref<40xi32, #tpu.memory_space<vmem>>) target_semaphore(%run_scoped3A : memref<!tpu.dma_semaphore, #tpu.memory_space<semaphore_mem>>)
        %dma_wait3A = tpu.memref_slice %arg2[%add3A_277] : memref<160000xi32, #tpu.memory_space<hbm>> -> memref<40xi32, #tpu.memory_space<hbm>>
        %dma_wait3A_279 = tpu.memref_slice %arg2[%add3A_277] : memref<160000xi32, #tpu.memory_space<hbm>> -> memref<40xi32, #tpu.memory_space<hbm>>
        tpu.wait_dma2 semaphore(%run_scoped3A : memref<!tpu.dma_semaphore, #tpu.memory_space<semaphore_mem>>) src(%dma_wait3A_279 : memref<40xi32, #tpu.memory_space<hbm>>) dst(%arg5 : memref<40xi32, #tpu.memory_space<vmem>>)
        tpu.yield
      }) : () -> ()
      "tpu.region"() ({
        %run_scoped3A = tpu.sem_alloc : memref<!tpu.dma_semaphore, #tpu.memory_space<semaphore_mem>>
        %dma_start3A = arith.constant 0 : i32
        %dma_start3A_278 = tpu.memref_slice %arg6[%dma_start3A] : memref<48xf32, #tpu.memory_space<vmem>> -> memref<40xf32, #tpu.memory_space<vmem>>
        %dma_start3A_279 = arith.constant 0 : i32
        %dma_start3A_280 = tpu.memref_slice %arg8[%dma_start3A_279] : memref<10240xf32, #tpu.memory_space<vmem_shared>> -> memref<10240xf32, #tpu.memory_space<vmem_shared>>
        tpu.enqueue_indirect_dma source(%dma_start3A_278 : memref<40xf32, #tpu.memory_space<vmem>>) target(%dma_start3A_280 : memref<10240xf32, #tpu.memory_space<vmem_shared>>) offsets(%arg5 : memref<40xi32, #tpu.memory_space<vmem>>) semaphore(%run_scoped3A : memref<!tpu.dma_semaphore, #tpu.memory_space<semaphore_mem>>) {add = true}
        %dma_wait3A = arith.constant 0 : i32
        %dma_wait3A_281 = tpu.memref_slice %arg6[%dma_wait3A] : memref<48xf32, #tpu.memory_space<vmem>> -> memref<40xf32, #tpu.memory_space<vmem>>
        %dma_wait3A_282 = arith.constant 0 : i32
        %dma_wait3A_283 = tpu.memref_slice %arg8[%dma_wait3A_282] : memref<10240xf32, #tpu.memory_space<vmem_shared>> -> memref<10240xf32, #tpu.memory_space<vmem_shared>>
        tpu.wait_indirect_dma semaphore(%run_scoped3A : memref<!tpu.dma_semaphore, #tpu.memory_space<semaphore_mem>>) src(%dma_wait3A_281 : memref<40xf32, #tpu.memory_space<vmem>>) dst(%dma_wait3A_283 : memref<10240xf32, #tpu.memory_space<vmem_shared>>)
        tpu.yield
      }) : () -> ()
    }
    %scan3A_265 = arith.constant 125 : i32
    %barrier3A_266 = arith.constant 0 : index
    tpu.barrier barrier_id(%barrier3A_266)
    %eq3A = arith.constant 0 : i32
    %eq3A_267 = arith.cmpi eq, %arg0, %eq3A : i32
    %convert_element_type3A = arith.extui %eq3A_267 : i1 to i32
    %cond3A = arith.constant 0 : i32
    %cond3A_268 = arith.cmpi ne, %convert_element_type3A, %cond3A : i32
    scf.if %cond3A_268 {
      %mul3A_274 = arith.constant 640 : i32
      %mul3A_275 = arith.muli %arg1, %mul3A_274 : i32
      %mul3A_276 = arith.constant 640 : i32
      %mul3A_277 = arith.muli %arg1, %mul3A_276 : i32
      "tpu.region"() ({
        %run_scoped3A = tpu.sem_alloc : memref<!tpu.dma_semaphore, #tpu.memory_space<semaphore_mem>>
        %dma_start3A = tpu.memref_slice %arg3[%mul3A_277] : memref<10240xf32, #tpu.memory_space<hbm>> -> memref<640xf32, #tpu.memory_space<hbm>>
        %dma_start3A_278 = tpu.memref_slice %arg8[%mul3A_275] : memref<10240xf32, #tpu.memory_space<vmem_shared>> -> memref<640xf32, #tpu.memory_space<vmem_shared>>
        tpu.enqueue_dma source(%dma_start3A_278 : memref<640xf32, #tpu.memory_space<vmem_shared>>) target(%dma_start3A : memref<640xf32, #tpu.memory_space<hbm>>) target_semaphore(%run_scoped3A : memref<!tpu.dma_semaphore, #tpu.memory_space<semaphore_mem>>)
        %dma_wait3A = tpu.memref_slice %arg3[%mul3A_277] : memref<10240xf32, #tpu.memory_space<hbm>> -> memref<640xf32, #tpu.memory_space<hbm>>
        %dma_wait3A_279 = tpu.memref_slice %arg8[%mul3A_275] : memref<10240xf32, #tpu.memory_space<vmem_shared>> -> memref<640xf32, #tpu.memory_space<vmem_shared>>
        tpu.wait_dma2 semaphore(%run_scoped3A : memref<!tpu.dma_semaphore, #tpu.memory_space<semaphore_mem>>) src(%dma_wait3A_279 : memref<640xf32, #tpu.memory_space<vmem_shared>>) dst(%dma_wait3A : memref<640xf32, #tpu.memory_space<hbm>>)
        tpu.yield
      }) : () -> ()
    } else {
    }
    %eq3A_269 = arith.constant 1 : i32
    %eq3A_270 = arith.cmpi eq, %arg0, %eq3A_269 : i32
    %convert_element_type3A_271 = arith.extui %eq3A_270 : i1 to i32
    %cond3A_272 = arith.constant 0 : i32
    %cond3A_273 = arith.cmpi ne, %convert_element_type3A_271, %cond3A_272 : i32
    scf.if %cond3A_273 {
      %mul3A_274 = arith.constant 640 : i32
      %mul3A_275 = arith.muli %arg1, %mul3A_274 : i32
      %mul3A_276 = arith.constant 640 : i32
      %mul3A_277 = arith.muli %arg1, %mul3A_276 : i32
      "tpu.region"() ({
        %run_scoped3A = tpu.sem_alloc : memref<!tpu.dma_semaphore, #tpu.memory_space<semaphore_mem>>
        %dma_start3A = tpu.memref_slice %arg4[%mul3A_277] : memref<10240xf32, #tpu.memory_space<hbm>> -> memref<640xf32, #tpu.memory_space<hbm>>
        %dma_start3A_278 = tpu.memref_slice %arg8[%mul3A_275] : memref<10240xf32, #tpu.memory_space<vmem_shared>> -> memref<640xf32, #tpu.memory_space<vmem_shared>>
        tpu.enqueue_dma source(%dma_start3A_278 : memref<640xf32, #tpu.memory_space<vmem_shared>>) target(%dma_start3A : memref<640xf32, #tpu.memory_space<hbm>>) target_semaphore(%run_scoped3A : memref<!tpu.dma_semaphore, #tpu.memory_space<semaphore_mem>>)
        %dma_wait3A = tpu.memref_slice %arg4[%mul3A_277] : memref<10240xf32, #tpu.memory_space<hbm>> -> memref<640xf32, #tpu.memory_space<hbm>>
        %dma_wait3A_279 = tpu.memref_slice %arg8[%mul3A_275] : memref<10240xf32, #tpu.memory_space<vmem_shared>> -> memref<640xf32, #tpu.memory_space<vmem_shared>>
        tpu.wait_dma2 semaphore(%run_scoped3A : memref<!tpu.dma_semaphore, #tpu.memory_space<semaphore_mem>>) src(%dma_wait3A_279 : memref<640xf32, #tpu.memory_space<vmem_shared>>) dst(%dma_wait3A : memref<640xf32, #tpu.memory_space<hbm>>)
        tpu.yield
      }) : () -> ()
    } else {
    }
    return
  }
}

#map = affine_map<(d0, d1) -> (0, 0)>
#map1 = affine_map<(d0, d1) -> (0)>
module attributes {stable_mosaic.version = 14 : i64} {
  func.func @edge_kernel(%arg0: i32, %arg1: i32, %arg2: memref<10000x128xf32, #tpu.memory_space<hbm>>, %arg3: memref<10000x128xf32, #tpu.memory_space<hbm>>, %arg4: memref<160000xi32, #tpu.memory_space<hbm>>, %arg5: memref<160000xi32, #tpu.memory_space<hbm>>, %arg6: memref<10240x128xf32, #tpu.memory_space<hbm>>, %arg7: memref<10240x128xf32, #tpu.memory_space<hbm>>, %arg8: memref<80xi32, #tpu.memory_space<vmem>>, %arg9: memref<80xi32, #tpu.memory_space<vmem>>, %arg10: memref<80x128xf32, #tpu.memory_space<vmem>>, %arg11: memref<10240x128xf32, #tpu.memory_space<vmem_shared>>, %arg12: memref<!tpu.dma_semaphore, #tpu.memory_space<semaphore_mem>>) attributes {dimension_semantics = [#tpu.dimension_semantics<core_parallel>, #tpu.dimension_semantics<subcore_parallel>], iteration_bounds = array<i64: 2, 16>, scalar_prefetch = 0 : i64, scratch_operands = 5 : i64, tpu.core_type = #tpu.core_type<sc_vector_subcore>, window_params = [{transform_indices = #map}, {transform_indices = #map}, {transform_indices = #map1}, {transform_indices = #map1}, {transform_indices = #map}, {transform_indices = #map}]} {
    %scan3A = arith.constant 0 : i32
    %scan3A_0 = arith.constant 0 : i32
    %scan3A_1 = arith.constant 80 : i32
    %scan3A_2 = arith.addi %scan3A_0, %scan3A_1 : i32
    %scan3A_3 = arith.constant 1 : i32
    scf.for %scan3A_53 = %scan3A_0 to %scan3A_2 step %scan3A_3  : i32 {
      %broadcast_in_dim3A = arith.constant 0.000000e+00 : f32
      %broadcast_in_dim3A_54 = vector.broadcast %broadcast_in_dim3A : f32 to vector<16xf32>
      %swap3A = arith.index_cast %scan3A_53 : i32 to index
      %swap3A_55 = arith.constant 0 : index
      %swap3A_56 = tpu.vector_load %arg10[%swap3A, %swap3A_55] {strides = array<i32>} : memref<80x128xf32, #tpu.memory_space<vmem>>, vector<1x16xf32>,
      %swap3A_57 = vector.shape_cast %swap3A_56 : vector<1x16xf32> to vector<16xf32>
      %swap3A_58 = vector.shape_cast %broadcast_in_dim3A_54 : vector<16xf32> to vector<1x16xf32>
      tpu.vector_store %arg10[%swap3A, %swap3A_55], %swap3A_58 {strides = array<i32>} : memref<80x128xf32, #tpu.memory_space<vmem>>, vector<1x16xf32>,
      %broadcast_in_dim3A_59 = arith.constant 0.000000e+00 : f32
      %broadcast_in_dim3A_60 = vector.broadcast %broadcast_in_dim3A_59 : f32 to vector<16xf32>
      %swap3A_61 = arith.index_cast %scan3A_53 : i32 to index
      %swap3A_62 = arith.constant 16 : index
      %swap3A_63 = tpu.vector_load %arg10[%swap3A_61, %swap3A_62] {strides = array<i32>} : memref<80x128xf32, #tpu.memory_space<vmem>>, vector<1x16xf32>,
      %swap3A_64 = vector.shape_cast %swap3A_63 : vector<1x16xf32> to vector<16xf32>
      %swap3A_65 = vector.shape_cast %broadcast_in_dim3A_60 : vector<16xf32> to vector<1x16xf32>
      tpu.vector_store %arg10[%swap3A_61, %swap3A_62], %swap3A_65 {strides = array<i32>} : memref<80x128xf32, #tpu.memory_space<vmem>>, vector<1x16xf32>,
      %broadcast_in_dim3A_66 = arith.constant 0.000000e+00 : f32
      %broadcast_in_dim3A_67 = vector.broadcast %broadcast_in_dim3A_66 : f32 to vector<16xf32>
      %swap3A_68 = arith.index_cast %scan3A_53 : i32 to index
      %swap3A_69 = arith.constant 32 : index
      %swap3A_70 = tpu.vector_load %arg10[%swap3A_68, %swap3A_69] {strides = array<i32>} : memref<80x128xf32, #tpu.memory_space<vmem>>, vector<1x16xf32>,
      %swap3A_71 = vector.shape_cast %swap3A_70 : vector<1x16xf32> to vector<16xf32>
      %swap3A_72 = vector.shape_cast %broadcast_in_dim3A_67 : vector<16xf32> to vector<1x16xf32>
      tpu.vector_store %arg10[%swap3A_68, %swap3A_69], %swap3A_72 {strides = array<i32>} : memref<80x128xf32, #tpu.memory_space<vmem>>, vector<1x16xf32>,
      %broadcast_in_dim3A_73 = arith.constant 0.000000e+00 : f32
      %broadcast_in_dim3A_74 = vector.broadcast %broadcast_in_dim3A_73 : f32 to vector<16xf32>
      %swap3A_75 = arith.index_cast %scan3A_53 : i32 to index
      %swap3A_76 = arith.constant 48 : index
      %swap3A_77 = tpu.vector_load %arg10[%swap3A_75, %swap3A_76] {strides = array<i32>} : memref<80x128xf32, #tpu.memory_space<vmem>>, vector<1x16xf32>,
      %swap3A_78 = vector.shape_cast %swap3A_77 : vector<1x16xf32> to vector<16xf32>
      %swap3A_79 = vector.shape_cast %broadcast_in_dim3A_74 : vector<16xf32> to vector<1x16xf32>
      tpu.vector_store %arg10[%swap3A_75, %swap3A_76], %swap3A_79 {strides = array<i32>} : memref<80x128xf32, #tpu.memory_space<vmem>>, vector<1x16xf32>,
      %broadcast_in_dim3A_80 = arith.constant 0.000000e+00 : f32
      %broadcast_in_dim3A_81 = vector.broadcast %broadcast_in_dim3A_80 : f32 to vector<16xf32>
      %swap3A_82 = arith.index_cast %scan3A_53 : i32 to index
      %swap3A_83 = arith.constant 64 : index
      %swap3A_84 = tpu.vector_load %arg10[%swap3A_82, %swap3A_83] {strides = array<i32>} : memref<80x128xf32, #tpu.memory_space<vmem>>, vector<1x16xf32>,
      %swap3A_85 = vector.shape_cast %swap3A_84 : vector<1x16xf32> to vector<16xf32>
      %swap3A_86 = vector.shape_cast %broadcast_in_dim3A_81 : vector<16xf32> to vector<1x16xf32>
      tpu.vector_store %arg10[%swap3A_82, %swap3A_83], %swap3A_86 {strides = array<i32>} : memref<80x128xf32, #tpu.memory_space<vmem>>, vector<1x16xf32>,
      %broadcast_in_dim3A_87 = arith.constant 0.000000e+00 : f32
      %broadcast_in_dim3A_88 = vector.broadcast %broadcast_in_dim3A_87 : f32 to vector<16xf32>
      %swap3A_89 = arith.index_cast %scan3A_53 : i32 to index
      %swap3A_90 = arith.constant 80 : index
      %swap3A_91 = tpu.vector_load %arg10[%swap3A_89, %swap3A_90] {strides = array<i32>} : memref<80x128xf32, #tpu.memory_space<vmem>>, vector<1x16xf32>,
      %swap3A_92 = vector.shape_cast %swap3A_91 : vector<1x16xf32> to vector<16xf32>
      %swap3A_93 = vector.shape_cast %broadcast_in_dim3A_88 : vector<16xf32> to vector<1x16xf32>
      tpu.vector_store %arg10[%swap3A_89, %swap3A_90], %swap3A_93 {strides = array<i32>} : memref<80x128xf32, #tpu.memory_space<vmem>>, vector<1x16xf32>,
      %broadcast_in_dim3A_94 = arith.constant 0.000000e+00 : f32
      %broadcast_in_dim3A_95 = vector.broadcast %broadcast_in_dim3A_94 : f32 to vector<16xf32>
      %swap3A_96 = arith.index_cast %scan3A_53 : i32 to index
      %swap3A_97 = arith.constant 96 : index
      %swap3A_98 = tpu.vector_load %arg10[%swap3A_96, %swap3A_97] {strides = array<i32>} : memref<80x128xf32, #tpu.memory_space<vmem>>, vector<1x16xf32>,
      %swap3A_99 = vector.shape_cast %swap3A_98 : vector<1x16xf32> to vector<16xf32>
      %swap3A_100 = vector.shape_cast %broadcast_in_dim3A_95 : vector<16xf32> to vector<1x16xf32>
      tpu.vector_store %arg10[%swap3A_96, %swap3A_97], %swap3A_100 {strides = array<i32>} : memref<80x128xf32, #tpu.memory_space<vmem>>, vector<1x16xf32>,
      %broadcast_in_dim3A_101 = arith.constant 0.000000e+00 : f32
      %broadcast_in_dim3A_102 = vector.broadcast %broadcast_in_dim3A_101 : f32 to vector<16xf32>
      %swap3A_103 = arith.index_cast %scan3A_53 : i32 to index
      %swap3A_104 = arith.constant 112 : index
      %swap3A_105 = tpu.vector_load %arg10[%swap3A_103, %swap3A_104] {strides = array<i32>} : memref<80x128xf32, #tpu.memory_space<vmem>>, vector<1x16xf32>,
      %swap3A_106 = vector.shape_cast %swap3A_105 : vector<1x16xf32> to vector<16xf32>
      %swap3A_107 = vector.shape_cast %broadcast_in_dim3A_102 : vector<16xf32> to vector<1x16xf32>
      tpu.vector_store %arg10[%swap3A_103, %swap3A_104], %swap3A_107 {strides = array<i32>} : memref<80x128xf32, #tpu.memory_space<vmem>>, vector<1x16xf32>,
    }
    %scan3A_4 = arith.constant 80 : i32
    %mul3A = arith.constant 640 : i32
    %mul3A_5 = arith.muli %arg1, %mul3A : i32
    %add3A = arith.constant 0 : i32
    %add3A_6 = arith.addi %mul3A_5, %add3A : i32
    "tpu.region"() ({
      %run_scoped3A = tpu.sem_alloc : memref<!tpu.dma_semaphore, #tpu.memory_space<semaphore_mem>>
      %dma_start3A = arith.constant 0 : i32
      %dma_start3A_53 = tpu.memref_slice %arg11[%add3A_6, %dma_start3A] : memref<10240x128xf32, #tpu.memory_space<vmem_shared>> -> memref<80x128xf32, #tpu.memory_space<vmem_shared>>
      %dma_start3A_54 = arith.constant 0 : i32
      %dma_start3A_55 = tpu.memref_slice %arg11[%add3A_6, %dma_start3A_54] : memref<10240x128xf32, #tpu.memory_space<vmem_shared>> -> memref<80x128xf32, #tpu.memory_space<vmem_shared>>
      tpu.enqueue_dma source(%arg10 : memref<80x128xf32, #tpu.memory_space<vmem>>) target(%dma_start3A_55 : memref<80x128xf32, #tpu.memory_space<vmem_shared>>) target_semaphore(%run_scoped3A : memref<!tpu.dma_semaphore, #tpu.memory_space<semaphore_mem>>)
      %dma_wait3A = arith.constant 0 : i32
      %dma_wait3A_56 = tpu.memref_slice %arg11[%add3A_6, %dma_wait3A] : memref<10240x128xf32, #tpu.memory_space<vmem_shared>> -> memref<80x128xf32, #tpu.memory_space<vmem_shared>>
      %dma_wait3A_57 = arith.constant 0 : i32
      %dma_wait3A_58 = tpu.memref_slice %arg11[%add3A_6, %dma_wait3A_57] : memref<10240x128xf32, #tpu.memory_space<vmem_shared>> -> memref<80x128xf32, #tpu.memory_space<vmem_shared>>
      tpu.wait_dma2 semaphore(%run_scoped3A : memref<!tpu.dma_semaphore, #tpu.memory_space<semaphore_mem>>) src(%arg10 : memref<80x128xf32, #tpu.memory_space<vmem>>) dst(%dma_wait3A_58 : memref<80x128xf32, #tpu.memory_space<vmem_shared>>)
      tpu.yield
    }) : () -> ()
    %mul3A_7 = arith.constant 640 : i32
    %mul3A_8 = arith.muli %arg1, %mul3A_7 : i32
    %add3A_9 = arith.constant 80 : i32
    %add3A_10 = arith.addi %mul3A_8, %add3A_9 : i32
    "tpu.region"() ({
      %run_scoped3A = tpu.sem_alloc : memref<!tpu.dma_semaphore, #tpu.memory_space<semaphore_mem>>
      %dma_start3A = arith.constant 0 : i32
      %dma_start3A_53 = tpu.memref_slice %arg11[%add3A_10, %dma_start3A] : memref<10240x128xf32, #tpu.memory_space<vmem_shared>> -> memref<80x128xf32, #tpu.memory_space<vmem_shared>>
      %dma_start3A_54 = arith.constant 0 : i32
      %dma_start3A_55 = tpu.memref_slice %arg11[%add3A_10, %dma_start3A_54] : memref<10240x128xf32, #tpu.memory_space<vmem_shared>> -> memref<80x128xf32, #tpu.memory_space<vmem_shared>>
      tpu.enqueue_dma source(%arg10 : memref<80x128xf32, #tpu.memory_space<vmem>>) target(%dma_start3A_55 : memref<80x128xf32, #tpu.memory_space<vmem_shared>>) target_semaphore(%run_scoped3A : memref<!tpu.dma_semaphore, #tpu.memory_space<semaphore_mem>>)
      %dma_wait3A = arith.constant 0 : i32
      %dma_wait3A_56 = tpu.memref_slice %arg11[%add3A_10, %dma_wait3A] : memref<10240x128xf32, #tpu.memory_space<vmem_shared>> -> memref<80x128xf32, #tpu.memory_space<vmem_shared>>
      %dma_wait3A_57 = arith.constant 0 : i32
      %dma_wait3A_58 = tpu.memref_slice %arg11[%add3A_10, %dma_wait3A_57] : memref<10240x128xf32, #tpu.memory_space<vmem_shared>> -> memref<80x128xf32, #tpu.memory_space<vmem_shared>>
      tpu.wait_dma2 semaphore(%run_scoped3A : memref<!tpu.dma_semaphore, #tpu.memory_space<semaphore_mem>>) src(%arg10 : memref<80x128xf32, #tpu.memory_space<vmem>>) dst(%dma_wait3A_58 : memref<80x128xf32, #tpu.memory_space<vmem_shared>>)
      tpu.yield
    }) : () -> ()
    %mul3A_11 = arith.constant 640 : i32
    %mul3A_12 = arith.muli %arg1, %mul3A_11 : i32
    %add3A_13 = arith.constant 160 : i32
    %add3A_14 = arith.addi %mul3A_12, %add3A_13 : i32
    "tpu.region"() ({
      %run_scoped3A = tpu.sem_alloc : memref<!tpu.dma_semaphore, #tpu.memory_space<semaphore_mem>>
      %dma_start3A = arith.constant 0 : i32
      %dma_start3A_53 = tpu.memref_slice %arg11[%add3A_14, %dma_start3A] : memref<10240x128xf32, #tpu.memory_space<vmem_shared>> -> memref<80x128xf32, #tpu.memory_space<vmem_shared>>
      %dma_start3A_54 = arith.constant 0 : i32
      %dma_start3A_55 = tpu.memref_slice %arg11[%add3A_14, %dma_start3A_54] : memref<10240x128xf32, #tpu.memory_space<vmem_shared>> -> memref<80x128xf32, #tpu.memory_space<vmem_shared>>
      tpu.enqueue_dma source(%arg10 : memref<80x128xf32, #tpu.memory_space<vmem>>) target(%dma_start3A_55 : memref<80x128xf32, #tpu.memory_space<vmem_shared>>) target_semaphore(%run_scoped3A : memref<!tpu.dma_semaphore, #tpu.memory_space<semaphore_mem>>)
      %dma_wait3A = arith.constant 0 : i32
      %dma_wait3A_56 = tpu.memref_slice %arg11[%add3A_14, %dma_wait3A] : memref<10240x128xf32, #tpu.memory_space<vmem_shared>> -> memref<80x128xf32, #tpu.memory_space<vmem_shared>>
      %dma_wait3A_57 = arith.constant 0 : i32
      %dma_wait3A_58 = tpu.memref_slice %arg11[%add3A_14, %dma_wait3A_57] : memref<10240x128xf32, #tpu.memory_space<vmem_shared>> -> memref<80x128xf32, #tpu.memory_space<vmem_shared>>
      tpu.wait_dma2 semaphore(%run_scoped3A : memref<!tpu.dma_semaphore, #tpu.memory_space<semaphore_mem>>) src(%arg10 : memref<80x128xf32, #tpu.memory_space<vmem>>) dst(%dma_wait3A_58 : memref<80x128xf32, #tpu.memory_space<vmem_shared>>)
      tpu.yield
    }) : () -> ()
    %mul3A_15 = arith.constant 640 : i32
    %mul3A_16 = arith.muli %arg1, %mul3A_15 : i32
    %add3A_17 = arith.constant 240 : i32
    %add3A_18 = arith.addi %mul3A_16, %add3A_17 : i32
    "tpu.region"() ({
      %run_scoped3A = tpu.sem_alloc : memref<!tpu.dma_semaphore, #tpu.memory_space<semaphore_mem>>
      %dma_start3A = arith.constant 0 : i32
      %dma_start3A_53 = tpu.memref_slice %arg11[%add3A_18, %dma_start3A] : memref<10240x128xf32, #tpu.memory_space<vmem_shared>> -> memref<80x128xf32, #tpu.memory_space<vmem_shared>>
      %dma_start3A_54 = arith.constant 0 : i32
      %dma_start3A_55 = tpu.memref_slice %arg11[%add3A_18, %dma_start3A_54] : memref<10240x128xf32, #tpu.memory_space<vmem_shared>> -> memref<80x128xf32, #tpu.memory_space<vmem_shared>>
      tpu.enqueue_dma source(%arg10 : memref<80x128xf32, #tpu.memory_space<vmem>>) target(%dma_start3A_55 : memref<80x128xf32, #tpu.memory_space<vmem_shared>>) target_semaphore(%run_scoped3A : memref<!tpu.dma_semaphore, #tpu.memory_space<semaphore_mem>>)
      %dma_wait3A = arith.constant 0 : i32
      %dma_wait3A_56 = tpu.memref_slice %arg11[%add3A_18, %dma_wait3A] : memref<10240x128xf32, #tpu.memory_space<vmem_shared>> -> memref<80x128xf32, #tpu.memory_space<vmem_shared>>
      %dma_wait3A_57 = arith.constant 0 : i32
      %dma_wait3A_58 = tpu.memref_slice %arg11[%add3A_18, %dma_wait3A_57] : memref<10240x128xf32, #tpu.memory_space<vmem_shared>> -> memref<80x128xf32, #tpu.memory_space<vmem_shared>>
      tpu.wait_dma2 semaphore(%run_scoped3A : memref<!tpu.dma_semaphore, #tpu.memory_space<semaphore_mem>>) src(%arg10 : memref<80x128xf32, #tpu.memory_space<vmem>>) dst(%dma_wait3A_58 : memref<80x128xf32, #tpu.memory_space<vmem_shared>>)
      tpu.yield
    }) : () -> ()
    %mul3A_19 = arith.constant 640 : i32
    %mul3A_20 = arith.muli %arg1, %mul3A_19 : i32
    %add3A_21 = arith.constant 320 : i32
    %add3A_22 = arith.addi %mul3A_20, %add3A_21 : i32
    "tpu.region"() ({
      %run_scoped3A = tpu.sem_alloc : memref<!tpu.dma_semaphore, #tpu.memory_space<semaphore_mem>>
      %dma_start3A = arith.constant 0 : i32
      %dma_start3A_53 = tpu.memref_slice %arg11[%add3A_22, %dma_start3A] : memref<10240x128xf32, #tpu.memory_space<vmem_shared>> -> memref<80x128xf32, #tpu.memory_space<vmem_shared>>
      %dma_start3A_54 = arith.constant 0 : i32
      %dma_start3A_55 = tpu.memref_slice %arg11[%add3A_22, %dma_start3A_54] : memref<10240x128xf32, #tpu.memory_space<vmem_shared>> -> memref<80x128xf32, #tpu.memory_space<vmem_shared>>
      tpu.enqueue_dma source(%arg10 : memref<80x128xf32, #tpu.memory_space<vmem>>) target(%dma_start3A_55 : memref<80x128xf32, #tpu.memory_space<vmem_shared>>) target_semaphore(%run_scoped3A : memref<!tpu.dma_semaphore, #tpu.memory_space<semaphore_mem>>)
      %dma_wait3A = arith.constant 0 : i32
      %dma_wait3A_56 = tpu.memref_slice %arg11[%add3A_22, %dma_wait3A] : memref<10240x128xf32, #tpu.memory_space<vmem_shared>> -> memref<80x128xf32, #tpu.memory_space<vmem_shared>>
      %dma_wait3A_57 = arith.constant 0 : i32
      %dma_wait3A_58 = tpu.memref_slice %arg11[%add3A_22, %dma_wait3A_57] : memref<10240x128xf32, #tpu.memory_space<vmem_shared>> -> memref<80x128xf32, #tpu.memory_space<vmem_shared>>
      tpu.wait_dma2 semaphore(%run_scoped3A : memref<!tpu.dma_semaphore, #tpu.memory_space<semaphore_mem>>) src(%arg10 : memref<80x128xf32, #tpu.memory_space<vmem>>) dst(%dma_wait3A_58 : memref<80x128xf32, #tpu.memory_space<vmem_shared>>)
      tpu.yield
    }) : () -> ()
    %mul3A_23 = arith.constant 640 : i32
    %mul3A_24 = arith.muli %arg1, %mul3A_23 : i32
    %add3A_25 = arith.constant 400 : i32
    %add3A_26 = arith.addi %mul3A_24, %add3A_25 : i32
    "tpu.region"() ({
      %run_scoped3A = tpu.sem_alloc : memref<!tpu.dma_semaphore, #tpu.memory_space<semaphore_mem>>
      %dma_start3A = arith.constant 0 : i32
      %dma_start3A_53 = tpu.memref_slice %arg11[%add3A_26, %dma_start3A] : memref<10240x128xf32, #tpu.memory_space<vmem_shared>> -> memref<80x128xf32, #tpu.memory_space<vmem_shared>>
      %dma_start3A_54 = arith.constant 0 : i32
      %dma_start3A_55 = tpu.memref_slice %arg11[%add3A_26, %dma_start3A_54] : memref<10240x128xf32, #tpu.memory_space<vmem_shared>> -> memref<80x128xf32, #tpu.memory_space<vmem_shared>>
      tpu.enqueue_dma source(%arg10 : memref<80x128xf32, #tpu.memory_space<vmem>>) target(%dma_start3A_55 : memref<80x128xf32, #tpu.memory_space<vmem_shared>>) target_semaphore(%run_scoped3A : memref<!tpu.dma_semaphore, #tpu.memory_space<semaphore_mem>>)
      %dma_wait3A = arith.constant 0 : i32
      %dma_wait3A_56 = tpu.memref_slice %arg11[%add3A_26, %dma_wait3A] : memref<10240x128xf32, #tpu.memory_space<vmem_shared>> -> memref<80x128xf32, #tpu.memory_space<vmem_shared>>
      %dma_wait3A_57 = arith.constant 0 : i32
      %dma_wait3A_58 = tpu.memref_slice %arg11[%add3A_26, %dma_wait3A_57] : memref<10240x128xf32, #tpu.memory_space<vmem_shared>> -> memref<80x128xf32, #tpu.memory_space<vmem_shared>>
      tpu.wait_dma2 semaphore(%run_scoped3A : memref<!tpu.dma_semaphore, #tpu.memory_space<semaphore_mem>>) src(%arg10 : memref<80x128xf32, #tpu.memory_space<vmem>>) dst(%dma_wait3A_58 : memref<80x128xf32, #tpu.memory_space<vmem_shared>>)
      tpu.yield
    }) : () -> ()
    %mul3A_27 = arith.constant 640 : i32
    %mul3A_28 = arith.muli %arg1, %mul3A_27 : i32
    %add3A_29 = arith.constant 480 : i32
    %add3A_30 = arith.addi %mul3A_28, %add3A_29 : i32
    "tpu.region"() ({
      %run_scoped3A = tpu.sem_alloc : memref<!tpu.dma_semaphore, #tpu.memory_space<semaphore_mem>>
      %dma_start3A = arith.constant 0 : i32
      %dma_start3A_53 = tpu.memref_slice %arg11[%add3A_30, %dma_start3A] : memref<10240x128xf32, #tpu.memory_space<vmem_shared>> -> memref<80x128xf32, #tpu.memory_space<vmem_shared>>
      %dma_start3A_54 = arith.constant 0 : i32
      %dma_start3A_55 = tpu.memref_slice %arg11[%add3A_30, %dma_start3A_54] : memref<10240x128xf32, #tpu.memory_space<vmem_shared>> -> memref<80x128xf32, #tpu.memory_space<vmem_shared>>
      tpu.enqueue_dma source(%arg10 : memref<80x128xf32, #tpu.memory_space<vmem>>) target(%dma_start3A_55 : memref<80x128xf32, #tpu.memory_space<vmem_shared>>) target_semaphore(%run_scoped3A : memref<!tpu.dma_semaphore, #tpu.memory_space<semaphore_mem>>)
      %dma_wait3A = arith.constant 0 : i32
      %dma_wait3A_56 = tpu.memref_slice %arg11[%add3A_30, %dma_wait3A] : memref<10240x128xf32, #tpu.memory_space<vmem_shared>> -> memref<80x128xf32, #tpu.memory_space<vmem_shared>>
      %dma_wait3A_57 = arith.constant 0 : i32
      %dma_wait3A_58 = tpu.memref_slice %arg11[%add3A_30, %dma_wait3A_57] : memref<10240x128xf32, #tpu.memory_space<vmem_shared>> -> memref<80x128xf32, #tpu.memory_space<vmem_shared>>
      tpu.wait_dma2 semaphore(%run_scoped3A : memref<!tpu.dma_semaphore, #tpu.memory_space<semaphore_mem>>) src(%arg10 : memref<80x128xf32, #tpu.memory_space<vmem>>) dst(%dma_wait3A_58 : memref<80x128xf32, #tpu.memory_space<vmem_shared>>)
      tpu.yield
    }) : () -> ()
    %mul3A_31 = arith.constant 640 : i32
    %mul3A_32 = arith.muli %arg1, %mul3A_31 : i32
    %add3A_33 = arith.constant 560 : i32
    %add3A_34 = arith.addi %mul3A_32, %add3A_33 : i32
    "tpu.region"() ({
      %run_scoped3A = tpu.sem_alloc : memref<!tpu.dma_semaphore, #tpu.memory_space<semaphore_mem>>
      %dma_start3A = arith.constant 0 : i32
      %dma_start3A_53 = tpu.memref_slice %arg11[%add3A_34, %dma_start3A] : memref<10240x128xf32, #tpu.memory_space<vmem_shared>> -> memref<80x128xf32, #tpu.memory_space<vmem_shared>>
      %dma_start3A_54 = arith.constant 0 : i32
      %dma_start3A_55 = tpu.memref_slice %arg11[%add3A_34, %dma_start3A_54] : memref<10240x128xf32, #tpu.memory_space<vmem_shared>> -> memref<80x128xf32, #tpu.memory_space<vmem_shared>>
      tpu.enqueue_dma source(%arg10 : memref<80x128xf32, #tpu.memory_space<vmem>>) target(%dma_start3A_55 : memref<80x128xf32, #tpu.memory_space<vmem_shared>>) target_semaphore(%run_scoped3A : memref<!tpu.dma_semaphore, #tpu.memory_space<semaphore_mem>>)
      %dma_wait3A = arith.constant 0 : i32
      %dma_wait3A_56 = tpu.memref_slice %arg11[%add3A_34, %dma_wait3A] : memref<10240x128xf32, #tpu.memory_space<vmem_shared>> -> memref<80x128xf32, #tpu.memory_space<vmem_shared>>
      %dma_wait3A_57 = arith.constant 0 : i32
      %dma_wait3A_58 = tpu.memref_slice %arg11[%add3A_34, %dma_wait3A_57] : memref<10240x128xf32, #tpu.memory_space<vmem_shared>> -> memref<80x128xf32, #tpu.memory_space<vmem_shared>>
      tpu.wait_dma2 semaphore(%run_scoped3A : memref<!tpu.dma_semaphore, #tpu.memory_space<semaphore_mem>>) src(%arg10 : memref<80x128xf32, #tpu.memory_space<vmem>>) dst(%dma_wait3A_58 : memref<80x128xf32, #tpu.memory_space<vmem_shared>>)
      tpu.yield
    }) : () -> ()
    %barrier3A = arith.constant 0 : index
    tpu.barrier barrier_id(%barrier3A)
    %eq3A = arith.constant 0 : i32
    %eq3A_35 = arith.cmpi eq, %arg0, %eq3A : i32
    %convert_element_type3A = arith.extui %eq3A_35 : i1 to i32
    %cond3A = arith.constant 0 : i32
    %cond3A_36 = arith.cmpi ne, %convert_element_type3A, %cond3A : i32
    scf.if %cond3A_36 {
      %mul3A_53 = arith.constant 10000 : i32
      %mul3A_54 = arith.muli %arg1, %mul3A_53 : i32
      %scan3A_55 = arith.constant 0 : i32
      %scan3A_56 = arith.constant 0 : i32
      %scan3A_57 = arith.constant 125 : i32
      %scan3A_58 = arith.addi %scan3A_56, %scan3A_57 : i32
      %scan3A_59 = arith.constant 1 : i32
      scf.for %scan3A_61 = %scan3A_56 to %scan3A_58 step %scan3A_59  : i32 {
        %mul3A_62 = arith.constant 80 : i32
        %mul3A_63 = arith.muli %scan3A_61, %mul3A_62 : i32
        %add3A_64 = arith.addi %mul3A_54, %mul3A_63 : i32
        "tpu.region"() ({
          %run_scoped3A = tpu.sem_alloc : memref<!tpu.dma_semaphore, #tpu.memory_space<semaphore_mem>>
          %dma_start3A_69 = tpu.memref_slice %arg4[%add3A_64] : memref<160000xi32, #tpu.memory_space<hbm>> -> memref<80xi32, #tpu.memory_space<hbm>>
          %dma_start3A_70 = tpu.memref_slice %arg4[%add3A_64] : memref<160000xi32, #tpu.memory_space<hbm>> -> memref<80xi32, #tpu.memory_space<hbm>>
          tpu.enqueue_dma source(%dma_start3A_70 : memref<80xi32, #tpu.memory_space<hbm>>) target(%arg8 : memref<80xi32, #tpu.memory_space<vmem>>) target_semaphore(%run_scoped3A : memref<!tpu.dma_semaphore, #tpu.memory_space<semaphore_mem>>)
          %dma_wait3A_71 = tpu.memref_slice %arg4[%add3A_64] : memref<160000xi32, #tpu.memory_space<hbm>> -> memref<80xi32, #tpu.memory_space<hbm>>
          %dma_wait3A_72 = tpu.memref_slice %arg4[%add3A_64] : memref<160000xi32, #tpu.memory_space<hbm>> -> memref<80xi32, #tpu.memory_space<hbm>>
          tpu.wait_dma2 semaphore(%run_scoped3A : memref<!tpu.dma_semaphore, #tpu.memory_space<semaphore_mem>>) src(%dma_wait3A_72 : memref<80xi32, #tpu.memory_space<hbm>>) dst(%arg8 : memref<80xi32, #tpu.memory_space<vmem>>)
          tpu.yield
        }) : () -> ()
        "tpu.region"() ({
          %run_scoped3A = tpu.sem_alloc : memref<!tpu.dma_semaphore, #tpu.memory_space<semaphore_mem>>
          %dma_start3A_69 = tpu.memref_slice %arg5[%add3A_64] : memref<160000xi32, #tpu.memory_space<hbm>> -> memref<80xi32, #tpu.memory_space<hbm>>
          %dma_start3A_70 = tpu.memref_slice %arg5[%add3A_64] : memref<160000xi32, #tpu.memory_space<hbm>> -> memref<80xi32, #tpu.memory_space<hbm>>
          tpu.enqueue_dma source(%dma_start3A_70 : memref<80xi32, #tpu.memory_space<hbm>>) target(%arg9 : memref<80xi32, #tpu.memory_space<vmem>>) target_semaphore(%run_scoped3A : memref<!tpu.dma_semaphore, #tpu.memory_space<semaphore_mem>>)
          %dma_wait3A_71 = tpu.memref_slice %arg5[%add3A_64] : memref<160000xi32, #tpu.memory_space<hbm>> -> memref<80xi32, #tpu.memory_space<hbm>>
          %dma_wait3A_72 = tpu.memref_slice %arg5[%add3A_64] : memref<160000xi32, #tpu.memory_space<hbm>> -> memref<80xi32, #tpu.memory_space<hbm>>
          tpu.wait_dma2 semaphore(%run_scoped3A : memref<!tpu.dma_semaphore, #tpu.memory_space<semaphore_mem>>) src(%dma_wait3A_72 : memref<80xi32, #tpu.memory_space<hbm>>) dst(%arg9 : memref<80xi32, #tpu.memory_space<vmem>>)
          tpu.yield
        }) : () -> ()
        %dma_start3A = arith.constant 0 : i32
        %dma_start3A_65 = arith.constant 0 : i32
        %dma_start3A_66 = tpu.memref_slice %arg2[%dma_start3A, %dma_start3A_65] : memref<10000x128xf32, #tpu.memory_space<hbm>> -> memref<10000x128xf32, #tpu.memory_space<hbm>>
        tpu.enqueue_indirect_dma source(%dma_start3A_66 : memref<10000x128xf32, #tpu.memory_space<hbm>>) target(%arg10 : memref<80x128xf32, #tpu.memory_space<vmem>>) offsets(%arg8 : memref<80xi32, #tpu.memory_space<vmem>>) semaphore(%arg12 : memref<!tpu.dma_semaphore, #tpu.memory_space<semaphore_mem>>)
        %dma_wait3A = arith.constant 0 : i32
        %dma_wait3A_67 = arith.constant 0 : i32
        %dma_wait3A_68 = tpu.memref_slice %arg2[%dma_wait3A, %dma_wait3A_67] : memref<10000x128xf32, #tpu.memory_space<hbm>> -> memref<10000x128xf32, #tpu.memory_space<hbm>>
        tpu.wait_indirect_dma semaphore(%arg12 : memref<!tpu.dma_semaphore, #tpu.memory_space<semaphore_mem>>) src(%dma_wait3A_68 : memref<10000x128xf32, #tpu.memory_space<hbm>>) dst(%arg10 : memref<80x128xf32, #tpu.memory_space<vmem>>)
        "tpu.region"() ({
          %run_scoped3A = tpu.sem_alloc : memref<!tpu.dma_semaphore, #tpu.memory_space<semaphore_mem>>
          %dma_start3A_69 = arith.constant 0 : i32
          %dma_start3A_70 = arith.constant 0 : i32
          %dma_start3A_71 = tpu.memref_slice %arg11[%dma_start3A_69, %dma_start3A_70] : memref<10240x128xf32, #tpu.memory_space<vmem_shared>> -> memref<10240x128xf32, #tpu.memory_space<vmem_shared>>
          tpu.enqueue_indirect_dma source(%arg10 : memref<80x128xf32, #tpu.memory_space<vmem>>) target(%dma_start3A_71 : memref<10240x128xf32, #tpu.memory_space<vmem_shared>>) offsets(%arg9 : memref<80xi32, #tpu.memory_space<vmem>>) semaphore(%run_scoped3A : memref<!tpu.dma_semaphore, #tpu.memory_space<semaphore_mem>>) {add = true}
          %dma_wait3A_72 = arith.constant 0 : i32
          %dma_wait3A_73 = arith.constant 0 : i32
          %dma_wait3A_74 = tpu.memref_slice %arg11[%dma_wait3A_72, %dma_wait3A_73] : memref<10240x128xf32, #tpu.memory_space<vmem_shared>> -> memref<10240x128xf32, #tpu.memory_space<vmem_shared>>
          tpu.wait_indirect_dma semaphore(%run_scoped3A : memref<!tpu.dma_semaphore, #tpu.memory_space<semaphore_mem>>) src(%arg10 : memref<80x128xf32, #tpu.memory_space<vmem>>) dst(%dma_wait3A_74 : memref<10240x128xf32, #tpu.memory_space<vmem_shared>>)
          tpu.yield
        }) : () -> ()
      }
      %scan3A_60 = arith.constant 125 : i32
    } else {
    }
    %eq3A_37 = arith.constant 1 : i32
    %eq3A_38 = arith.cmpi eq, %arg0, %eq3A_37 : i32
    %convert_element_type3A_39 = arith.extui %eq3A_38 : i1 to i32
    %cond3A_40 = arith.constant 0 : i32
    %cond3A_41 = arith.cmpi ne, %convert_element_type3A_39, %cond3A_40 : i32
    scf.if %cond3A_41 {
      %mul3A_53 = arith.constant 10000 : i32
      %mul3A_54 = arith.muli %arg1, %mul3A_53 : i32
      %scan3A_55 = arith.constant 0 : i32
      %scan3A_56 = arith.constant 0 : i32
      %scan3A_57 = arith.constant 125 : i32
      %scan3A_58 = arith.addi %scan3A_56, %scan3A_57 : i32
      %scan3A_59 = arith.constant 1 : i32
      scf.for %scan3A_61 = %scan3A_56 to %scan3A_58 step %scan3A_59  : i32 {
        %mul3A_62 = arith.constant 80 : i32
        %mul3A_63 = arith.muli %scan3A_61, %mul3A_62 : i32
        %add3A_64 = arith.addi %mul3A_54, %mul3A_63 : i32
        "tpu.region"() ({
          %run_scoped3A = tpu.sem_alloc : memref<!tpu.dma_semaphore, #tpu.memory_space<semaphore_mem>>
          %dma_start3A_69 = tpu.memref_slice %arg4[%add3A_64] : memref<160000xi32, #tpu.memory_space<hbm>> -> memref<80xi32, #tpu.memory_space<hbm>>
          %dma_start3A_70 = tpu.memref_slice %arg4[%add3A_64] : memref<160000xi32, #tpu.memory_space<hbm>> -> memref<80xi32, #tpu.memory_space<hbm>>
          tpu.enqueue_dma source(%dma_start3A_70 : memref<80xi32, #tpu.memory_space<hbm>>) target(%arg8 : memref<80xi32, #tpu.memory_space<vmem>>) target_semaphore(%run_scoped3A : memref<!tpu.dma_semaphore, #tpu.memory_space<semaphore_mem>>)
          %dma_wait3A_71 = tpu.memref_slice %arg4[%add3A_64] : memref<160000xi32, #tpu.memory_space<hbm>> -> memref<80xi32, #tpu.memory_space<hbm>>
          %dma_wait3A_72 = tpu.memref_slice %arg4[%add3A_64] : memref<160000xi32, #tpu.memory_space<hbm>> -> memref<80xi32, #tpu.memory_space<hbm>>
          tpu.wait_dma2 semaphore(%run_scoped3A : memref<!tpu.dma_semaphore, #tpu.memory_space<semaphore_mem>>) src(%dma_wait3A_72 : memref<80xi32, #tpu.memory_space<hbm>>) dst(%arg8 : memref<80xi32, #tpu.memory_space<vmem>>)
          tpu.yield
        }) : () -> ()
        "tpu.region"() ({
          %run_scoped3A = tpu.sem_alloc : memref<!tpu.dma_semaphore, #tpu.memory_space<semaphore_mem>>
          %dma_start3A_69 = tpu.memref_slice %arg5[%add3A_64] : memref<160000xi32, #tpu.memory_space<hbm>> -> memref<80xi32, #tpu.memory_space<hbm>>
          %dma_start3A_70 = tpu.memref_slice %arg5[%add3A_64] : memref<160000xi32, #tpu.memory_space<hbm>> -> memref<80xi32, #tpu.memory_space<hbm>>
          tpu.enqueue_dma source(%dma_start3A_70 : memref<80xi32, #tpu.memory_space<hbm>>) target(%arg9 : memref<80xi32, #tpu.memory_space<vmem>>) target_semaphore(%run_scoped3A : memref<!tpu.dma_semaphore, #tpu.memory_space<semaphore_mem>>)
          %dma_wait3A_71 = tpu.memref_slice %arg5[%add3A_64] : memref<160000xi32, #tpu.memory_space<hbm>> -> memref<80xi32, #tpu.memory_space<hbm>>
          %dma_wait3A_72 = tpu.memref_slice %arg5[%add3A_64] : memref<160000xi32, #tpu.memory_space<hbm>> -> memref<80xi32, #tpu.memory_space<hbm>>
          tpu.wait_dma2 semaphore(%run_scoped3A : memref<!tpu.dma_semaphore, #tpu.memory_space<semaphore_mem>>) src(%dma_wait3A_72 : memref<80xi32, #tpu.memory_space<hbm>>) dst(%arg9 : memref<80xi32, #tpu.memory_space<vmem>>)
          tpu.yield
        }) : () -> ()
        %dma_start3A = arith.constant 0 : i32
        %dma_start3A_65 = arith.constant 0 : i32
        %dma_start3A_66 = tpu.memref_slice %arg3[%dma_start3A, %dma_start3A_65] : memref<10000x128xf32, #tpu.memory_space<hbm>> -> memref<10000x128xf32, #tpu.memory_space<hbm>>
        tpu.enqueue_indirect_dma source(%dma_start3A_66 : memref<10000x128xf32, #tpu.memory_space<hbm>>) target(%arg10 : memref<80x128xf32, #tpu.memory_space<vmem>>) offsets(%arg8 : memref<80xi32, #tpu.memory_space<vmem>>) semaphore(%arg12 : memref<!tpu.dma_semaphore, #tpu.memory_space<semaphore_mem>>)
        %dma_wait3A = arith.constant 0 : i32
        %dma_wait3A_67 = arith.constant 0 : i32
        %dma_wait3A_68 = tpu.memref_slice %arg3[%dma_wait3A, %dma_wait3A_67] : memref<10000x128xf32, #tpu.memory_space<hbm>> -> memref<10000x128xf32, #tpu.memory_space<hbm>>
        tpu.wait_indirect_dma semaphore(%arg12 : memref<!tpu.dma_semaphore, #tpu.memory_space<semaphore_mem>>) src(%dma_wait3A_68 : memref<10000x128xf32, #tpu.memory_space<hbm>>) dst(%arg10 : memref<80x128xf32, #tpu.memory_space<vmem>>)
        "tpu.region"() ({
          %run_scoped3A = tpu.sem_alloc : memref<!tpu.dma_semaphore, #tpu.memory_space<semaphore_mem>>
          %dma_start3A_69 = arith.constant 0 : i32
          %dma_start3A_70 = arith.constant 0 : i32
          %dma_start3A_71 = tpu.memref_slice %arg11[%dma_start3A_69, %dma_start3A_70] : memref<10240x128xf32, #tpu.memory_space<vmem_shared>> -> memref<10240x128xf32, #tpu.memory_space<vmem_shared>>
          tpu.enqueue_indirect_dma source(%arg10 : memref<80x128xf32, #tpu.memory_space<vmem>>) target(%dma_start3A_71 : memref<10240x128xf32, #tpu.memory_space<vmem_shared>>) offsets(%arg9 : memref<80xi32, #tpu.memory_space<vmem>>) semaphore(%run_scoped3A : memref<!tpu.dma_semaphore, #tpu.memory_space<semaphore_mem>>) {add = true}
          %dma_wait3A_72 = arith.constant 0 : i32
          %dma_wait3A_73 = arith.constant 0 : i32
          %dma_wait3A_74 = tpu.memref_slice %arg11[%dma_wait3A_72, %dma_wait3A_73] : memref<10240x128xf32, #tpu.memory_space<vmem_shared>> -> memref<10240x128xf32, #tpu.memory_space<vmem_shared>>
          tpu.wait_indirect_dma semaphore(%run_scoped3A : memref<!tpu.dma_semaphore, #tpu.memory_space<semaphore_mem>>) src(%arg10 : memref<80x128xf32, #tpu.memory_space<vmem>>) dst(%dma_wait3A_74 : memref<10240x128xf32, #tpu.memory_space<vmem_shared>>)
          tpu.yield
        }) : () -> ()
      }
      %scan3A_60 = arith.constant 125 : i32
    } else {
    }
    %barrier3A_42 = arith.constant 0 : index
    tpu.barrier barrier_id(%barrier3A_42)
    %eq3A_43 = arith.constant 0 : i32
    %eq3A_44 = arith.cmpi eq, %arg0, %eq3A_43 : i32
    %convert_element_type3A_45 = arith.extui %eq3A_44 : i1 to i32
    %cond3A_46 = arith.constant 0 : i32
    %cond3A_47 = arith.cmpi ne, %convert_element_type3A_45, %cond3A_46 : i32
    scf.if %cond3A_47 {
      %mul3A_53 = arith.constant 640 : i32
      %mul3A_54 = arith.muli %arg1, %mul3A_53 : i32
      %mul3A_55 = arith.constant 640 : i32
      %mul3A_56 = arith.muli %arg1, %mul3A_55 : i32
      "tpu.region"() ({
        %run_scoped3A = tpu.sem_alloc : memref<!tpu.dma_semaphore, #tpu.memory_space<semaphore_mem>>
        %dma_start3A = arith.constant 0 : i32
        %dma_start3A_57 = tpu.memref_slice %arg6[%mul3A_56, %dma_start3A] : memref<10240x128xf32, #tpu.memory_space<hbm>> -> memref<640x128xf32, #tpu.memory_space<hbm>>
        %dma_start3A_58 = arith.constant 0 : i32
        %dma_start3A_59 = tpu.memref_slice %arg11[%mul3A_54, %dma_start3A_58] : memref<10240x128xf32, #tpu.memory_space<vmem_shared>> -> memref<640x128xf32, #tpu.memory_space<vmem_shared>>
        tpu.enqueue_dma source(%dma_start3A_59 : memref<640x128xf32, #tpu.memory_space<vmem_shared>>) target(%dma_start3A_57 : memref<640x128xf32, #tpu.memory_space<hbm>>) target_semaphore(%run_scoped3A : memref<!tpu.dma_semaphore, #tpu.memory_space<semaphore_mem>>)
        %dma_wait3A = arith.constant 0 : i32
        %dma_wait3A_60 = tpu.memref_slice %arg6[%mul3A_56, %dma_wait3A] : memref<10240x128xf32, #tpu.memory_space<hbm>> -> memref<640x128xf32, #tpu.memory_space<hbm>>
        %dma_wait3A_61 = arith.constant 0 : i32
        %dma_wait3A_62 = tpu.memref_slice %arg11[%mul3A_54, %dma_wait3A_61] : memref<10240x128xf32, #tpu.memory_space<vmem_shared>> -> memref<640x128xf32, #tpu.memory_space<vmem_shared>>
        tpu.wait_dma2 semaphore(%run_scoped3A : memref<!tpu.dma_semaphore, #tpu.memory_space<semaphore_mem>>) src(%dma_wait3A_62 : memref<640x128xf32, #tpu.memory_space<vmem_shared>>) dst(%dma_wait3A_60 : memref<640x128xf32, #tpu.memory_space<hbm>>)
        tpu.yield
      }) : () -> ()
    } else {
    }
    %eq3A_48 = arith.constant 1 : i32
    %eq3A_49 = arith.cmpi eq, %arg0, %eq3A_48 : i32
    %convert_element_type3A_50 = arith.extui %eq3A_49 : i1 to i32
    %cond3A_51 = arith.constant 0 : i32
    %cond3A_52 = arith.cmpi ne, %convert_element_type3A_50, %cond3A_51 : i32
    scf.if %cond3A_52 {
      %mul3A_53 = arith.constant 640 : i32
      %mul3A_54 = arith.muli %arg1, %mul3A_53 : i32
      %mul3A_55 = arith.constant 640 : i32
      %mul3A_56 = arith.muli %arg1, %mul3A_55 : i32
      "tpu.region"() ({
        %run_scoped3A = tpu.sem_alloc : memref<!tpu.dma_semaphore, #tpu.memory_space<semaphore_mem>>
        %dma_start3A = arith.constant 0 : i32
        %dma_start3A_57 = tpu.memref_slice %arg7[%mul3A_56, %dma_start3A] : memref<10240x128xf32, #tpu.memory_space<hbm>> -> memref<640x128xf32, #tpu.memory_space<hbm>>
        %dma_start3A_58 = arith.constant 0 : i32
        %dma_start3A_59 = tpu.memref_slice %arg11[%mul3A_54, %dma_start3A_58] : memref<10240x128xf32, #tpu.memory_space<vmem_shared>> -> memref<640x128xf32, #tpu.memory_space<vmem_shared>>
        tpu.enqueue_dma source(%dma_start3A_59 : memref<640x128xf32, #tpu.memory_space<vmem_shared>>) target(%dma_start3A_57 : memref<640x128xf32, #tpu.memory_space<hbm>>) target_semaphore(%run_scoped3A : memref<!tpu.dma_semaphore, #tpu.memory_space<semaphore_mem>>)
        %dma_wait3A = arith.constant 0 : i32
        %dma_wait3A_60 = tpu.memref_slice %arg7[%mul3A_56, %dma_wait3A] : memref<10240x128xf32, #tpu.memory_space<hbm>> -> memref<640x128xf32, #tpu.memory_space<hbm>>
        %dma_wait3A_61 = arith.constant 0 : i32
        %dma_wait3A_62 = tpu.memref_slice %arg11[%mul3A_54, %dma_wait3A_61] : memref<10240x128xf32, #tpu.memory_space<vmem_shared>> -> memref<640x128xf32, #tpu.memory_space<vmem_shared>>
        tpu.wait_dma2 semaphore(%run_scoped3A : memref<!tpu.dma_semaphore, #tpu.memory_space<semaphore_mem>>) src(%dma_wait3A_62 : memref<640x128xf32, #tpu.memory_space<vmem_shared>>) dst(%dma_wait3A_60 : memref<640x128xf32, #tpu.memory_space<hbm>>)
        tpu.yield
      }) : () -> ()
    } else {
    }
    return
  }
}

#map = affine_map<(d0, d1) -> (0, 0)>
#map1 = affine_map<(d0, d1) -> (0)>
module attributes {stable_mosaic.version = 14 : i64} {
  func.func @edge_kernel(%arg0: i32, %arg1: i32, %arg2: memref<10000x128xf32, #tpu.memory_space<hbm>>, %arg3: memref<10000x128xf32, #tpu.memory_space<hbm>>, %arg4: memref<160000xi32, #tpu.memory_space<hbm>>, %arg5: memref<160000xi32, #tpu.memory_space<hbm>>, %arg6: memref<10240x128xf32, #tpu.memory_space<hbm>>, %arg7: memref<10240x128xf32, #tpu.memory_space<hbm>>, %arg8: memref<80xi32, #tpu.memory_space<vmem>>, %arg9: memref<80xi32, #tpu.memory_space<vmem>>, %arg10: memref<80x128xf32, #tpu.memory_space<vmem>>, %arg11: memref<10240x128xf32, #tpu.memory_space<vmem_shared>>, %arg12: memref<!tpu.dma_semaphore, #tpu.memory_space<semaphore_mem>>) attributes {dimension_semantics = [#tpu.dimension_semantics<core_parallel>, #tpu.dimension_semantics<subcore_parallel>], iteration_bounds = array<i64: 2, 16>, scalar_prefetch = 0 : i64, scratch_operands = 5 : i64, tpu.core_type = #tpu.core_type<sc_vector_subcore>, window_params = [{transform_indices = #map}, {transform_indices = #map}, {transform_indices = #map1}, {transform_indices = #map1}, {transform_indices = #map}, {transform_indices = #map}]} {
    %scan3A = arith.constant 0 : i32
    %scan3A_0 = arith.constant 0 : i32
    %scan3A_1 = arith.constant 80 : i32
    %scan3A_2 = arith.addi %scan3A_0, %scan3A_1 : i32
    %scan3A_3 = arith.constant 1 : i32
    scf.for %scan3A_53 = %scan3A_0 to %scan3A_2 step %scan3A_3  : i32 {
      %broadcast_in_dim3A = arith.constant 0.000000e+00 : f32
      %broadcast_in_dim3A_54 = vector.broadcast %broadcast_in_dim3A : f32 to vector<16xf32>
      %swap3A = arith.index_cast %scan3A_53 : i32 to index
      %swap3A_55 = arith.constant 0 : index
      %swap3A_56 = tpu.vector_load %arg10[%swap3A, %swap3A_55] {strides = array<i32>} : memref<80x128xf32, #tpu.memory_space<vmem>>, vector<1x16xf32>,
      %swap3A_57 = vector.shape_cast %swap3A_56 : vector<1x16xf32> to vector<16xf32>
      %swap3A_58 = vector.shape_cast %broadcast_in_dim3A_54 : vector<16xf32> to vector<1x16xf32>
      tpu.vector_store %arg10[%swap3A, %swap3A_55], %swap3A_58 {strides = array<i32>} : memref<80x128xf32, #tpu.memory_space<vmem>>, vector<1x16xf32>,
      %broadcast_in_dim3A_59 = arith.constant 0.000000e+00 : f32
      %broadcast_in_dim3A_60 = vector.broadcast %broadcast_in_dim3A_59 : f32 to vector<16xf32>
      %swap3A_61 = arith.index_cast %scan3A_53 : i32 to index
      %swap3A_62 = arith.constant 16 : index
      %swap3A_63 = tpu.vector_load %arg10[%swap3A_61, %swap3A_62] {strides = array<i32>} : memref<80x128xf32, #tpu.memory_space<vmem>>, vector<1x16xf32>,
      %swap3A_64 = vector.shape_cast %swap3A_63 : vector<1x16xf32> to vector<16xf32>
      %swap3A_65 = vector.shape_cast %broadcast_in_dim3A_60 : vector<16xf32> to vector<1x16xf32>
      tpu.vector_store %arg10[%swap3A_61, %swap3A_62], %swap3A_65 {strides = array<i32>} : memref<80x128xf32, #tpu.memory_space<vmem>>, vector<1x16xf32>,
      %broadcast_in_dim3A_66 = arith.constant 0.000000e+00 : f32
      %broadcast_in_dim3A_67 = vector.broadcast %broadcast_in_dim3A_66 : f32 to vector<16xf32>
      %swap3A_68 = arith.index_cast %scan3A_53 : i32 to index
      %swap3A_69 = arith.constant 32 : index
      %swap3A_70 = tpu.vector_load %arg10[%swap3A_68, %swap3A_69] {strides = array<i32>} : memref<80x128xf32, #tpu.memory_space<vmem>>, vector<1x16xf32>,
      %swap3A_71 = vector.shape_cast %swap3A_70 : vector<1x16xf32> to vector<16xf32>
      %swap3A_72 = vector.shape_cast %broadcast_in_dim3A_67 : vector<16xf32> to vector<1x16xf32>
      tpu.vector_store %arg10[%swap3A_68, %swap3A_69], %swap3A_72 {strides = array<i32>} : memref<80x128xf32, #tpu.memory_space<vmem>>, vector<1x16xf32>,
      %broadcast_in_dim3A_73 = arith.constant 0.000000e+00 : f32
      %broadcast_in_dim3A_74 = vector.broadcast %broadcast_in_dim3A_73 : f32 to vector<16xf32>
      %swap3A_75 = arith.index_cast %scan3A_53 : i32 to index
      %swap3A_76 = arith.constant 48 : index
      %swap3A_77 = tpu.vector_load %arg10[%swap3A_75, %swap3A_76] {strides = array<i32>} : memref<80x128xf32, #tpu.memory_space<vmem>>, vector<1x16xf32>,
      %swap3A_78 = vector.shape_cast %swap3A_77 : vector<1x16xf32> to vector<16xf32>
      %swap3A_79 = vector.shape_cast %broadcast_in_dim3A_74 : vector<16xf32> to vector<1x16xf32>
      tpu.vector_store %arg10[%swap3A_75, %swap3A_76], %swap3A_79 {strides = array<i32>} : memref<80x128xf32, #tpu.memory_space<vmem>>, vector<1x16xf32>,
      %broadcast_in_dim3A_80 = arith.constant 0.000000e+00 : f32
      %broadcast_in_dim3A_81 = vector.broadcast %broadcast_in_dim3A_80 : f32 to vector<16xf32>
      %swap3A_82 = arith.index_cast %scan3A_53 : i32 to index
      %swap3A_83 = arith.constant 64 : index
      %swap3A_84 = tpu.vector_load %arg10[%swap3A_82, %swap3A_83] {strides = array<i32>} : memref<80x128xf32, #tpu.memory_space<vmem>>, vector<1x16xf32>,
      %swap3A_85 = vector.shape_cast %swap3A_84 : vector<1x16xf32> to vector<16xf32>
      %swap3A_86 = vector.shape_cast %broadcast_in_dim3A_81 : vector<16xf32> to vector<1x16xf32>
      tpu.vector_store %arg10[%swap3A_82, %swap3A_83], %swap3A_86 {strides = array<i32>} : memref<80x128xf32, #tpu.memory_space<vmem>>, vector<1x16xf32>,
      %broadcast_in_dim3A_87 = arith.constant 0.000000e+00 : f32
      %broadcast_in_dim3A_88 = vector.broadcast %broadcast_in_dim3A_87 : f32 to vector<16xf32>
      %swap3A_89 = arith.index_cast %scan3A_53 : i32 to index
      %swap3A_90 = arith.constant 80 : index
      %swap3A_91 = tpu.vector_load %arg10[%swap3A_89, %swap3A_90] {strides = array<i32>} : memref<80x128xf32, #tpu.memory_space<vmem>>, vector<1x16xf32>,
      %swap3A_92 = vector.shape_cast %swap3A_91 : vector<1x16xf32> to vector<16xf32>
      %swap3A_93 = vector.shape_cast %broadcast_in_dim3A_88 : vector<16xf32> to vector<1x16xf32>
      tpu.vector_store %arg10[%swap3A_89, %swap3A_90], %swap3A_93 {strides = array<i32>} : memref<80x128xf32, #tpu.memory_space<vmem>>, vector<1x16xf32>,
      %broadcast_in_dim3A_94 = arith.constant 0.000000e+00 : f32
      %broadcast_in_dim3A_95 = vector.broadcast %broadcast_in_dim3A_94 : f32 to vector<16xf32>
      %swap3A_96 = arith.index_cast %scan3A_53 : i32 to index
      %swap3A_97 = arith.constant 96 : index
      %swap3A_98 = tpu.vector_load %arg10[%swap3A_96, %swap3A_97] {strides = array<i32>} : memref<80x128xf32, #tpu.memory_space<vmem>>, vector<1x16xf32>,
      %swap3A_99 = vector.shape_cast %swap3A_98 : vector<1x16xf32> to vector<16xf32>
      %swap3A_100 = vector.shape_cast %broadcast_in_dim3A_95 : vector<16xf32> to vector<1x16xf32>
      tpu.vector_store %arg10[%swap3A_96, %swap3A_97], %swap3A_100 {strides = array<i32>} : memref<80x128xf32, #tpu.memory_space<vmem>>, vector<1x16xf32>,
      %broadcast_in_dim3A_101 = arith.constant 0.000000e+00 : f32
      %broadcast_in_dim3A_102 = vector.broadcast %broadcast_in_dim3A_101 : f32 to vector<16xf32>
      %swap3A_103 = arith.index_cast %scan3A_53 : i32 to index
      %swap3A_104 = arith.constant 112 : index
      %swap3A_105 = tpu.vector_load %arg10[%swap3A_103, %swap3A_104] {strides = array<i32>} : memref<80x128xf32, #tpu.memory_space<vmem>>, vector<1x16xf32>,
      %swap3A_106 = vector.shape_cast %swap3A_105 : vector<1x16xf32> to vector<16xf32>
      %swap3A_107 = vector.shape_cast %broadcast_in_dim3A_102 : vector<16xf32> to vector<1x16xf32>
      tpu.vector_store %arg10[%swap3A_103, %swap3A_104], %swap3A_107 {strides = array<i32>} : memref<80x128xf32, #tpu.memory_space<vmem>>, vector<1x16xf32>,
    }
    %scan3A_4 = arith.constant 80 : i32
    %mul3A = arith.constant 640 : i32
    %mul3A_5 = arith.muli %arg1, %mul3A : i32
    %add3A = arith.constant 0 : i32
    %add3A_6 = arith.addi %mul3A_5, %add3A : i32
    "tpu.region"() ({
      %run_scoped3A = tpu.sem_alloc : memref<!tpu.dma_semaphore, #tpu.memory_space<semaphore_mem>>
      %dma_start3A = arith.constant 0 : i32
      %dma_start3A_53 = tpu.memref_slice %arg11[%add3A_6, %dma_start3A] : memref<10240x128xf32, #tpu.memory_space<vmem_shared>> -> memref<80x128xf32, #tpu.memory_space<vmem_shared>>
      %dma_start3A_54 = arith.constant 0 : i32
      %dma_start3A_55 = tpu.memref_slice %arg11[%add3A_6, %dma_start3A_54] : memref<10240x128xf32, #tpu.memory_space<vmem_shared>> -> memref<80x128xf32, #tpu.memory_space<vmem_shared>>
      tpu.enqueue_dma source(%arg10 : memref<80x128xf32, #tpu.memory_space<vmem>>) target(%dma_start3A_55 : memref<80x128xf32, #tpu.memory_space<vmem_shared>>) target_semaphore(%run_scoped3A : memref<!tpu.dma_semaphore, #tpu.memory_space<semaphore_mem>>)
      %dma_wait3A = arith.constant 0 : i32
      %dma_wait3A_56 = tpu.memref_slice %arg11[%add3A_6, %dma_wait3A] : memref<10240x128xf32, #tpu.memory_space<vmem_shared>> -> memref<80x128xf32, #tpu.memory_space<vmem_shared>>
      %dma_wait3A_57 = arith.constant 0 : i32
      %dma_wait3A_58 = tpu.memref_slice %arg11[%add3A_6, %dma_wait3A_57] : memref<10240x128xf32, #tpu.memory_space<vmem_shared>> -> memref<80x128xf32, #tpu.memory_space<vmem_shared>>
      tpu.wait_dma2 semaphore(%run_scoped3A : memref<!tpu.dma_semaphore, #tpu.memory_space<semaphore_mem>>) src(%arg10 : memref<80x128xf32, #tpu.memory_space<vmem>>) dst(%dma_wait3A_58 : memref<80x128xf32, #tpu.memory_space<vmem_shared>>)
      tpu.yield
    }) : () -> ()
    %mul3A_7 = arith.constant 640 : i32
    %mul3A_8 = arith.muli %arg1, %mul3A_7 : i32
    %add3A_9 = arith.constant 80 : i32
    %add3A_10 = arith.addi %mul3A_8, %add3A_9 : i32
    "tpu.region"() ({
      %run_scoped3A = tpu.sem_alloc : memref<!tpu.dma_semaphore, #tpu.memory_space<semaphore_mem>>
      %dma_start3A = arith.constant 0 : i32
      %dma_start3A_53 = tpu.memref_slice %arg11[%add3A_10, %dma_start3A] : memref<10240x128xf32, #tpu.memory_space<vmem_shared>> -> memref<80x128xf32, #tpu.memory_space<vmem_shared>>
      %dma_start3A_54 = arith.constant 0 : i32
      %dma_start3A_55 = tpu.memref_slice %arg11[%add3A_10, %dma_start3A_54] : memref<10240x128xf32, #tpu.memory_space<vmem_shared>> -> memref<80x128xf32, #tpu.memory_space<vmem_shared>>
      tpu.enqueue_dma source(%arg10 : memref<80x128xf32, #tpu.memory_space<vmem>>) target(%dma_start3A_55 : memref<80x128xf32, #tpu.memory_space<vmem_shared>>) target_semaphore(%run_scoped3A : memref<!tpu.dma_semaphore, #tpu.memory_space<semaphore_mem>>)
      %dma_wait3A = arith.constant 0 : i32
      %dma_wait3A_56 = tpu.memref_slice %arg11[%add3A_10, %dma_wait3A] : memref<10240x128xf32, #tpu.memory_space<vmem_shared>> -> memref<80x128xf32, #tpu.memory_space<vmem_shared>>
      %dma_wait3A_57 = arith.constant 0 : i32
      %dma_wait3A_58 = tpu.memref_slice %arg11[%add3A_10, %dma_wait3A_57] : memref<10240x128xf32, #tpu.memory_space<vmem_shared>> -> memref<80x128xf32, #tpu.memory_space<vmem_shared>>
      tpu.wait_dma2 semaphore(%run_scoped3A : memref<!tpu.dma_semaphore, #tpu.memory_space<semaphore_mem>>) src(%arg10 : memref<80x128xf32, #tpu.memory_space<vmem>>) dst(%dma_wait3A_58 : memref<80x128xf32, #tpu.memory_space<vmem_shared>>)
      tpu.yield
    }) : () -> ()
    %mul3A_11 = arith.constant 640 : i32
    %mul3A_12 = arith.muli %arg1, %mul3A_11 : i32
    %add3A_13 = arith.constant 160 : i32
    %add3A_14 = arith.addi %mul3A_12, %add3A_13 : i32
    "tpu.region"() ({
      %run_scoped3A = tpu.sem_alloc : memref<!tpu.dma_semaphore, #tpu.memory_space<semaphore_mem>>
      %dma_start3A = arith.constant 0 : i32
      %dma_start3A_53 = tpu.memref_slice %arg11[%add3A_14, %dma_start3A] : memref<10240x128xf32, #tpu.memory_space<vmem_shared>> -> memref<80x128xf32, #tpu.memory_space<vmem_shared>>
      %dma_start3A_54 = arith.constant 0 : i32
      %dma_start3A_55 = tpu.memref_slice %arg11[%add3A_14, %dma_start3A_54] : memref<10240x128xf32, #tpu.memory_space<vmem_shared>> -> memref<80x128xf32, #tpu.memory_space<vmem_shared>>
      tpu.enqueue_dma source(%arg10 : memref<80x128xf32, #tpu.memory_space<vmem>>) target(%dma_start3A_55 : memref<80x128xf32, #tpu.memory_space<vmem_shared>>) target_semaphore(%run_scoped3A : memref<!tpu.dma_semaphore, #tpu.memory_space<semaphore_mem>>)
      %dma_wait3A = arith.constant 0 : i32
      %dma_wait3A_56 = tpu.memref_slice %arg11[%add3A_14, %dma_wait3A] : memref<10240x128xf32, #tpu.memory_space<vmem_shared>> -> memref<80x128xf32, #tpu.memory_space<vmem_shared>>
      %dma_wait3A_57 = arith.constant 0 : i32
      %dma_wait3A_58 = tpu.memref_slice %arg11[%add3A_14, %dma_wait3A_57] : memref<10240x128xf32, #tpu.memory_space<vmem_shared>> -> memref<80x128xf32, #tpu.memory_space<vmem_shared>>
      tpu.wait_dma2 semaphore(%run_scoped3A : memref<!tpu.dma_semaphore, #tpu.memory_space<semaphore_mem>>) src(%arg10 : memref<80x128xf32, #tpu.memory_space<vmem>>) dst(%dma_wait3A_58 : memref<80x128xf32, #tpu.memory_space<vmem_shared>>)
      tpu.yield
    }) : () -> ()
    %mul3A_15 = arith.constant 640 : i32
    %mul3A_16 = arith.muli %arg1, %mul3A_15 : i32
    %add3A_17 = arith.constant 240 : i32
    %add3A_18 = arith.addi %mul3A_16, %add3A_17 : i32
    "tpu.region"() ({
      %run_scoped3A = tpu.sem_alloc : memref<!tpu.dma_semaphore, #tpu.memory_space<semaphore_mem>>
      %dma_start3A = arith.constant 0 : i32
      %dma_start3A_53 = tpu.memref_slice %arg11[%add3A_18, %dma_start3A] : memref<10240x128xf32, #tpu.memory_space<vmem_shared>> -> memref<80x128xf32, #tpu.memory_space<vmem_shared>>
      %dma_start3A_54 = arith.constant 0 : i32
      %dma_start3A_55 = tpu.memref_slice %arg11[%add3A_18, %dma_start3A_54] : memref<10240x128xf32, #tpu.memory_space<vmem_shared>> -> memref<80x128xf32, #tpu.memory_space<vmem_shared>>
      tpu.enqueue_dma source(%arg10 : memref<80x128xf32, #tpu.memory_space<vmem>>) target(%dma_start3A_55 : memref<80x128xf32, #tpu.memory_space<vmem_shared>>) target_semaphore(%run_scoped3A : memref<!tpu.dma_semaphore, #tpu.memory_space<semaphore_mem>>)
      %dma_wait3A = arith.constant 0 : i32
      %dma_wait3A_56 = tpu.memref_slice %arg11[%add3A_18, %dma_wait3A] : memref<10240x128xf32, #tpu.memory_space<vmem_shared>> -> memref<80x128xf32, #tpu.memory_space<vmem_shared>>
      %dma_wait3A_57 = arith.constant 0 : i32
      %dma_wait3A_58 = tpu.memref_slice %arg11[%add3A_18, %dma_wait3A_57] : memref<10240x128xf32, #tpu.memory_space<vmem_shared>> -> memref<80x128xf32, #tpu.memory_space<vmem_shared>>
      tpu.wait_dma2 semaphore(%run_scoped3A : memref<!tpu.dma_semaphore, #tpu.memory_space<semaphore_mem>>) src(%arg10 : memref<80x128xf32, #tpu.memory_space<vmem>>) dst(%dma_wait3A_58 : memref<80x128xf32, #tpu.memory_space<vmem_shared>>)
      tpu.yield
    }) : () -> ()
    %mul3A_19 = arith.constant 640 : i32
    %mul3A_20 = arith.muli %arg1, %mul3A_19 : i32
    %add3A_21 = arith.constant 320 : i32
    %add3A_22 = arith.addi %mul3A_20, %add3A_21 : i32
    "tpu.region"() ({
      %run_scoped3A = tpu.sem_alloc : memref<!tpu.dma_semaphore, #tpu.memory_space<semaphore_mem>>
      %dma_start3A = arith.constant 0 : i32
      %dma_start3A_53 = tpu.memref_slice %arg11[%add3A_22, %dma_start3A] : memref<10240x128xf32, #tpu.memory_space<vmem_shared>> -> memref<80x128xf32, #tpu.memory_space<vmem_shared>>
      %dma_start3A_54 = arith.constant 0 : i32
      %dma_start3A_55 = tpu.memref_slice %arg11[%add3A_22, %dma_start3A_54] : memref<10240x128xf32, #tpu.memory_space<vmem_shared>> -> memref<80x128xf32, #tpu.memory_space<vmem_shared>>
      tpu.enqueue_dma source(%arg10 : memref<80x128xf32, #tpu.memory_space<vmem>>) target(%dma_start3A_55 : memref<80x128xf32, #tpu.memory_space<vmem_shared>>) target_semaphore(%run_scoped3A : memref<!tpu.dma_semaphore, #tpu.memory_space<semaphore_mem>>)
      %dma_wait3A = arith.constant 0 : i32
      %dma_wait3A_56 = tpu.memref_slice %arg11[%add3A_22, %dma_wait3A] : memref<10240x128xf32, #tpu.memory_space<vmem_shared>> -> memref<80x128xf32, #tpu.memory_space<vmem_shared>>
      %dma_wait3A_57 = arith.constant 0 : i32
      %dma_wait3A_58 = tpu.memref_slice %arg11[%add3A_22, %dma_wait3A_57] : memref<10240x128xf32, #tpu.memory_space<vmem_shared>> -> memref<80x128xf32, #tpu.memory_space<vmem_shared>>
      tpu.wait_dma2 semaphore(%run_scoped3A : memref<!tpu.dma_semaphore, #tpu.memory_space<semaphore_mem>>) src(%arg10 : memref<80x128xf32, #tpu.memory_space<vmem>>) dst(%dma_wait3A_58 : memref<80x128xf32, #tpu.memory_space<vmem_shared>>)
      tpu.yield
    }) : () -> ()
    %mul3A_23 = arith.constant 640 : i32
    %mul3A_24 = arith.muli %arg1, %mul3A_23 : i32
    %add3A_25 = arith.constant 400 : i32
    %add3A_26 = arith.addi %mul3A_24, %add3A_25 : i32
    "tpu.region"() ({
      %run_scoped3A = tpu.sem_alloc : memref<!tpu.dma_semaphore, #tpu.memory_space<semaphore_mem>>
      %dma_start3A = arith.constant 0 : i32
      %dma_start3A_53 = tpu.memref_slice %arg11[%add3A_26, %dma_start3A] : memref<10240x128xf32, #tpu.memory_space<vmem_shared>> -> memref<80x128xf32, #tpu.memory_space<vmem_shared>>
      %dma_start3A_54 = arith.constant 0 : i32
      %dma_start3A_55 = tpu.memref_slice %arg11[%add3A_26, %dma_start3A_54] : memref<10240x128xf32, #tpu.memory_space<vmem_shared>> -> memref<80x128xf32, #tpu.memory_space<vmem_shared>>
      tpu.enqueue_dma source(%arg10 : memref<80x128xf32, #tpu.memory_space<vmem>>) target(%dma_start3A_55 : memref<80x128xf32, #tpu.memory_space<vmem_shared>>) target_semaphore(%run_scoped3A : memref<!tpu.dma_semaphore, #tpu.memory_space<semaphore_mem>>)
      %dma_wait3A = arith.constant 0 : i32
      %dma_wait3A_56 = tpu.memref_slice %arg11[%add3A_26, %dma_wait3A] : memref<10240x128xf32, #tpu.memory_space<vmem_shared>> -> memref<80x128xf32, #tpu.memory_space<vmem_shared>>
      %dma_wait3A_57 = arith.constant 0 : i32
      %dma_wait3A_58 = tpu.memref_slice %arg11[%add3A_26, %dma_wait3A_57] : memref<10240x128xf32, #tpu.memory_space<vmem_shared>> -> memref<80x128xf32, #tpu.memory_space<vmem_shared>>
      tpu.wait_dma2 semaphore(%run_scoped3A : memref<!tpu.dma_semaphore, #tpu.memory_space<semaphore_mem>>) src(%arg10 : memref<80x128xf32, #tpu.memory_space<vmem>>) dst(%dma_wait3A_58 : memref<80x128xf32, #tpu.memory_space<vmem_shared>>)
      tpu.yield
    }) : () -> ()
    %mul3A_27 = arith.constant 640 : i32
    %mul3A_28 = arith.muli %arg1, %mul3A_27 : i32
    %add3A_29 = arith.constant 480 : i32
    %add3A_30 = arith.addi %mul3A_28, %add3A_29 : i32
    "tpu.region"() ({
      %run_scoped3A = tpu.sem_alloc : memref<!tpu.dma_semaphore, #tpu.memory_space<semaphore_mem>>
      %dma_start3A = arith.constant 0 : i32
      %dma_start3A_53 = tpu.memref_slice %arg11[%add3A_30, %dma_start3A] : memref<10240x128xf32, #tpu.memory_space<vmem_shared>> -> memref<80x128xf32, #tpu.memory_space<vmem_shared>>
      %dma_start3A_54 = arith.constant 0 : i32
      %dma_start3A_55 = tpu.memref_slice %arg11[%add3A_30, %dma_start3A_54] : memref<10240x128xf32, #tpu.memory_space<vmem_shared>> -> memref<80x128xf32, #tpu.memory_space<vmem_shared>>
      tpu.enqueue_dma source(%arg10 : memref<80x128xf32, #tpu.memory_space<vmem>>) target(%dma_start3A_55 : memref<80x128xf32, #tpu.memory_space<vmem_shared>>) target_semaphore(%run_scoped3A : memref<!tpu.dma_semaphore, #tpu.memory_space<semaphore_mem>>)
      %dma_wait3A = arith.constant 0 : i32
      %dma_wait3A_56 = tpu.memref_slice %arg11[%add3A_30, %dma_wait3A] : memref<10240x128xf32, #tpu.memory_space<vmem_shared>> -> memref<80x128xf32, #tpu.memory_space<vmem_shared>>
      %dma_wait3A_57 = arith.constant 0 : i32
      %dma_wait3A_58 = tpu.memref_slice %arg11[%add3A_30, %dma_wait3A_57] : memref<10240x128xf32, #tpu.memory_space<vmem_shared>> -> memref<80x128xf32, #tpu.memory_space<vmem_shared>>
      tpu.wait_dma2 semaphore(%run_scoped3A : memref<!tpu.dma_semaphore, #tpu.memory_space<semaphore_mem>>) src(%arg10 : memref<80x128xf32, #tpu.memory_space<vmem>>) dst(%dma_wait3A_58 : memref<80x128xf32, #tpu.memory_space<vmem_shared>>)
      tpu.yield
    }) : () -> ()
    %mul3A_31 = arith.constant 640 : i32
    %mul3A_32 = arith.muli %arg1, %mul3A_31 : i32
    %add3A_33 = arith.constant 560 : i32
    %add3A_34 = arith.addi %mul3A_32, %add3A_33 : i32
    "tpu.region"() ({
      %run_scoped3A = tpu.sem_alloc : memref<!tpu.dma_semaphore, #tpu.memory_space<semaphore_mem>>
      %dma_start3A = arith.constant 0 : i32
      %dma_start3A_53 = tpu.memref_slice %arg11[%add3A_34, %dma_start3A] : memref<10240x128xf32, #tpu.memory_space<vmem_shared>> -> memref<80x128xf32, #tpu.memory_space<vmem_shared>>
      %dma_start3A_54 = arith.constant 0 : i32
      %dma_start3A_55 = tpu.memref_slice %arg11[%add3A_34, %dma_start3A_54] : memref<10240x128xf32, #tpu.memory_space<vmem_shared>> -> memref<80x128xf32, #tpu.memory_space<vmem_shared>>
      tpu.enqueue_dma source(%arg10 : memref<80x128xf32, #tpu.memory_space<vmem>>) target(%dma_start3A_55 : memref<80x128xf32, #tpu.memory_space<vmem_shared>>) target_semaphore(%run_scoped3A : memref<!tpu.dma_semaphore, #tpu.memory_space<semaphore_mem>>)
      %dma_wait3A = arith.constant 0 : i32
      %dma_wait3A_56 = tpu.memref_slice %arg11[%add3A_34, %dma_wait3A] : memref<10240x128xf32, #tpu.memory_space<vmem_shared>> -> memref<80x128xf32, #tpu.memory_space<vmem_shared>>
      %dma_wait3A_57 = arith.constant 0 : i32
      %dma_wait3A_58 = tpu.memref_slice %arg11[%add3A_34, %dma_wait3A_57] : memref<10240x128xf32, #tpu.memory_space<vmem_shared>> -> memref<80x128xf32, #tpu.memory_space<vmem_shared>>
      tpu.wait_dma2 semaphore(%run_scoped3A : memref<!tpu.dma_semaphore, #tpu.memory_space<semaphore_mem>>) src(%arg10 : memref<80x128xf32, #tpu.memory_space<vmem>>) dst(%dma_wait3A_58 : memref<80x128xf32, #tpu.memory_space<vmem_shared>>)
      tpu.yield
    }) : () -> ()
    %barrier3A = arith.constant 0 : index
    tpu.barrier barrier_id(%barrier3A)
    %eq3A = arith.constant 0 : i32
    %eq3A_35 = arith.cmpi eq, %arg0, %eq3A : i32
    %convert_element_type3A = arith.extui %eq3A_35 : i1 to i32
    %cond3A = arith.constant 0 : i32
    %cond3A_36 = arith.cmpi ne, %convert_element_type3A, %cond3A : i32
    scf.if %cond3A_36 {
      %mul3A_53 = arith.constant 10000 : i32
      %mul3A_54 = arith.muli %arg1, %mul3A_53 : i32
      %scan3A_55 = arith.constant 0 : i32
      %scan3A_56 = arith.constant 0 : i32
      %scan3A_57 = arith.constant 125 : i32
      %scan3A_58 = arith.addi %scan3A_56, %scan3A_57 : i32
      %scan3A_59 = arith.constant 1 : i32
      scf.for %scan3A_61 = %scan3A_56 to %scan3A_58 step %scan3A_59  : i32 {
        %mul3A_62 = arith.constant 80 : i32
        %mul3A_63 = arith.muli %scan3A_61, %mul3A_62 : i32
        %add3A_64 = arith.addi %mul3A_54, %mul3A_63 : i32
        "tpu.region"() ({
          %run_scoped3A = tpu.sem_alloc : memref<!tpu.dma_semaphore, #tpu.memory_space<semaphore_mem>>
          %dma_start3A_69 = tpu.memref_slice %arg4[%add3A_64] : memref<160000xi32, #tpu.memory_space<hbm>> -> memref<80xi32, #tpu.memory_space<hbm>>
          %dma_start3A_70 = tpu.memref_slice %arg4[%add3A_64] : memref<160000xi32, #tpu.memory_space<hbm>> -> memref<80xi32, #tpu.memory_space<hbm>>
          tpu.enqueue_dma source(%dma_start3A_70 : memref<80xi32, #tpu.memory_space<hbm>>) target(%arg8 : memref<80xi32, #tpu.memory_space<vmem>>) target_semaphore(%run_scoped3A : memref<!tpu.dma_semaphore, #tpu.memory_space<semaphore_mem>>)
          %dma_wait3A_71 = tpu.memref_slice %arg4[%add3A_64] : memref<160000xi32, #tpu.memory_space<hbm>> -> memref<80xi32, #tpu.memory_space<hbm>>
          %dma_wait3A_72 = tpu.memref_slice %arg4[%add3A_64] : memref<160000xi32, #tpu.memory_space<hbm>> -> memref<80xi32, #tpu.memory_space<hbm>>
          tpu.wait_dma2 semaphore(%run_scoped3A : memref<!tpu.dma_semaphore, #tpu.memory_space<semaphore_mem>>) src(%dma_wait3A_72 : memref<80xi32, #tpu.memory_space<hbm>>) dst(%arg8 : memref<80xi32, #tpu.memory_space<vmem>>)
          tpu.yield
        }) : () -> ()
        "tpu.region"() ({
          %run_scoped3A = tpu.sem_alloc : memref<!tpu.dma_semaphore, #tpu.memory_space<semaphore_mem>>
          %dma_start3A_69 = tpu.memref_slice %arg5[%add3A_64] : memref<160000xi32, #tpu.memory_space<hbm>> -> memref<80xi32, #tpu.memory_space<hbm>>
          %dma_start3A_70 = tpu.memref_slice %arg5[%add3A_64] : memref<160000xi32, #tpu.memory_space<hbm>> -> memref<80xi32, #tpu.memory_space<hbm>>
          tpu.enqueue_dma source(%dma_start3A_70 : memref<80xi32, #tpu.memory_space<hbm>>) target(%arg9 : memref<80xi32, #tpu.memory_space<vmem>>) target_semaphore(%run_scoped3A : memref<!tpu.dma_semaphore, #tpu.memory_space<semaphore_mem>>)
          %dma_wait3A_71 = tpu.memref_slice %arg5[%add3A_64] : memref<160000xi32, #tpu.memory_space<hbm>> -> memref<80xi32, #tpu.memory_space<hbm>>
          %dma_wait3A_72 = tpu.memref_slice %arg5[%add3A_64] : memref<160000xi32, #tpu.memory_space<hbm>> -> memref<80xi32, #tpu.memory_space<hbm>>
          tpu.wait_dma2 semaphore(%run_scoped3A : memref<!tpu.dma_semaphore, #tpu.memory_space<semaphore_mem>>) src(%dma_wait3A_72 : memref<80xi32, #tpu.memory_space<hbm>>) dst(%arg9 : memref<80xi32, #tpu.memory_space<vmem>>)
          tpu.yield
        }) : () -> ()
        %dma_start3A = arith.constant 0 : i32
        %dma_start3A_65 = arith.constant 0 : i32
        %dma_start3A_66 = tpu.memref_slice %arg2[%dma_start3A, %dma_start3A_65] : memref<10000x128xf32, #tpu.memory_space<hbm>> -> memref<10000x128xf32, #tpu.memory_space<hbm>>
        tpu.enqueue_indirect_dma source(%dma_start3A_66 : memref<10000x128xf32, #tpu.memory_space<hbm>>) target(%arg10 : memref<80x128xf32, #tpu.memory_space<vmem>>) offsets(%arg8 : memref<80xi32, #tpu.memory_space<vmem>>) semaphore(%arg12 : memref<!tpu.dma_semaphore, #tpu.memory_space<semaphore_mem>>)
        %dma_wait3A = arith.constant 0 : i32
        %dma_wait3A_67 = arith.constant 0 : i32
        %dma_wait3A_68 = tpu.memref_slice %arg2[%dma_wait3A, %dma_wait3A_67] : memref<10000x128xf32, #tpu.memory_space<hbm>> -> memref<10000x128xf32, #tpu.memory_space<hbm>>
        tpu.wait_indirect_dma semaphore(%arg12 : memref<!tpu.dma_semaphore, #tpu.memory_space<semaphore_mem>>) src(%dma_wait3A_68 : memref<10000x128xf32, #tpu.memory_space<hbm>>) dst(%arg10 : memref<80x128xf32, #tpu.memory_space<vmem>>)
        "tpu.region"() ({
          %run_scoped3A = tpu.sem_alloc : memref<!tpu.dma_semaphore, #tpu.memory_space<semaphore_mem>>
          %dma_start3A_69 = arith.constant 0 : i32
          %dma_start3A_70 = arith.constant 0 : i32
          %dma_start3A_71 = tpu.memref_slice %arg11[%dma_start3A_69, %dma_start3A_70] : memref<10240x128xf32, #tpu.memory_space<vmem_shared>> -> memref<10240x128xf32, #tpu.memory_space<vmem_shared>>
          tpu.enqueue_indirect_dma source(%arg10 : memref<80x128xf32, #tpu.memory_space<vmem>>) target(%dma_start3A_71 : memref<10240x128xf32, #tpu.memory_space<vmem_shared>>) offsets(%arg9 : memref<80xi32, #tpu.memory_space<vmem>>) semaphore(%run_scoped3A : memref<!tpu.dma_semaphore, #tpu.memory_space<semaphore_mem>>) {add = true}
          %dma_wait3A_72 = arith.constant 0 : i32
          %dma_wait3A_73 = arith.constant 0 : i32
          %dma_wait3A_74 = tpu.memref_slice %arg11[%dma_wait3A_72, %dma_wait3A_73] : memref<10240x128xf32, #tpu.memory_space<vmem_shared>> -> memref<10240x128xf32, #tpu.memory_space<vmem_shared>>
          tpu.wait_indirect_dma semaphore(%run_scoped3A : memref<!tpu.dma_semaphore, #tpu.memory_space<semaphore_mem>>) src(%arg10 : memref<80x128xf32, #tpu.memory_space<vmem>>) dst(%dma_wait3A_74 : memref<10240x128xf32, #tpu.memory_space<vmem_shared>>)
          tpu.yield
        }) : () -> ()
      }
      %scan3A_60 = arith.constant 125 : i32
    } else {
    }
    %eq3A_37 = arith.constant 1 : i32
    %eq3A_38 = arith.cmpi eq, %arg0, %eq3A_37 : i32
    %convert_element_type3A_39 = arith.extui %eq3A_38 : i1 to i32
    %cond3A_40 = arith.constant 0 : i32
    %cond3A_41 = arith.cmpi ne, %convert_element_type3A_39, %cond3A_40 : i32
    scf.if %cond3A_41 {
      %mul3A_53 = arith.constant 10000 : i32
      %mul3A_54 = arith.muli %arg1, %mul3A_53 : i32
      %scan3A_55 = arith.constant 0 : i32
      %scan3A_56 = arith.constant 0 : i32
      %scan3A_57 = arith.constant 125 : i32
      %scan3A_58 = arith.addi %scan3A_56, %scan3A_57 : i32
      %scan3A_59 = arith.constant 1 : i32
      scf.for %scan3A_61 = %scan3A_56 to %scan3A_58 step %scan3A_59  : i32 {
        %mul3A_62 = arith.constant 80 : i32
        %mul3A_63 = arith.muli %scan3A_61, %mul3A_62 : i32
        %add3A_64 = arith.addi %mul3A_54, %mul3A_63 : i32
        "tpu.region"() ({
          %run_scoped3A = tpu.sem_alloc : memref<!tpu.dma_semaphore, #tpu.memory_space<semaphore_mem>>
          %dma_start3A_69 = tpu.memref_slice %arg4[%add3A_64] : memref<160000xi32, #tpu.memory_space<hbm>> -> memref<80xi32, #tpu.memory_space<hbm>>
          %dma_start3A_70 = tpu.memref_slice %arg4[%add3A_64] : memref<160000xi32, #tpu.memory_space<hbm>> -> memref<80xi32, #tpu.memory_space<hbm>>
          tpu.enqueue_dma source(%dma_start3A_70 : memref<80xi32, #tpu.memory_space<hbm>>) target(%arg8 : memref<80xi32, #tpu.memory_space<vmem>>) target_semaphore(%run_scoped3A : memref<!tpu.dma_semaphore, #tpu.memory_space<semaphore_mem>>)
          %dma_wait3A_71 = tpu.memref_slice %arg4[%add3A_64] : memref<160000xi32, #tpu.memory_space<hbm>> -> memref<80xi32, #tpu.memory_space<hbm>>
          %dma_wait3A_72 = tpu.memref_slice %arg4[%add3A_64] : memref<160000xi32, #tpu.memory_space<hbm>> -> memref<80xi32, #tpu.memory_space<hbm>>
          tpu.wait_dma2 semaphore(%run_scoped3A : memref<!tpu.dma_semaphore, #tpu.memory_space<semaphore_mem>>) src(%dma_wait3A_72 : memref<80xi32, #tpu.memory_space<hbm>>) dst(%arg8 : memref<80xi32, #tpu.memory_space<vmem>>)
          tpu.yield
        }) : () -> ()
        "tpu.region"() ({
          %run_scoped3A = tpu.sem_alloc : memref<!tpu.dma_semaphore, #tpu.memory_space<semaphore_mem>>
          %dma_start3A_69 = tpu.memref_slice %arg5[%add3A_64] : memref<160000xi32, #tpu.memory_space<hbm>> -> memref<80xi32, #tpu.memory_space<hbm>>
          %dma_start3A_70 = tpu.memref_slice %arg5[%add3A_64] : memref<160000xi32, #tpu.memory_space<hbm>> -> memref<80xi32, #tpu.memory_space<hbm>>
          tpu.enqueue_dma source(%dma_start3A_70 : memref<80xi32, #tpu.memory_space<hbm>>) target(%arg9 : memref<80xi32, #tpu.memory_space<vmem>>) target_semaphore(%run_scoped3A : memref<!tpu.dma_semaphore, #tpu.memory_space<semaphore_mem>>)
          %dma_wait3A_71 = tpu.memref_slice %arg5[%add3A_64] : memref<160000xi32, #tpu.memory_space<hbm>> -> memref<80xi32, #tpu.memory_space<hbm>>
          %dma_wait3A_72 = tpu.memref_slice %arg5[%add3A_64] : memref<160000xi32, #tpu.memory_space<hbm>> -> memref<80xi32, #tpu.memory_space<hbm>>
          tpu.wait_dma2 semaphore(%run_scoped3A : memref<!tpu.dma_semaphore, #tpu.memory_space<semaphore_mem>>) src(%dma_wait3A_72 : memref<80xi32, #tpu.memory_space<hbm>>) dst(%arg9 : memref<80xi32, #tpu.memory_space<vmem>>)
          tpu.yield
        }) : () -> ()
        %dma_start3A = arith.constant 0 : i32
        %dma_start3A_65 = arith.constant 0 : i32
        %dma_start3A_66 = tpu.memref_slice %arg3[%dma_start3A, %dma_start3A_65] : memref<10000x128xf32, #tpu.memory_space<hbm>> -> memref<10000x128xf32, #tpu.memory_space<hbm>>
        tpu.enqueue_indirect_dma source(%dma_start3A_66 : memref<10000x128xf32, #tpu.memory_space<hbm>>) target(%arg10 : memref<80x128xf32, #tpu.memory_space<vmem>>) offsets(%arg8 : memref<80xi32, #tpu.memory_space<vmem>>) semaphore(%arg12 : memref<!tpu.dma_semaphore, #tpu.memory_space<semaphore_mem>>)
        %dma_wait3A = arith.constant 0 : i32
        %dma_wait3A_67 = arith.constant 0 : i32
        %dma_wait3A_68 = tpu.memref_slice %arg3[%dma_wait3A, %dma_wait3A_67] : memref<10000x128xf32, #tpu.memory_space<hbm>> -> memref<10000x128xf32, #tpu.memory_space<hbm>>
        tpu.wait_indirect_dma semaphore(%arg12 : memref<!tpu.dma_semaphore, #tpu.memory_space<semaphore_mem>>) src(%dma_wait3A_68 : memref<10000x128xf32, #tpu.memory_space<hbm>>) dst(%arg10 : memref<80x128xf32, #tpu.memory_space<vmem>>)
        "tpu.region"() ({
          %run_scoped3A = tpu.sem_alloc : memref<!tpu.dma_semaphore, #tpu.memory_space<semaphore_mem>>
          %dma_start3A_69 = arith.constant 0 : i32
          %dma_start3A_70 = arith.constant 0 : i32
          %dma_start3A_71 = tpu.memref_slice %arg11[%dma_start3A_69, %dma_start3A_70] : memref<10240x128xf32, #tpu.memory_space<vmem_shared>> -> memref<10240x128xf32, #tpu.memory_space<vmem_shared>>
          tpu.enqueue_indirect_dma source(%arg10 : memref<80x128xf32, #tpu.memory_space<vmem>>) target(%dma_start3A_71 : memref<10240x128xf32, #tpu.memory_space<vmem_shared>>) offsets(%arg9 : memref<80xi32, #tpu.memory_space<vmem>>) semaphore(%run_scoped3A : memref<!tpu.dma_semaphore, #tpu.memory_space<semaphore_mem>>) {add = true}
          %dma_wait3A_72 = arith.constant 0 : i32
          %dma_wait3A_73 = arith.constant 0 : i32
          %dma_wait3A_74 = tpu.memref_slice %arg11[%dma_wait3A_72, %dma_wait3A_73] : memref<10240x128xf32, #tpu.memory_space<vmem_shared>> -> memref<10240x128xf32, #tpu.memory_space<vmem_shared>>
          tpu.wait_indirect_dma semaphore(%run_scoped3A : memref<!tpu.dma_semaphore, #tpu.memory_space<semaphore_mem>>) src(%arg10 : memref<80x128xf32, #tpu.memory_space<vmem>>) dst(%dma_wait3A_74 : memref<10240x128xf32, #tpu.memory_space<vmem_shared>>)
          tpu.yield
        }) : () -> ()
      }
      %scan3A_60 = arith.constant 125 : i32
    } else {
    }
    %barrier3A_42 = arith.constant 0 : index
    tpu.barrier barrier_id(%barrier3A_42)
    %eq3A_43 = arith.constant 0 : i32
    %eq3A_44 = arith.cmpi eq, %arg0, %eq3A_43 : i32
    %convert_element_type3A_45 = arith.extui %eq3A_44 : i1 to i32
    %cond3A_46 = arith.constant 0 : i32
    %cond3A_47 = arith.cmpi ne, %convert_element_type3A_45, %cond3A_46 : i32
    scf.if %cond3A_47 {
      %mul3A_53 = arith.constant 640 : i32
      %mul3A_54 = arith.muli %arg1, %mul3A_53 : i32
      %mul3A_55 = arith.constant 640 : i32
      %mul3A_56 = arith.muli %arg1, %mul3A_55 : i32
      "tpu.region"() ({
        %run_scoped3A = tpu.sem_alloc : memref<!tpu.dma_semaphore, #tpu.memory_space<semaphore_mem>>
        %dma_start3A = arith.constant 0 : i32
        %dma_start3A_57 = tpu.memref_slice %arg6[%mul3A_56, %dma_start3A] : memref<10240x128xf32, #tpu.memory_space<hbm>> -> memref<640x128xf32, #tpu.memory_space<hbm>>
        %dma_start3A_58 = arith.constant 0 : i32
        %dma_start3A_59 = tpu.memref_slice %arg11[%mul3A_54, %dma_start3A_58] : memref<10240x128xf32, #tpu.memory_space<vmem_shared>> -> memref<640x128xf32, #tpu.memory_space<vmem_shared>>
        tpu.enqueue_dma source(%dma_start3A_59 : memref<640x128xf32, #tpu.memory_space<vmem_shared>>) target(%dma_start3A_57 : memref<640x128xf32, #tpu.memory_space<hbm>>) target_semaphore(%run_scoped3A : memref<!tpu.dma_semaphore, #tpu.memory_space<semaphore_mem>>)
        %dma_wait3A = arith.constant 0 : i32
        %dma_wait3A_60 = tpu.memref_slice %arg6[%mul3A_56, %dma_wait3A] : memref<10240x128xf32, #tpu.memory_space<hbm>> -> memref<640x128xf32, #tpu.memory_space<hbm>>
        %dma_wait3A_61 = arith.constant 0 : i32
        %dma_wait3A_62 = tpu.memref_slice %arg11[%mul3A_54, %dma_wait3A_61] : memref<10240x128xf32, #tpu.memory_space<vmem_shared>> -> memref<640x128xf32, #tpu.memory_space<vmem_shared>>
        tpu.wait_dma2 semaphore(%run_scoped3A : memref<!tpu.dma_semaphore, #tpu.memory_space<semaphore_mem>>) src(%dma_wait3A_62 : memref<640x128xf32, #tpu.memory_space<vmem_shared>>) dst(%dma_wait3A_60 : memref<640x128xf32, #tpu.memory_space<hbm>>)
        tpu.yield
      }) : () -> ()
    } else {
    }
    %eq3A_48 = arith.constant 1 : i32
    %eq3A_49 = arith.cmpi eq, %arg0, %eq3A_48 : i32
    %convert_element_type3A_50 = arith.extui %eq3A_49 : i1 to i32
    %cond3A_51 = arith.constant 0 : i32
    %cond3A_52 = arith.cmpi ne, %convert_element_type3A_50, %cond3A_51 : i32
    scf.if %cond3A_52 {
      %mul3A_53 = arith.constant 640 : i32
      %mul3A_54 = arith.muli %arg1, %mul3A_53 : i32
      %mul3A_55 = arith.constant 640 : i32
      %mul3A_56 = arith.muli %arg1, %mul3A_55 : i32
      "tpu.region"() ({
        %run_scoped3A = tpu.sem_alloc : memref<!tpu.dma_semaphore, #tpu.memory_space<semaphore_mem>>
        %dma_start3A = arith.constant 0 : i32
        %dma_start3A_57 = tpu.memref_slice %arg7[%mul3A_56, %dma_start3A] : memref<10240x128xf32, #tpu.memory_space<hbm>> -> memref<640x128xf32, #tpu.memory_space<hbm>>
        %dma_start3A_58 = arith.constant 0 : i32
        %dma_start3A_59 = tpu.memref_slice %arg11[%mul3A_54, %dma_start3A_58] : memref<10240x128xf32, #tpu.memory_space<vmem_shared>> -> memref<640x128xf32, #tpu.memory_space<vmem_shared>>
        tpu.enqueue_dma source(%dma_start3A_59 : memref<640x128xf32, #tpu.memory_space<vmem_shared>>) target(%dma_start3A_57 : memref<640x128xf32, #tpu.memory_space<hbm>>) target_semaphore(%run_scoped3A : memref<!tpu.dma_semaphore, #tpu.memory_space<semaphore_mem>>)
        %dma_wait3A = arith.constant 0 : i32
        %dma_wait3A_60 = tpu.memref_slice %arg7[%mul3A_56, %dma_wait3A] : memref<10240x128xf32, #tpu.memory_space<hbm>> -> memref<640x128xf32, #tpu.memory_space<hbm>>
        %dma_wait3A_61 = arith.constant 0 : i32
        %dma_wait3A_62 = tpu.memref_slice %arg11[%mul3A_54, %dma_wait3A_61] : memref<10240x128xf32, #tpu.memory_space<vmem_shared>> -> memref<640x128xf32, #tpu.memory_space<vmem_shared>>
        tpu.wait_dma2 semaphore(%run_scoped3A : memref<!tpu.dma_semaphore, #tpu.memory_space<semaphore_mem>>) src(%dma_wait3A_62 : memref<640x128xf32, #tpu.memory_space<vmem_shared>>) dst(%dma_wait3A_60 : memref<640x128xf32, #tpu.memory_space<hbm>>)
        tpu.yield
      }) : () -> ()
    } else {
    }
    return
  }
}

#map = affine_map<(d0, d1) -> (0, 0)>
#map1 = affine_map<(d0, d1) -> (0)>
module attributes {stable_mosaic.version = 14 : i64} {
  func.func @edge_kernel(%arg0: i32, %arg1: i32, %arg2: memref<10000x128xf32, #tpu.memory_space<hbm>>, %arg3: memref<10000x128xf32, #tpu.memory_space<hbm>>, %arg4: memref<160000xi32, #tpu.memory_space<hbm>>, %arg5: memref<160000xi32, #tpu.memory_space<hbm>>, %arg6: memref<10240x128xf32, #tpu.memory_space<hbm>>, %arg7: memref<10240x128xf32, #tpu.memory_space<hbm>>, %arg8: memref<80xi32, #tpu.memory_space<vmem>>, %arg9: memref<80xi32, #tpu.memory_space<vmem>>, %arg10: memref<80x128xf32, #tpu.memory_space<vmem>>, %arg11: memref<10240x128xf32, #tpu.memory_space<vmem_shared>>, %arg12: memref<!tpu.dma_semaphore, #tpu.memory_space<semaphore_mem>>) attributes {dimension_semantics = [#tpu.dimension_semantics<core_parallel>, #tpu.dimension_semantics<subcore_parallel>], iteration_bounds = array<i64: 2, 16>, scalar_prefetch = 0 : i64, scratch_operands = 5 : i64, tpu.core_type = #tpu.core_type<sc_vector_subcore>, window_params = [{transform_indices = #map}, {transform_indices = #map}, {transform_indices = #map1}, {transform_indices = #map1}, {transform_indices = #map}, {transform_indices = #map}]} {
    %scan3A = arith.constant 0 : i32
    %scan3A_0 = arith.constant 0 : i32
    %scan3A_1 = arith.constant 80 : i32
    %scan3A_2 = arith.addi %scan3A_0, %scan3A_1 : i32
    %scan3A_3 = arith.constant 1 : i32
    scf.for %scan3A_53 = %scan3A_0 to %scan3A_2 step %scan3A_3  : i32 {
      %broadcast_in_dim3A = arith.constant 0.000000e+00 : f32
      %broadcast_in_dim3A_54 = vector.broadcast %broadcast_in_dim3A : f32 to vector<16xf32>
      %swap3A = arith.index_cast %scan3A_53 : i32 to index
      %swap3A_55 = arith.constant 0 : index
      %swap3A_56 = tpu.vector_load %arg10[%swap3A, %swap3A_55] {strides = array<i32>} : memref<80x128xf32, #tpu.memory_space<vmem>>, vector<1x16xf32>,
      %swap3A_57 = vector.shape_cast %swap3A_56 : vector<1x16xf32> to vector<16xf32>
      %swap3A_58 = vector.shape_cast %broadcast_in_dim3A_54 : vector<16xf32> to vector<1x16xf32>
      tpu.vector_store %arg10[%swap3A, %swap3A_55], %swap3A_58 {strides = array<i32>} : memref<80x128xf32, #tpu.memory_space<vmem>>, vector<1x16xf32>,
      %broadcast_in_dim3A_59 = arith.constant 0.000000e+00 : f32
      %broadcast_in_dim3A_60 = vector.broadcast %broadcast_in_dim3A_59 : f32 to vector<16xf32>
      %swap3A_61 = arith.index_cast %scan3A_53 : i32 to index
      %swap3A_62 = arith.constant 16 : index
      %swap3A_63 = tpu.vector_load %arg10[%swap3A_61, %swap3A_62] {strides = array<i32>} : memref<80x128xf32, #tpu.memory_space<vmem>>, vector<1x16xf32>,
      %swap3A_64 = vector.shape_cast %swap3A_63 : vector<1x16xf32> to vector<16xf32>
      %swap3A_65 = vector.shape_cast %broadcast_in_dim3A_60 : vector<16xf32> to vector<1x16xf32>
      tpu.vector_store %arg10[%swap3A_61, %swap3A_62], %swap3A_65 {strides = array<i32>} : memref<80x128xf32, #tpu.memory_space<vmem>>, vector<1x16xf32>,
      %broadcast_in_dim3A_66 = arith.constant 0.000000e+00 : f32
      %broadcast_in_dim3A_67 = vector.broadcast %broadcast_in_dim3A_66 : f32 to vector<16xf32>
      %swap3A_68 = arith.index_cast %scan3A_53 : i32 to index
      %swap3A_69 = arith.constant 32 : index
      %swap3A_70 = tpu.vector_load %arg10[%swap3A_68, %swap3A_69] {strides = array<i32>} : memref<80x128xf32, #tpu.memory_space<vmem>>, vector<1x16xf32>,
      %swap3A_71 = vector.shape_cast %swap3A_70 : vector<1x16xf32> to vector<16xf32>
      %swap3A_72 = vector.shape_cast %broadcast_in_dim3A_67 : vector<16xf32> to vector<1x16xf32>
      tpu.vector_store %arg10[%swap3A_68, %swap3A_69], %swap3A_72 {strides = array<i32>} : memref<80x128xf32, #tpu.memory_space<vmem>>, vector<1x16xf32>,
      %broadcast_in_dim3A_73 = arith.constant 0.000000e+00 : f32
      %broadcast_in_dim3A_74 = vector.broadcast %broadcast_in_dim3A_73 : f32 to vector<16xf32>
      %swap3A_75 = arith.index_cast %scan3A_53 : i32 to index
      %swap3A_76 = arith.constant 48 : index
      %swap3A_77 = tpu.vector_load %arg10[%swap3A_75, %swap3A_76] {strides = array<i32>} : memref<80x128xf32, #tpu.memory_space<vmem>>, vector<1x16xf32>,
      %swap3A_78 = vector.shape_cast %swap3A_77 : vector<1x16xf32> to vector<16xf32>
      %swap3A_79 = vector.shape_cast %broadcast_in_dim3A_74 : vector<16xf32> to vector<1x16xf32>
      tpu.vector_store %arg10[%swap3A_75, %swap3A_76], %swap3A_79 {strides = array<i32>} : memref<80x128xf32, #tpu.memory_space<vmem>>, vector<1x16xf32>,
      %broadcast_in_dim3A_80 = arith.constant 0.000000e+00 : f32
      %broadcast_in_dim3A_81 = vector.broadcast %broadcast_in_dim3A_80 : f32 to vector<16xf32>
      %swap3A_82 = arith.index_cast %scan3A_53 : i32 to index
      %swap3A_83 = arith.constant 64 : index
      %swap3A_84 = tpu.vector_load %arg10[%swap3A_82, %swap3A_83] {strides = array<i32>} : memref<80x128xf32, #tpu.memory_space<vmem>>, vector<1x16xf32>,
      %swap3A_85 = vector.shape_cast %swap3A_84 : vector<1x16xf32> to vector<16xf32>
      %swap3A_86 = vector.shape_cast %broadcast_in_dim3A_81 : vector<16xf32> to vector<1x16xf32>
      tpu.vector_store %arg10[%swap3A_82, %swap3A_83], %swap3A_86 {strides = array<i32>} : memref<80x128xf32, #tpu.memory_space<vmem>>, vector<1x16xf32>,
      %broadcast_in_dim3A_87 = arith.constant 0.000000e+00 : f32
      %broadcast_in_dim3A_88 = vector.broadcast %broadcast_in_dim3A_87 : f32 to vector<16xf32>
      %swap3A_89 = arith.index_cast %scan3A_53 : i32 to index
      %swap3A_90 = arith.constant 80 : index
      %swap3A_91 = tpu.vector_load %arg10[%swap3A_89, %swap3A_90] {strides = array<i32>} : memref<80x128xf32, #tpu.memory_space<vmem>>, vector<1x16xf32>,
      %swap3A_92 = vector.shape_cast %swap3A_91 : vector<1x16xf32> to vector<16xf32>
      %swap3A_93 = vector.shape_cast %broadcast_in_dim3A_88 : vector<16xf32> to vector<1x16xf32>
      tpu.vector_store %arg10[%swap3A_89, %swap3A_90], %swap3A_93 {strides = array<i32>} : memref<80x128xf32, #tpu.memory_space<vmem>>, vector<1x16xf32>,
      %broadcast_in_dim3A_94 = arith.constant 0.000000e+00 : f32
      %broadcast_in_dim3A_95 = vector.broadcast %broadcast_in_dim3A_94 : f32 to vector<16xf32>
      %swap3A_96 = arith.index_cast %scan3A_53 : i32 to index
      %swap3A_97 = arith.constant 96 : index
      %swap3A_98 = tpu.vector_load %arg10[%swap3A_96, %swap3A_97] {strides = array<i32>} : memref<80x128xf32, #tpu.memory_space<vmem>>, vector<1x16xf32>,
      %swap3A_99 = vector.shape_cast %swap3A_98 : vector<1x16xf32> to vector<16xf32>
      %swap3A_100 = vector.shape_cast %broadcast_in_dim3A_95 : vector<16xf32> to vector<1x16xf32>
      tpu.vector_store %arg10[%swap3A_96, %swap3A_97], %swap3A_100 {strides = array<i32>} : memref<80x128xf32, #tpu.memory_space<vmem>>, vector<1x16xf32>,
      %broadcast_in_dim3A_101 = arith.constant 0.000000e+00 : f32
      %broadcast_in_dim3A_102 = vector.broadcast %broadcast_in_dim3A_101 : f32 to vector<16xf32>
      %swap3A_103 = arith.index_cast %scan3A_53 : i32 to index
      %swap3A_104 = arith.constant 112 : index
      %swap3A_105 = tpu.vector_load %arg10[%swap3A_103, %swap3A_104] {strides = array<i32>} : memref<80x128xf32, #tpu.memory_space<vmem>>, vector<1x16xf32>,
      %swap3A_106 = vector.shape_cast %swap3A_105 : vector<1x16xf32> to vector<16xf32>
      %swap3A_107 = vector.shape_cast %broadcast_in_dim3A_102 : vector<16xf32> to vector<1x16xf32>
      tpu.vector_store %arg10[%swap3A_103, %swap3A_104], %swap3A_107 {strides = array<i32>} : memref<80x128xf32, #tpu.memory_space<vmem>>, vector<1x16xf32>,
    }
    %scan3A_4 = arith.constant 80 : i32
    %mul3A = arith.constant 640 : i32
    %mul3A_5 = arith.muli %arg1, %mul3A : i32
    %add3A = arith.constant 0 : i32
    %add3A_6 = arith.addi %mul3A_5, %add3A : i32
    "tpu.region"() ({
      %run_scoped3A = tpu.sem_alloc : memref<!tpu.dma_semaphore, #tpu.memory_space<semaphore_mem>>
      %dma_start3A = arith.constant 0 : i32
      %dma_start3A_53 = tpu.memref_slice %arg11[%add3A_6, %dma_start3A] : memref<10240x128xf32, #tpu.memory_space<vmem_shared>> -> memref<80x128xf32, #tpu.memory_space<vmem_shared>>
      %dma_start3A_54 = arith.constant 0 : i32
      %dma_start3A_55 = tpu.memref_slice %arg11[%add3A_6, %dma_start3A_54] : memref<10240x128xf32, #tpu.memory_space<vmem_shared>> -> memref<80x128xf32, #tpu.memory_space<vmem_shared>>
      tpu.enqueue_dma source(%arg10 : memref<80x128xf32, #tpu.memory_space<vmem>>) target(%dma_start3A_55 : memref<80x128xf32, #tpu.memory_space<vmem_shared>>) target_semaphore(%run_scoped3A : memref<!tpu.dma_semaphore, #tpu.memory_space<semaphore_mem>>)
      %dma_wait3A = arith.constant 0 : i32
      %dma_wait3A_56 = tpu.memref_slice %arg11[%add3A_6, %dma_wait3A] : memref<10240x128xf32, #tpu.memory_space<vmem_shared>> -> memref<80x128xf32, #tpu.memory_space<vmem_shared>>
      %dma_wait3A_57 = arith.constant 0 : i32
      %dma_wait3A_58 = tpu.memref_slice %arg11[%add3A_6, %dma_wait3A_57] : memref<10240x128xf32, #tpu.memory_space<vmem_shared>> -> memref<80x128xf32, #tpu.memory_space<vmem_shared>>
      tpu.wait_dma2 semaphore(%run_scoped3A : memref<!tpu.dma_semaphore, #tpu.memory_space<semaphore_mem>>) src(%arg10 : memref<80x128xf32, #tpu.memory_space<vmem>>) dst(%dma_wait3A_58 : memref<80x128xf32, #tpu.memory_space<vmem_shared>>)
      tpu.yield
    }) : () -> ()
    %mul3A_7 = arith.constant 640 : i32
    %mul3A_8 = arith.muli %arg1, %mul3A_7 : i32
    %add3A_9 = arith.constant 80 : i32
    %add3A_10 = arith.addi %mul3A_8, %add3A_9 : i32
    "tpu.region"() ({
      %run_scoped3A = tpu.sem_alloc : memref<!tpu.dma_semaphore, #tpu.memory_space<semaphore_mem>>
      %dma_start3A = arith.constant 0 : i32
      %dma_start3A_53 = tpu.memref_slice %arg11[%add3A_10, %dma_start3A] : memref<10240x128xf32, #tpu.memory_space<vmem_shared>> -> memref<80x128xf32, #tpu.memory_space<vmem_shared>>
      %dma_start3A_54 = arith.constant 0 : i32
      %dma_start3A_55 = tpu.memref_slice %arg11[%add3A_10, %dma_start3A_54] : memref<10240x128xf32, #tpu.memory_space<vmem_shared>> -> memref<80x128xf32, #tpu.memory_space<vmem_shared>>
      tpu.enqueue_dma source(%arg10 : memref<80x128xf32, #tpu.memory_space<vmem>>) target(%dma_start3A_55 : memref<80x128xf32, #tpu.memory_space<vmem_shared>>) target_semaphore(%run_scoped3A : memref<!tpu.dma_semaphore, #tpu.memory_space<semaphore_mem>>)
      %dma_wait3A = arith.constant 0 : i32
      %dma_wait3A_56 = tpu.memref_slice %arg11[%add3A_10, %dma_wait3A] : memref<10240x128xf32, #tpu.memory_space<vmem_shared>> -> memref<80x128xf32, #tpu.memory_space<vmem_shared>>
      %dma_wait3A_57 = arith.constant 0 : i32
      %dma_wait3A_58 = tpu.memref_slice %arg11[%add3A_10, %dma_wait3A_57] : memref<10240x128xf32, #tpu.memory_space<vmem_shared>> -> memref<80x128xf32, #tpu.memory_space<vmem_shared>>
      tpu.wait_dma2 semaphore(%run_scoped3A : memref<!tpu.dma_semaphore, #tpu.memory_space<semaphore_mem>>) src(%arg10 : memref<80x128xf32, #tpu.memory_space<vmem>>) dst(%dma_wait3A_58 : memref<80x128xf32, #tpu.memory_space<vmem_shared>>)
      tpu.yield
    }) : () -> ()
    %mul3A_11 = arith.constant 640 : i32
    %mul3A_12 = arith.muli %arg1, %mul3A_11 : i32
    %add3A_13 = arith.constant 160 : i32
    %add3A_14 = arith.addi %mul3A_12, %add3A_13 : i32
    "tpu.region"() ({
      %run_scoped3A = tpu.sem_alloc : memref<!tpu.dma_semaphore, #tpu.memory_space<semaphore_mem>>
      %dma_start3A = arith.constant 0 : i32
      %dma_start3A_53 = tpu.memref_slice %arg11[%add3A_14, %dma_start3A] : memref<10240x128xf32, #tpu.memory_space<vmem_shared>> -> memref<80x128xf32, #tpu.memory_space<vmem_shared>>
      %dma_start3A_54 = arith.constant 0 : i32
      %dma_start3A_55 = tpu.memref_slice %arg11[%add3A_14, %dma_start3A_54] : memref<10240x128xf32, #tpu.memory_space<vmem_shared>> -> memref<80x128xf32, #tpu.memory_space<vmem_shared>>
      tpu.enqueue_dma source(%arg10 : memref<80x128xf32, #tpu.memory_space<vmem>>) target(%dma_start3A_55 : memref<80x128xf32, #tpu.memory_space<vmem_shared>>) target_semaphore(%run_scoped3A : memref<!tpu.dma_semaphore, #tpu.memory_space<semaphore_mem>>)
      %dma_wait3A = arith.constant 0 : i32
      %dma_wait3A_56 = tpu.memref_slice %arg11[%add3A_14, %dma_wait3A] : memref<10240x128xf32, #tpu.memory_space<vmem_shared>> -> memref<80x128xf32, #tpu.memory_space<vmem_shared>>
      %dma_wait3A_57 = arith.constant 0 : i32
      %dma_wait3A_58 = tpu.memref_slice %arg11[%add3A_14, %dma_wait3A_57] : memref<10240x128xf32, #tpu.memory_space<vmem_shared>> -> memref<80x128xf32, #tpu.memory_space<vmem_shared>>
      tpu.wait_dma2 semaphore(%run_scoped3A : memref<!tpu.dma_semaphore, #tpu.memory_space<semaphore_mem>>) src(%arg10 : memref<80x128xf32, #tpu.memory_space<vmem>>) dst(%dma_wait3A_58 : memref<80x128xf32, #tpu.memory_space<vmem_shared>>)
      tpu.yield
    }) : () -> ()
    %mul3A_15 = arith.constant 640 : i32
    %mul3A_16 = arith.muli %arg1, %mul3A_15 : i32
    %add3A_17 = arith.constant 240 : i32
    %add3A_18 = arith.addi %mul3A_16, %add3A_17 : i32
    "tpu.region"() ({
      %run_scoped3A = tpu.sem_alloc : memref<!tpu.dma_semaphore, #tpu.memory_space<semaphore_mem>>
      %dma_start3A = arith.constant 0 : i32
      %dma_start3A_53 = tpu.memref_slice %arg11[%add3A_18, %dma_start3A] : memref<10240x128xf32, #tpu.memory_space<vmem_shared>> -> memref<80x128xf32, #tpu.memory_space<vmem_shared>>
      %dma_start3A_54 = arith.constant 0 : i32
      %dma_start3A_55 = tpu.memref_slice %arg11[%add3A_18, %dma_start3A_54] : memref<10240x128xf32, #tpu.memory_space<vmem_shared>> -> memref<80x128xf32, #tpu.memory_space<vmem_shared>>
      tpu.enqueue_dma source(%arg10 : memref<80x128xf32, #tpu.memory_space<vmem>>) target(%dma_start3A_55 : memref<80x128xf32, #tpu.memory_space<vmem_shared>>) target_semaphore(%run_scoped3A : memref<!tpu.dma_semaphore, #tpu.memory_space<semaphore_mem>>)
      %dma_wait3A = arith.constant 0 : i32
      %dma_wait3A_56 = tpu.memref_slice %arg11[%add3A_18, %dma_wait3A] : memref<10240x128xf32, #tpu.memory_space<vmem_shared>> -> memref<80x128xf32, #tpu.memory_space<vmem_shared>>
      %dma_wait3A_57 = arith.constant 0 : i32
      %dma_wait3A_58 = tpu.memref_slice %arg11[%add3A_18, %dma_wait3A_57] : memref<10240x128xf32, #tpu.memory_space<vmem_shared>> -> memref<80x128xf32, #tpu.memory_space<vmem_shared>>
      tpu.wait_dma2 semaphore(%run_scoped3A : memref<!tpu.dma_semaphore, #tpu.memory_space<semaphore_mem>>) src(%arg10 : memref<80x128xf32, #tpu.memory_space<vmem>>) dst(%dma_wait3A_58 : memref<80x128xf32, #tpu.memory_space<vmem_shared>>)
      tpu.yield
    }) : () -> ()
    %mul3A_19 = arith.constant 640 : i32
    %mul3A_20 = arith.muli %arg1, %mul3A_19 : i32
    %add3A_21 = arith.constant 320 : i32
    %add3A_22 = arith.addi %mul3A_20, %add3A_21 : i32
    "tpu.region"() ({
      %run_scoped3A = tpu.sem_alloc : memref<!tpu.dma_semaphore, #tpu.memory_space<semaphore_mem>>
      %dma_start3A = arith.constant 0 : i32
      %dma_start3A_53 = tpu.memref_slice %arg11[%add3A_22, %dma_start3A] : memref<10240x128xf32, #tpu.memory_space<vmem_shared>> -> memref<80x128xf32, #tpu.memory_space<vmem_shared>>
      %dma_start3A_54 = arith.constant 0 : i32
      %dma_start3A_55 = tpu.memref_slice %arg11[%add3A_22, %dma_start3A_54] : memref<10240x128xf32, #tpu.memory_space<vmem_shared>> -> memref<80x128xf32, #tpu.memory_space<vmem_shared>>
      tpu.enqueue_dma source(%arg10 : memref<80x128xf32, #tpu.memory_space<vmem>>) target(%dma_start3A_55 : memref<80x128xf32, #tpu.memory_space<vmem_shared>>) target_semaphore(%run_scoped3A : memref<!tpu.dma_semaphore, #tpu.memory_space<semaphore_mem>>)
      %dma_wait3A = arith.constant 0 : i32
      %dma_wait3A_56 = tpu.memref_slice %arg11[%add3A_22, %dma_wait3A] : memref<10240x128xf32, #tpu.memory_space<vmem_shared>> -> memref<80x128xf32, #tpu.memory_space<vmem_shared>>
      %dma_wait3A_57 = arith.constant 0 : i32
      %dma_wait3A_58 = tpu.memref_slice %arg11[%add3A_22, %dma_wait3A_57] : memref<10240x128xf32, #tpu.memory_space<vmem_shared>> -> memref<80x128xf32, #tpu.memory_space<vmem_shared>>
      tpu.wait_dma2 semaphore(%run_scoped3A : memref<!tpu.dma_semaphore, #tpu.memory_space<semaphore_mem>>) src(%arg10 : memref<80x128xf32, #tpu.memory_space<vmem>>) dst(%dma_wait3A_58 : memref<80x128xf32, #tpu.memory_space<vmem_shared>>)
      tpu.yield
    }) : () -> ()
    %mul3A_23 = arith.constant 640 : i32
    %mul3A_24 = arith.muli %arg1, %mul3A_23 : i32
    %add3A_25 = arith.constant 400 : i32
    %add3A_26 = arith.addi %mul3A_24, %add3A_25 : i32
    "tpu.region"() ({
      %run_scoped3A = tpu.sem_alloc : memref<!tpu.dma_semaphore, #tpu.memory_space<semaphore_mem>>
      %dma_start3A = arith.constant 0 : i32
      %dma_start3A_53 = tpu.memref_slice %arg11[%add3A_26, %dma_start3A] : memref<10240x128xf32, #tpu.memory_space<vmem_shared>> -> memref<80x128xf32, #tpu.memory_space<vmem_shared>>
      %dma_start3A_54 = arith.constant 0 : i32
      %dma_start3A_55 = tpu.memref_slice %arg11[%add3A_26, %dma_start3A_54] : memref<10240x128xf32, #tpu.memory_space<vmem_shared>> -> memref<80x128xf32, #tpu.memory_space<vmem_shared>>
      tpu.enqueue_dma source(%arg10 : memref<80x128xf32, #tpu.memory_space<vmem>>) target(%dma_start3A_55 : memref<80x128xf32, #tpu.memory_space<vmem_shared>>) target_semaphore(%run_scoped3A : memref<!tpu.dma_semaphore, #tpu.memory_space<semaphore_mem>>)
      %dma_wait3A = arith.constant 0 : i32
      %dma_wait3A_56 = tpu.memref_slice %arg11[%add3A_26, %dma_wait3A] : memref<10240x128xf32, #tpu.memory_space<vmem_shared>> -> memref<80x128xf32, #tpu.memory_space<vmem_shared>>
      %dma_wait3A_57 = arith.constant 0 : i32
      %dma_wait3A_58 = tpu.memref_slice %arg11[%add3A_26, %dma_wait3A_57] : memref<10240x128xf32, #tpu.memory_space<vmem_shared>> -> memref<80x128xf32, #tpu.memory_space<vmem_shared>>
      tpu.wait_dma2 semaphore(%run_scoped3A : memref<!tpu.dma_semaphore, #tpu.memory_space<semaphore_mem>>) src(%arg10 : memref<80x128xf32, #tpu.memory_space<vmem>>) dst(%dma_wait3A_58 : memref<80x128xf32, #tpu.memory_space<vmem_shared>>)
      tpu.yield
    }) : () -> ()
    %mul3A_27 = arith.constant 640 : i32
    %mul3A_28 = arith.muli %arg1, %mul3A_27 : i32
    %add3A_29 = arith.constant 480 : i32
    %add3A_30 = arith.addi %mul3A_28, %add3A_29 : i32
    "tpu.region"() ({
      %run_scoped3A = tpu.sem_alloc : memref<!tpu.dma_semaphore, #tpu.memory_space<semaphore_mem>>
      %dma_start3A = arith.constant 0 : i32
      %dma_start3A_53 = tpu.memref_slice %arg11[%add3A_30, %dma_start3A] : memref<10240x128xf32, #tpu.memory_space<vmem_shared>> -> memref<80x128xf32, #tpu.memory_space<vmem_shared>>
      %dma_start3A_54 = arith.constant 0 : i32
      %dma_start3A_55 = tpu.memref_slice %arg11[%add3A_30, %dma_start3A_54] : memref<10240x128xf32, #tpu.memory_space<vmem_shared>> -> memref<80x128xf32, #tpu.memory_space<vmem_shared>>
      tpu.enqueue_dma source(%arg10 : memref<80x128xf32, #tpu.memory_space<vmem>>) target(%dma_start3A_55 : memref<80x128xf32, #tpu.memory_space<vmem_shared>>) target_semaphore(%run_scoped3A : memref<!tpu.dma_semaphore, #tpu.memory_space<semaphore_mem>>)
      %dma_wait3A = arith.constant 0 : i32
      %dma_wait3A_56 = tpu.memref_slice %arg11[%add3A_30, %dma_wait3A] : memref<10240x128xf32, #tpu.memory_space<vmem_shared>> -> memref<80x128xf32, #tpu.memory_space<vmem_shared>>
      %dma_wait3A_57 = arith.constant 0 : i32
      %dma_wait3A_58 = tpu.memref_slice %arg11[%add3A_30, %dma_wait3A_57] : memref<10240x128xf32, #tpu.memory_space<vmem_shared>> -> memref<80x128xf32, #tpu.memory_space<vmem_shared>>
      tpu.wait_dma2 semaphore(%run_scoped3A : memref<!tpu.dma_semaphore, #tpu.memory_space<semaphore_mem>>) src(%arg10 : memref<80x128xf32, #tpu.memory_space<vmem>>) dst(%dma_wait3A_58 : memref<80x128xf32, #tpu.memory_space<vmem_shared>>)
      tpu.yield
    }) : () -> ()
    %mul3A_31 = arith.constant 640 : i32
    %mul3A_32 = arith.muli %arg1, %mul3A_31 : i32
    %add3A_33 = arith.constant 560 : i32
    %add3A_34 = arith.addi %mul3A_32, %add3A_33 : i32
    "tpu.region"() ({
      %run_scoped3A = tpu.sem_alloc : memref<!tpu.dma_semaphore, #tpu.memory_space<semaphore_mem>>
      %dma_start3A = arith.constant 0 : i32
      %dma_start3A_53 = tpu.memref_slice %arg11[%add3A_34, %dma_start3A] : memref<10240x128xf32, #tpu.memory_space<vmem_shared>> -> memref<80x128xf32, #tpu.memory_space<vmem_shared>>
      %dma_start3A_54 = arith.constant 0 : i32
      %dma_start3A_55 = tpu.memref_slice %arg11[%add3A_34, %dma_start3A_54] : memref<10240x128xf32, #tpu.memory_space<vmem_shared>> -> memref<80x128xf32, #tpu.memory_space<vmem_shared>>
      tpu.enqueue_dma source(%arg10 : memref<80x128xf32, #tpu.memory_space<vmem>>) target(%dma_start3A_55 : memref<80x128xf32, #tpu.memory_space<vmem_shared>>) target_semaphore(%run_scoped3A : memref<!tpu.dma_semaphore, #tpu.memory_space<semaphore_mem>>)
      %dma_wait3A = arith.constant 0 : i32
      %dma_wait3A_56 = tpu.memref_slice %arg11[%add3A_34, %dma_wait3A] : memref<10240x128xf32, #tpu.memory_space<vmem_shared>> -> memref<80x128xf32, #tpu.memory_space<vmem_shared>>
      %dma_wait3A_57 = arith.constant 0 : i32
      %dma_wait3A_58 = tpu.memref_slice %arg11[%add3A_34, %dma_wait3A_57] : memref<10240x128xf32, #tpu.memory_space<vmem_shared>> -> memref<80x128xf32, #tpu.memory_space<vmem_shared>>
      tpu.wait_dma2 semaphore(%run_scoped3A : memref<!tpu.dma_semaphore, #tpu.memory_space<semaphore_mem>>) src(%arg10 : memref<80x128xf32, #tpu.memory_space<vmem>>) dst(%dma_wait3A_58 : memref<80x128xf32, #tpu.memory_space<vmem_shared>>)
      tpu.yield
    }) : () -> ()
    %barrier3A = arith.constant 0 : index
    tpu.barrier barrier_id(%barrier3A)
    %eq3A = arith.constant 0 : i32
    %eq3A_35 = arith.cmpi eq, %arg0, %eq3A : i32
    %convert_element_type3A = arith.extui %eq3A_35 : i1 to i32
    %cond3A = arith.constant 0 : i32
    %cond3A_36 = arith.cmpi ne, %convert_element_type3A, %cond3A : i32
    scf.if %cond3A_36 {
      %mul3A_53 = arith.constant 10000 : i32
      %mul3A_54 = arith.muli %arg1, %mul3A_53 : i32
      %scan3A_55 = arith.constant 0 : i32
      %scan3A_56 = arith.constant 0 : i32
      %scan3A_57 = arith.constant 125 : i32
      %scan3A_58 = arith.addi %scan3A_56, %scan3A_57 : i32
      %scan3A_59 = arith.constant 1 : i32
      scf.for %scan3A_61 = %scan3A_56 to %scan3A_58 step %scan3A_59  : i32 {
        %mul3A_62 = arith.constant 80 : i32
        %mul3A_63 = arith.muli %scan3A_61, %mul3A_62 : i32
        %add3A_64 = arith.addi %mul3A_54, %mul3A_63 : i32
        "tpu.region"() ({
          %run_scoped3A = tpu.sem_alloc : memref<!tpu.dma_semaphore, #tpu.memory_space<semaphore_mem>>
          %dma_start3A_69 = tpu.memref_slice %arg4[%add3A_64] : memref<160000xi32, #tpu.memory_space<hbm>> -> memref<80xi32, #tpu.memory_space<hbm>>
          %dma_start3A_70 = tpu.memref_slice %arg4[%add3A_64] : memref<160000xi32, #tpu.memory_space<hbm>> -> memref<80xi32, #tpu.memory_space<hbm>>
          tpu.enqueue_dma source(%dma_start3A_70 : memref<80xi32, #tpu.memory_space<hbm>>) target(%arg8 : memref<80xi32, #tpu.memory_space<vmem>>) target_semaphore(%run_scoped3A : memref<!tpu.dma_semaphore, #tpu.memory_space<semaphore_mem>>)
          %dma_wait3A_71 = tpu.memref_slice %arg4[%add3A_64] : memref<160000xi32, #tpu.memory_space<hbm>> -> memref<80xi32, #tpu.memory_space<hbm>>
          %dma_wait3A_72 = tpu.memref_slice %arg4[%add3A_64] : memref<160000xi32, #tpu.memory_space<hbm>> -> memref<80xi32, #tpu.memory_space<hbm>>
          tpu.wait_dma2 semaphore(%run_scoped3A : memref<!tpu.dma_semaphore, #tpu.memory_space<semaphore_mem>>) src(%dma_wait3A_72 : memref<80xi32, #tpu.memory_space<hbm>>) dst(%arg8 : memref<80xi32, #tpu.memory_space<vmem>>)
          tpu.yield
        }) : () -> ()
        "tpu.region"() ({
          %run_scoped3A = tpu.sem_alloc : memref<!tpu.dma_semaphore, #tpu.memory_space<semaphore_mem>>
          %dma_start3A_69 = tpu.memref_slice %arg5[%add3A_64] : memref<160000xi32, #tpu.memory_space<hbm>> -> memref<80xi32, #tpu.memory_space<hbm>>
          %dma_start3A_70 = tpu.memref_slice %arg5[%add3A_64] : memref<160000xi32, #tpu.memory_space<hbm>> -> memref<80xi32, #tpu.memory_space<hbm>>
          tpu.enqueue_dma source(%dma_start3A_70 : memref<80xi32, #tpu.memory_space<hbm>>) target(%arg9 : memref<80xi32, #tpu.memory_space<vmem>>) target_semaphore(%run_scoped3A : memref<!tpu.dma_semaphore, #tpu.memory_space<semaphore_mem>>)
          %dma_wait3A_71 = tpu.memref_slice %arg5[%add3A_64] : memref<160000xi32, #tpu.memory_space<hbm>> -> memref<80xi32, #tpu.memory_space<hbm>>
          %dma_wait3A_72 = tpu.memref_slice %arg5[%add3A_64] : memref<160000xi32, #tpu.memory_space<hbm>> -> memref<80xi32, #tpu.memory_space<hbm>>
          tpu.wait_dma2 semaphore(%run_scoped3A : memref<!tpu.dma_semaphore, #tpu.memory_space<semaphore_mem>>) src(%dma_wait3A_72 : memref<80xi32, #tpu.memory_space<hbm>>) dst(%arg9 : memref<80xi32, #tpu.memory_space<vmem>>)
          tpu.yield
        }) : () -> ()
        %dma_start3A = arith.constant 0 : i32
        %dma_start3A_65 = arith.constant 0 : i32
        %dma_start3A_66 = tpu.memref_slice %arg2[%dma_start3A, %dma_start3A_65] : memref<10000x128xf32, #tpu.memory_space<hbm>> -> memref<10000x128xf32, #tpu.memory_space<hbm>>
        tpu.enqueue_indirect_dma source(%dma_start3A_66 : memref<10000x128xf32, #tpu.memory_space<hbm>>) target(%arg10 : memref<80x128xf32, #tpu.memory_space<vmem>>) offsets(%arg8 : memref<80xi32, #tpu.memory_space<vmem>>) semaphore(%arg12 : memref<!tpu.dma_semaphore, #tpu.memory_space<semaphore_mem>>)
        %dma_wait3A = arith.constant 0 : i32
        %dma_wait3A_67 = arith.constant 0 : i32
        %dma_wait3A_68 = tpu.memref_slice %arg2[%dma_wait3A, %dma_wait3A_67] : memref<10000x128xf32, #tpu.memory_space<hbm>> -> memref<10000x128xf32, #tpu.memory_space<hbm>>
        tpu.wait_indirect_dma semaphore(%arg12 : memref<!tpu.dma_semaphore, #tpu.memory_space<semaphore_mem>>) src(%dma_wait3A_68 : memref<10000x128xf32, #tpu.memory_space<hbm>>) dst(%arg10 : memref<80x128xf32, #tpu.memory_space<vmem>>)
        "tpu.region"() ({
          %run_scoped3A = tpu.sem_alloc : memref<!tpu.dma_semaphore, #tpu.memory_space<semaphore_mem>>
          %dma_start3A_69 = arith.constant 0 : i32
          %dma_start3A_70 = arith.constant 0 : i32
          %dma_start3A_71 = tpu.memref_slice %arg11[%dma_start3A_69, %dma_start3A_70] : memref<10240x128xf32, #tpu.memory_space<vmem_shared>> -> memref<10240x128xf32, #tpu.memory_space<vmem_shared>>
          tpu.enqueue_indirect_dma source(%arg10 : memref<80x128xf32, #tpu.memory_space<vmem>>) target(%dma_start3A_71 : memref<10240x128xf32, #tpu.memory_space<vmem_shared>>) offsets(%arg9 : memref<80xi32, #tpu.memory_space<vmem>>) semaphore(%run_scoped3A : memref<!tpu.dma_semaphore, #tpu.memory_space<semaphore_mem>>) {add = true}
          %dma_wait3A_72 = arith.constant 0 : i32
          %dma_wait3A_73 = arith.constant 0 : i32
          %dma_wait3A_74 = tpu.memref_slice %arg11[%dma_wait3A_72, %dma_wait3A_73] : memref<10240x128xf32, #tpu.memory_space<vmem_shared>> -> memref<10240x128xf32, #tpu.memory_space<vmem_shared>>
          tpu.wait_indirect_dma semaphore(%run_scoped3A : memref<!tpu.dma_semaphore, #tpu.memory_space<semaphore_mem>>) src(%arg10 : memref<80x128xf32, #tpu.memory_space<vmem>>) dst(%dma_wait3A_74 : memref<10240x128xf32, #tpu.memory_space<vmem_shared>>)
          tpu.yield
        }) : () -> ()
      }
      %scan3A_60 = arith.constant 125 : i32
    } else {
    }
    %eq3A_37 = arith.constant 1 : i32
    %eq3A_38 = arith.cmpi eq, %arg0, %eq3A_37 : i32
    %convert_element_type3A_39 = arith.extui %eq3A_38 : i1 to i32
    %cond3A_40 = arith.constant 0 : i32
    %cond3A_41 = arith.cmpi ne, %convert_element_type3A_39, %cond3A_40 : i32
    scf.if %cond3A_41 {
      %mul3A_53 = arith.constant 10000 : i32
      %mul3A_54 = arith.muli %arg1, %mul3A_53 : i32
      %scan3A_55 = arith.constant 0 : i32
      %scan3A_56 = arith.constant 0 : i32
      %scan3A_57 = arith.constant 125 : i32
      %scan3A_58 = arith.addi %scan3A_56, %scan3A_57 : i32
      %scan3A_59 = arith.constant 1 : i32
      scf.for %scan3A_61 = %scan3A_56 to %scan3A_58 step %scan3A_59  : i32 {
        %mul3A_62 = arith.constant 80 : i32
        %mul3A_63 = arith.muli %scan3A_61, %mul3A_62 : i32
        %add3A_64 = arith.addi %mul3A_54, %mul3A_63 : i32
        "tpu.region"() ({
          %run_scoped3A = tpu.sem_alloc : memref<!tpu.dma_semaphore, #tpu.memory_space<semaphore_mem>>
          %dma_start3A_69 = tpu.memref_slice %arg4[%add3A_64] : memref<160000xi32, #tpu.memory_space<hbm>> -> memref<80xi32, #tpu.memory_space<hbm>>
          %dma_start3A_70 = tpu.memref_slice %arg4[%add3A_64] : memref<160000xi32, #tpu.memory_space<hbm>> -> memref<80xi32, #tpu.memory_space<hbm>>
          tpu.enqueue_dma source(%dma_start3A_70 : memref<80xi32, #tpu.memory_space<hbm>>) target(%arg8 : memref<80xi32, #tpu.memory_space<vmem>>) target_semaphore(%run_scoped3A : memref<!tpu.dma_semaphore, #tpu.memory_space<semaphore_mem>>)
          %dma_wait3A_71 = tpu.memref_slice %arg4[%add3A_64] : memref<160000xi32, #tpu.memory_space<hbm>> -> memref<80xi32, #tpu.memory_space<hbm>>
          %dma_wait3A_72 = tpu.memref_slice %arg4[%add3A_64] : memref<160000xi32, #tpu.memory_space<hbm>> -> memref<80xi32, #tpu.memory_space<hbm>>
          tpu.wait_dma2 semaphore(%run_scoped3A : memref<!tpu.dma_semaphore, #tpu.memory_space<semaphore_mem>>) src(%dma_wait3A_72 : memref<80xi32, #tpu.memory_space<hbm>>) dst(%arg8 : memref<80xi32, #tpu.memory_space<vmem>>)
          tpu.yield
        }) : () -> ()
        "tpu.region"() ({
          %run_scoped3A = tpu.sem_alloc : memref<!tpu.dma_semaphore, #tpu.memory_space<semaphore_mem>>
          %dma_start3A_69 = tpu.memref_slice %arg5[%add3A_64] : memref<160000xi32, #tpu.memory_space<hbm>> -> memref<80xi32, #tpu.memory_space<hbm>>
          %dma_start3A_70 = tpu.memref_slice %arg5[%add3A_64] : memref<160000xi32, #tpu.memory_space<hbm>> -> memref<80xi32, #tpu.memory_space<hbm>>
          tpu.enqueue_dma source(%dma_start3A_70 : memref<80xi32, #tpu.memory_space<hbm>>) target(%arg9 : memref<80xi32, #tpu.memory_space<vmem>>) target_semaphore(%run_scoped3A : memref<!tpu.dma_semaphore, #tpu.memory_space<semaphore_mem>>)
          %dma_wait3A_71 = tpu.memref_slice %arg5[%add3A_64] : memref<160000xi32, #tpu.memory_space<hbm>> -> memref<80xi32, #tpu.memory_space<hbm>>
          %dma_wait3A_72 = tpu.memref_slice %arg5[%add3A_64] : memref<160000xi32, #tpu.memory_space<hbm>> -> memref<80xi32, #tpu.memory_space<hbm>>
          tpu.wait_dma2 semaphore(%run_scoped3A : memref<!tpu.dma_semaphore, #tpu.memory_space<semaphore_mem>>) src(%dma_wait3A_72 : memref<80xi32, #tpu.memory_space<hbm>>) dst(%arg9 : memref<80xi32, #tpu.memory_space<vmem>>)
          tpu.yield
        }) : () -> ()
        %dma_start3A = arith.constant 0 : i32
        %dma_start3A_65 = arith.constant 0 : i32
        %dma_start3A_66 = tpu.memref_slice %arg3[%dma_start3A, %dma_start3A_65] : memref<10000x128xf32, #tpu.memory_space<hbm>> -> memref<10000x128xf32, #tpu.memory_space<hbm>>
        tpu.enqueue_indirect_dma source(%dma_start3A_66 : memref<10000x128xf32, #tpu.memory_space<hbm>>) target(%arg10 : memref<80x128xf32, #tpu.memory_space<vmem>>) offsets(%arg8 : memref<80xi32, #tpu.memory_space<vmem>>) semaphore(%arg12 : memref<!tpu.dma_semaphore, #tpu.memory_space<semaphore_mem>>)
        %dma_wait3A = arith.constant 0 : i32
        %dma_wait3A_67 = arith.constant 0 : i32
        %dma_wait3A_68 = tpu.memref_slice %arg3[%dma_wait3A, %dma_wait3A_67] : memref<10000x128xf32, #tpu.memory_space<hbm>> -> memref<10000x128xf32, #tpu.memory_space<hbm>>
        tpu.wait_indirect_dma semaphore(%arg12 : memref<!tpu.dma_semaphore, #tpu.memory_space<semaphore_mem>>) src(%dma_wait3A_68 : memref<10000x128xf32, #tpu.memory_space<hbm>>) dst(%arg10 : memref<80x128xf32, #tpu.memory_space<vmem>>)
        "tpu.region"() ({
          %run_scoped3A = tpu.sem_alloc : memref<!tpu.dma_semaphore, #tpu.memory_space<semaphore_mem>>
          %dma_start3A_69 = arith.constant 0 : i32
          %dma_start3A_70 = arith.constant 0 : i32
          %dma_start3A_71 = tpu.memref_slice %arg11[%dma_start3A_69, %dma_start3A_70] : memref<10240x128xf32, #tpu.memory_space<vmem_shared>> -> memref<10240x128xf32, #tpu.memory_space<vmem_shared>>
          tpu.enqueue_indirect_dma source(%arg10 : memref<80x128xf32, #tpu.memory_space<vmem>>) target(%dma_start3A_71 : memref<10240x128xf32, #tpu.memory_space<vmem_shared>>) offsets(%arg9 : memref<80xi32, #tpu.memory_space<vmem>>) semaphore(%run_scoped3A : memref<!tpu.dma_semaphore, #tpu.memory_space<semaphore_mem>>) {add = true}
          %dma_wait3A_72 = arith.constant 0 : i32
          %dma_wait3A_73 = arith.constant 0 : i32
          %dma_wait3A_74 = tpu.memref_slice %arg11[%dma_wait3A_72, %dma_wait3A_73] : memref<10240x128xf32, #tpu.memory_space<vmem_shared>> -> memref<10240x128xf32, #tpu.memory_space<vmem_shared>>
          tpu.wait_indirect_dma semaphore(%run_scoped3A : memref<!tpu.dma_semaphore, #tpu.memory_space<semaphore_mem>>) src(%arg10 : memref<80x128xf32, #tpu.memory_space<vmem>>) dst(%dma_wait3A_74 : memref<10240x128xf32, #tpu.memory_space<vmem_shared>>)
          tpu.yield
        }) : () -> ()
      }
      %scan3A_60 = arith.constant 125 : i32
    } else {
    }
    %barrier3A_42 = arith.constant 0 : index
    tpu.barrier barrier_id(%barrier3A_42)
    %eq3A_43 = arith.constant 0 : i32
    %eq3A_44 = arith.cmpi eq, %arg0, %eq3A_43 : i32
    %convert_element_type3A_45 = arith.extui %eq3A_44 : i1 to i32
    %cond3A_46 = arith.constant 0 : i32
    %cond3A_47 = arith.cmpi ne, %convert_element_type3A_45, %cond3A_46 : i32
    scf.if %cond3A_47 {
      %mul3A_53 = arith.constant 640 : i32
      %mul3A_54 = arith.muli %arg1, %mul3A_53 : i32
      %mul3A_55 = arith.constant 640 : i32
      %mul3A_56 = arith.muli %arg1, %mul3A_55 : i32
      "tpu.region"() ({
        %run_scoped3A = tpu.sem_alloc : memref<!tpu.dma_semaphore, #tpu.memory_space<semaphore_mem>>
        %dma_start3A = arith.constant 0 : i32
        %dma_start3A_57 = tpu.memref_slice %arg6[%mul3A_56, %dma_start3A] : memref<10240x128xf32, #tpu.memory_space<hbm>> -> memref<640x128xf32, #tpu.memory_space<hbm>>
        %dma_start3A_58 = arith.constant 0 : i32
        %dma_start3A_59 = tpu.memref_slice %arg11[%mul3A_54, %dma_start3A_58] : memref<10240x128xf32, #tpu.memory_space<vmem_shared>> -> memref<640x128xf32, #tpu.memory_space<vmem_shared>>
        tpu.enqueue_dma source(%dma_start3A_59 : memref<640x128xf32, #tpu.memory_space<vmem_shared>>) target(%dma_start3A_57 : memref<640x128xf32, #tpu.memory_space<hbm>>) target_semaphore(%run_scoped3A : memref<!tpu.dma_semaphore, #tpu.memory_space<semaphore_mem>>)
        %dma_wait3A = arith.constant 0 : i32
        %dma_wait3A_60 = tpu.memref_slice %arg6[%mul3A_56, %dma_wait3A] : memref<10240x128xf32, #tpu.memory_space<hbm>> -> memref<640x128xf32, #tpu.memory_space<hbm>>
        %dma_wait3A_61 = arith.constant 0 : i32
        %dma_wait3A_62 = tpu.memref_slice %arg11[%mul3A_54, %dma_wait3A_61] : memref<10240x128xf32, #tpu.memory_space<vmem_shared>> -> memref<640x128xf32, #tpu.memory_space<vmem_shared>>
        tpu.wait_dma2 semaphore(%run_scoped3A : memref<!tpu.dma_semaphore, #tpu.memory_space<semaphore_mem>>) src(%dma_wait3A_62 : memref<640x128xf32, #tpu.memory_space<vmem_shared>>) dst(%dma_wait3A_60 : memref<640x128xf32, #tpu.memory_space<hbm>>)
        tpu.yield
      }) : () -> ()
    } else {
    }
    %eq3A_48 = arith.constant 1 : i32
    %eq3A_49 = arith.cmpi eq, %arg0, %eq3A_48 : i32
    %convert_element_type3A_50 = arith.extui %eq3A_49 : i1 to i32
    %cond3A_51 = arith.constant 0 : i32
    %cond3A_52 = arith.cmpi ne, %convert_element_type3A_50, %cond3A_51 : i32
    scf.if %cond3A_52 {
      %mul3A_53 = arith.constant 640 : i32
      %mul3A_54 = arith.muli %arg1, %mul3A_53 : i32
      %mul3A_55 = arith.constant 640 : i32
      %mul3A_56 = arith.muli %arg1, %mul3A_55 : i32
      "tpu.region"() ({
        %run_scoped3A = tpu.sem_alloc : memref<!tpu.dma_semaphore, #tpu.memory_space<semaphore_mem>>
        %dma_start3A = arith.constant 0 : i32
        %dma_start3A_57 = tpu.memref_slice %arg7[%mul3A_56, %dma_start3A] : memref<10240x128xf32, #tpu.memory_space<hbm>> -> memref<640x128xf32, #tpu.memory_space<hbm>>
        %dma_start3A_58 = arith.constant 0 : i32
        %dma_start3A_59 = tpu.memref_slice %arg11[%mul3A_54, %dma_start3A_58] : memref<10240x128xf32, #tpu.memory_space<vmem_shared>> -> memref<640x128xf32, #tpu.memory_space<vmem_shared>>
        tpu.enqueue_dma source(%dma_start3A_59 : memref<640x128xf32, #tpu.memory_space<vmem_shared>>) target(%dma_start3A_57 : memref<640x128xf32, #tpu.memory_space<hbm>>) target_semaphore(%run_scoped3A : memref<!tpu.dma_semaphore, #tpu.memory_space<semaphore_mem>>)
        %dma_wait3A = arith.constant 0 : i32
        %dma_wait3A_60 = tpu.memref_slice %arg7[%mul3A_56, %dma_wait3A] : memref<10240x128xf32, #tpu.memory_space<hbm>> -> memref<640x128xf32, #tpu.memory_space<hbm>>
        %dma_wait3A_61 = arith.constant 0 : i32
        %dma_wait3A_62 = tpu.memref_slice %arg11[%mul3A_54, %dma_wait3A_61] : memref<10240x128xf32, #tpu.memory_space<vmem_shared>> -> memref<640x128xf32, #tpu.memory_space<vmem_shared>>
        tpu.wait_dma2 semaphore(%run_scoped3A : memref<!tpu.dma_semaphore, #tpu.memory_space<semaphore_mem>>) src(%dma_wait3A_62 : memref<640x128xf32, #tpu.memory_space<vmem_shared>>) dst(%dma_wait3A_60 : memref<640x128xf32, #tpu.memory_space<hbm>>)
        tpu.yield
      }) : () -> ()
    } else {
    }
    return
  }
}

module attributes {stable_mosaic.version = 14 : i64} {
  func.func @_in_proj_body(%arg0: i32, %arg1: memref<1000x256xf32, #tpu.memory_space<vmem>>, %arg2: memref<256x256xf32, #tpu.memory_space<vmem>>, %arg3: memref<1x256xf32, #tpu.memory_space<vmem>>, %arg4: memref<1000x256xf32, #tpu.memory_space<vmem>>) attributes {dimension_semantics = [#tpu.dimension_semantics<arbitrary>], iteration_bounds = array<i64: 10>, scalar_prefetch = 0 : i64, scratch_operands = 0 : i64, tpu.core_type = #tpu.core_type<tc>, window_params = [{transform_indices = @transform_0, window_bounds = array<i64: 1000, 256>}, {pipeline_mode = #tpu.pipeline_mode<synchronous>, transform_indices = @transform_1, window_bounds = array<i64: 256, 256>}, {pipeline_mode = #tpu.pipeline_mode<synchronous>, transform_indices = @transform_2, window_bounds = array<i64: 1, 256>}, {transform_indices = @transform_3, window_bounds = array<i64: 1000, 256>}]} {
    %get3A = arith.constant 0 : index
    %get3A_0 = arith.constant 0 : index
    %get3A_1 = vector.load %arg1[%get3A, %get3A_0] : memref<1000x256xf32, #tpu.memory_space<vmem>>, vector<1000x256xf32>
    %get3A_2 = arith.constant 0 : index
    %get3A_3 = arith.constant 0 : index
    %get3A_4 = vector.load %arg2[%get3A_2, %get3A_3] : memref<256x256xf32, #tpu.memory_space<vmem>>, vector<256x256xf32>
    %dot_general3A = arith.constant dense<0.000000e+00> : vector<1000x256xf32>
    %dot_general3A_5 = tpu.matmul %get3A_1, %get3A_4, %dot_general3A {dimension_numbers = #tpu.dot_dimension_numbers<[1], [0], [0], [1], [0, 0, 1, 1], [], []>, transpose_lhs_hint = false} : vector<1000x256xf32>, vector<256x256xf32>, vector<1000x256xf32> -> vector<1000x256xf32>
    %get3A_6 = arith.constant 0 : index
    %get3A_7 = arith.constant 0 : index
    %get3A_8 = vector.load %arg3[%get3A_6, %get3A_7] : memref<1x256xf32, #tpu.memory_space<vmem>>, vector<1x256xf32>
    %add3A = vector.broadcast %get3A_8 : vector<1x256xf32> to vector<1000x256xf32>
    %add3A_9 = arith.addf %dot_general3A_5, %add3A : vector<1000x256xf32>
    %gt3A = arith.constant 0.000000e+00 : f32
    %gt3A_10 = vector.broadcast %gt3A : f32 to vector<1000x256xf32>
    %gt3A_11 = arith.cmpf ogt, %add3A_9, %gt3A_10 : vector<1000x256xf32>
    %min3A = arith.constant 0.000000e+00 : f32
    %min3A_12 = vector.broadcast %min3A : f32 to vector<1000x256xf32>
    %min3A_13 = arith.minimumf %add3A_9, %min3A_12 : vector<1000x256xf32>
    %exp3A = math.exp %min3A_13 : vector<1000x256xf32>
    %sub3A = arith.constant 1.000000e+00 : f32
    %sub3A_14 = vector.broadcast %sub3A : f32 to vector<1000x256xf32>
    %sub3A_15 = arith.subf %exp3A, %sub3A_14 : vector<1000x256xf32>
    %select_n3A = arith.select %gt3A_11, %add3A_9, %sub3A_15 : vector<1000x256xi1>, vector<1000x256xf32>
    %swap3A = arith.constant 0 : index
    %swap3A_16 = arith.constant 0 : index
    %swap3A_17 = vector.load %arg4[%swap3A, %swap3A_16] : memref<1000x256xf32, #tpu.memory_space<vmem>>, vector<1000x256xf32>
    tpu.vector_store %arg4[%swap3A, %swap3A_16], %select_n3A {strides = array<i32>} : memref<1000x256xf32, #tpu.memory_space<vmem>>, vector<1000x256xf32>,
    return
  }
  func.func @transform_0(%arg0: i32) -> (i32, i32) {
    %c0_i32 = arith.constant 0 : i32
    %c0_i32_0 = arith.constant 0 : i32
    return %arg0, %c0_i32 : i32, i32
  }
  func.func @transform_1(%arg0: i32) -> (i32, i32) {
    %c0_i32 = arith.constant 0 : i32
    %c0_i32_0 = arith.constant 0 : i32
    %c0_i32_1 = arith.constant 0 : i32
    return %c0_i32, %c0_i32_0 : i32, i32
  }
  func.func @transform_2(%arg0: i32) -> (i32, i32) {
    %c0_i32 = arith.constant 0 : i32
    %c0_i32_0 = arith.constant 0 : i32
    %c0_i32_1 = arith.constant 0 : i32
    return %c0_i32, %c0_i32_0 : i32, i32
  }
  func.func @transform_3(%arg0: i32) -> (i32, i32) {
    %c0_i32 = arith.constant 0 : i32
    %c0_i32_0 = arith.constant 0 : i32
    return %arg0, %c0_i32 : i32, i32
  }
}

module attributes {stable_mosaic.version = 14 : i64} {
  func.func @_mm_split_body(%arg0: i32, %arg1: memref<1000x256xf32, #tpu.memory_space<vmem>>, %arg2: memref<256x256xf32, #tpu.memory_space<vmem>>, %arg3: memref<1000x1xf32, #tpu.memory_space<vmem>>, %arg4: memref<1000x1xf32, #tpu.memory_space<vmem>>, %arg5: memref<1000x128xf32, #tpu.memory_space<vmem>>, %arg6: memref<1000x128xf32, #tpu.memory_space<vmem>>) attributes {dimension_semantics = [#tpu.dimension_semantics<arbitrary>], iteration_bounds = array<i64: 10>, scalar_prefetch = 0 : i64, scratch_operands = 0 : i64, tpu.core_type = #tpu.core_type<tc>, window_params = [{transform_indices = @transform_0, window_bounds = array<i64: 1000, 256>}, {pipeline_mode = #tpu.pipeline_mode<synchronous>, transform_indices = @transform_1, window_bounds = array<i64: 256, 256>}, {transform_indices = @transform_2, window_bounds = array<i64: 1000, 1>}, {transform_indices = @transform_3, window_bounds = array<i64: 1000, 1>}, {transform_indices = @transform_4, window_bounds = array<i64: 1000, 128>}, {transform_indices = @transform_5, window_bounds = array<i64: 1000, 128>}]} {
    %get3A = arith.constant 0 : index
    %get3A_0 = arith.constant 0 : index
    %get3A_1 = vector.load %arg3[%get3A, %get3A_0] : memref<1000x1xf32, #tpu.memory_space<vmem>>, vector<1000x1xf32>
    %get3A_2 = arith.constant 0 : index
    %get3A_3 = arith.constant 0 : index
    %get3A_4 = vector.load %arg4[%get3A_2, %get3A_3] : memref<1000x1xf32, #tpu.memory_space<vmem>>, vector<1000x1xf32>
    %add3A = arith.addf %get3A_1, %get3A_4 : vector<1000x1xf32>
    %add3A_5 = arith.constant 1.000000e+00 : f32
    %add3A_6 = vector.broadcast %add3A_5 : f32 to vector<1000x1xf32>
    %add3A_7 = arith.addf %add3A, %add3A_6 : vector<1000x1xf32>
    %rsqrt3A = math.rsqrt %add3A_7 : vector<1000x1xf32>
    %get3A_8 = arith.constant 0 : index
    %get3A_9 = arith.constant 0 : index
    %get3A_10 = vector.load %arg1[%get3A_8, %get3A_9] : memref<1000x256xf32, #tpu.memory_space<vmem>>, vector<1000x256xf32>
    %get3A_11 = arith.constant 0 : index
    %get3A_12 = arith.constant 0 : index
    %get3A_13 = vector.load %arg2[%get3A_11, %get3A_12] : memref<256x256xf32, #tpu.memory_space<vmem>>, vector<256x256xf32>
    %dot_general3A = arith.constant dense<0.000000e+00> : vector<1000x256xf32>
    %dot_general3A_14 = tpu.matmul %get3A_10, %get3A_13, %dot_general3A {dimension_numbers = #tpu.dot_dimension_numbers<[1], [0], [0], [1], [0, 0, 1, 1], [], []>, transpose_lhs_hint = false} : vector<1000x256xf32>, vector<256x256xf32>, vector<1000x256xf32> -> vector<1000x256xf32>
    %mul3A = vector.broadcast %rsqrt3A : vector<1000x1xf32> to vector<1000x256xf32>
    %mul3A_15 = arith.mulf %dot_general3A_14, %mul3A : vector<1000x256xf32>
    %slice3A = vector.extract_strided_slice %mul3A_15 {offsets = [0, 0], sizes = [1000, 128], strides = [1, 1]} : vector<1000x256xf32> to vector<1000x128xf32>
    %swap3A = arith.constant 0 : index
    %swap3A_16 = arith.constant 0 : index
    %swap3A_17 = vector.load %arg5[%swap3A, %swap3A_16] : memref<1000x128xf32, #tpu.memory_space<vmem>>, vector<1000x128xf32>
    tpu.vector_store %arg5[%swap3A, %swap3A_16], %slice3A {strides = array<i32>} : memref<1000x128xf32, #tpu.memory_space<vmem>>, vector<1000x128xf32>,
    %slice3A_18 = vector.extract_strided_slice %mul3A_15 {offsets = [0, 128], sizes = [1000, 128], strides = [1, 1]} : vector<1000x256xf32> to vector<1000x128xf32>
    %swap3A_19 = arith.constant 0 : index
    %swap3A_20 = arith.constant 0 : index
    %swap3A_21 = vector.load %arg6[%swap3A_19, %swap3A_20] : memref<1000x128xf32, #tpu.memory_space<vmem>>, vector<1000x128xf32>
    tpu.vector_store %arg6[%swap3A_19, %swap3A_20], %slice3A_18 {strides = array<i32>} : memref<1000x128xf32, #tpu.memory_space<vmem>>, vector<1000x128xf32>,
    return
  }
  func.func @transform_0(%arg0: i32) -> (i32, i32) {
    %c0_i32 = arith.constant 0 : i32
    %c0_i32_0 = arith.constant 0 : i32
    return %arg0, %c0_i32 : i32, i32
  }
  func.func @transform_1(%arg0: i32) -> (i32, i32) {
    %c0_i32 = arith.constant 0 : i32
    %c0_i32_0 = arith.constant 0 : i32
    %c0_i32_1 = arith.constant 0 : i32
    return %c0_i32, %c0_i32_0 : i32, i32
  }
  func.func @transform_2(%arg0: i32) -> (i32, i32) {
    %c0_i32 = arith.constant 0 : i32
    %c0_i32_0 = arith.constant 0 : i32
    return %arg0, %c0_i32 : i32, i32
  }
  func.func @transform_3(%arg0: i32) -> (i32, i32) {
    %c0_i32 = arith.constant 0 : i32
    %c0_i32_0 = arith.constant 0 : i32
    return %arg0, %c0_i32 : i32, i32
  }
  func.func @transform_4(%arg0: i32) -> (i32, i32) {
    %c0_i32 = arith.constant 0 : i32
    %c0_i32_0 = arith.constant 0 : i32
    return %arg0, %c0_i32 : i32, i32
  }
  func.func @transform_5(%arg0: i32) -> (i32, i32) {
    %c0_i32 = arith.constant 0 : i32
    %c0_i32_0 = arith.constant 0 : i32
    return %arg0, %c0_i32 : i32, i32
  }
}

module attributes {stable_mosaic.version = 14 : i64} {
  func.func @_step_body(%arg0: i32, %arg1: memref<1000x128xf32, #tpu.memory_space<vmem>>, %arg2: memref<1000x128xf32, #tpu.memory_space<vmem>>, %arg3: memref<1000x128xf32, #tpu.memory_space<vmem>>, %arg4: memref<1000x128xf32, #tpu.memory_space<vmem>>, %arg5: memref<1000x1xf32, #tpu.memory_space<vmem>>, %arg6: memref<1000x1xf32, #tpu.memory_space<vmem>>, %arg7: memref<1x256xf32, #tpu.memory_space<vmem>>, %arg8: memref<1x256xf32, #tpu.memory_space<vmem>>, %arg9: memref<1x256xf32, #tpu.memory_space<vmem>>, %arg10: memref<256x256xf32, #tpu.memory_space<vmem>>, %arg11: memref<1000x128xf32, #tpu.memory_space<vmem>>, %arg12: memref<1000x128xf32, #tpu.memory_space<vmem>>) attributes {dimension_semantics = [#tpu.dimension_semantics<arbitrary>], iteration_bounds = array<i64: 10>, scalar_prefetch = 0 : i64, scratch_operands = 0 : i64, tpu.core_type = #tpu.core_type<tc>, window_params = [{transform_indices = @transform_0, window_bounds = array<i64: 1000, 128>}, {transform_indices = @transform_1, window_bounds = array<i64: 1000, 128>}, {transform_indices = @transform_2, window_bounds = array<i64: 1000, 128>}, {transform_indices = @transform_3, window_bounds = array<i64: 1000, 128>}, {transform_indices = @transform_4, window_bounds = array<i64: 1000, 1>}, {transform_indices = @transform_5, window_bounds = array<i64: 1000, 1>}, {pipeline_mode = #tpu.pipeline_mode<synchronous>, transform_indices = @transform_6, window_bounds = array<i64: 1, 256>}, {pipeline_mode = #tpu.pipeline_mode<synchronous>, transform_indices = @transform_7, window_bounds = array<i64: 1, 256>}, {pipeline_mode = #tpu.pipeline_mode<synchronous>, transform_indices = @transform_8, window_bounds = array<i64: 1, 256>}, {pipeline_mode = #tpu.pipeline_mode<synchronous>, transform_indices = @transform_9, window_bounds = array<i64: 256, 256>}, {transform_indices = @transform_10, window_bounds = array<i64: 1000, 128>}, {transform_indices = @transform_11, window_bounds = array<i64: 1000, 128>}]} {
    %get3A = arith.constant 0 : index
    %get3A_0 = arith.constant 0 : index
    %get3A_1 = vector.load %arg1[%get3A, %get3A_0] : memref<1000x128xf32, #tpu.memory_space<vmem>>, vector<1000x128xf32>
    %get3A_2 = arith.constant 0 : index
    %get3A_3 = arith.constant 0 : index
    %get3A_4 = vector.load %arg2[%get3A_2, %get3A_3] : memref<1000x128xf32, #tpu.memory_space<vmem>>, vector<1000x128xf32>
    %get3A_5 = arith.constant 0 : index
    %get3A_6 = arith.constant 0 : index
    %get3A_7 = vector.load %arg3[%get3A_5, %get3A_6] : memref<1000x128xf32, #tpu.memory_space<vmem>>, vector<1000x128xf32>
    %get3A_8 = arith.constant 0 : index
    %get3A_9 = arith.constant 0 : index
    %get3A_10 = vector.load %arg4[%get3A_8, %get3A_9] : memref<1000x128xf32, #tpu.memory_space<vmem>>, vector<1000x128xf32>
    %get3A_11 = arith.constant 0 : index
    %get3A_12 = arith.constant 0 : index
    %get3A_13 = vector.load %arg5[%get3A_11, %get3A_12] : memref<1000x1xf32, #tpu.memory_space<vmem>>, vector<1000x1xf32>
    %get3A_14 = arith.constant 0 : index
    %get3A_15 = arith.constant 0 : index
    %get3A_16 = vector.load %arg6[%get3A_14, %get3A_15] : memref<1000x1xf32, #tpu.memory_space<vmem>>, vector<1000x1xf32>
    %get3A_17 = arith.constant 0 : index
    %get3A_18 = arith.constant 0 : index
    %get3A_19 = vector.load %arg7[%get3A_17, %get3A_18] : memref<1x256xf32, #tpu.memory_space<vmem>>, vector<1x256xf32>
    %get3A_20 = arith.constant 0 : index
    %get3A_21 = arith.constant 0 : index
    %get3A_22 = vector.load %arg8[%get3A_20, %get3A_21] : memref<1x256xf32, #tpu.memory_space<vmem>>, vector<1x256xf32>
    %get3A_23 = arith.constant 0 : index
    %get3A_24 = arith.constant 0 : index
    %get3A_25 = vector.load %arg9[%get3A_23, %get3A_24] : memref<1x256xf32, #tpu.memory_space<vmem>>, vector<1x256xf32>
    %add3A = arith.addf %get3A_13, %get3A_16 : vector<1000x1xf32>
    %add3A_26 = arith.constant 1.000000e+00 : f32
    %add3A_27 = vector.broadcast %add3A_26 : f32 to vector<1000x1xf32>
    %add3A_28 = arith.addf %add3A, %add3A_27 : vector<1000x1xf32>
    %rsqrt3A = math.rsqrt %add3A_28 : vector<1000x1xf32>
    %add3A_29 = arith.addf %get3A_1, %get3A_7 : vector<1000x128xf32>
    %add3A_30 = arith.addf %get3A_4, %get3A_10 : vector<1000x128xf32>
    %concatenate3A = tpu.concatenate %add3A_29, %add3A_30 in 1 : vector<1000x128xf32>, vector<1000x128xf32> -> vector<1000x256xf32>
    %mul3A = vector.broadcast %rsqrt3A : vector<1000x1xf32> to vector<1000x256xf32>
    %mul3A_31 = arith.mulf %concatenate3A, %mul3A : vector<1000x256xf32>
    %add3A_32 = vector.broadcast %get3A_19 : vector<1x256xf32> to vector<1000x256xf32>
    %add3A_33 = arith.addf %mul3A_31, %add3A_32 : vector<1000x256xf32>
    %gt3A = arith.constant 0.000000e+00 : f32
    %gt3A_34 = vector.broadcast %gt3A : f32 to vector<1000x256xf32>
    %gt3A_35 = arith.cmpf ogt, %add3A_33, %gt3A_34 : vector<1000x256xf32>
    %min3A = arith.constant 0.000000e+00 : f32
    %min3A_36 = vector.broadcast %min3A : f32 to vector<1000x256xf32>
    %min3A_37 = arith.minimumf %add3A_33, %min3A_36 : vector<1000x256xf32>
    %exp3A = math.exp %min3A_37 : vector<1000x256xf32>
    %sub3A = arith.constant 1.000000e+00 : f32
    %sub3A_38 = vector.broadcast %sub3A : f32 to vector<1000x256xf32>
    %sub3A_39 = arith.subf %exp3A, %sub3A_38 : vector<1000x256xf32>
    %select_n3A = arith.select %gt3A_35, %add3A_33, %sub3A_39 : vector<1000x256xi1>, vector<1000x256xf32>
    %reduce_sum3A = arith.constant dense<0.000000e+00> : vector<1000xf32>
    %reduce_sum3A_40 = vector.multi_reduction <add>, %select_n3A, %reduce_sum3A [1] : vector<1000x256xf32> to vector<1000xf32>
    %broadcast_in_dim3A = vector.shape_cast %reduce_sum3A_40 : vector<1000xf32> to vector<1000x1xf32>
    %div3A = arith.constant 2.560000e+02 : f32
    %div3A_41 = vector.broadcast %div3A : f32 to vector<1000x1xf32>
    %div3A_42 = arith.divf %broadcast_in_dim3A, %div3A_41 : vector<1000x1xf32>
    %sub3A_43 = vector.broadcast %div3A_42 : vector<1000x1xf32> to vector<1000x256xf32>
    %sub3A_44 = arith.subf %select_n3A, %sub3A_43 : vector<1000x256xf32>
    %integer_pow3A = arith.mulf %sub3A_44, %sub3A_44 : vector<1000x256xf32>
    %reduce_sum3A_45 = arith.constant dense<0.000000e+00> : vector<1000xf32>
    %reduce_sum3A_46 = vector.multi_reduction <add>, %integer_pow3A, %reduce_sum3A_45 [1] : vector<1000x256xf32> to vector<1000xf32>
    %broadcast_in_dim3A_47 = vector.shape_cast %reduce_sum3A_46 : vector<1000xf32> to vector<1000x1xf32>
    %div3A_48 = arith.constant 2.560000e+02 : f32
    %div3A_49 = vector.broadcast %div3A_48 : f32 to vector<1000x1xf32>
    %div3A_50 = arith.divf %broadcast_in_dim3A_47, %div3A_49 : vector<1000x1xf32>
    %sub3A_51 = vector.broadcast %div3A_42 : vector<1000x1xf32> to vector<1000x256xf32>
    %sub3A_52 = arith.subf %select_n3A, %sub3A_51 : vector<1000x256xf32>
    %add3A_53 = arith.constant 9.99999974E-6 : f32
    %add3A_54 = vector.broadcast %add3A_53 : f32 to vector<1000x1xf32>
    %add3A_55 = arith.addf %div3A_50, %add3A_54 : vector<1000x1xf32>
    %rsqrt3A_56 = math.rsqrt %add3A_55 : vector<1000x1xf32>
    %mul3A_57 = vector.broadcast %rsqrt3A_56 : vector<1000x1xf32> to vector<1000x256xf32>
    %mul3A_58 = arith.mulf %sub3A_52, %mul3A_57 : vector<1000x256xf32>
    %mul3A_59 = vector.broadcast %get3A_22 : vector<1x256xf32> to vector<1000x256xf32>
    %mul3A_60 = arith.mulf %mul3A_58, %mul3A_59 : vector<1000x256xf32>
    %add3A_61 = vector.broadcast %get3A_25 : vector<1x256xf32> to vector<1000x256xf32>
    %add3A_62 = arith.addf %mul3A_60, %add3A_61 : vector<1000x256xf32>
    %get3A_63 = arith.constant 0 : index
    %get3A_64 = arith.constant 0 : index
    %get3A_65 = vector.load %arg5[%get3A_63, %get3A_64] : memref<1000x1xf32, #tpu.memory_space<vmem>>, vector<1000x1xf32>
    %get3A_66 = arith.constant 0 : index
    %get3A_67 = arith.constant 0 : index
    %get3A_68 = vector.load %arg6[%get3A_66, %get3A_67] : memref<1000x1xf32, #tpu.memory_space<vmem>>, vector<1000x1xf32>
    %add3A_69 = arith.addf %get3A_65, %get3A_68 : vector<1000x1xf32>
    %add3A_70 = arith.constant 1.000000e+00 : f32
    %add3A_71 = vector.broadcast %add3A_70 : f32 to vector<1000x1xf32>
    %add3A_72 = arith.addf %add3A_69, %add3A_71 : vector<1000x1xf32>
    %rsqrt3A_73 = math.rsqrt %add3A_72 : vector<1000x1xf32>
    %get3A_74 = arith.constant 0 : index
    %get3A_75 = arith.constant 0 : index
    %get3A_76 = vector.load %arg10[%get3A_74, %get3A_75] : memref<256x256xf32, #tpu.memory_space<vmem>>, vector<256x256xf32>
    %dot_general3A = arith.constant dense<0.000000e+00> : vector<1000x256xf32>
    %dot_general3A_77 = tpu.matmul %add3A_62, %get3A_76, %dot_general3A {dimension_numbers = #tpu.dot_dimension_numbers<[1], [0], [0], [1], [0, 0, 1, 1], [], []>, transpose_lhs_hint = false} : vector<1000x256xf32>, vector<256x256xf32>, vector<1000x256xf32> -> vector<1000x256xf32>
    %mul3A_78 = vector.broadcast %rsqrt3A_73 : vector<1000x1xf32> to vector<1000x256xf32>
    %mul3A_79 = arith.mulf %dot_general3A_77, %mul3A_78 : vector<1000x256xf32>
    %slice3A = vector.extract_strided_slice %mul3A_79 {offsets = [0, 0], sizes = [1000, 128], strides = [1, 1]} : vector<1000x256xf32> to vector<1000x128xf32>
    %swap3A = arith.constant 0 : index
    %swap3A_80 = arith.constant 0 : index
    %swap3A_81 = vector.load %arg11[%swap3A, %swap3A_80] : memref<1000x128xf32, #tpu.memory_space<vmem>>, vector<1000x128xf32>
    tpu.vector_store %arg11[%swap3A, %swap3A_80], %slice3A {strides = array<i32>} : memref<1000x128xf32, #tpu.memory_space<vmem>>, vector<1000x128xf32>,
    %slice3A_82 = vector.extract_strided_slice %mul3A_79 {offsets = [0, 128], sizes = [1000, 128], strides = [1, 1]} : vector<1000x256xf32> to vector<1000x128xf32>
    %swap3A_83 = arith.constant 0 : index
    %swap3A_84 = arith.constant 0 : index
    %swap3A_85 = vector.load %arg12[%swap3A_83, %swap3A_84] : memref<1000x128xf32, #tpu.memory_space<vmem>>, vector<1000x128xf32>
    tpu.vector_store %arg12[%swap3A_83, %swap3A_84], %slice3A_82 {strides = array<i32>} : memref<1000x128xf32, #tpu.memory_space<vmem>>, vector<1000x128xf32>,
    return
  }
  func.func @transform_0(%arg0: i32) -> (i32, i32) {
    %c0_i32 = arith.constant 0 : i32
    %c0_i32_0 = arith.constant 0 : i32
    return %arg0, %c0_i32 : i32, i32
  }
  func.func @transform_1(%arg0: i32) -> (i32, i32) {
    %c0_i32 = arith.constant 0 : i32
    %c0_i32_0 = arith.constant 0 : i32
    return %arg0, %c0_i32 : i32, i32
  }
  func.func @transform_2(%arg0: i32) -> (i32, i32) {
    %c0_i32 = arith.constant 0 : i32
    %c0_i32_0 = arith.constant 0 : i32
    return %arg0, %c0_i32 : i32, i32
  }
  func.func @transform_3(%arg0: i32) -> (i32, i32) {
    %c0_i32 = arith.constant 0 : i32
    %c0_i32_0 = arith.constant 0 : i32
    return %arg0, %c0_i32 : i32, i32
  }
  func.func @transform_4(%arg0: i32) -> (i32, i32) {
    %c0_i32 = arith.constant 0 : i32
    %c0_i32_0 = arith.constant 0 : i32
    return %arg0, %c0_i32 : i32, i32
  }
  func.func @transform_5(%arg0: i32) -> (i32, i32) {
    %c0_i32 = arith.constant 0 : i32
    %c0_i32_0 = arith.constant 0 : i32
    return %arg0, %c0_i32 : i32, i32
  }
  func.func @transform_6(%arg0: i32) -> (i32, i32) {
    %c0_i32 = arith.constant 0 : i32
    %c0_i32_0 = arith.constant 0 : i32
    %c0_i32_1 = arith.constant 0 : i32
    return %c0_i32, %c0_i32_0 : i32, i32
  }
  func.func @transform_7(%arg0: i32) -> (i32, i32) {
    %c0_i32 = arith.constant 0 : i32
    %c0_i32_0 = arith.constant 0 : i32
    %c0_i32_1 = arith.constant 0 : i32
    return %c0_i32, %c0_i32_0 : i32, i32
  }
  func.func @transform_8(%arg0: i32) -> (i32, i32) {
    %c0_i32 = arith.constant 0 : i32
    %c0_i32_0 = arith.constant 0 : i32
    %c0_i32_1 = arith.constant 0 : i32
    return %c0_i32, %c0_i32_0 : i32, i32
  }
  func.func @transform_9(%arg0: i32) -> (i32, i32) {
    %c0_i32 = arith.constant 0 : i32
    %c0_i32_0 = arith.constant 0 : i32
    %c0_i32_1 = arith.constant 0 : i32
    return %c0_i32, %c0_i32_0 : i32, i32
  }
  func.func @transform_10(%arg0: i32) -> (i32, i32) {
    %c0_i32 = arith.constant 0 : i32
    %c0_i32_0 = arith.constant 0 : i32
    return %arg0, %c0_i32 : i32, i32
  }
  func.func @transform_11(%arg0: i32) -> (i32, i32) {
    %c0_i32 = arith.constant 0 : i32
    %c0_i32_0 = arith.constant 0 : i32
    return %arg0, %c0_i32 : i32, i32
  }
}

module attributes {stable_mosaic.version = 14 : i64} {
  func.func @_post_body(%arg0: i32, %arg1: memref<1000x128xf32, #tpu.memory_space<vmem>>, %arg2: memref<1000x128xf32, #tpu.memory_space<vmem>>, %arg3: memref<1000x128xf32, #tpu.memory_space<vmem>>, %arg4: memref<1000x128xf32, #tpu.memory_space<vmem>>, %arg5: memref<1000x1xf32, #tpu.memory_space<vmem>>, %arg6: memref<1000x1xf32, #tpu.memory_space<vmem>>, %arg7: memref<1x256xf32, #tpu.memory_space<vmem>>, %arg8: memref<1x256xf32, #tpu.memory_space<vmem>>, %arg9: memref<1x256xf32, #tpu.memory_space<vmem>>, %arg10: memref<1000x256xf32, #tpu.memory_space<vmem>>) attributes {dimension_semantics = [#tpu.dimension_semantics<arbitrary>], iteration_bounds = array<i64: 10>, scalar_prefetch = 0 : i64, scratch_operands = 0 : i64, tpu.core_type = #tpu.core_type<tc>, window_params = [{transform_indices = @transform_0, window_bounds = array<i64: 1000, 128>}, {transform_indices = @transform_1, window_bounds = array<i64: 1000, 128>}, {transform_indices = @transform_2, window_bounds = array<i64: 1000, 128>}, {transform_indices = @transform_3, window_bounds = array<i64: 1000, 128>}, {transform_indices = @transform_4, window_bounds = array<i64: 1000, 1>}, {transform_indices = @transform_5, window_bounds = array<i64: 1000, 1>}, {pipeline_mode = #tpu.pipeline_mode<synchronous>, transform_indices = @transform_6, window_bounds = array<i64: 1, 256>}, {pipeline_mode = #tpu.pipeline_mode<synchronous>, transform_indices = @transform_7, window_bounds = array<i64: 1, 256>}, {pipeline_mode = #tpu.pipeline_mode<synchronous>, transform_indices = @transform_8, window_bounds = array<i64: 1, 256>}, {transform_indices = @transform_9, window_bounds = array<i64: 1000, 256>}]} {
    %get3A = arith.constant 0 : index
    %get3A_0 = arith.constant 0 : index
    %get3A_1 = vector.load %arg1[%get3A, %get3A_0] : memref<1000x128xf32, #tpu.memory_space<vmem>>, vector<1000x128xf32>
    %get3A_2 = arith.constant 0 : index
    %get3A_3 = arith.constant 0 : index
    %get3A_4 = vector.load %arg2[%get3A_2, %get3A_3] : memref<1000x128xf32, #tpu.memory_space<vmem>>, vector<1000x128xf32>
    %get3A_5 = arith.constant 0 : index
    %get3A_6 = arith.constant 0 : index
    %get3A_7 = vector.load %arg3[%get3A_5, %get3A_6] : memref<1000x128xf32, #tpu.memory_space<vmem>>, vector<1000x128xf32>
    %get3A_8 = arith.constant 0 : index
    %get3A_9 = arith.constant 0 : index
    %get3A_10 = vector.load %arg4[%get3A_8, %get3A_9] : memref<1000x128xf32, #tpu.memory_space<vmem>>, vector<1000x128xf32>
    %get3A_11 = arith.constant 0 : index
    %get3A_12 = arith.constant 0 : index
    %get3A_13 = vector.load %arg5[%get3A_11, %get3A_12] : memref<1000x1xf32, #tpu.memory_space<vmem>>, vector<1000x1xf32>
    %get3A_14 = arith.constant 0 : index
    %get3A_15 = arith.constant 0 : index
    %get3A_16 = vector.load %arg6[%get3A_14, %get3A_15] : memref<1000x1xf32, #tpu.memory_space<vmem>>, vector<1000x1xf32>
    %get3A_17 = arith.constant 0 : index
    %get3A_18 = arith.constant 0 : index
    %get3A_19 = vector.load %arg7[%get3A_17, %get3A_18] : memref<1x256xf32, #tpu.memory_space<vmem>>, vector<1x256xf32>
    %get3A_20 = arith.constant 0 : index
    %get3A_21 = arith.constant 0 : index
    %get3A_22 = vector.load %arg8[%get3A_20, %get3A_21] : memref<1x256xf32, #tpu.memory_space<vmem>>, vector<1x256xf32>
    %get3A_23 = arith.constant 0 : index
    %get3A_24 = arith.constant 0 : index
    %get3A_25 = vector.load %arg9[%get3A_23, %get3A_24] : memref<1x256xf32, #tpu.memory_space<vmem>>, vector<1x256xf32>
    %add3A = arith.addf %get3A_13, %get3A_16 : vector<1000x1xf32>
    %add3A_26 = arith.constant 1.000000e+00 : f32
    %add3A_27 = vector.broadcast %add3A_26 : f32 to vector<1000x1xf32>
    %add3A_28 = arith.addf %add3A, %add3A_27 : vector<1000x1xf32>
    %rsqrt3A = math.rsqrt %add3A_28 : vector<1000x1xf32>
    %add3A_29 = arith.addf %get3A_1, %get3A_7 : vector<1000x128xf32>
    %add3A_30 = arith.addf %get3A_4, %get3A_10 : vector<1000x128xf32>
    %concatenate3A = tpu.concatenate %add3A_29, %add3A_30 in 1 : vector<1000x128xf32>, vector<1000x128xf32> -> vector<1000x256xf32>
    %mul3A = vector.broadcast %rsqrt3A : vector<1000x1xf32> to vector<1000x256xf32>
    %mul3A_31 = arith.mulf %concatenate3A, %mul3A : vector<1000x256xf32>
    %add3A_32 = vector.broadcast %get3A_19 : vector<1x256xf32> to vector<1000x256xf32>
    %add3A_33 = arith.addf %mul3A_31, %add3A_32 : vector<1000x256xf32>
    %gt3A = arith.constant 0.000000e+00 : f32
    %gt3A_34 = vector.broadcast %gt3A : f32 to vector<1000x256xf32>
    %gt3A_35 = arith.cmpf ogt, %add3A_33, %gt3A_34 : vector<1000x256xf32>
    %min3A = arith.constant 0.000000e+00 : f32
    %min3A_36 = vector.broadcast %min3A : f32 to vector<1000x256xf32>
    %min3A_37 = arith.minimumf %add3A_33, %min3A_36 : vector<1000x256xf32>
    %exp3A = math.exp %min3A_37 : vector<1000x256xf32>
    %sub3A = arith.constant 1.000000e+00 : f32
    %sub3A_38 = vector.broadcast %sub3A : f32 to vector<1000x256xf32>
    %sub3A_39 = arith.subf %exp3A, %sub3A_38 : vector<1000x256xf32>
    %select_n3A = arith.select %gt3A_35, %add3A_33, %sub3A_39 : vector<1000x256xi1>, vector<1000x256xf32>
    %reduce_sum3A = arith.constant dense<0.000000e+00> : vector<1000xf32>
    %reduce_sum3A_40 = vector.multi_reduction <add>, %select_n3A, %reduce_sum3A [1] : vector<1000x256xf32> to vector<1000xf32>
    %broadcast_in_dim3A = vector.shape_cast %reduce_sum3A_40 : vector<1000xf32> to vector<1000x1xf32>
    %div3A = arith.constant 2.560000e+02 : f32
    %div3A_41 = vector.broadcast %div3A : f32 to vector<1000x1xf32>
    %div3A_42 = arith.divf %broadcast_in_dim3A, %div3A_41 : vector<1000x1xf32>
    %sub3A_43 = vector.broadcast %div3A_42 : vector<1000x1xf32> to vector<1000x256xf32>
    %sub3A_44 = arith.subf %select_n3A, %sub3A_43 : vector<1000x256xf32>
    %integer_pow3A = arith.mulf %sub3A_44, %sub3A_44 : vector<1000x256xf32>
    %reduce_sum3A_45 = arith.constant dense<0.000000e+00> : vector<1000xf32>
    %reduce_sum3A_46 = vector.multi_reduction <add>, %integer_pow3A, %reduce_sum3A_45 [1] : vector<1000x256xf32> to vector<1000xf32>
    %broadcast_in_dim3A_47 = vector.shape_cast %reduce_sum3A_46 : vector<1000xf32> to vector<1000x1xf32>
    %div3A_48 = arith.constant 2.560000e+02 : f32
    %div3A_49 = vector.broadcast %div3A_48 : f32 to vector<1000x1xf32>
    %div3A_50 = arith.divf %broadcast_in_dim3A_47, %div3A_49 : vector<1000x1xf32>
    %sub3A_51 = vector.broadcast %div3A_42 : vector<1000x1xf32> to vector<1000x256xf32>
    %sub3A_52 = arith.subf %select_n3A, %sub3A_51 : vector<1000x256xf32>
    %add3A_53 = arith.constant 9.99999974E-6 : f32
    %add3A_54 = vector.broadcast %add3A_53 : f32 to vector<1000x1xf32>
    %add3A_55 = arith.addf %div3A_50, %add3A_54 : vector<1000x1xf32>
    %rsqrt3A_56 = math.rsqrt %add3A_55 : vector<1000x1xf32>
    %mul3A_57 = vector.broadcast %rsqrt3A_56 : vector<1000x1xf32> to vector<1000x256xf32>
    %mul3A_58 = arith.mulf %sub3A_52, %mul3A_57 : vector<1000x256xf32>
    %mul3A_59 = vector.broadcast %get3A_22 : vector<1x256xf32> to vector<1000x256xf32>
    %mul3A_60 = arith.mulf %mul3A_58, %mul3A_59 : vector<1000x256xf32>
    %add3A_61 = vector.broadcast %get3A_25 : vector<1x256xf32> to vector<1000x256xf32>
    %add3A_62 = arith.addf %mul3A_60, %add3A_61 : vector<1000x256xf32>
    %swap3A = arith.constant 0 : index
    %swap3A_63 = arith.constant 0 : index
    %swap3A_64 = vector.load %arg10[%swap3A, %swap3A_63] : memref<1000x256xf32, #tpu.memory_space<vmem>>, vector<1000x256xf32>
    tpu.vector_store %arg10[%swap3A, %swap3A_63], %add3A_62 {strides = array<i32>} : memref<1000x256xf32, #tpu.memory_space<vmem>>, vector<1000x256xf32>,
    return
  }
  func.func @transform_0(%arg0: i32) -> (i32, i32) {
    %c0_i32 = arith.constant 0 : i32
    %c0_i32_0 = arith.constant 0 : i32
    return %arg0, %c0_i32 : i32, i32
  }
  func.func @transform_1(%arg0: i32) -> (i32, i32) {
    %c0_i32 = arith.constant 0 : i32
    %c0_i32_0 = arith.constant 0 : i32
    return %arg0, %c0_i32 : i32, i32
  }
  func.func @transform_2(%arg0: i32) -> (i32, i32) {
    %c0_i32 = arith.constant 0 : i32
    %c0_i32_0 = arith.constant 0 : i32
    return %arg0, %c0_i32 : i32, i32
  }
  func.func @transform_3(%arg0: i32) -> (i32, i32) {
    %c0_i32 = arith.constant 0 : i32
    %c0_i32_0 = arith.constant 0 : i32
    return %arg0, %c0_i32 : i32, i32
  }
  func.func @transform_4(%arg0: i32) -> (i32, i32) {
    %c0_i32 = arith.constant 0 : i32
    %c0_i32_0 = arith.constant 0 : i32
    return %arg0, %c0_i32 : i32, i32
  }
  func.func @transform_5(%arg0: i32) -> (i32, i32) {
    %c0_i32 = arith.constant 0 : i32
    %c0_i32_0 = arith.constant 0 : i32
    return %arg0, %c0_i32 : i32, i32
  }
  func.func @transform_6(%arg0: i32) -> (i32, i32) {
    %c0_i32 = arith.constant 0 : i32
    %c0_i32_0 = arith.constant 0 : i32
    %c0_i32_1 = arith.constant 0 : i32
    return %c0_i32, %c0_i32_0 : i32, i32
  }
  func.func @transform_7(%arg0: i32) -> (i32, i32) {
    %c0_i32 = arith.constant 0 : i32
    %c0_i32_0 = arith.constant 0 : i32
    %c0_i32_1 = arith.constant 0 : i32
    return %c0_i32, %c0_i32_0 : i32, i32
  }
  func.func @transform_8(%arg0: i32) -> (i32, i32) {
    %c0_i32 = arith.constant 0 : i32
    %c0_i32_0 = arith.constant 0 : i32
    %c0_i32_1 = arith.constant 0 : i32
    return %c0_i32, %c0_i32_0 : i32, i32
  }
  func.func @transform_9(%arg0: i32) -> (i32, i32) {
    %c0_i32 = arith.constant 0 : i32
    %c0_i32_0 = arith.constant 0 : i32
    return %arg0, %c0_i32 : i32, i32
  }
}

module attributes {stable_mosaic.version = 14 : i64} {
  func.func @_pool_body(%arg0: i32, %arg1: memref<10000x256xf32, #tpu.memory_space<vmem>>, %arg2: memref<80x128xi32, #tpu.memory_space<vmem>>, %arg3: memref<8x256xf32, #tpu.memory_space<vmem>>, %arg4: memref<8x256xf32, #tpu.memory_space<vmem>>, %arg5: memref<8x1xf32, #tpu.memory_space<vmem>>) attributes {dimension_semantics = [#tpu.dimension_semantics<arbitrary>], iteration_bounds = array<i64: 8>, scalar_prefetch = 0 : i64, scratch_operands = 0 : i64, tpu.core_type = #tpu.core_type<tc>, window_params = [{pipeline_mode = #tpu.pipeline_mode<synchronous>, transform_indices = @transform_0, window_bounds = array<i64: 10000, 256>}, {pipeline_mode = #tpu.pipeline_mode<synchronous>, transform_indices = @transform_1, window_bounds = array<i64: 80, 128>}, {transform_indices = @transform_2, window_bounds = array<i64: 8, 256>}, {transform_indices = @transform_3, window_bounds = array<i64: 8, 256>}, {transform_indices = @transform_4, window_bounds = array<i64: 8, 1>}]} {
    %get3A = arith.constant 0 : index
    %get3A_0 = arith.constant 0 : index
    %get3A_1 = vector.load %arg2[%get3A, %get3A_0] : memref<80x128xi32, #tpu.memory_space<vmem>>, vector<80x128xi32>
    %mul3A = arith.constant 8 : i32
    %mul3A_2 = arith.muli %arg0, %mul3A : i32
    %add3A = arith.constant 0 : i32
    %add3A_3 = arith.addi %mul3A_2, %add3A : i32
    %lt3A = vector.broadcast %add3A_3 : i32 to vector<80x128xi32>
    %lt3A_4 = arith.cmpi slt, %get3A_1, %lt3A : vector<80x128xi32>
    %convert_element_type3A = arith.extui %lt3A_4 : vector<80x128xi1> to vector<80x128xi32>
    %reduce_sum3A = vector.shape_cast %convert_element_type3A : vector<80x128xi32> to vector<1x80x128xi32>
    %reduce_sum3A_5 = arith.constant dense<0> : vector<1xi32>
    %reduce_sum3A_6 = vector.multi_reduction <add>, %reduce_sum3A, %reduce_sum3A_5 [1, 2] : vector<1x80x128xi32> to vector<1xi32>
    %reduce_sum3A_7 = vector.shape_cast %reduce_sum3A_6 : vector<1xi32> to vector<1x1x1xi32>
    %reduce_sum3A_8 = vector.extract %reduce_sum3A_7[0, 0, 0] : i32 from vector<1x1x1xi32>
    %add3A_9 = arith.constant 1 : i32
    %add3A_10 = arith.addi %add3A_3, %add3A_9 : i32
    %lt3A_11 = vector.broadcast %add3A_10 : i32 to vector<80x128xi32>
    %lt3A_12 = arith.cmpi slt, %get3A_1, %lt3A_11 : vector<80x128xi32>
    %convert_element_type3A_13 = arith.extui %lt3A_12 : vector<80x128xi1> to vector<80x128xi32>
    %reduce_sum3A_14 = vector.shape_cast %convert_element_type3A_13 : vector<80x128xi32> to vector<1x80x128xi32>
    %reduce_sum3A_15 = arith.constant dense<0> : vector<1xi32>
    %reduce_sum3A_16 = vector.multi_reduction <add>, %reduce_sum3A_14, %reduce_sum3A_15 [1, 2] : vector<1x80x128xi32> to vector<1xi32>
    %reduce_sum3A_17 = vector.shape_cast %reduce_sum3A_16 : vector<1xi32> to vector<1x1x1xi32>
    %reduce_sum3A_18 = vector.extract %reduce_sum3A_17[0, 0, 0] : i32 from vector<1x1x1xi32>
    %jit3A = arith.constant 8 : i32
    %div3A = arith.divsi %reduce_sum3A_8, %jit3A : i32
    %sign3A = arith.constant 0 : i32
    %sign3A_19 = arith.cmpi sgt, %reduce_sum3A_8, %sign3A : i32
    %sign3A_20 = arith.extui %sign3A_19 : i1 to i32
    %sign3A_21 = arith.constant 0 : i32
    %sign3A_22 = arith.cmpi slt, %reduce_sum3A_8, %sign3A_21 : i32
    %sign3A_23 = arith.extui %sign3A_22 : i1 to i32
    %sign3A_24 = arith.subi %sign3A_20, %sign3A_23 : i32
    %sign3A_25 = arith.constant 0 : i32
    %sign3A_26 = arith.cmpi sgt, %jit3A, %sign3A_25 : i32
    %sign3A_27 = arith.extui %sign3A_26 : i1 to i32
    %sign3A_28 = arith.constant 0 : i32
    %sign3A_29 = arith.cmpi slt, %jit3A, %sign3A_28 : i32
    %sign3A_30 = arith.extui %sign3A_29 : i1 to i32
    %sign3A_31 = arith.subi %sign3A_27, %sign3A_30 : i32
    %ne3A = arith.cmpi ne, %sign3A_24, %sign3A_31 : i32
    %rem3A = arith.remsi %reduce_sum3A_8, %jit3A : i32
    %ne3A_32 = arith.constant 0 : i32
    %ne3A_33 = arith.cmpi ne, %rem3A, %ne3A_32 : i32
    %and3A = arith.andi %ne3A, %ne3A_33 : i1
    %sub3A = arith.constant 1 : i32
    %sub3A_34 = arith.subi %div3A, %sub3A : i32
    %select_n3A = arith.select %and3A, %sub3A_34, %div3A : i32
    %add3A_35 = arith.constant 7 : i32
    %add3A_36 = arith.addi %reduce_sum3A_18, %add3A_35 : i32
    %jit3A_37 = arith.constant 8 : i32
    %div3A_38 = arith.divsi %add3A_36, %jit3A_37 : i32
    %sign3A_39 = arith.constant 0 : i32
    %sign3A_40 = arith.cmpi sgt, %add3A_36, %sign3A_39 : i32
    %sign3A_41 = arith.extui %sign3A_40 : i1 to i32
    %sign3A_42 = arith.constant 0 : i32
    %sign3A_43 = arith.cmpi slt, %add3A_36, %sign3A_42 : i32
    %sign3A_44 = arith.extui %sign3A_43 : i1 to i32
    %sign3A_45 = arith.subi %sign3A_41, %sign3A_44 : i32
    %sign3A_46 = arith.constant 0 : i32
    %sign3A_47 = arith.cmpi sgt, %jit3A_37, %sign3A_46 : i32
    %sign3A_48 = arith.extui %sign3A_47 : i1 to i32
    %sign3A_49 = arith.constant 0 : i32
    %sign3A_50 = arith.cmpi slt, %jit3A_37, %sign3A_49 : i32
    %sign3A_51 = arith.extui %sign3A_50 : i1 to i32
    %sign3A_52 = arith.subi %sign3A_48, %sign3A_51 : i32
    %ne3A_53 = arith.cmpi ne, %sign3A_45, %sign3A_52 : i32
    %rem3A_54 = arith.remsi %add3A_36, %jit3A_37 : i32
    %ne3A_55 = arith.constant 0 : i32
    %ne3A_56 = arith.cmpi ne, %rem3A_54, %ne3A_55 : i32
    %and3A_57 = arith.andi %ne3A_53, %ne3A_56 : i1
    %sub3A_58 = arith.constant 1 : i32
    %sub3A_59 = arith.subi %div3A_38, %sub3A_58 : i32
    %select_n3A_60 = arith.select %and3A_57, %sub3A_59, %div3A_38 : i32
    %broadcast_in_dim3A = arith.constant 0.000000e+00 : f32
    %broadcast_in_dim3A_61 = vector.broadcast %broadcast_in_dim3A : f32 to vector<1x256xf32>
    %broadcast_in_dim3A_62 = arith.constant 0xFF800000 : f32
    %broadcast_in_dim3A_63 = vector.broadcast %broadcast_in_dim3A_62 : f32 to vector<1x256xf32>
    %while3A = arith.subi %select_n3A_60, %select_n3A : i32
    %while3A_64 = arith.addi %select_n3A, %while3A : i32
    %while3A_65 = arith.constant 1 : i32
    %while3A_66 = arith.divsi %while3A, %while3A_65 : i32
    %while3A_67 = arith.muli %while3A_66, %while3A_65 : i32
    %while3A_68 = arith.addi %select_n3A, %while3A_67 : i32
    %while3A_69 = arith.constant 1 : i32
    %while3A_70:2 = scf.for %while3A_708 = %select_n3A to %while3A_68 step %while3A_69 iter_args(%while3A_709 = %broadcast_in_dim3A_61, %while3A_710 = %broadcast_in_dim3A_63) -> (vector<1x256xf32>, vector<1x256xf32>)  : i32 {
      %mul3A_711 = arith.constant 8 : i32
      %mul3A_712 = arith.muli %while3A_708, %mul3A_711 : i32
      %get3A_713 = arith.index_cast %mul3A_712 : i32 to index
      %get3A_714 = arith.constant 0 : index
      %get3A_715 = vector.load %arg1[%get3A_713, %get3A_714] : memref<10000x256xf32, #tpu.memory_space<vmem>>, vector<8x256xf32>
      %iota3A = tpu.iota {dimensions = array<i32: 0>} : vector<8x1xi32>
      %mul3A_716 = arith.constant 8 : i32
      %mul3A_717 = arith.muli %while3A_708, %mul3A_716 : i32
      %add3A_718 = vector.broadcast %mul3A_717 : i32 to vector<8x1xi32>
      %add3A_719 = arith.addi %iota3A, %add3A_718 : vector<8x1xi32>
      %ge3A = vector.broadcast %reduce_sum3A_8 : i32 to vector<8x1xi32>
      %ge3A_720 = arith.cmpi sge, %add3A_719, %ge3A : vector<8x1xi32>
      %lt3A_721 = vector.broadcast %reduce_sum3A_18 : i32 to vector<8x1xi32>
      %lt3A_722 = arith.cmpi slt, %add3A_719, %lt3A_721 : vector<8x1xi32>
      %and3A_723 = arith.andi %ge3A_720, %lt3A_722 : vector<8x1xi1>
      %jit3A_724 = arith.constant 0.000000e+00 : f32
      %broadcast_in_dim3A_725 = vector.shape_cast %and3A_723 : vector<8x1xi1> to vector<8x1xi1>
      %broadcast_in_dim3A_726 = vector.broadcast %broadcast_in_dim3A_725 : vector<8x1xi1> to vector<8x256xi1>
      %broadcast_in_dim3A_727 = vector.broadcast %jit3A_724 : f32 to vector<8x256xf32>
      %select_n3A_728 = arith.select %broadcast_in_dim3A_726, %get3A_715, %broadcast_in_dim3A_727 : vector<8x256xi1>, vector<8x256xf32>
      %reduce_sum3A_729 = arith.constant dense<0.000000e+00> : vector<256xf32>
      %reduce_sum3A_730 = vector.multi_reduction <add>, %select_n3A_728, %reduce_sum3A_729 [0] : vector<8x256xf32> to vector<256xf32>
      %broadcast_in_dim3A_731 = vector.shape_cast %reduce_sum3A_730 : vector<256xf32> to vector<1x256xf32>
      %add3A_732 = arith.addf %while3A_709, %broadcast_in_dim3A_731 : vector<1x256xf32>
      %jit3A_733 = arith.constant 0xFF800000 : f32
      %broadcast_in_dim3A_734 = vector.shape_cast %and3A_723 : vector<8x1xi1> to vector<8x1xi1>
      %broadcast_in_dim3A_735 = vector.broadcast %broadcast_in_dim3A_734 : vector<8x1xi1> to vector<8x256xi1>
      %broadcast_in_dim3A_736 = vector.broadcast %jit3A_733 : f32 to vector<8x256xf32>
      %select_n3A_737 = arith.select %broadcast_in_dim3A_735, %get3A_715, %broadcast_in_dim3A_736 : vector<8x256xi1>, vector<8x256xf32>
      %reduce_max3A = arith.constant dense<0xFF800000> : vector<256xf32>
      %reduce_max3A_738 = vector.multi_reduction <maximumf>, %select_n3A_737, %reduce_max3A [0] : vector<8x256xf32> to vector<256xf32>
      %broadcast_in_dim3A_739 = vector.shape_cast %reduce_max3A_738 : vector<256xf32> to vector<1x256xf32>
      %max3A = arith.maximumf %while3A_710, %broadcast_in_dim3A_739 : vector<1x256xf32>
      scf.yield %add3A_732, %max3A : vector<1x256xf32>, vector<1x256xf32>
    }
    %while3A_71 = arith.constant 1 : i32
    %while3A_72:2 = scf.for %while3A_708 = %while3A_68 to %while3A_64 step %while3A_71 iter_args(%while3A_709 = %while3A_70#0, %while3A_710 = %while3A_70#1) -> (vector<1x256xf32>, vector<1x256xf32>)  : i32 {
      %mul3A_711 = arith.constant 8 : i32
      %mul3A_712 = arith.muli %while3A_708, %mul3A_711 : i32
      %get3A_713 = arith.index_cast %mul3A_712 : i32 to index
      %get3A_714 = arith.constant 0 : index
      %get3A_715 = vector.load %arg1[%get3A_713, %get3A_714] : memref<10000x256xf32, #tpu.memory_space<vmem>>, vector<8x256xf32>
      %iota3A = tpu.iota {dimensions = array<i32: 0>} : vector<8x1xi32>
      %mul3A_716 = arith.constant 8 : i32
      %mul3A_717 = arith.muli %while3A_708, %mul3A_716 : i32
      %add3A_718 = vector.broadcast %mul3A_717 : i32 to vector<8x1xi32>
      %add3A_719 = arith.addi %iota3A, %add3A_718 : vector<8x1xi32>
      %ge3A = vector.broadcast %reduce_sum3A_8 : i32 to vector<8x1xi32>
      %ge3A_720 = arith.cmpi sge, %add3A_719, %ge3A : vector<8x1xi32>
      %lt3A_721 = vector.broadcast %reduce_sum3A_18 : i32 to vector<8x1xi32>
      %lt3A_722 = arith.cmpi slt, %add3A_719, %lt3A_721 : vector<8x1xi32>
      %and3A_723 = arith.andi %ge3A_720, %lt3A_722 : vector<8x1xi1>
      %jit3A_724 = arith.constant 0.000000e+00 : f32
      %broadcast_in_dim3A_725 = vector.shape_cast %and3A_723 : vector<8x1xi1> to vector<8x1xi1>
      %broadcast_in_dim3A_726 = vector.broadcast %broadcast_in_dim3A_725 : vector<8x1xi1> to vector<8x256xi1>
      %broadcast_in_dim3A_727 = vector.broadcast %jit3A_724 : f32 to vector<8x256xf32>
      %select_n3A_728 = arith.select %broadcast_in_dim3A_726, %get3A_715, %broadcast_in_dim3A_727 : vector<8x256xi1>, vector<8x256xf32>
      %reduce_sum3A_729 = arith.constant dense<0.000000e+00> : vector<256xf32>
      %reduce_sum3A_730 = vector.multi_reduction <add>, %select_n3A_728, %reduce_sum3A_729 [0] : vector<8x256xf32> to vector<256xf32>
      %broadcast_in_dim3A_731 = vector.shape_cast %reduce_sum3A_730 : vector<256xf32> to vector<1x256xf32>
      %add3A_732 = arith.addf %while3A_709, %broadcast_in_dim3A_731 : vector<1x256xf32>
      %jit3A_733 = arith.constant 0xFF800000 : f32
      %broadcast_in_dim3A_734 = vector.shape_cast %and3A_723 : vector<8x1xi1> to vector<8x1xi1>
      %broadcast_in_dim3A_735 = vector.broadcast %broadcast_in_dim3A_734 : vector<8x1xi1> to vector<8x256xi1>
      %broadcast_in_dim3A_736 = vector.broadcast %jit3A_733 : f32 to vector<8x256xf32>
      %select_n3A_737 = arith.select %broadcast_in_dim3A_735, %get3A_715, %broadcast_in_dim3A_736 : vector<8x256xi1>, vector<8x256xf32>
      %reduce_max3A = arith.constant dense<0xFF800000> : vector<256xf32>
      %reduce_max3A_738 = vector.multi_reduction <maximumf>, %select_n3A_737, %reduce_max3A [0] : vector<8x256xf32> to vector<256xf32>
      %broadcast_in_dim3A_739 = vector.shape_cast %reduce_max3A_738 : vector<256xf32> to vector<1x256xf32>
      %max3A = arith.maximumf %while3A_710, %broadcast_in_dim3A_739 : vector<1x256xf32>
      scf.yield %add3A_732, %max3A : vector<1x256xf32>, vector<1x256xf32>
    }
    %sub3A_73 = arith.subi %reduce_sum3A_18, %reduce_sum3A_8 : i32
    %convert_element_type3A_74 = arith.sitofp %sub3A_73 : i32 to f32
    %reshape3A = vector.broadcast %convert_element_type3A_74 : f32 to vector<1x1xf32>
    %mul3A_75 = arith.constant 8 : i32
    %mul3A_76 = arith.muli %arg0, %mul3A_75 : i32
    %add3A_77 = arith.constant 1 : i32
    %add3A_78 = arith.addi %mul3A_76, %add3A_77 : i32
    %lt3A_79 = vector.broadcast %add3A_78 : i32 to vector<80x128xi32>
    %lt3A_80 = arith.cmpi slt, %get3A_1, %lt3A_79 : vector<80x128xi32>
    %convert_element_type3A_81 = arith.extui %lt3A_80 : vector<80x128xi1> to vector<80x128xi32>
    %reduce_sum3A_82 = vector.shape_cast %convert_element_type3A_81 : vector<80x128xi32> to vector<1x80x128xi32>
    %reduce_sum3A_83 = arith.constant dense<0> : vector<1xi32>
    %reduce_sum3A_84 = vector.multi_reduction <add>, %reduce_sum3A_82, %reduce_sum3A_83 [1, 2] : vector<1x80x128xi32> to vector<1xi32>
    %reduce_sum3A_85 = vector.shape_cast %reduce_sum3A_84 : vector<1xi32> to vector<1x1x1xi32>
    %reduce_sum3A_86 = vector.extract %reduce_sum3A_85[0, 0, 0] : i32 from vector<1x1x1xi32>
    %add3A_87 = arith.constant 1 : i32
    %add3A_88 = arith.addi %add3A_78, %add3A_87 : i32
    %lt3A_89 = vector.broadcast %add3A_88 : i32 to vector<80x128xi32>
    %lt3A_90 = arith.cmpi slt, %get3A_1, %lt3A_89 : vector<80x128xi32>
    %convert_element_type3A_91 = arith.extui %lt3A_90 : vector<80x128xi1> to vector<80x128xi32>
    %reduce_sum3A_92 = vector.shape_cast %convert_element_type3A_91 : vector<80x128xi32> to vector<1x80x128xi32>
    %reduce_sum3A_93 = arith.constant dense<0> : vector<1xi32>
    %reduce_sum3A_94 = vector.multi_reduction <add>, %reduce_sum3A_92, %reduce_sum3A_93 [1, 2] : vector<1x80x128xi32> to vector<1xi32>
    %reduce_sum3A_95 = vector.shape_cast %reduce_sum3A_94 : vector<1xi32> to vector<1x1x1xi32>
    %reduce_sum3A_96 = vector.extract %reduce_sum3A_95[0, 0, 0] : i32 from vector<1x1x1xi32>
    %jit3A_97 = arith.constant 8 : i32
    %div3A_98 = arith.divsi %reduce_sum3A_86, %jit3A_97 : i32
    %sign3A_99 = arith.constant 0 : i32
    %sign3A_100 = arith.cmpi sgt, %reduce_sum3A_86, %sign3A_99 : i32
    %sign3A_101 = arith.extui %sign3A_100 : i1 to i32
    %sign3A_102 = arith.constant 0 : i32
    %sign3A_103 = arith.cmpi slt, %reduce_sum3A_86, %sign3A_102 : i32
    %sign3A_104 = arith.extui %sign3A_103 : i1 to i32
    %sign3A_105 = arith.subi %sign3A_101, %sign3A_104 : i32
    %sign3A_106 = arith.constant 0 : i32
    %sign3A_107 = arith.cmpi sgt, %jit3A_97, %sign3A_106 : i32
    %sign3A_108 = arith.extui %sign3A_107 : i1 to i32
    %sign3A_109 = arith.constant 0 : i32
    %sign3A_110 = arith.cmpi slt, %jit3A_97, %sign3A_109 : i32
    %sign3A_111 = arith.extui %sign3A_110 : i1 to i32
    %sign3A_112 = arith.subi %sign3A_108, %sign3A_111 : i32
    %ne3A_113 = arith.cmpi ne, %sign3A_105, %sign3A_112 : i32
    %rem3A_114 = arith.remsi %reduce_sum3A_86, %jit3A_97 : i32
    %ne3A_115 = arith.constant 0 : i32
    %ne3A_116 = arith.cmpi ne, %rem3A_114, %ne3A_115 : i32
    %and3A_117 = arith.andi %ne3A_113, %ne3A_116 : i1
    %sub3A_118 = arith.constant 1 : i32
    %sub3A_119 = arith.subi %div3A_98, %sub3A_118 : i32
    %select_n3A_120 = arith.select %and3A_117, %sub3A_119, %div3A_98 : i32
    %add3A_121 = arith.constant 7 : i32
    %add3A_122 = arith.addi %reduce_sum3A_96, %add3A_121 : i32
    %jit3A_123 = arith.constant 8 : i32
    %div3A_124 = arith.divsi %add3A_122, %jit3A_123 : i32
    %sign3A_125 = arith.constant 0 : i32
    %sign3A_126 = arith.cmpi sgt, %add3A_122, %sign3A_125 : i32
    %sign3A_127 = arith.extui %sign3A_126 : i1 to i32
    %sign3A_128 = arith.constant 0 : i32
    %sign3A_129 = arith.cmpi slt, %add3A_122, %sign3A_128 : i32
    %sign3A_130 = arith.extui %sign3A_129 : i1 to i32
    %sign3A_131 = arith.subi %sign3A_127, %sign3A_130 : i32
    %sign3A_132 = arith.constant 0 : i32
    %sign3A_133 = arith.cmpi sgt, %jit3A_123, %sign3A_132 : i32
    %sign3A_134 = arith.extui %sign3A_133 : i1 to i32
    %sign3A_135 = arith.constant 0 : i32
    %sign3A_136 = arith.cmpi slt, %jit3A_123, %sign3A_135 : i32
    %sign3A_137 = arith.extui %sign3A_136 : i1 to i32
    %sign3A_138 = arith.subi %sign3A_134, %sign3A_137 : i32
    %ne3A_139 = arith.cmpi ne, %sign3A_131, %sign3A_138 : i32
    %rem3A_140 = arith.remsi %add3A_122, %jit3A_123 : i32
    %ne3A_141 = arith.constant 0 : i32
    %ne3A_142 = arith.cmpi ne, %rem3A_140, %ne3A_141 : i32
    %and3A_143 = arith.andi %ne3A_139, %ne3A_142 : i1
    %sub3A_144 = arith.constant 1 : i32
    %sub3A_145 = arith.subi %div3A_124, %sub3A_144 : i32
    %select_n3A_146 = arith.select %and3A_143, %sub3A_145, %div3A_124 : i32
    %broadcast_in_dim3A_147 = arith.constant 0.000000e+00 : f32
    %broadcast_in_dim3A_148 = vector.broadcast %broadcast_in_dim3A_147 : f32 to vector<1x256xf32>
    %broadcast_in_dim3A_149 = arith.constant 0xFF800000 : f32
    %broadcast_in_dim3A_150 = vector.broadcast %broadcast_in_dim3A_149 : f32 to vector<1x256xf32>
    %while3A_151 = arith.subi %select_n3A_146, %select_n3A_120 : i32
    %while3A_152 = arith.addi %select_n3A_120, %while3A_151 : i32
    %while3A_153 = arith.constant 1 : i32
    %while3A_154 = arith.divsi %while3A_151, %while3A_153 : i32
    %while3A_155 = arith.muli %while3A_154, %while3A_153 : i32
    %while3A_156 = arith.addi %select_n3A_120, %while3A_155 : i32
    %while3A_157 = arith.constant 1 : i32
    %while3A_158:2 = scf.for %while3A_708 = %select_n3A_120 to %while3A_156 step %while3A_157 iter_args(%while3A_709 = %broadcast_in_dim3A_148, %while3A_710 = %broadcast_in_dim3A_150) -> (vector<1x256xf32>, vector<1x256xf32>)  : i32 {
      %mul3A_711 = arith.constant 8 : i32
      %mul3A_712 = arith.muli %while3A_708, %mul3A_711 : i32
      %get3A_713 = arith.index_cast %mul3A_712 : i32 to index
      %get3A_714 = arith.constant 0 : index
      %get3A_715 = vector.load %arg1[%get3A_713, %get3A_714] : memref<10000x256xf32, #tpu.memory_space<vmem>>, vector<8x256xf32>
      %iota3A = tpu.iota {dimensions = array<i32: 0>} : vector<8x1xi32>
      %mul3A_716 = arith.constant 8 : i32
      %mul3A_717 = arith.muli %while3A_708, %mul3A_716 : i32
      %add3A_718 = vector.broadcast %mul3A_717 : i32 to vector<8x1xi32>
      %add3A_719 = arith.addi %iota3A, %add3A_718 : vector<8x1xi32>
      %ge3A = vector.broadcast %reduce_sum3A_86 : i32 to vector<8x1xi32>
      %ge3A_720 = arith.cmpi sge, %add3A_719, %ge3A : vector<8x1xi32>
      %lt3A_721 = vector.broadcast %reduce_sum3A_96 : i32 to vector<8x1xi32>
      %lt3A_722 = arith.cmpi slt, %add3A_719, %lt3A_721 : vector<8x1xi32>
      %and3A_723 = arith.andi %ge3A_720, %lt3A_722 : vector<8x1xi1>
      %jit3A_724 = arith.constant 0.000000e+00 : f32
      %broadcast_in_dim3A_725 = vector.shape_cast %and3A_723 : vector<8x1xi1> to vector<8x1xi1>
      %broadcast_in_dim3A_726 = vector.broadcast %broadcast_in_dim3A_725 : vector<8x1xi1> to vector<8x256xi1>
      %broadcast_in_dim3A_727 = vector.broadcast %jit3A_724 : f32 to vector<8x256xf32>
      %select_n3A_728 = arith.select %broadcast_in_dim3A_726, %get3A_715, %broadcast_in_dim3A_727 : vector<8x256xi1>, vector<8x256xf32>
      %reduce_sum3A_729 = arith.constant dense<0.000000e+00> : vector<256xf32>
      %reduce_sum3A_730 = vector.multi_reduction <add>, %select_n3A_728, %reduce_sum3A_729 [0] : vector<8x256xf32> to vector<256xf32>
      %broadcast_in_dim3A_731 = vector.shape_cast %reduce_sum3A_730 : vector<256xf32> to vector<1x256xf32>
      %add3A_732 = arith.addf %while3A_709, %broadcast_in_dim3A_731 : vector<1x256xf32>
      %jit3A_733 = arith.constant 0xFF800000 : f32
      %broadcast_in_dim3A_734 = vector.shape_cast %and3A_723 : vector<8x1xi1> to vector<8x1xi1>
      %broadcast_in_dim3A_735 = vector.broadcast %broadcast_in_dim3A_734 : vector<8x1xi1> to vector<8x256xi1>
      %broadcast_in_dim3A_736 = vector.broadcast %jit3A_733 : f32 to vector<8x256xf32>
      %select_n3A_737 = arith.select %broadcast_in_dim3A_735, %get3A_715, %broadcast_in_dim3A_736 : vector<8x256xi1>, vector<8x256xf32>
      %reduce_max3A = arith.constant dense<0xFF800000> : vector<256xf32>
      %reduce_max3A_738 = vector.multi_reduction <maximumf>, %select_n3A_737, %reduce_max3A [0] : vector<8x256xf32> to vector<256xf32>
      %broadcast_in_dim3A_739 = vector.shape_cast %reduce_max3A_738 : vector<256xf32> to vector<1x256xf32>
      %max3A = arith.maximumf %while3A_710, %broadcast_in_dim3A_739 : vector<1x256xf32>
      scf.yield %add3A_732, %max3A : vector<1x256xf32>, vector<1x256xf32>
    }
    %while3A_159 = arith.constant 1 : i32
    %while3A_160:2 = scf.for %while3A_708 = %while3A_156 to %while3A_152 step %while3A_159 iter_args(%while3A_709 = %while3A_158#0, %while3A_710 = %while3A_158#1) -> (vector<1x256xf32>, vector<1x256xf32>)  : i32 {
      %mul3A_711 = arith.constant 8 : i32
      %mul3A_712 = arith.muli %while3A_708, %mul3A_711 : i32
      %get3A_713 = arith.index_cast %mul3A_712 : i32 to index
      %get3A_714 = arith.constant 0 : index
      %get3A_715 = vector.load %arg1[%get3A_713, %get3A_714] : memref<10000x256xf32, #tpu.memory_space<vmem>>, vector<8x256xf32>
      %iota3A = tpu.iota {dimensions = array<i32: 0>} : vector<8x1xi32>
      %mul3A_716 = arith.constant 8 : i32
      %mul3A_717 = arith.muli %while3A_708, %mul3A_716 : i32
      %add3A_718 = vector.broadcast %mul3A_717 : i32 to vector<8x1xi32>
      %add3A_719 = arith.addi %iota3A, %add3A_718 : vector<8x1xi32>
      %ge3A = vector.broadcast %reduce_sum3A_86 : i32 to vector<8x1xi32>
      %ge3A_720 = arith.cmpi sge, %add3A_719, %ge3A : vector<8x1xi32>
      %lt3A_721 = vector.broadcast %reduce_sum3A_96 : i32 to vector<8x1xi32>
      %lt3A_722 = arith.cmpi slt, %add3A_719, %lt3A_721 : vector<8x1xi32>
      %and3A_723 = arith.andi %ge3A_720, %lt3A_722 : vector<8x1xi1>
      %jit3A_724 = arith.constant 0.000000e+00 : f32
      %broadcast_in_dim3A_725 = vector.shape_cast %and3A_723 : vector<8x1xi1> to vector<8x1xi1>
      %broadcast_in_dim3A_726 = vector.broadcast %broadcast_in_dim3A_725 : vector<8x1xi1> to vector<8x256xi1>
      %broadcast_in_dim3A_727 = vector.broadcast %jit3A_724 : f32 to vector<8x256xf32>
      %select_n3A_728 = arith.select %broadcast_in_dim3A_726, %get3A_715, %broadcast_in_dim3A_727 : vector<8x256xi1>, vector<8x256xf32>
      %reduce_sum3A_729 = arith.constant dense<0.000000e+00> : vector<256xf32>
      %reduce_sum3A_730 = vector.multi_reduction <add>, %select_n3A_728, %reduce_sum3A_729 [0] : vector<8x256xf32> to vector<256xf32>
      %broadcast_in_dim3A_731 = vector.shape_cast %reduce_sum3A_730 : vector<256xf32> to vector<1x256xf32>
      %add3A_732 = arith.addf %while3A_709, %broadcast_in_dim3A_731 : vector<1x256xf32>
      %jit3A_733 = arith.constant 0xFF800000 : f32
      %broadcast_in_dim3A_734 = vector.shape_cast %and3A_723 : vector<8x1xi1> to vector<8x1xi1>
      %broadcast_in_dim3A_735 = vector.broadcast %broadcast_in_dim3A_734 : vector<8x1xi1> to vector<8x256xi1>
      %broadcast_in_dim3A_736 = vector.broadcast %jit3A_733 : f32 to vector<8x256xf32>
      %select_n3A_737 = arith.select %broadcast_in_dim3A_735, %get3A_715, %broadcast_in_dim3A_736 : vector<8x256xi1>, vector<8x256xf32>
      %reduce_max3A = arith.constant dense<0xFF800000> : vector<256xf32>
      %reduce_max3A_738 = vector.multi_reduction <maximumf>, %select_n3A_737, %reduce_max3A [0] : vector<8x256xf32> to vector<256xf32>
      %broadcast_in_dim3A_739 = vector.shape_cast %reduce_max3A_738 : vector<256xf32> to vector<1x256xf32>
      %max3A = arith.maximumf %while3A_710, %broadcast_in_dim3A_739 : vector<1x256xf32>
      scf.yield %add3A_732, %max3A : vector<1x256xf32>, vector<1x256xf32>
    }
    %sub3A_161 = arith.subi %reduce_sum3A_96, %reduce_sum3A_86 : i32
    %convert_element_type3A_162 = arith.sitofp %sub3A_161 : i32 to f32
    %reshape3A_163 = vector.broadcast %convert_element_type3A_162 : f32 to vector<1x1xf32>
    %mul3A_164 = arith.constant 8 : i32
    %mul3A_165 = arith.muli %arg0, %mul3A_164 : i32
    %add3A_166 = arith.constant 2 : i32
    %add3A_167 = arith.addi %mul3A_165, %add3A_166 : i32
    %lt3A_168 = vector.broadcast %add3A_167 : i32 to vector<80x128xi32>
    %lt3A_169 = arith.cmpi slt, %get3A_1, %lt3A_168 : vector<80x128xi32>
    %convert_element_type3A_170 = arith.extui %lt3A_169 : vector<80x128xi1> to vector<80x128xi32>
    %reduce_sum3A_171 = vector.shape_cast %convert_element_type3A_170 : vector<80x128xi32> to vector<1x80x128xi32>
    %reduce_sum3A_172 = arith.constant dense<0> : vector<1xi32>
    %reduce_sum3A_173 = vector.multi_reduction <add>, %reduce_sum3A_171, %reduce_sum3A_172 [1, 2] : vector<1x80x128xi32> to vector<1xi32>
    %reduce_sum3A_174 = vector.shape_cast %reduce_sum3A_173 : vector<1xi32> to vector<1x1x1xi32>
    %reduce_sum3A_175 = vector.extract %reduce_sum3A_174[0, 0, 0] : i32 from vector<1x1x1xi32>
    %add3A_176 = arith.constant 1 : i32
    %add3A_177 = arith.addi %add3A_167, %add3A_176 : i32
    %lt3A_178 = vector.broadcast %add3A_177 : i32 to vector<80x128xi32>
    %lt3A_179 = arith.cmpi slt, %get3A_1, %lt3A_178 : vector<80x128xi32>
    %convert_element_type3A_180 = arith.extui %lt3A_179 : vector<80x128xi1> to vector<80x128xi32>
    %reduce_sum3A_181 = vector.shape_cast %convert_element_type3A_180 : vector<80x128xi32> to vector<1x80x128xi32>
    %reduce_sum3A_182 = arith.constant dense<0> : vector<1xi32>
    %reduce_sum3A_183 = vector.multi_reduction <add>, %reduce_sum3A_181, %reduce_sum3A_182 [1, 2] : vector<1x80x128xi32> to vector<1xi32>
    %reduce_sum3A_184 = vector.shape_cast %reduce_sum3A_183 : vector<1xi32> to vector<1x1x1xi32>
    %reduce_sum3A_185 = vector.extract %reduce_sum3A_184[0, 0, 0] : i32 from vector<1x1x1xi32>
    %jit3A_186 = arith.constant 8 : i32
    %div3A_187 = arith.divsi %reduce_sum3A_175, %jit3A_186 : i32
    %sign3A_188 = arith.constant 0 : i32
    %sign3A_189 = arith.cmpi sgt, %reduce_sum3A_175, %sign3A_188 : i32
    %sign3A_190 = arith.extui %sign3A_189 : i1 to i32
    %sign3A_191 = arith.constant 0 : i32
    %sign3A_192 = arith.cmpi slt, %reduce_sum3A_175, %sign3A_191 : i32
    %sign3A_193 = arith.extui %sign3A_192 : i1 to i32
    %sign3A_194 = arith.subi %sign3A_190, %sign3A_193 : i32
    %sign3A_195 = arith.constant 0 : i32
    %sign3A_196 = arith.cmpi sgt, %jit3A_186, %sign3A_195 : i32
    %sign3A_197 = arith.extui %sign3A_196 : i1 to i32
    %sign3A_198 = arith.constant 0 : i32
    %sign3A_199 = arith.cmpi slt, %jit3A_186, %sign3A_198 : i32
    %sign3A_200 = arith.extui %sign3A_199 : i1 to i32
    %sign3A_201 = arith.subi %sign3A_197, %sign3A_200 : i32
    %ne3A_202 = arith.cmpi ne, %sign3A_194, %sign3A_201 : i32
    %rem3A_203 = arith.remsi %reduce_sum3A_175, %jit3A_186 : i32
    %ne3A_204 = arith.constant 0 : i32
    %ne3A_205 = arith.cmpi ne, %rem3A_203, %ne3A_204 : i32
    %and3A_206 = arith.andi %ne3A_202, %ne3A_205 : i1
    %sub3A_207 = arith.constant 1 : i32
    %sub3A_208 = arith.subi %div3A_187, %sub3A_207 : i32
    %select_n3A_209 = arith.select %and3A_206, %sub3A_208, %div3A_187 : i32
    %add3A_210 = arith.constant 7 : i32
    %add3A_211 = arith.addi %reduce_sum3A_185, %add3A_210 : i32
    %jit3A_212 = arith.constant 8 : i32
    %div3A_213 = arith.divsi %add3A_211, %jit3A_212 : i32
    %sign3A_214 = arith.constant 0 : i32
    %sign3A_215 = arith.cmpi sgt, %add3A_211, %sign3A_214 : i32
    %sign3A_216 = arith.extui %sign3A_215 : i1 to i32
    %sign3A_217 = arith.constant 0 : i32
    %sign3A_218 = arith.cmpi slt, %add3A_211, %sign3A_217 : i32
    %sign3A_219 = arith.extui %sign3A_218 : i1 to i32
    %sign3A_220 = arith.subi %sign3A_216, %sign3A_219 : i32
    %sign3A_221 = arith.constant 0 : i32
    %sign3A_222 = arith.cmpi sgt, %jit3A_212, %sign3A_221 : i32
    %sign3A_223 = arith.extui %sign3A_222 : i1 to i32
    %sign3A_224 = arith.constant 0 : i32
    %sign3A_225 = arith.cmpi slt, %jit3A_212, %sign3A_224 : i32
    %sign3A_226 = arith.extui %sign3A_225 : i1 to i32
    %sign3A_227 = arith.subi %sign3A_223, %sign3A_226 : i32
    %ne3A_228 = arith.cmpi ne, %sign3A_220, %sign3A_227 : i32
    %rem3A_229 = arith.remsi %add3A_211, %jit3A_212 : i32
    %ne3A_230 = arith.constant 0 : i32
    %ne3A_231 = arith.cmpi ne, %rem3A_229, %ne3A_230 : i32
    %and3A_232 = arith.andi %ne3A_228, %ne3A_231 : i1
    %sub3A_233 = arith.constant 1 : i32
    %sub3A_234 = arith.subi %div3A_213, %sub3A_233 : i32
    %select_n3A_235 = arith.select %and3A_232, %sub3A_234, %div3A_213 : i32
    %broadcast_in_dim3A_236 = arith.constant 0.000000e+00 : f32
    %broadcast_in_dim3A_237 = vector.broadcast %broadcast_in_dim3A_236 : f32 to vector<1x256xf32>
    %broadcast_in_dim3A_238 = arith.constant 0xFF800000 : f32
    %broadcast_in_dim3A_239 = vector.broadcast %broadcast_in_dim3A_238 : f32 to vector<1x256xf32>
    %while3A_240 = arith.subi %select_n3A_235, %select_n3A_209 : i32
    %while3A_241 = arith.addi %select_n3A_209, %while3A_240 : i32
    %while3A_242 = arith.constant 1 : i32
    %while3A_243 = arith.divsi %while3A_240, %while3A_242 : i32
    %while3A_244 = arith.muli %while3A_243, %while3A_242 : i32
    %while3A_245 = arith.addi %select_n3A_209, %while3A_244 : i32
    %while3A_246 = arith.constant 1 : i32
    %while3A_247:2 = scf.for %while3A_708 = %select_n3A_209 to %while3A_245 step %while3A_246 iter_args(%while3A_709 = %broadcast_in_dim3A_237, %while3A_710 = %broadcast_in_dim3A_239) -> (vector<1x256xf32>, vector<1x256xf32>)  : i32 {
      %mul3A_711 = arith.constant 8 : i32
      %mul3A_712 = arith.muli %while3A_708, %mul3A_711 : i32
      %get3A_713 = arith.index_cast %mul3A_712 : i32 to index
      %get3A_714 = arith.constant 0 : index
      %get3A_715 = vector.load %arg1[%get3A_713, %get3A_714] : memref<10000x256xf32, #tpu.memory_space<vmem>>, vector<8x256xf32>
      %iota3A = tpu.iota {dimensions = array<i32: 0>} : vector<8x1xi32>
      %mul3A_716 = arith.constant 8 : i32
      %mul3A_717 = arith.muli %while3A_708, %mul3A_716 : i32
      %add3A_718 = vector.broadcast %mul3A_717 : i32 to vector<8x1xi32>
      %add3A_719 = arith.addi %iota3A, %add3A_718 : vector<8x1xi32>
      %ge3A = vector.broadcast %reduce_sum3A_175 : i32 to vector<8x1xi32>
      %ge3A_720 = arith.cmpi sge, %add3A_719, %ge3A : vector<8x1xi32>
      %lt3A_721 = vector.broadcast %reduce_sum3A_185 : i32 to vector<8x1xi32>
      %lt3A_722 = arith.cmpi slt, %add3A_719, %lt3A_721 : vector<8x1xi32>
      %and3A_723 = arith.andi %ge3A_720, %lt3A_722 : vector<8x1xi1>
      %jit3A_724 = arith.constant 0.000000e+00 : f32
      %broadcast_in_dim3A_725 = vector.shape_cast %and3A_723 : vector<8x1xi1> to vector<8x1xi1>
      %broadcast_in_dim3A_726 = vector.broadcast %broadcast_in_dim3A_725 : vector<8x1xi1> to vector<8x256xi1>
      %broadcast_in_dim3A_727 = vector.broadcast %jit3A_724 : f32 to vector<8x256xf32>
      %select_n3A_728 = arith.select %broadcast_in_dim3A_726, %get3A_715, %broadcast_in_dim3A_727 : vector<8x256xi1>, vector<8x256xf32>
      %reduce_sum3A_729 = arith.constant dense<0.000000e+00> : vector<256xf32>
      %reduce_sum3A_730 = vector.multi_reduction <add>, %select_n3A_728, %reduce_sum3A_729 [0] : vector<8x256xf32> to vector<256xf32>
      %broadcast_in_dim3A_731 = vector.shape_cast %reduce_sum3A_730 : vector<256xf32> to vector<1x256xf32>
      %add3A_732 = arith.addf %while3A_709, %broadcast_in_dim3A_731 : vector<1x256xf32>
      %jit3A_733 = arith.constant 0xFF800000 : f32
      %broadcast_in_dim3A_734 = vector.shape_cast %and3A_723 : vector<8x1xi1> to vector<8x1xi1>
      %broadcast_in_dim3A_735 = vector.broadcast %broadcast_in_dim3A_734 : vector<8x1xi1> to vector<8x256xi1>
      %broadcast_in_dim3A_736 = vector.broadcast %jit3A_733 : f32 to vector<8x256xf32>
      %select_n3A_737 = arith.select %broadcast_in_dim3A_735, %get3A_715, %broadcast_in_dim3A_736 : vector<8x256xi1>, vector<8x256xf32>
      %reduce_max3A = arith.constant dense<0xFF800000> : vector<256xf32>
      %reduce_max3A_738 = vector.multi_reduction <maximumf>, %select_n3A_737, %reduce_max3A [0] : vector<8x256xf32> to vector<256xf32>
      %broadcast_in_dim3A_739 = vector.shape_cast %reduce_max3A_738 : vector<256xf32> to vector<1x256xf32>
      %max3A = arith.maximumf %while3A_710, %broadcast_in_dim3A_739 : vector<1x256xf32>
      scf.yield %add3A_732, %max3A : vector<1x256xf32>, vector<1x256xf32>
    }
    %while3A_248 = arith.constant 1 : i32
    %while3A_249:2 = scf.for %while3A_708 = %while3A_245 to %while3A_241 step %while3A_248 iter_args(%while3A_709 = %while3A_247#0, %while3A_710 = %while3A_247#1) -> (vector<1x256xf32>, vector<1x256xf32>)  : i32 {
      %mul3A_711 = arith.constant 8 : i32
      %mul3A_712 = arith.muli %while3A_708, %mul3A_711 : i32
      %get3A_713 = arith.index_cast %mul3A_712 : i32 to index
      %get3A_714 = arith.constant 0 : index
      %get3A_715 = vector.load %arg1[%get3A_713, %get3A_714] : memref<10000x256xf32, #tpu.memory_space<vmem>>, vector<8x256xf32>
      %iota3A = tpu.iota {dimensions = array<i32: 0>} : vector<8x1xi32>
      %mul3A_716 = arith.constant 8 : i32
      %mul3A_717 = arith.muli %while3A_708, %mul3A_716 : i32
      %add3A_718 = vector.broadcast %mul3A_717 : i32 to vector<8x1xi32>
      %add3A_719 = arith.addi %iota3A, %add3A_718 : vector<8x1xi32>
      %ge3A = vector.broadcast %reduce_sum3A_175 : i32 to vector<8x1xi32>
      %ge3A_720 = arith.cmpi sge, %add3A_719, %ge3A : vector<8x1xi32>
      %lt3A_721 = vector.broadcast %reduce_sum3A_185 : i32 to vector<8x1xi32>
      %lt3A_722 = arith.cmpi slt, %add3A_719, %lt3A_721 : vector<8x1xi32>
      %and3A_723 = arith.andi %ge3A_720, %lt3A_722 : vector<8x1xi1>
      %jit3A_724 = arith.constant 0.000000e+00 : f32
      %broadcast_in_dim3A_725 = vector.shape_cast %and3A_723 : vector<8x1xi1> to vector<8x1xi1>
      %broadcast_in_dim3A_726 = vector.broadcast %broadcast_in_dim3A_725 : vector<8x1xi1> to vector<8x256xi1>
      %broadcast_in_dim3A_727 = vector.broadcast %jit3A_724 : f32 to vector<8x256xf32>
      %select_n3A_728 = arith.select %broadcast_in_dim3A_726, %get3A_715, %broadcast_in_dim3A_727 : vector<8x256xi1>, vector<8x256xf32>
      %reduce_sum3A_729 = arith.constant dense<0.000000e+00> : vector<256xf32>
      %reduce_sum3A_730 = vector.multi_reduction <add>, %select_n3A_728, %reduce_sum3A_729 [0] : vector<8x256xf32> to vector<256xf32>
      %broadcast_in_dim3A_731 = vector.shape_cast %reduce_sum3A_730 : vector<256xf32> to vector<1x256xf32>
      %add3A_732 = arith.addf %while3A_709, %broadcast_in_dim3A_731 : vector<1x256xf32>
      %jit3A_733 = arith.constant 0xFF800000 : f32
      %broadcast_in_dim3A_734 = vector.shape_cast %and3A_723 : vector<8x1xi1> to vector<8x1xi1>
      %broadcast_in_dim3A_735 = vector.broadcast %broadcast_in_dim3A_734 : vector<8x1xi1> to vector<8x256xi1>
      %broadcast_in_dim3A_736 = vector.broadcast %jit3A_733 : f32 to vector<8x256xf32>
      %select_n3A_737 = arith.select %broadcast_in_dim3A_735, %get3A_715, %broadcast_in_dim3A_736 : vector<8x256xi1>, vector<8x256xf32>
      %reduce_max3A = arith.constant dense<0xFF800000> : vector<256xf32>
      %reduce_max3A_738 = vector.multi_reduction <maximumf>, %select_n3A_737, %reduce_max3A [0] : vector<8x256xf32> to vector<256xf32>
      %broadcast_in_dim3A_739 = vector.shape_cast %reduce_max3A_738 : vector<256xf32> to vector<1x256xf32>
      %max3A = arith.maximumf %while3A_710, %broadcast_in_dim3A_739 : vector<1x256xf32>
      scf.yield %add3A_732, %max3A : vector<1x256xf32>, vector<1x256xf32>
    }
    %sub3A_250 = arith.subi %reduce_sum3A_185, %reduce_sum3A_175 : i32
    %convert_element_type3A_251 = arith.sitofp %sub3A_250 : i32 to f32
    %reshape3A_252 = vector.broadcast %convert_element_type3A_251 : f32 to vector<1x1xf32>
    %mul3A_253 = arith.constant 8 : i32
    %mul3A_254 = arith.muli %arg0, %mul3A_253 : i32
    %add3A_255 = arith.constant 3 : i32
    %add3A_256 = arith.addi %mul3A_254, %add3A_255 : i32
    %lt3A_257 = vector.broadcast %add3A_256 : i32 to vector<80x128xi32>
    %lt3A_258 = arith.cmpi slt, %get3A_1, %lt3A_257 : vector<80x128xi32>
    %convert_element_type3A_259 = arith.extui %lt3A_258 : vector<80x128xi1> to vector<80x128xi32>
    %reduce_sum3A_260 = vector.shape_cast %convert_element_type3A_259 : vector<80x128xi32> to vector<1x80x128xi32>
    %reduce_sum3A_261 = arith.constant dense<0> : vector<1xi32>
    %reduce_sum3A_262 = vector.multi_reduction <add>, %reduce_sum3A_260, %reduce_sum3A_261 [1, 2] : vector<1x80x128xi32> to vector<1xi32>
    %reduce_sum3A_263 = vector.shape_cast %reduce_sum3A_262 : vector<1xi32> to vector<1x1x1xi32>
    %reduce_sum3A_264 = vector.extract %reduce_sum3A_263[0, 0, 0] : i32 from vector<1x1x1xi32>
    %add3A_265 = arith.constant 1 : i32
    %add3A_266 = arith.addi %add3A_256, %add3A_265 : i32
    %lt3A_267 = vector.broadcast %add3A_266 : i32 to vector<80x128xi32>
    %lt3A_268 = arith.cmpi slt, %get3A_1, %lt3A_267 : vector<80x128xi32>
    %convert_element_type3A_269 = arith.extui %lt3A_268 : vector<80x128xi1> to vector<80x128xi32>
    %reduce_sum3A_270 = vector.shape_cast %convert_element_type3A_269 : vector<80x128xi32> to vector<1x80x128xi32>
    %reduce_sum3A_271 = arith.constant dense<0> : vector<1xi32>
    %reduce_sum3A_272 = vector.multi_reduction <add>, %reduce_sum3A_270, %reduce_sum3A_271 [1, 2] : vector<1x80x128xi32> to vector<1xi32>
    %reduce_sum3A_273 = vector.shape_cast %reduce_sum3A_272 : vector<1xi32> to vector<1x1x1xi32>
    %reduce_sum3A_274 = vector.extract %reduce_sum3A_273[0, 0, 0] : i32 from vector<1x1x1xi32>
    %jit3A_275 = arith.constant 8 : i32
    %div3A_276 = arith.divsi %reduce_sum3A_264, %jit3A_275 : i32
    %sign3A_277 = arith.constant 0 : i32
    %sign3A_278 = arith.cmpi sgt, %reduce_sum3A_264, %sign3A_277 : i32
    %sign3A_279 = arith.extui %sign3A_278 : i1 to i32
    %sign3A_280 = arith.constant 0 : i32
    %sign3A_281 = arith.cmpi slt, %reduce_sum3A_264, %sign3A_280 : i32
    %sign3A_282 = arith.extui %sign3A_281 : i1 to i32
    %sign3A_283 = arith.subi %sign3A_279, %sign3A_282 : i32
    %sign3A_284 = arith.constant 0 : i32
    %sign3A_285 = arith.cmpi sgt, %jit3A_275, %sign3A_284 : i32
    %sign3A_286 = arith.extui %sign3A_285 : i1 to i32
    %sign3A_287 = arith.constant 0 : i32
    %sign3A_288 = arith.cmpi slt, %jit3A_275, %sign3A_287 : i32
    %sign3A_289 = arith.extui %sign3A_288 : i1 to i32
    %sign3A_290 = arith.subi %sign3A_286, %sign3A_289 : i32
    %ne3A_291 = arith.cmpi ne, %sign3A_283, %sign3A_290 : i32
    %rem3A_292 = arith.remsi %reduce_sum3A_264, %jit3A_275 : i32
    %ne3A_293 = arith.constant 0 : i32
    %ne3A_294 = arith.cmpi ne, %rem3A_292, %ne3A_293 : i32
    %and3A_295 = arith.andi %ne3A_291, %ne3A_294 : i1
    %sub3A_296 = arith.constant 1 : i32
    %sub3A_297 = arith.subi %div3A_276, %sub3A_296 : i32
    %select_n3A_298 = arith.select %and3A_295, %sub3A_297, %div3A_276 : i32
    %add3A_299 = arith.constant 7 : i32
    %add3A_300 = arith.addi %reduce_sum3A_274, %add3A_299 : i32
    %jit3A_301 = arith.constant 8 : i32
    %div3A_302 = arith.divsi %add3A_300, %jit3A_301 : i32
    %sign3A_303 = arith.constant 0 : i32
    %sign3A_304 = arith.cmpi sgt, %add3A_300, %sign3A_303 : i32
    %sign3A_305 = arith.extui %sign3A_304 : i1 to i32
    %sign3A_306 = arith.constant 0 : i32
    %sign3A_307 = arith.cmpi slt, %add3A_300, %sign3A_306 : i32
    %sign3A_308 = arith.extui %sign3A_307 : i1 to i32
    %sign3A_309 = arith.subi %sign3A_305, %sign3A_308 : i32
    %sign3A_310 = arith.constant 0 : i32
    %sign3A_311 = arith.cmpi sgt, %jit3A_301, %sign3A_310 : i32
    %sign3A_312 = arith.extui %sign3A_311 : i1 to i32
    %sign3A_313 = arith.constant 0 : i32
    %sign3A_314 = arith.cmpi slt, %jit3A_301, %sign3A_313 : i32
    %sign3A_315 = arith.extui %sign3A_314 : i1 to i32
    %sign3A_316 = arith.subi %sign3A_312, %sign3A_315 : i32
    %ne3A_317 = arith.cmpi ne, %sign3A_309, %sign3A_316 : i32
    %rem3A_318 = arith.remsi %add3A_300, %jit3A_301 : i32
    %ne3A_319 = arith.constant 0 : i32
    %ne3A_320 = arith.cmpi ne, %rem3A_318, %ne3A_319 : i32
    %and3A_321 = arith.andi %ne3A_317, %ne3A_320 : i1
    %sub3A_322 = arith.constant 1 : i32
    %sub3A_323 = arith.subi %div3A_302, %sub3A_322 : i32
    %select_n3A_324 = arith.select %and3A_321, %sub3A_323, %div3A_302 : i32
    %broadcast_in_dim3A_325 = arith.constant 0.000000e+00 : f32
    %broadcast_in_dim3A_326 = vector.broadcast %broadcast_in_dim3A_325 : f32 to vector<1x256xf32>
    %broadcast_in_dim3A_327 = arith.constant 0xFF800000 : f32
    %broadcast_in_dim3A_328 = vector.broadcast %broadcast_in_dim3A_327 : f32 to vector<1x256xf32>
    %while3A_329 = arith.subi %select_n3A_324, %select_n3A_298 : i32
    %while3A_330 = arith.addi %select_n3A_298, %while3A_329 : i32
    %while3A_331 = arith.constant 1 : i32
    %while3A_332 = arith.divsi %while3A_329, %while3A_331 : i32
    %while3A_333 = arith.muli %while3A_332, %while3A_331 : i32
    %while3A_334 = arith.addi %select_n3A_298, %while3A_333 : i32
    %while3A_335 = arith.constant 1 : i32
    %while3A_336:2 = scf.for %while3A_708 = %select_n3A_298 to %while3A_334 step %while3A_335 iter_args(%while3A_709 = %broadcast_in_dim3A_326, %while3A_710 = %broadcast_in_dim3A_328) -> (vector<1x256xf32>, vector<1x256xf32>)  : i32 {
      %mul3A_711 = arith.constant 8 : i32
      %mul3A_712 = arith.muli %while3A_708, %mul3A_711 : i32
      %get3A_713 = arith.index_cast %mul3A_712 : i32 to index
      %get3A_714 = arith.constant 0 : index
      %get3A_715 = vector.load %arg1[%get3A_713, %get3A_714] : memref<10000x256xf32, #tpu.memory_space<vmem>>, vector<8x256xf32>
      %iota3A = tpu.iota {dimensions = array<i32: 0>} : vector<8x1xi32>
      %mul3A_716 = arith.constant 8 : i32
      %mul3A_717 = arith.muli %while3A_708, %mul3A_716 : i32
      %add3A_718 = vector.broadcast %mul3A_717 : i32 to vector<8x1xi32>
      %add3A_719 = arith.addi %iota3A, %add3A_718 : vector<8x1xi32>
      %ge3A = vector.broadcast %reduce_sum3A_264 : i32 to vector<8x1xi32>
      %ge3A_720 = arith.cmpi sge, %add3A_719, %ge3A : vector<8x1xi32>
      %lt3A_721 = vector.broadcast %reduce_sum3A_274 : i32 to vector<8x1xi32>
      %lt3A_722 = arith.cmpi slt, %add3A_719, %lt3A_721 : vector<8x1xi32>
      %and3A_723 = arith.andi %ge3A_720, %lt3A_722 : vector<8x1xi1>
      %jit3A_724 = arith.constant 0.000000e+00 : f32
      %broadcast_in_dim3A_725 = vector.shape_cast %and3A_723 : vector<8x1xi1> to vector<8x1xi1>
      %broadcast_in_dim3A_726 = vector.broadcast %broadcast_in_dim3A_725 : vector<8x1xi1> to vector<8x256xi1>
      %broadcast_in_dim3A_727 = vector.broadcast %jit3A_724 : f32 to vector<8x256xf32>
      %select_n3A_728 = arith.select %broadcast_in_dim3A_726, %get3A_715, %broadcast_in_dim3A_727 : vector<8x256xi1>, vector<8x256xf32>
      %reduce_sum3A_729 = arith.constant dense<0.000000e+00> : vector<256xf32>
      %reduce_sum3A_730 = vector.multi_reduction <add>, %select_n3A_728, %reduce_sum3A_729 [0] : vector<8x256xf32> to vector<256xf32>
      %broadcast_in_dim3A_731 = vector.shape_cast %reduce_sum3A_730 : vector<256xf32> to vector<1x256xf32>
      %add3A_732 = arith.addf %while3A_709, %broadcast_in_dim3A_731 : vector<1x256xf32>
      %jit3A_733 = arith.constant 0xFF800000 : f32
      %broadcast_in_dim3A_734 = vector.shape_cast %and3A_723 : vector<8x1xi1> to vector<8x1xi1>
      %broadcast_in_dim3A_735 = vector.broadcast %broadcast_in_dim3A_734 : vector<8x1xi1> to vector<8x256xi1>
      %broadcast_in_dim3A_736 = vector.broadcast %jit3A_733 : f32 to vector<8x256xf32>
      %select_n3A_737 = arith.select %broadcast_in_dim3A_735, %get3A_715, %broadcast_in_dim3A_736 : vector<8x256xi1>, vector<8x256xf32>
      %reduce_max3A = arith.constant dense<0xFF800000> : vector<256xf32>
      %reduce_max3A_738 = vector.multi_reduction <maximumf>, %select_n3A_737, %reduce_max3A [0] : vector<8x256xf32> to vector<256xf32>
      %broadcast_in_dim3A_739 = vector.shape_cast %reduce_max3A_738 : vector<256xf32> to vector<1x256xf32>
      %max3A = arith.maximumf %while3A_710, %broadcast_in_dim3A_739 : vector<1x256xf32>
      scf.yield %add3A_732, %max3A : vector<1x256xf32>, vector<1x256xf32>
    }
    %while3A_337 = arith.constant 1 : i32
    %while3A_338:2 = scf.for %while3A_708 = %while3A_334 to %while3A_330 step %while3A_337 iter_args(%while3A_709 = %while3A_336#0, %while3A_710 = %while3A_336#1) -> (vector<1x256xf32>, vector<1x256xf32>)  : i32 {
      %mul3A_711 = arith.constant 8 : i32
      %mul3A_712 = arith.muli %while3A_708, %mul3A_711 : i32
      %get3A_713 = arith.index_cast %mul3A_712 : i32 to index
      %get3A_714 = arith.constant 0 : index
      %get3A_715 = vector.load %arg1[%get3A_713, %get3A_714] : memref<10000x256xf32, #tpu.memory_space<vmem>>, vector<8x256xf32>
      %iota3A = tpu.iota {dimensions = array<i32: 0>} : vector<8x1xi32>
      %mul3A_716 = arith.constant 8 : i32
      %mul3A_717 = arith.muli %while3A_708, %mul3A_716 : i32
      %add3A_718 = vector.broadcast %mul3A_717 : i32 to vector<8x1xi32>
      %add3A_719 = arith.addi %iota3A, %add3A_718 : vector<8x1xi32>
      %ge3A = vector.broadcast %reduce_sum3A_264 : i32 to vector<8x1xi32>
      %ge3A_720 = arith.cmpi sge, %add3A_719, %ge3A : vector<8x1xi32>
      %lt3A_721 = vector.broadcast %reduce_sum3A_274 : i32 to vector<8x1xi32>
      %lt3A_722 = arith.cmpi slt, %add3A_719, %lt3A_721 : vector<8x1xi32>
      %and3A_723 = arith.andi %ge3A_720, %lt3A_722 : vector<8x1xi1>
      %jit3A_724 = arith.constant 0.000000e+00 : f32
      %broadcast_in_dim3A_725 = vector.shape_cast %and3A_723 : vector<8x1xi1> to vector<8x1xi1>
      %broadcast_in_dim3A_726 = vector.broadcast %broadcast_in_dim3A_725 : vector<8x1xi1> to vector<8x256xi1>
      %broadcast_in_dim3A_727 = vector.broadcast %jit3A_724 : f32 to vector<8x256xf32>
      %select_n3A_728 = arith.select %broadcast_in_dim3A_726, %get3A_715, %broadcast_in_dim3A_727 : vector<8x256xi1>, vector<8x256xf32>
      %reduce_sum3A_729 = arith.constant dense<0.000000e+00> : vector<256xf32>
      %reduce_sum3A_730 = vector.multi_reduction <add>, %select_n3A_728, %reduce_sum3A_729 [0] : vector<8x256xf32> to vector<256xf32>
      %broadcast_in_dim3A_731 = vector.shape_cast %reduce_sum3A_730 : vector<256xf32> to vector<1x256xf32>
      %add3A_732 = arith.addf %while3A_709, %broadcast_in_dim3A_731 : vector<1x256xf32>
      %jit3A_733 = arith.constant 0xFF800000 : f32
      %broadcast_in_dim3A_734 = vector.shape_cast %and3A_723 : vector<8x1xi1> to vector<8x1xi1>
      %broadcast_in_dim3A_735 = vector.broadcast %broadcast_in_dim3A_734 : vector<8x1xi1> to vector<8x256xi1>
      %broadcast_in_dim3A_736 = vector.broadcast %jit3A_733 : f32 to vector<8x256xf32>
      %select_n3A_737 = arith.select %broadcast_in_dim3A_735, %get3A_715, %broadcast_in_dim3A_736 : vector<8x256xi1>, vector<8x256xf32>
      %reduce_max3A = arith.constant dense<0xFF800000> : vector<256xf32>
      %reduce_max3A_738 = vector.multi_reduction <maximumf>, %select_n3A_737, %reduce_max3A [0] : vector<8x256xf32> to vector<256xf32>
      %broadcast_in_dim3A_739 = vector.shape_cast %reduce_max3A_738 : vector<256xf32> to vector<1x256xf32>
      %max3A = arith.maximumf %while3A_710, %broadcast_in_dim3A_739 : vector<1x256xf32>
      scf.yield %add3A_732, %max3A : vector<1x256xf32>, vector<1x256xf32>
    }
    %sub3A_339 = arith.subi %reduce_sum3A_274, %reduce_sum3A_264 : i32
    %convert_element_type3A_340 = arith.sitofp %sub3A_339 : i32 to f32
    %reshape3A_341 = vector.broadcast %convert_element_type3A_340 : f32 to vector<1x1xf32>
    %mul3A_342 = arith.constant 8 : i32
    %mul3A_343 = arith.muli %arg0, %mul3A_342 : i32
    %add3A_344 = arith.constant 4 : i32
    %add3A_345 = arith.addi %mul3A_343, %add3A_344 : i32
    %lt3A_346 = vector.broadcast %add3A_345 : i32 to vector<80x128xi32>
    %lt3A_347 = arith.cmpi slt, %get3A_1, %lt3A_346 : vector<80x128xi32>
    %convert_element_type3A_348 = arith.extui %lt3A_347 : vector<80x128xi1> to vector<80x128xi32>
    %reduce_sum3A_349 = vector.shape_cast %convert_element_type3A_348 : vector<80x128xi32> to vector<1x80x128xi32>
    %reduce_sum3A_350 = arith.constant dense<0> : vector<1xi32>
    %reduce_sum3A_351 = vector.multi_reduction <add>, %reduce_sum3A_349, %reduce_sum3A_350 [1, 2] : vector<1x80x128xi32> to vector<1xi32>
    %reduce_sum3A_352 = vector.shape_cast %reduce_sum3A_351 : vector<1xi32> to vector<1x1x1xi32>
    %reduce_sum3A_353 = vector.extract %reduce_sum3A_352[0, 0, 0] : i32 from vector<1x1x1xi32>
    %add3A_354 = arith.constant 1 : i32
    %add3A_355 = arith.addi %add3A_345, %add3A_354 : i32
    %lt3A_356 = vector.broadcast %add3A_355 : i32 to vector<80x128xi32>
    %lt3A_357 = arith.cmpi slt, %get3A_1, %lt3A_356 : vector<80x128xi32>
    %convert_element_type3A_358 = arith.extui %lt3A_357 : vector<80x128xi1> to vector<80x128xi32>
    %reduce_sum3A_359 = vector.shape_cast %convert_element_type3A_358 : vector<80x128xi32> to vector<1x80x128xi32>
    %reduce_sum3A_360 = arith.constant dense<0> : vector<1xi32>
    %reduce_sum3A_361 = vector.multi_reduction <add>, %reduce_sum3A_359, %reduce_sum3A_360 [1, 2] : vector<1x80x128xi32> to vector<1xi32>
    %reduce_sum3A_362 = vector.shape_cast %reduce_sum3A_361 : vector<1xi32> to vector<1x1x1xi32>
    %reduce_sum3A_363 = vector.extract %reduce_sum3A_362[0, 0, 0] : i32 from vector<1x1x1xi32>
    %jit3A_364 = arith.constant 8 : i32
    %div3A_365 = arith.divsi %reduce_sum3A_353, %jit3A_364 : i32
    %sign3A_366 = arith.constant 0 : i32
    %sign3A_367 = arith.cmpi sgt, %reduce_sum3A_353, %sign3A_366 : i32
    %sign3A_368 = arith.extui %sign3A_367 : i1 to i32
    %sign3A_369 = arith.constant 0 : i32
    %sign3A_370 = arith.cmpi slt, %reduce_sum3A_353, %sign3A_369 : i32
    %sign3A_371 = arith.extui %sign3A_370 : i1 to i32
    %sign3A_372 = arith.subi %sign3A_368, %sign3A_371 : i32
    %sign3A_373 = arith.constant 0 : i32
    %sign3A_374 = arith.cmpi sgt, %jit3A_364, %sign3A_373 : i32
    %sign3A_375 = arith.extui %sign3A_374 : i1 to i32
    %sign3A_376 = arith.constant 0 : i32
    %sign3A_377 = arith.cmpi slt, %jit3A_364, %sign3A_376 : i32
    %sign3A_378 = arith.extui %sign3A_377 : i1 to i32
    %sign3A_379 = arith.subi %sign3A_375, %sign3A_378 : i32
    %ne3A_380 = arith.cmpi ne, %sign3A_372, %sign3A_379 : i32
    %rem3A_381 = arith.remsi %reduce_sum3A_353, %jit3A_364 : i32
    %ne3A_382 = arith.constant 0 : i32
    %ne3A_383 = arith.cmpi ne, %rem3A_381, %ne3A_382 : i32
    %and3A_384 = arith.andi %ne3A_380, %ne3A_383 : i1
    %sub3A_385 = arith.constant 1 : i32
    %sub3A_386 = arith.subi %div3A_365, %sub3A_385 : i32
    %select_n3A_387 = arith.select %and3A_384, %sub3A_386, %div3A_365 : i32
    %add3A_388 = arith.constant 7 : i32
    %add3A_389 = arith.addi %reduce_sum3A_363, %add3A_388 : i32
    %jit3A_390 = arith.constant 8 : i32
    %div3A_391 = arith.divsi %add3A_389, %jit3A_390 : i32
    %sign3A_392 = arith.constant 0 : i32
    %sign3A_393 = arith.cmpi sgt, %add3A_389, %sign3A_392 : i32
    %sign3A_394 = arith.extui %sign3A_393 : i1 to i32
    %sign3A_395 = arith.constant 0 : i32
    %sign3A_396 = arith.cmpi slt, %add3A_389, %sign3A_395 : i32
    %sign3A_397 = arith.extui %sign3A_396 : i1 to i32
    %sign3A_398 = arith.subi %sign3A_394, %sign3A_397 : i32
    %sign3A_399 = arith.constant 0 : i32
    %sign3A_400 = arith.cmpi sgt, %jit3A_390, %sign3A_399 : i32
    %sign3A_401 = arith.extui %sign3A_400 : i1 to i32
    %sign3A_402 = arith.constant 0 : i32
    %sign3A_403 = arith.cmpi slt, %jit3A_390, %sign3A_402 : i32
    %sign3A_404 = arith.extui %sign3A_403 : i1 to i32
    %sign3A_405 = arith.subi %sign3A_401, %sign3A_404 : i32
    %ne3A_406 = arith.cmpi ne, %sign3A_398, %sign3A_405 : i32
    %rem3A_407 = arith.remsi %add3A_389, %jit3A_390 : i32
    %ne3A_408 = arith.constant 0 : i32
    %ne3A_409 = arith.cmpi ne, %rem3A_407, %ne3A_408 : i32
    %and3A_410 = arith.andi %ne3A_406, %ne3A_409 : i1
    %sub3A_411 = arith.constant 1 : i32
    %sub3A_412 = arith.subi %div3A_391, %sub3A_411 : i32
    %select_n3A_413 = arith.select %and3A_410, %sub3A_412, %div3A_391 : i32
    %broadcast_in_dim3A_414 = arith.constant 0.000000e+00 : f32
    %broadcast_in_dim3A_415 = vector.broadcast %broadcast_in_dim3A_414 : f32 to vector<1x256xf32>
    %broadcast_in_dim3A_416 = arith.constant 0xFF800000 : f32
    %broadcast_in_dim3A_417 = vector.broadcast %broadcast_in_dim3A_416 : f32 to vector<1x256xf32>
    %while3A_418 = arith.subi %select_n3A_413, %select_n3A_387 : i32
    %while3A_419 = arith.addi %select_n3A_387, %while3A_418 : i32
    %while3A_420 = arith.constant 1 : i32
    %while3A_421 = arith.divsi %while3A_418, %while3A_420 : i32
    %while3A_422 = arith.muli %while3A_421, %while3A_420 : i32
    %while3A_423 = arith.addi %select_n3A_387, %while3A_422 : i32
    %while3A_424 = arith.constant 1 : i32
    %while3A_425:2 = scf.for %while3A_708 = %select_n3A_387 to %while3A_423 step %while3A_424 iter_args(%while3A_709 = %broadcast_in_dim3A_415, %while3A_710 = %broadcast_in_dim3A_417) -> (vector<1x256xf32>, vector<1x256xf32>)  : i32 {
      %mul3A_711 = arith.constant 8 : i32
      %mul3A_712 = arith.muli %while3A_708, %mul3A_711 : i32
      %get3A_713 = arith.index_cast %mul3A_712 : i32 to index
      %get3A_714 = arith.constant 0 : index
      %get3A_715 = vector.load %arg1[%get3A_713, %get3A_714] : memref<10000x256xf32, #tpu.memory_space<vmem>>, vector<8x256xf32>
      %iota3A = tpu.iota {dimensions = array<i32: 0>} : vector<8x1xi32>
      %mul3A_716 = arith.constant 8 : i32
      %mul3A_717 = arith.muli %while3A_708, %mul3A_716 : i32
      %add3A_718 = vector.broadcast %mul3A_717 : i32 to vector<8x1xi32>
      %add3A_719 = arith.addi %iota3A, %add3A_718 : vector<8x1xi32>
      %ge3A = vector.broadcast %reduce_sum3A_353 : i32 to vector<8x1xi32>
      %ge3A_720 = arith.cmpi sge, %add3A_719, %ge3A : vector<8x1xi32>
      %lt3A_721 = vector.broadcast %reduce_sum3A_363 : i32 to vector<8x1xi32>
      %lt3A_722 = arith.cmpi slt, %add3A_719, %lt3A_721 : vector<8x1xi32>
      %and3A_723 = arith.andi %ge3A_720, %lt3A_722 : vector<8x1xi1>
      %jit3A_724 = arith.constant 0.000000e+00 : f32
      %broadcast_in_dim3A_725 = vector.shape_cast %and3A_723 : vector<8x1xi1> to vector<8x1xi1>
      %broadcast_in_dim3A_726 = vector.broadcast %broadcast_in_dim3A_725 : vector<8x1xi1> to vector<8x256xi1>
      %broadcast_in_dim3A_727 = vector.broadcast %jit3A_724 : f32 to vector<8x256xf32>
      %select_n3A_728 = arith.select %broadcast_in_dim3A_726, %get3A_715, %broadcast_in_dim3A_727 : vector<8x256xi1>, vector<8x256xf32>
      %reduce_sum3A_729 = arith.constant dense<0.000000e+00> : vector<256xf32>
      %reduce_sum3A_730 = vector.multi_reduction <add>, %select_n3A_728, %reduce_sum3A_729 [0] : vector<8x256xf32> to vector<256xf32>
      %broadcast_in_dim3A_731 = vector.shape_cast %reduce_sum3A_730 : vector<256xf32> to vector<1x256xf32>
      %add3A_732 = arith.addf %while3A_709, %broadcast_in_dim3A_731 : vector<1x256xf32>
      %jit3A_733 = arith.constant 0xFF800000 : f32
      %broadcast_in_dim3A_734 = vector.shape_cast %and3A_723 : vector<8x1xi1> to vector<8x1xi1>
      %broadcast_in_dim3A_735 = vector.broadcast %broadcast_in_dim3A_734 : vector<8x1xi1> to vector<8x256xi1>
      %broadcast_in_dim3A_736 = vector.broadcast %jit3A_733 : f32 to vector<8x256xf32>
      %select_n3A_737 = arith.select %broadcast_in_dim3A_735, %get3A_715, %broadcast_in_dim3A_736 : vector<8x256xi1>, vector<8x256xf32>
      %reduce_max3A = arith.constant dense<0xFF800000> : vector<256xf32>
      %reduce_max3A_738 = vector.multi_reduction <maximumf>, %select_n3A_737, %reduce_max3A [0] : vector<8x256xf32> to vector<256xf32>
      %broadcast_in_dim3A_739 = vector.shape_cast %reduce_max3A_738 : vector<256xf32> to vector<1x256xf32>
      %max3A = arith.maximumf %while3A_710, %broadcast_in_dim3A_739 : vector<1x256xf32>
      scf.yield %add3A_732, %max3A : vector<1x256xf32>, vector<1x256xf32>
    }
    %while3A_426 = arith.constant 1 : i32
    %while3A_427:2 = scf.for %while3A_708 = %while3A_423 to %while3A_419 step %while3A_426 iter_args(%while3A_709 = %while3A_425#0, %while3A_710 = %while3A_425#1) -> (vector<1x256xf32>, vector<1x256xf32>)  : i32 {
      %mul3A_711 = arith.constant 8 : i32
      %mul3A_712 = arith.muli %while3A_708, %mul3A_711 : i32
      %get3A_713 = arith.index_cast %mul3A_712 : i32 to index
      %get3A_714 = arith.constant 0 : index
      %get3A_715 = vector.load %arg1[%get3A_713, %get3A_714] : memref<10000x256xf32, #tpu.memory_space<vmem>>, vector<8x256xf32>
      %iota3A = tpu.iota {dimensions = array<i32: 0>} : vector<8x1xi32>
      %mul3A_716 = arith.constant 8 : i32
      %mul3A_717 = arith.muli %while3A_708, %mul3A_716 : i32
      %add3A_718 = vector.broadcast %mul3A_717 : i32 to vector<8x1xi32>
      %add3A_719 = arith.addi %iota3A, %add3A_718 : vector<8x1xi32>
      %ge3A = vector.broadcast %reduce_sum3A_353 : i32 to vector<8x1xi32>
      %ge3A_720 = arith.cmpi sge, %add3A_719, %ge3A : vector<8x1xi32>
      %lt3A_721 = vector.broadcast %reduce_sum3A_363 : i32 to vector<8x1xi32>
      %lt3A_722 = arith.cmpi slt, %add3A_719, %lt3A_721 : vector<8x1xi32>
      %and3A_723 = arith.andi %ge3A_720, %lt3A_722 : vector<8x1xi1>
      %jit3A_724 = arith.constant 0.000000e+00 : f32
      %broadcast_in_dim3A_725 = vector.shape_cast %and3A_723 : vector<8x1xi1> to vector<8x1xi1>
      %broadcast_in_dim3A_726 = vector.broadcast %broadcast_in_dim3A_725 : vector<8x1xi1> to vector<8x256xi1>
      %broadcast_in_dim3A_727 = vector.broadcast %jit3A_724 : f32 to vector<8x256xf32>
      %select_n3A_728 = arith.select %broadcast_in_dim3A_726, %get3A_715, %broadcast_in_dim3A_727 : vector<8x256xi1>, vector<8x256xf32>
      %reduce_sum3A_729 = arith.constant dense<0.000000e+00> : vector<256xf32>
      %reduce_sum3A_730 = vector.multi_reduction <add>, %select_n3A_728, %reduce_sum3A_729 [0] : vector<8x256xf32> to vector<256xf32>
      %broadcast_in_dim3A_731 = vector.shape_cast %reduce_sum3A_730 : vector<256xf32> to vector<1x256xf32>
      %add3A_732 = arith.addf %while3A_709, %broadcast_in_dim3A_731 : vector<1x256xf32>
      %jit3A_733 = arith.constant 0xFF800000 : f32
      %broadcast_in_dim3A_734 = vector.shape_cast %and3A_723 : vector<8x1xi1> to vector<8x1xi1>
      %broadcast_in_dim3A_735 = vector.broadcast %broadcast_in_dim3A_734 : vector<8x1xi1> to vector<8x256xi1>
      %broadcast_in_dim3A_736 = vector.broadcast %jit3A_733 : f32 to vector<8x256xf32>
      %select_n3A_737 = arith.select %broadcast_in_dim3A_735, %get3A_715, %broadcast_in_dim3A_736 : vector<8x256xi1>, vector<8x256xf32>
      %reduce_max3A = arith.constant dense<0xFF800000> : vector<256xf32>
      %reduce_max3A_738 = vector.multi_reduction <maximumf>, %select_n3A_737, %reduce_max3A [0] : vector<8x256xf32> to vector<256xf32>
      %broadcast_in_dim3A_739 = vector.shape_cast %reduce_max3A_738 : vector<256xf32> to vector<1x256xf32>
      %max3A = arith.maximumf %while3A_710, %broadcast_in_dim3A_739 : vector<1x256xf32>
      scf.yield %add3A_732, %max3A : vector<1x256xf32>, vector<1x256xf32>
    }
    %sub3A_428 = arith.subi %reduce_sum3A_363, %reduce_sum3A_353 : i32
    %convert_element_type3A_429 = arith.sitofp %sub3A_428 : i32 to f32
    %reshape3A_430 = vector.broadcast %convert_element_type3A_429 : f32 to vector<1x1xf32>
    %mul3A_431 = arith.constant 8 : i32
    %mul3A_432 = arith.muli %arg0, %mul3A_431 : i32
    %add3A_433 = arith.constant 5 : i32
    %add3A_434 = arith.addi %mul3A_432, %add3A_433 : i32
    %lt3A_435 = vector.broadcast %add3A_434 : i32 to vector<80x128xi32>
    %lt3A_436 = arith.cmpi slt, %get3A_1, %lt3A_435 : vector<80x128xi32>
    %convert_element_type3A_437 = arith.extui %lt3A_436 : vector<80x128xi1> to vector<80x128xi32>
    %reduce_sum3A_438 = vector.shape_cast %convert_element_type3A_437 : vector<80x128xi32> to vector<1x80x128xi32>
    %reduce_sum3A_439 = arith.constant dense<0> : vector<1xi32>
    %reduce_sum3A_440 = vector.multi_reduction <add>, %reduce_sum3A_438, %reduce_sum3A_439 [1, 2] : vector<1x80x128xi32> to vector<1xi32>
    %reduce_sum3A_441 = vector.shape_cast %reduce_sum3A_440 : vector<1xi32> to vector<1x1x1xi32>
    %reduce_sum3A_442 = vector.extract %reduce_sum3A_441[0, 0, 0] : i32 from vector<1x1x1xi32>
    %add3A_443 = arith.constant 1 : i32
    %add3A_444 = arith.addi %add3A_434, %add3A_443 : i32
    %lt3A_445 = vector.broadcast %add3A_444 : i32 to vector<80x128xi32>
    %lt3A_446 = arith.cmpi slt, %get3A_1, %lt3A_445 : vector<80x128xi32>
    %convert_element_type3A_447 = arith.extui %lt3A_446 : vector<80x128xi1> to vector<80x128xi32>
    %reduce_sum3A_448 = vector.shape_cast %convert_element_type3A_447 : vector<80x128xi32> to vector<1x80x128xi32>
    %reduce_sum3A_449 = arith.constant dense<0> : vector<1xi32>
    %reduce_sum3A_450 = vector.multi_reduction <add>, %reduce_sum3A_448, %reduce_sum3A_449 [1, 2] : vector<1x80x128xi32> to vector<1xi32>
    %reduce_sum3A_451 = vector.shape_cast %reduce_sum3A_450 : vector<1xi32> to vector<1x1x1xi32>
    %reduce_sum3A_452 = vector.extract %reduce_sum3A_451[0, 0, 0] : i32 from vector<1x1x1xi32>
    %jit3A_453 = arith.constant 8 : i32
    %div3A_454 = arith.divsi %reduce_sum3A_442, %jit3A_453 : i32
    %sign3A_455 = arith.constant 0 : i32
    %sign3A_456 = arith.cmpi sgt, %reduce_sum3A_442, %sign3A_455 : i32
    %sign3A_457 = arith.extui %sign3A_456 : i1 to i32
    %sign3A_458 = arith.constant 0 : i32
    %sign3A_459 = arith.cmpi slt, %reduce_sum3A_442, %sign3A_458 : i32
    %sign3A_460 = arith.extui %sign3A_459 : i1 to i32
    %sign3A_461 = arith.subi %sign3A_457, %sign3A_460 : i32
    %sign3A_462 = arith.constant 0 : i32
    %sign3A_463 = arith.cmpi sgt, %jit3A_453, %sign3A_462 : i32
    %sign3A_464 = arith.extui %sign3A_463 : i1 to i32
    %sign3A_465 = arith.constant 0 : i32
    %sign3A_466 = arith.cmpi slt, %jit3A_453, %sign3A_465 : i32
    %sign3A_467 = arith.extui %sign3A_466 : i1 to i32
    %sign3A_468 = arith.subi %sign3A_464, %sign3A_467 : i32
    %ne3A_469 = arith.cmpi ne, %sign3A_461, %sign3A_468 : i32
    %rem3A_470 = arith.remsi %reduce_sum3A_442, %jit3A_453 : i32
    %ne3A_471 = arith.constant 0 : i32
    %ne3A_472 = arith.cmpi ne, %rem3A_470, %ne3A_471 : i32
    %and3A_473 = arith.andi %ne3A_469, %ne3A_472 : i1
    %sub3A_474 = arith.constant 1 : i32
    %sub3A_475 = arith.subi %div3A_454, %sub3A_474 : i32
    %select_n3A_476 = arith.select %and3A_473, %sub3A_475, %div3A_454 : i32
    %add3A_477 = arith.constant 7 : i32
    %add3A_478 = arith.addi %reduce_sum3A_452, %add3A_477 : i32
    %jit3A_479 = arith.constant 8 : i32
    %div3A_480 = arith.divsi %add3A_478, %jit3A_479 : i32
    %sign3A_481 = arith.constant 0 : i32
    %sign3A_482 = arith.cmpi sgt, %add3A_478, %sign3A_481 : i32
    %sign3A_483 = arith.extui %sign3A_482 : i1 to i32
    %sign3A_484 = arith.constant 0 : i32
    %sign3A_485 = arith.cmpi slt, %add3A_478, %sign3A_484 : i32
    %sign3A_486 = arith.extui %sign3A_485 : i1 to i32
    %sign3A_487 = arith.subi %sign3A_483, %sign3A_486 : i32
    %sign3A_488 = arith.constant 0 : i32
    %sign3A_489 = arith.cmpi sgt, %jit3A_479, %sign3A_488 : i32
    %sign3A_490 = arith.extui %sign3A_489 : i1 to i32
    %sign3A_491 = arith.constant 0 : i32
    %sign3A_492 = arith.cmpi slt, %jit3A_479, %sign3A_491 : i32
    %sign3A_493 = arith.extui %sign3A_492 : i1 to i32
    %sign3A_494 = arith.subi %sign3A_490, %sign3A_493 : i32
    %ne3A_495 = arith.cmpi ne, %sign3A_487, %sign3A_494 : i32
    %rem3A_496 = arith.remsi %add3A_478, %jit3A_479 : i32
    %ne3A_497 = arith.constant 0 : i32
    %ne3A_498 = arith.cmpi ne, %rem3A_496, %ne3A_497 : i32
    %and3A_499 = arith.andi %ne3A_495, %ne3A_498 : i1
    %sub3A_500 = arith.constant 1 : i32
    %sub3A_501 = arith.subi %div3A_480, %sub3A_500 : i32
    %select_n3A_502 = arith.select %and3A_499, %sub3A_501, %div3A_480 : i32
    %broadcast_in_dim3A_503 = arith.constant 0.000000e+00 : f32
    %broadcast_in_dim3A_504 = vector.broadcast %broadcast_in_dim3A_503 : f32 to vector<1x256xf32>
    %broadcast_in_dim3A_505 = arith.constant 0xFF800000 : f32
    %broadcast_in_dim3A_506 = vector.broadcast %broadcast_in_dim3A_505 : f32 to vector<1x256xf32>
    %while3A_507 = arith.subi %select_n3A_502, %select_n3A_476 : i32
    %while3A_508 = arith.addi %select_n3A_476, %while3A_507 : i32
    %while3A_509 = arith.constant 1 : i32
    %while3A_510 = arith.divsi %while3A_507, %while3A_509 : i32
    %while3A_511 = arith.muli %while3A_510, %while3A_509 : i32
    %while3A_512 = arith.addi %select_n3A_476, %while3A_511 : i32
    %while3A_513 = arith.constant 1 : i32
    %while3A_514:2 = scf.for %while3A_708 = %select_n3A_476 to %while3A_512 step %while3A_513 iter_args(%while3A_709 = %broadcast_in_dim3A_504, %while3A_710 = %broadcast_in_dim3A_506) -> (vector<1x256xf32>, vector<1x256xf32>)  : i32 {
      %mul3A_711 = arith.constant 8 : i32
      %mul3A_712 = arith.muli %while3A_708, %mul3A_711 : i32
      %get3A_713 = arith.index_cast %mul3A_712 : i32 to index
      %get3A_714 = arith.constant 0 : index
      %get3A_715 = vector.load %arg1[%get3A_713, %get3A_714] : memref<10000x256xf32, #tpu.memory_space<vmem>>, vector<8x256xf32>
      %iota3A = tpu.iota {dimensions = array<i32: 0>} : vector<8x1xi32>
      %mul3A_716 = arith.constant 8 : i32
      %mul3A_717 = arith.muli %while3A_708, %mul3A_716 : i32
      %add3A_718 = vector.broadcast %mul3A_717 : i32 to vector<8x1xi32>
      %add3A_719 = arith.addi %iota3A, %add3A_718 : vector<8x1xi32>
      %ge3A = vector.broadcast %reduce_sum3A_442 : i32 to vector<8x1xi32>
      %ge3A_720 = arith.cmpi sge, %add3A_719, %ge3A : vector<8x1xi32>
      %lt3A_721 = vector.broadcast %reduce_sum3A_452 : i32 to vector<8x1xi32>
      %lt3A_722 = arith.cmpi slt, %add3A_719, %lt3A_721 : vector<8x1xi32>
      %and3A_723 = arith.andi %ge3A_720, %lt3A_722 : vector<8x1xi1>
      %jit3A_724 = arith.constant 0.000000e+00 : f32
      %broadcast_in_dim3A_725 = vector.shape_cast %and3A_723 : vector<8x1xi1> to vector<8x1xi1>
      %broadcast_in_dim3A_726 = vector.broadcast %broadcast_in_dim3A_725 : vector<8x1xi1> to vector<8x256xi1>
      %broadcast_in_dim3A_727 = vector.broadcast %jit3A_724 : f32 to vector<8x256xf32>
      %select_n3A_728 = arith.select %broadcast_in_dim3A_726, %get3A_715, %broadcast_in_dim3A_727 : vector<8x256xi1>, vector<8x256xf32>
      %reduce_sum3A_729 = arith.constant dense<0.000000e+00> : vector<256xf32>
      %reduce_sum3A_730 = vector.multi_reduction <add>, %select_n3A_728, %reduce_sum3A_729 [0] : vector<8x256xf32> to vector<256xf32>
      %broadcast_in_dim3A_731 = vector.shape_cast %reduce_sum3A_730 : vector<256xf32> to vector<1x256xf32>
      %add3A_732 = arith.addf %while3A_709, %broadcast_in_dim3A_731 : vector<1x256xf32>
      %jit3A_733 = arith.constant 0xFF800000 : f32
      %broadcast_in_dim3A_734 = vector.shape_cast %and3A_723 : vector<8x1xi1> to vector<8x1xi1>
      %broadcast_in_dim3A_735 = vector.broadcast %broadcast_in_dim3A_734 : vector<8x1xi1> to vector<8x256xi1>
      %broadcast_in_dim3A_736 = vector.broadcast %jit3A_733 : f32 to vector<8x256xf32>
      %select_n3A_737 = arith.select %broadcast_in_dim3A_735, %get3A_715, %broadcast_in_dim3A_736 : vector<8x256xi1>, vector<8x256xf32>
      %reduce_max3A = arith.constant dense<0xFF800000> : vector<256xf32>
      %reduce_max3A_738 = vector.multi_reduction <maximumf>, %select_n3A_737, %reduce_max3A [0] : vector<8x256xf32> to vector<256xf32>
      %broadcast_in_dim3A_739 = vector.shape_cast %reduce_max3A_738 : vector<256xf32> to vector<1x256xf32>
      %max3A = arith.maximumf %while3A_710, %broadcast_in_dim3A_739 : vector<1x256xf32>
      scf.yield %add3A_732, %max3A : vector<1x256xf32>, vector<1x256xf32>
    }
    %while3A_515 = arith.constant 1 : i32
    %while3A_516:2 = scf.for %while3A_708 = %while3A_512 to %while3A_508 step %while3A_515 iter_args(%while3A_709 = %while3A_514#0, %while3A_710 = %while3A_514#1) -> (vector<1x256xf32>, vector<1x256xf32>)  : i32 {
      %mul3A_711 = arith.constant 8 : i32
      %mul3A_712 = arith.muli %while3A_708, %mul3A_711 : i32
      %get3A_713 = arith.index_cast %mul3A_712 : i32 to index
      %get3A_714 = arith.constant 0 : index
      %get3A_715 = vector.load %arg1[%get3A_713, %get3A_714] : memref<10000x256xf32, #tpu.memory_space<vmem>>, vector<8x256xf32>
      %iota3A = tpu.iota {dimensions = array<i32: 0>} : vector<8x1xi32>
      %mul3A_716 = arith.constant 8 : i32
      %mul3A_717 = arith.muli %while3A_708, %mul3A_716 : i32
      %add3A_718 = vector.broadcast %mul3A_717 : i32 to vector<8x1xi32>
      %add3A_719 = arith.addi %iota3A, %add3A_718 : vector<8x1xi32>
      %ge3A = vector.broadcast %reduce_sum3A_442 : i32 to vector<8x1xi32>
      %ge3A_720 = arith.cmpi sge, %add3A_719, %ge3A : vector<8x1xi32>
      %lt3A_721 = vector.broadcast %reduce_sum3A_452 : i32 to vector<8x1xi32>
      %lt3A_722 = arith.cmpi slt, %add3A_719, %lt3A_721 : vector<8x1xi32>
      %and3A_723 = arith.andi %ge3A_720, %lt3A_722 : vector<8x1xi1>
      %jit3A_724 = arith.constant 0.000000e+00 : f32
      %broadcast_in_dim3A_725 = vector.shape_cast %and3A_723 : vector<8x1xi1> to vector<8x1xi1>
      %broadcast_in_dim3A_726 = vector.broadcast %broadcast_in_dim3A_725 : vector<8x1xi1> to vector<8x256xi1>
      %broadcast_in_dim3A_727 = vector.broadcast %jit3A_724 : f32 to vector<8x256xf32>
      %select_n3A_728 = arith.select %broadcast_in_dim3A_726, %get3A_715, %broadcast_in_dim3A_727 : vector<8x256xi1>, vector<8x256xf32>
      %reduce_sum3A_729 = arith.constant dense<0.000000e+00> : vector<256xf32>
      %reduce_sum3A_730 = vector.multi_reduction <add>, %select_n3A_728, %reduce_sum3A_729 [0] : vector<8x256xf32> to vector<256xf32>
      %broadcast_in_dim3A_731 = vector.shape_cast %reduce_sum3A_730 : vector<256xf32> to vector<1x256xf32>
      %add3A_732 = arith.addf %while3A_709, %broadcast_in_dim3A_731 : vector<1x256xf32>
      %jit3A_733 = arith.constant 0xFF800000 : f32
      %broadcast_in_dim3A_734 = vector.shape_cast %and3A_723 : vector<8x1xi1> to vector<8x1xi1>
      %broadcast_in_dim3A_735 = vector.broadcast %broadcast_in_dim3A_734 : vector<8x1xi1> to vector<8x256xi1>
      %broadcast_in_dim3A_736 = vector.broadcast %jit3A_733 : f32 to vector<8x256xf32>
      %select_n3A_737 = arith.select %broadcast_in_dim3A_735, %get3A_715, %broadcast_in_dim3A_736 : vector<8x256xi1>, vector<8x256xf32>
      %reduce_max3A = arith.constant dense<0xFF800000> : vector<256xf32>
      %reduce_max3A_738 = vector.multi_reduction <maximumf>, %select_n3A_737, %reduce_max3A [0] : vector<8x256xf32> to vector<256xf32>
      %broadcast_in_dim3A_739 = vector.shape_cast %reduce_max3A_738 : vector<256xf32> to vector<1x256xf32>
      %max3A = arith.maximumf %while3A_710, %broadcast_in_dim3A_739 : vector<1x256xf32>
      scf.yield %add3A_732, %max3A : vector<1x256xf32>, vector<1x256xf32>
    }
    %sub3A_517 = arith.subi %reduce_sum3A_452, %reduce_sum3A_442 : i32
    %convert_element_type3A_518 = arith.sitofp %sub3A_517 : i32 to f32
    %reshape3A_519 = vector.broadcast %convert_element_type3A_518 : f32 to vector<1x1xf32>
    %mul3A_520 = arith.constant 8 : i32
    %mul3A_521 = arith.muli %arg0, %mul3A_520 : i32
    %add3A_522 = arith.constant 6 : i32
    %add3A_523 = arith.addi %mul3A_521, %add3A_522 : i32
    %lt3A_524 = vector.broadcast %add3A_523 : i32 to vector<80x128xi32>
    %lt3A_525 = arith.cmpi slt, %get3A_1, %lt3A_524 : vector<80x128xi32>
    %convert_element_type3A_526 = arith.extui %lt3A_525 : vector<80x128xi1> to vector<80x128xi32>
    %reduce_sum3A_527 = vector.shape_cast %convert_element_type3A_526 : vector<80x128xi32> to vector<1x80x128xi32>
    %reduce_sum3A_528 = arith.constant dense<0> : vector<1xi32>
    %reduce_sum3A_529 = vector.multi_reduction <add>, %reduce_sum3A_527, %reduce_sum3A_528 [1, 2] : vector<1x80x128xi32> to vector<1xi32>
    %reduce_sum3A_530 = vector.shape_cast %reduce_sum3A_529 : vector<1xi32> to vector<1x1x1xi32>
    %reduce_sum3A_531 = vector.extract %reduce_sum3A_530[0, 0, 0] : i32 from vector<1x1x1xi32>
    %add3A_532 = arith.constant 1 : i32
    %add3A_533 = arith.addi %add3A_523, %add3A_532 : i32
    %lt3A_534 = vector.broadcast %add3A_533 : i32 to vector<80x128xi32>
    %lt3A_535 = arith.cmpi slt, %get3A_1, %lt3A_534 : vector<80x128xi32>
    %convert_element_type3A_536 = arith.extui %lt3A_535 : vector<80x128xi1> to vector<80x128xi32>
    %reduce_sum3A_537 = vector.shape_cast %convert_element_type3A_536 : vector<80x128xi32> to vector<1x80x128xi32>
    %reduce_sum3A_538 = arith.constant dense<0> : vector<1xi32>
    %reduce_sum3A_539 = vector.multi_reduction <add>, %reduce_sum3A_537, %reduce_sum3A_538 [1, 2] : vector<1x80x128xi32> to vector<1xi32>
    %reduce_sum3A_540 = vector.shape_cast %reduce_sum3A_539 : vector<1xi32> to vector<1x1x1xi32>
    %reduce_sum3A_541 = vector.extract %reduce_sum3A_540[0, 0, 0] : i32 from vector<1x1x1xi32>
    %jit3A_542 = arith.constant 8 : i32
    %div3A_543 = arith.divsi %reduce_sum3A_531, %jit3A_542 : i32
    %sign3A_544 = arith.constant 0 : i32
    %sign3A_545 = arith.cmpi sgt, %reduce_sum3A_531, %sign3A_544 : i32
    %sign3A_546 = arith.extui %sign3A_545 : i1 to i32
    %sign3A_547 = arith.constant 0 : i32
    %sign3A_548 = arith.cmpi slt, %reduce_sum3A_531, %sign3A_547 : i32
    %sign3A_549 = arith.extui %sign3A_548 : i1 to i32
    %sign3A_550 = arith.subi %sign3A_546, %sign3A_549 : i32
    %sign3A_551 = arith.constant 0 : i32
    %sign3A_552 = arith.cmpi sgt, %jit3A_542, %sign3A_551 : i32
    %sign3A_553 = arith.extui %sign3A_552 : i1 to i32
    %sign3A_554 = arith.constant 0 : i32
    %sign3A_555 = arith.cmpi slt, %jit3A_542, %sign3A_554 : i32
    %sign3A_556 = arith.extui %sign3A_555 : i1 to i32
    %sign3A_557 = arith.subi %sign3A_553, %sign3A_556 : i32
    %ne3A_558 = arith.cmpi ne, %sign3A_550, %sign3A_557 : i32
    %rem3A_559 = arith.remsi %reduce_sum3A_531, %jit3A_542 : i32
    %ne3A_560 = arith.constant 0 : i32
    %ne3A_561 = arith.cmpi ne, %rem3A_559, %ne3A_560 : i32
    %and3A_562 = arith.andi %ne3A_558, %ne3A_561 : i1
    %sub3A_563 = arith.constant 1 : i32
    %sub3A_564 = arith.subi %div3A_543, %sub3A_563 : i32
    %select_n3A_565 = arith.select %and3A_562, %sub3A_564, %div3A_543 : i32
    %add3A_566 = arith.constant 7 : i32
    %add3A_567 = arith.addi %reduce_sum3A_541, %add3A_566 : i32
    %jit3A_568 = arith.constant 8 : i32
    %div3A_569 = arith.divsi %add3A_567, %jit3A_568 : i32
    %sign3A_570 = arith.constant 0 : i32
    %sign3A_571 = arith.cmpi sgt, %add3A_567, %sign3A_570 : i32
    %sign3A_572 = arith.extui %sign3A_571 : i1 to i32
    %sign3A_573 = arith.constant 0 : i32
    %sign3A_574 = arith.cmpi slt, %add3A_567, %sign3A_573 : i32
    %sign3A_575 = arith.extui %sign3A_574 : i1 to i32
    %sign3A_576 = arith.subi %sign3A_572, %sign3A_575 : i32
    %sign3A_577 = arith.constant 0 : i32
    %sign3A_578 = arith.cmpi sgt, %jit3A_568, %sign3A_577 : i32
    %sign3A_579 = arith.extui %sign3A_578 : i1 to i32
    %sign3A_580 = arith.constant 0 : i32
    %sign3A_581 = arith.cmpi slt, %jit3A_568, %sign3A_580 : i32
    %sign3A_582 = arith.extui %sign3A_581 : i1 to i32
    %sign3A_583 = arith.subi %sign3A_579, %sign3A_582 : i32
    %ne3A_584 = arith.cmpi ne, %sign3A_576, %sign3A_583 : i32
    %rem3A_585 = arith.remsi %add3A_567, %jit3A_568 : i32
    %ne3A_586 = arith.constant 0 : i32
    %ne3A_587 = arith.cmpi ne, %rem3A_585, %ne3A_586 : i32
    %and3A_588 = arith.andi %ne3A_584, %ne3A_587 : i1
    %sub3A_589 = arith.constant 1 : i32
    %sub3A_590 = arith.subi %div3A_569, %sub3A_589 : i32
    %select_n3A_591 = arith.select %and3A_588, %sub3A_590, %div3A_569 : i32
    %broadcast_in_dim3A_592 = arith.constant 0.000000e+00 : f32
    %broadcast_in_dim3A_593 = vector.broadcast %broadcast_in_dim3A_592 : f32 to vector<1x256xf32>
    %broadcast_in_dim3A_594 = arith.constant 0xFF800000 : f32
    %broadcast_in_dim3A_595 = vector.broadcast %broadcast_in_dim3A_594 : f32 to vector<1x256xf32>
    %while3A_596 = arith.subi %select_n3A_591, %select_n3A_565 : i32
    %while3A_597 = arith.addi %select_n3A_565, %while3A_596 : i32
    %while3A_598 = arith.constant 1 : i32
    %while3A_599 = arith.divsi %while3A_596, %while3A_598 : i32
    %while3A_600 = arith.muli %while3A_599, %while3A_598 : i32
    %while3A_601 = arith.addi %select_n3A_565, %while3A_600 : i32
    %while3A_602 = arith.constant 1 : i32
    %while3A_603:2 = scf.for %while3A_708 = %select_n3A_565 to %while3A_601 step %while3A_602 iter_args(%while3A_709 = %broadcast_in_dim3A_593, %while3A_710 = %broadcast_in_dim3A_595) -> (vector<1x256xf32>, vector<1x256xf32>)  : i32 {
      %mul3A_711 = arith.constant 8 : i32
      %mul3A_712 = arith.muli %while3A_708, %mul3A_711 : i32
      %get3A_713 = arith.index_cast %mul3A_712 : i32 to index
      %get3A_714 = arith.constant 0 : index
      %get3A_715 = vector.load %arg1[%get3A_713, %get3A_714] : memref<10000x256xf32, #tpu.memory_space<vmem>>, vector<8x256xf32>
      %iota3A = tpu.iota {dimensions = array<i32: 0>} : vector<8x1xi32>
      %mul3A_716 = arith.constant 8 : i32
      %mul3A_717 = arith.muli %while3A_708, %mul3A_716 : i32
      %add3A_718 = vector.broadcast %mul3A_717 : i32 to vector<8x1xi32>
      %add3A_719 = arith.addi %iota3A, %add3A_718 : vector<8x1xi32>
      %ge3A = vector.broadcast %reduce_sum3A_531 : i32 to vector<8x1xi32>
      %ge3A_720 = arith.cmpi sge, %add3A_719, %ge3A : vector<8x1xi32>
      %lt3A_721 = vector.broadcast %reduce_sum3A_541 : i32 to vector<8x1xi32>
      %lt3A_722 = arith.cmpi slt, %add3A_719, %lt3A_721 : vector<8x1xi32>
      %and3A_723 = arith.andi %ge3A_720, %lt3A_722 : vector<8x1xi1>
      %jit3A_724 = arith.constant 0.000000e+00 : f32
      %broadcast_in_dim3A_725 = vector.shape_cast %and3A_723 : vector<8x1xi1> to vector<8x1xi1>
      %broadcast_in_dim3A_726 = vector.broadcast %broadcast_in_dim3A_725 : vector<8x1xi1> to vector<8x256xi1>
      %broadcast_in_dim3A_727 = vector.broadcast %jit3A_724 : f32 to vector<8x256xf32>
      %select_n3A_728 = arith.select %broadcast_in_dim3A_726, %get3A_715, %broadcast_in_dim3A_727 : vector<8x256xi1>, vector<8x256xf32>
      %reduce_sum3A_729 = arith.constant dense<0.000000e+00> : vector<256xf32>
      %reduce_sum3A_730 = vector.multi_reduction <add>, %select_n3A_728, %reduce_sum3A_729 [0] : vector<8x256xf32> to vector<256xf32>
      %broadcast_in_dim3A_731 = vector.shape_cast %reduce_sum3A_730 : vector<256xf32> to vector<1x256xf32>
      %add3A_732 = arith.addf %while3A_709, %broadcast_in_dim3A_731 : vector<1x256xf32>
      %jit3A_733 = arith.constant 0xFF800000 : f32
      %broadcast_in_dim3A_734 = vector.shape_cast %and3A_723 : vector<8x1xi1> to vector<8x1xi1>
      %broadcast_in_dim3A_735 = vector.broadcast %broadcast_in_dim3A_734 : vector<8x1xi1> to vector<8x256xi1>
      %broadcast_in_dim3A_736 = vector.broadcast %jit3A_733 : f32 to vector<8x256xf32>
      %select_n3A_737 = arith.select %broadcast_in_dim3A_735, %get3A_715, %broadcast_in_dim3A_736 : vector<8x256xi1>, vector<8x256xf32>
      %reduce_max3A = arith.constant dense<0xFF800000> : vector<256xf32>
      %reduce_max3A_738 = vector.multi_reduction <maximumf>, %select_n3A_737, %reduce_max3A [0] : vector<8x256xf32> to vector<256xf32>
      %broadcast_in_dim3A_739 = vector.shape_cast %reduce_max3A_738 : vector<256xf32> to vector<1x256xf32>
      %max3A = arith.maximumf %while3A_710, %broadcast_in_dim3A_739 : vector<1x256xf32>
      scf.yield %add3A_732, %max3A : vector<1x256xf32>, vector<1x256xf32>
    }
    %while3A_604 = arith.constant 1 : i32
    %while3A_605:2 = scf.for %while3A_708 = %while3A_601 to %while3A_597 step %while3A_604 iter_args(%while3A_709 = %while3A_603#0, %while3A_710 = %while3A_603#1) -> (vector<1x256xf32>, vector<1x256xf32>)  : i32 {
      %mul3A_711 = arith.constant 8 : i32
      %mul3A_712 = arith.muli %while3A_708, %mul3A_711 : i32
      %get3A_713 = arith.index_cast %mul3A_712 : i32 to index
      %get3A_714 = arith.constant 0 : index
      %get3A_715 = vector.load %arg1[%get3A_713, %get3A_714] : memref<10000x256xf32, #tpu.memory_space<vmem>>, vector<8x256xf32>
      %iota3A = tpu.iota {dimensions = array<i32: 0>} : vector<8x1xi32>
      %mul3A_716 = arith.constant 8 : i32
      %mul3A_717 = arith.muli %while3A_708, %mul3A_716 : i32
      %add3A_718 = vector.broadcast %mul3A_717 : i32 to vector<8x1xi32>
      %add3A_719 = arith.addi %iota3A, %add3A_718 : vector<8x1xi32>
      %ge3A = vector.broadcast %reduce_sum3A_531 : i32 to vector<8x1xi32>
      %ge3A_720 = arith.cmpi sge, %add3A_719, %ge3A : vector<8x1xi32>
      %lt3A_721 = vector.broadcast %reduce_sum3A_541 : i32 to vector<8x1xi32>
      %lt3A_722 = arith.cmpi slt, %add3A_719, %lt3A_721 : vector<8x1xi32>
      %and3A_723 = arith.andi %ge3A_720, %lt3A_722 : vector<8x1xi1>
      %jit3A_724 = arith.constant 0.000000e+00 : f32
      %broadcast_in_dim3A_725 = vector.shape_cast %and3A_723 : vector<8x1xi1> to vector<8x1xi1>
      %broadcast_in_dim3A_726 = vector.broadcast %broadcast_in_dim3A_725 : vector<8x1xi1> to vector<8x256xi1>
      %broadcast_in_dim3A_727 = vector.broadcast %jit3A_724 : f32 to vector<8x256xf32>
      %select_n3A_728 = arith.select %broadcast_in_dim3A_726, %get3A_715, %broadcast_in_dim3A_727 : vector<8x256xi1>, vector<8x256xf32>
      %reduce_sum3A_729 = arith.constant dense<0.000000e+00> : vector<256xf32>
      %reduce_sum3A_730 = vector.multi_reduction <add>, %select_n3A_728, %reduce_sum3A_729 [0] : vector<8x256xf32> to vector<256xf32>
      %broadcast_in_dim3A_731 = vector.shape_cast %reduce_sum3A_730 : vector<256xf32> to vector<1x256xf32>
      %add3A_732 = arith.addf %while3A_709, %broadcast_in_dim3A_731 : vector<1x256xf32>
      %jit3A_733 = arith.constant 0xFF800000 : f32
      %broadcast_in_dim3A_734 = vector.shape_cast %and3A_723 : vector<8x1xi1> to vector<8x1xi1>
      %broadcast_in_dim3A_735 = vector.broadcast %broadcast_in_dim3A_734 : vector<8x1xi1> to vector<8x256xi1>
      %broadcast_in_dim3A_736 = vector.broadcast %jit3A_733 : f32 to vector<8x256xf32>
      %select_n3A_737 = arith.select %broadcast_in_dim3A_735, %get3A_715, %broadcast_in_dim3A_736 : vector<8x256xi1>, vector<8x256xf32>
      %reduce_max3A = arith.constant dense<0xFF800000> : vector<256xf32>
      %reduce_max3A_738 = vector.multi_reduction <maximumf>, %select_n3A_737, %reduce_max3A [0] : vector<8x256xf32> to vector<256xf32>
      %broadcast_in_dim3A_739 = vector.shape_cast %reduce_max3A_738 : vector<256xf32> to vector<1x256xf32>
      %max3A = arith.maximumf %while3A_710, %broadcast_in_dim3A_739 : vector<1x256xf32>
      scf.yield %add3A_732, %max3A : vector<1x256xf32>, vector<1x256xf32>
    }
    %sub3A_606 = arith.subi %reduce_sum3A_541, %reduce_sum3A_531 : i32
    %convert_element_type3A_607 = arith.sitofp %sub3A_606 : i32 to f32
    %reshape3A_608 = vector.broadcast %convert_element_type3A_607 : f32 to vector<1x1xf32>
    %mul3A_609 = arith.constant 8 : i32
    %mul3A_610 = arith.muli %arg0, %mul3A_609 : i32
    %add3A_611 = arith.constant 7 : i32
    %add3A_612 = arith.addi %mul3A_610, %add3A_611 : i32
    %lt3A_613 = vector.broadcast %add3A_612 : i32 to vector<80x128xi32>
    %lt3A_614 = arith.cmpi slt, %get3A_1, %lt3A_613 : vector<80x128xi32>
    %convert_element_type3A_615 = arith.extui %lt3A_614 : vector<80x128xi1> to vector<80x128xi32>
    %reduce_sum3A_616 = vector.shape_cast %convert_element_type3A_615 : vector<80x128xi32> to vector<1x80x128xi32>
    %reduce_sum3A_617 = arith.constant dense<0> : vector<1xi32>
    %reduce_sum3A_618 = vector.multi_reduction <add>, %reduce_sum3A_616, %reduce_sum3A_617 [1, 2] : vector<1x80x128xi32> to vector<1xi32>
    %reduce_sum3A_619 = vector.shape_cast %reduce_sum3A_618 : vector<1xi32> to vector<1x1x1xi32>
    %reduce_sum3A_620 = vector.extract %reduce_sum3A_619[0, 0, 0] : i32 from vector<1x1x1xi32>
    %add3A_621 = arith.constant 1 : i32
    %add3A_622 = arith.addi %add3A_612, %add3A_621 : i32
    %lt3A_623 = vector.broadcast %add3A_622 : i32 to vector<80x128xi32>
    %lt3A_624 = arith.cmpi slt, %get3A_1, %lt3A_623 : vector<80x128xi32>
    %convert_element_type3A_625 = arith.extui %lt3A_624 : vector<80x128xi1> to vector<80x128xi32>
    %reduce_sum3A_626 = vector.shape_cast %convert_element_type3A_625 : vector<80x128xi32> to vector<1x80x128xi32>
    %reduce_sum3A_627 = arith.constant dense<0> : vector<1xi32>
    %reduce_sum3A_628 = vector.multi_reduction <add>, %reduce_sum3A_626, %reduce_sum3A_627 [1, 2] : vector<1x80x128xi32> to vector<1xi32>
    %reduce_sum3A_629 = vector.shape_cast %reduce_sum3A_628 : vector<1xi32> to vector<1x1x1xi32>
    %reduce_sum3A_630 = vector.extract %reduce_sum3A_629[0, 0, 0] : i32 from vector<1x1x1xi32>
    %jit3A_631 = arith.constant 8 : i32
    %div3A_632 = arith.divsi %reduce_sum3A_620, %jit3A_631 : i32
    %sign3A_633 = arith.constant 0 : i32
    %sign3A_634 = arith.cmpi sgt, %reduce_sum3A_620, %sign3A_633 : i32
    %sign3A_635 = arith.extui %sign3A_634 : i1 to i32
    %sign3A_636 = arith.constant 0 : i32
    %sign3A_637 = arith.cmpi slt, %reduce_sum3A_620, %sign3A_636 : i32
    %sign3A_638 = arith.extui %sign3A_637 : i1 to i32
    %sign3A_639 = arith.subi %sign3A_635, %sign3A_638 : i32
    %sign3A_640 = arith.constant 0 : i32
    %sign3A_641 = arith.cmpi sgt, %jit3A_631, %sign3A_640 : i32
    %sign3A_642 = arith.extui %sign3A_641 : i1 to i32
    %sign3A_643 = arith.constant 0 : i32
    %sign3A_644 = arith.cmpi slt, %jit3A_631, %sign3A_643 : i32
    %sign3A_645 = arith.extui %sign3A_644 : i1 to i32
    %sign3A_646 = arith.subi %sign3A_642, %sign3A_645 : i32
    %ne3A_647 = arith.cmpi ne, %sign3A_639, %sign3A_646 : i32
    %rem3A_648 = arith.remsi %reduce_sum3A_620, %jit3A_631 : i32
    %ne3A_649 = arith.constant 0 : i32
    %ne3A_650 = arith.cmpi ne, %rem3A_648, %ne3A_649 : i32
    %and3A_651 = arith.andi %ne3A_647, %ne3A_650 : i1
    %sub3A_652 = arith.constant 1 : i32
    %sub3A_653 = arith.subi %div3A_632, %sub3A_652 : i32
    %select_n3A_654 = arith.select %and3A_651, %sub3A_653, %div3A_632 : i32
    %add3A_655 = arith.constant 7 : i32
    %add3A_656 = arith.addi %reduce_sum3A_630, %add3A_655 : i32
    %jit3A_657 = arith.constant 8 : i32
    %div3A_658 = arith.divsi %add3A_656, %jit3A_657 : i32
    %sign3A_659 = arith.constant 0 : i32
    %sign3A_660 = arith.cmpi sgt, %add3A_656, %sign3A_659 : i32
    %sign3A_661 = arith.extui %sign3A_660 : i1 to i32
    %sign3A_662 = arith.constant 0 : i32
    %sign3A_663 = arith.cmpi slt, %add3A_656, %sign3A_662 : i32
    %sign3A_664 = arith.extui %sign3A_663 : i1 to i32
    %sign3A_665 = arith.subi %sign3A_661, %sign3A_664 : i32
    %sign3A_666 = arith.constant 0 : i32
    %sign3A_667 = arith.cmpi sgt, %jit3A_657, %sign3A_666 : i32
    %sign3A_668 = arith.extui %sign3A_667 : i1 to i32
    %sign3A_669 = arith.constant 0 : i32
    %sign3A_670 = arith.cmpi slt, %jit3A_657, %sign3A_669 : i32
    %sign3A_671 = arith.extui %sign3A_670 : i1 to i32
    %sign3A_672 = arith.subi %sign3A_668, %sign3A_671 : i32
    %ne3A_673 = arith.cmpi ne, %sign3A_665, %sign3A_672 : i32
    %rem3A_674 = arith.remsi %add3A_656, %jit3A_657 : i32
    %ne3A_675 = arith.constant 0 : i32
    %ne3A_676 = arith.cmpi ne, %rem3A_674, %ne3A_675 : i32
    %and3A_677 = arith.andi %ne3A_673, %ne3A_676 : i1
    %sub3A_678 = arith.constant 1 : i32
    %sub3A_679 = arith.subi %div3A_658, %sub3A_678 : i32
    %select_n3A_680 = arith.select %and3A_677, %sub3A_679, %div3A_658 : i32
    %broadcast_in_dim3A_681 = arith.constant 0.000000e+00 : f32
    %broadcast_in_dim3A_682 = vector.broadcast %broadcast_in_dim3A_681 : f32 to vector<1x256xf32>
    %broadcast_in_dim3A_683 = arith.constant 0xFF800000 : f32
    %broadcast_in_dim3A_684 = vector.broadcast %broadcast_in_dim3A_683 : f32 to vector<1x256xf32>
    %while3A_685 = arith.subi %select_n3A_680, %select_n3A_654 : i32
    %while3A_686 = arith.addi %select_n3A_654, %while3A_685 : i32
    %while3A_687 = arith.constant 1 : i32
    %while3A_688 = arith.divsi %while3A_685, %while3A_687 : i32
    %while3A_689 = arith.muli %while3A_688, %while3A_687 : i32
    %while3A_690 = arith.addi %select_n3A_654, %while3A_689 : i32
    %while3A_691 = arith.constant 1 : i32
    %while3A_692:2 = scf.for %while3A_708 = %select_n3A_654 to %while3A_690 step %while3A_691 iter_args(%while3A_709 = %broadcast_in_dim3A_682, %while3A_710 = %broadcast_in_dim3A_684) -> (vector<1x256xf32>, vector<1x256xf32>)  : i32 {
      %mul3A_711 = arith.constant 8 : i32
      %mul3A_712 = arith.muli %while3A_708, %mul3A_711 : i32
      %get3A_713 = arith.index_cast %mul3A_712 : i32 to index
      %get3A_714 = arith.constant 0 : index
      %get3A_715 = vector.load %arg1[%get3A_713, %get3A_714] : memref<10000x256xf32, #tpu.memory_space<vmem>>, vector<8x256xf32>
      %iota3A = tpu.iota {dimensions = array<i32: 0>} : vector<8x1xi32>
      %mul3A_716 = arith.constant 8 : i32
      %mul3A_717 = arith.muli %while3A_708, %mul3A_716 : i32
      %add3A_718 = vector.broadcast %mul3A_717 : i32 to vector<8x1xi32>
      %add3A_719 = arith.addi %iota3A, %add3A_718 : vector<8x1xi32>
      %ge3A = vector.broadcast %reduce_sum3A_620 : i32 to vector<8x1xi32>
      %ge3A_720 = arith.cmpi sge, %add3A_719, %ge3A : vector<8x1xi32>
      %lt3A_721 = vector.broadcast %reduce_sum3A_630 : i32 to vector<8x1xi32>
      %lt3A_722 = arith.cmpi slt, %add3A_719, %lt3A_721 : vector<8x1xi32>
      %and3A_723 = arith.andi %ge3A_720, %lt3A_722 : vector<8x1xi1>
      %jit3A_724 = arith.constant 0.000000e+00 : f32
      %broadcast_in_dim3A_725 = vector.shape_cast %and3A_723 : vector<8x1xi1> to vector<8x1xi1>
      %broadcast_in_dim3A_726 = vector.broadcast %broadcast_in_dim3A_725 : vector<8x1xi1> to vector<8x256xi1>
      %broadcast_in_dim3A_727 = vector.broadcast %jit3A_724 : f32 to vector<8x256xf32>
      %select_n3A_728 = arith.select %broadcast_in_dim3A_726, %get3A_715, %broadcast_in_dim3A_727 : vector<8x256xi1>, vector<8x256xf32>
      %reduce_sum3A_729 = arith.constant dense<0.000000e+00> : vector<256xf32>
      %reduce_sum3A_730 = vector.multi_reduction <add>, %select_n3A_728, %reduce_sum3A_729 [0] : vector<8x256xf32> to vector<256xf32>
      %broadcast_in_dim3A_731 = vector.shape_cast %reduce_sum3A_730 : vector<256xf32> to vector<1x256xf32>
      %add3A_732 = arith.addf %while3A_709, %broadcast_in_dim3A_731 : vector<1x256xf32>
      %jit3A_733 = arith.constant 0xFF800000 : f32
      %broadcast_in_dim3A_734 = vector.shape_cast %and3A_723 : vector<8x1xi1> to vector<8x1xi1>
      %broadcast_in_dim3A_735 = vector.broadcast %broadcast_in_dim3A_734 : vector<8x1xi1> to vector<8x256xi1>
      %broadcast_in_dim3A_736 = vector.broadcast %jit3A_733 : f32 to vector<8x256xf32>
      %select_n3A_737 = arith.select %broadcast_in_dim3A_735, %get3A_715, %broadcast_in_dim3A_736 : vector<8x256xi1>, vector<8x256xf32>
      %reduce_max3A = arith.constant dense<0xFF800000> : vector<256xf32>
      %reduce_max3A_738 = vector.multi_reduction <maximumf>, %select_n3A_737, %reduce_max3A [0] : vector<8x256xf32> to vector<256xf32>
      %broadcast_in_dim3A_739 = vector.shape_cast %reduce_max3A_738 : vector<256xf32> to vector<1x256xf32>
      %max3A = arith.maximumf %while3A_710, %broadcast_in_dim3A_739 : vector<1x256xf32>
      scf.yield %add3A_732, %max3A : vector<1x256xf32>, vector<1x256xf32>
    }
    %while3A_693 = arith.constant 1 : i32
    %while3A_694:2 = scf.for %while3A_708 = %while3A_690 to %while3A_686 step %while3A_693 iter_args(%while3A_709 = %while3A_692#0, %while3A_710 = %while3A_692#1) -> (vector<1x256xf32>, vector<1x256xf32>)  : i32 {
      %mul3A_711 = arith.constant 8 : i32
      %mul3A_712 = arith.muli %while3A_708, %mul3A_711 : i32
      %get3A_713 = arith.index_cast %mul3A_712 : i32 to index
      %get3A_714 = arith.constant 0 : index
      %get3A_715 = vector.load %arg1[%get3A_713, %get3A_714] : memref<10000x256xf32, #tpu.memory_space<vmem>>, vector<8x256xf32>
      %iota3A = tpu.iota {dimensions = array<i32: 0>} : vector<8x1xi32>
      %mul3A_716 = arith.constant 8 : i32
      %mul3A_717 = arith.muli %while3A_708, %mul3A_716 : i32
      %add3A_718 = vector.broadcast %mul3A_717 : i32 to vector<8x1xi32>
      %add3A_719 = arith.addi %iota3A, %add3A_718 : vector<8x1xi32>
      %ge3A = vector.broadcast %reduce_sum3A_620 : i32 to vector<8x1xi32>
      %ge3A_720 = arith.cmpi sge, %add3A_719, %ge3A : vector<8x1xi32>
      %lt3A_721 = vector.broadcast %reduce_sum3A_630 : i32 to vector<8x1xi32>
      %lt3A_722 = arith.cmpi slt, %add3A_719, %lt3A_721 : vector<8x1xi32>
      %and3A_723 = arith.andi %ge3A_720, %lt3A_722 : vector<8x1xi1>
      %jit3A_724 = arith.constant 0.000000e+00 : f32
      %broadcast_in_dim3A_725 = vector.shape_cast %and3A_723 : vector<8x1xi1> to vector<8x1xi1>
      %broadcast_in_dim3A_726 = vector.broadcast %broadcast_in_dim3A_725 : vector<8x1xi1> to vector<8x256xi1>
      %broadcast_in_dim3A_727 = vector.broadcast %jit3A_724 : f32 to vector<8x256xf32>
      %select_n3A_728 = arith.select %broadcast_in_dim3A_726, %get3A_715, %broadcast_in_dim3A_727 : vector<8x256xi1>, vector<8x256xf32>
      %reduce_sum3A_729 = arith.constant dense<0.000000e+00> : vector<256xf32>
      %reduce_sum3A_730 = vector.multi_reduction <add>, %select_n3A_728, %reduce_sum3A_729 [0] : vector<8x256xf32> to vector<256xf32>
      %broadcast_in_dim3A_731 = vector.shape_cast %reduce_sum3A_730 : vector<256xf32> to vector<1x256xf32>
      %add3A_732 = arith.addf %while3A_709, %broadcast_in_dim3A_731 : vector<1x256xf32>
      %jit3A_733 = arith.constant 0xFF800000 : f32
      %broadcast_in_dim3A_734 = vector.shape_cast %and3A_723 : vector<8x1xi1> to vector<8x1xi1>
      %broadcast_in_dim3A_735 = vector.broadcast %broadcast_in_dim3A_734 : vector<8x1xi1> to vector<8x256xi1>
      %broadcast_in_dim3A_736 = vector.broadcast %jit3A_733 : f32 to vector<8x256xf32>
      %select_n3A_737 = arith.select %broadcast_in_dim3A_735, %get3A_715, %broadcast_in_dim3A_736 : vector<8x256xi1>, vector<8x256xf32>
      %reduce_max3A = arith.constant dense<0xFF800000> : vector<256xf32>
      %reduce_max3A_738 = vector.multi_reduction <maximumf>, %select_n3A_737, %reduce_max3A [0] : vector<8x256xf32> to vector<256xf32>
      %broadcast_in_dim3A_739 = vector.shape_cast %reduce_max3A_738 : vector<256xf32> to vector<1x256xf32>
      %max3A = arith.maximumf %while3A_710, %broadcast_in_dim3A_739 : vector<1x256xf32>
      scf.yield %add3A_732, %max3A : vector<1x256xf32>, vector<1x256xf32>
    }
    %sub3A_695 = arith.subi %reduce_sum3A_630, %reduce_sum3A_620 : i32
    %convert_element_type3A_696 = arith.sitofp %sub3A_695 : i32 to f32
    %reshape3A_697 = vector.broadcast %convert_element_type3A_696 : f32 to vector<1x1xf32>
    %concatenate3A = tpu.concatenate %while3A_72#0, %while3A_160#0, %while3A_249#0, %while3A_338#0, %while3A_427#0, %while3A_516#0, %while3A_605#0, %while3A_694#0 in 0 : vector<1x256xf32>, vector<1x256xf32>, vector<1x256xf32>, vector<1x256xf32>, vector<1x256xf32>, vector<1x256xf32>, vector<1x256xf32>, vector<1x256xf32> -> vector<8x256xf32>
    %swap3A = arith.constant 0 : index
    %swap3A_698 = arith.constant 0 : index
    %swap3A_699 = vector.load %arg3[%swap3A, %swap3A_698] : memref<8x256xf32, #tpu.memory_space<vmem>>, vector<8x256xf32>
    tpu.vector_store %arg3[%swap3A, %swap3A_698], %concatenate3A {strides = array<i32>} : memref<8x256xf32, #tpu.memory_space<vmem>>, vector<8x256xf32>,
    %concatenate3A_700 = tpu.concatenate %while3A_72#1, %while3A_160#1, %while3A_249#1, %while3A_338#1, %while3A_427#1, %while3A_516#1, %while3A_605#1, %while3A_694#1 in 0 : vector<1x256xf32>, vector<1x256xf32>, vector<1x256xf32>, vector<1x256xf32>, vector<1x256xf32>, vector<1x256xf32>, vector<1x256xf32>, vector<1x256xf32> -> vector<8x256xf32>
    %swap3A_701 = arith.constant 0 : index
    %swap3A_702 = arith.constant 0 : index
    %swap3A_703 = vector.load %arg4[%swap3A_701, %swap3A_702] : memref<8x256xf32, #tpu.memory_space<vmem>>, vector<8x256xf32>
    tpu.vector_store %arg4[%swap3A_701, %swap3A_702], %concatenate3A_700 {strides = array<i32>} : memref<8x256xf32, #tpu.memory_space<vmem>>, vector<8x256xf32>,
    %concatenate3A_704 = tpu.concatenate %reshape3A, %reshape3A_163, %reshape3A_252, %reshape3A_341, %reshape3A_430, %reshape3A_519, %reshape3A_608, %reshape3A_697 in 0 : vector<1x1xf32>, vector<1x1xf32>, vector<1x1xf32>, vector<1x1xf32>, vector<1x1xf32>, vector<1x1xf32>, vector<1x1xf32>, vector<1x1xf32> -> vector<8x1xf32>
    %swap3A_705 = arith.constant 0 : index
    %swap3A_706 = arith.constant 0 : index
    %swap3A_707 = vector.load %arg5[%swap3A_705, %swap3A_706] : memref<8x1xf32, #tpu.memory_space<vmem>>, vector<8x1xf32>
    tpu.vector_store %arg5[%swap3A_705, %swap3A_706], %concatenate3A_704 {strides = array<i32>} : memref<8x1xf32, #tpu.memory_space<vmem>>, vector<8x1xf32>,
    return
  }
  func.func @transform_0(%arg0: i32) -> (i32, i32) {
    %c0_i32 = arith.constant 0 : i32
    %c0_i32_0 = arith.constant 0 : i32
    %c0_i32_1 = arith.constant 0 : i32
    return %c0_i32, %c0_i32_0 : i32, i32
  }
  func.func @transform_1(%arg0: i32) -> (i32, i32) {
    %c0_i32 = arith.constant 0 : i32
    %c0_i32_0 = arith.constant 0 : i32
    %c0_i32_1 = arith.constant 0 : i32
    return %c0_i32, %c0_i32_0 : i32, i32
  }
  func.func @transform_2(%arg0: i32) -> (i32, i32) {
    %c0_i32 = arith.constant 0 : i32
    %c0_i32_0 = arith.constant 0 : i32
    return %arg0, %c0_i32 : i32, i32
  }
  func.func @transform_3(%arg0: i32) -> (i32, i32) {
    %c0_i32 = arith.constant 0 : i32
    %c0_i32_0 = arith.constant 0 : i32
    return %arg0, %c0_i32 : i32, i32
  }
  func.func @transform_4(%arg0: i32) -> (i32, i32) {
    %c0_i32 = arith.constant 0 : i32
    %c0_i32_0 = arith.constant 0 : i32
    return %arg0, %c0_i32 : i32, i32
  }
}

module attributes {stable_mosaic.version = 14 : i64} {
  func.func @_mlp_body(%arg0: i32, %arg1: memref<64x256xf32, #tpu.memory_space<vmem>>, %arg2: memref<64x256xf32, #tpu.memory_space<vmem>>, %arg3: memref<64x1xf32, #tpu.memory_space<vmem>>, %arg4: memref<512x256xf32, #tpu.memory_space<vmem>>, %arg5: memref<1x256xf32, #tpu.memory_space<vmem>>, %arg6: memref<256x128xf32, #tpu.memory_space<vmem>>, %arg7: memref<1x128xf32, #tpu.memory_space<vmem>>, %arg8: memref<128x128xf32, #tpu.memory_space<vmem>>, %arg9: memref<1x128xf32, #tpu.memory_space<vmem>>, %arg10: memref<64x128xf32, #tpu.memory_space<vmem>>) attributes {dimension_semantics = [#tpu.dimension_semantics<arbitrary>], iteration_bounds = array<i64: 1>, scalar_prefetch = 0 : i64, scratch_operands = 0 : i64, tpu.core_type = #tpu.core_type<tc>, window_params = [{pipeline_mode = #tpu.pipeline_mode<synchronous>, transform_indices = @transform_0, window_bounds = array<i64: 64, 256>}, {pipeline_mode = #tpu.pipeline_mode<synchronous>, transform_indices = @transform_1, window_bounds = array<i64: 64, 256>}, {pipeline_mode = #tpu.pipeline_mode<synchronous>, transform_indices = @transform_2, window_bounds = array<i64: 64, 1>}, {pipeline_mode = #tpu.pipeline_mode<synchronous>, transform_indices = @transform_3, window_bounds = array<i64: 512, 256>}, {pipeline_mode = #tpu.pipeline_mode<synchronous>, transform_indices = @transform_4, window_bounds = array<i64: 1, 256>}, {pipeline_mode = #tpu.pipeline_mode<synchronous>, transform_indices = @transform_5, window_bounds = array<i64: 256, 128>}, {pipeline_mode = #tpu.pipeline_mode<synchronous>, transform_indices = @transform_6, window_bounds = array<i64: 1, 128>}, {pipeline_mode = #tpu.pipeline_mode<synchronous>, transform_indices = @transform_7, window_bounds = array<i64: 128, 128>}, {pipeline_mode = #tpu.pipeline_mode<synchronous>, transform_indices = @transform_8, window_bounds = array<i64: 1, 128>}, {pipeline_mode = #tpu.pipeline_mode<synchronous>, transform_indices = @transform_9, window_bounds = array<i64: 64, 128>}]} {
    %get3A = arith.constant 0 : index
    %get3A_0 = arith.constant 0 : index
    %get3A_1 = vector.load %arg1[%get3A, %get3A_0] : memref<64x256xf32, #tpu.memory_space<vmem>>, vector<64x256xf32>
    %get3A_2 = arith.constant 0 : index
    %get3A_3 = arith.constant 0 : index
    %get3A_4 = vector.load %arg3[%get3A_2, %get3A_3] : memref<64x1xf32, #tpu.memory_space<vmem>>, vector<64x1xf32>
    %max3A = arith.constant 1.000000e+00 : f32
    %max3A_5 = vector.broadcast %max3A : f32 to vector<64x1xf32>
    %max3A_6 = arith.maximumf %get3A_4, %max3A_5 : vector<64x1xf32>
    %div3A = vector.broadcast %max3A_6 : vector<64x1xf32> to vector<64x256xf32>
    %div3A_7 = arith.divf %get3A_1, %div3A : vector<64x256xf32>
    %get3A_8 = arith.constant 0 : index
    %get3A_9 = arith.constant 0 : index
    %get3A_10 = vector.load %arg2[%get3A_8, %get3A_9] : memref<64x256xf32, #tpu.memory_space<vmem>>, vector<64x256xf32>
    %concatenate3A = tpu.concatenate %div3A_7, %get3A_10 in 1 : vector<64x256xf32>, vector<64x256xf32> -> vector<64x512xf32>
    %get3A_11 = arith.constant 0 : index
    %get3A_12 = arith.constant 0 : index
    %get3A_13 = vector.load %arg4[%get3A_11, %get3A_12] : memref<512x256xf32, #tpu.memory_space<vmem>>, vector<512x256xf32>
    %dot_general3A = arith.constant dense<0.000000e+00> : vector<64x256xf32>
    %dot_general3A_14 = tpu.matmul %concatenate3A, %get3A_13, %dot_general3A {dimension_numbers = #tpu.dot_dimension_numbers<[1], [0], [0], [1], [0, 0, 1, 1], [], []>, transpose_lhs_hint = false} : vector<64x512xf32>, vector<512x256xf32>, vector<64x256xf32> -> vector<64x256xf32>
    %get3A_15 = arith.constant 0 : index
    %get3A_16 = arith.constant 0 : index
    %get3A_17 = vector.load %arg5[%get3A_15, %get3A_16] : memref<1x256xf32, #tpu.memory_space<vmem>>, vector<1x256xf32>
    %add3A = vector.broadcast %get3A_17 : vector<1x256xf32> to vector<64x256xf32>
    %add3A_18 = arith.addf %dot_general3A_14, %add3A : vector<64x256xf32>
    %gt3A = arith.constant 0.000000e+00 : f32
    %gt3A_19 = vector.broadcast %gt3A : f32 to vector<64x256xf32>
    %gt3A_20 = arith.cmpf ogt, %add3A_18, %gt3A_19 : vector<64x256xf32>
    %min3A = arith.constant 0.000000e+00 : f32
    %min3A_21 = vector.broadcast %min3A : f32 to vector<64x256xf32>
    %min3A_22 = arith.minimumf %add3A_18, %min3A_21 : vector<64x256xf32>
    %exp3A = math.exp %min3A_22 : vector<64x256xf32>
    %sub3A = arith.constant 1.000000e+00 : f32
    %sub3A_23 = vector.broadcast %sub3A : f32 to vector<64x256xf32>
    %sub3A_24 = arith.subf %exp3A, %sub3A_23 : vector<64x256xf32>
    %select_n3A = arith.select %gt3A_20, %add3A_18, %sub3A_24 : vector<64x256xi1>, vector<64x256xf32>
    %get3A_25 = arith.constant 0 : index
    %get3A_26 = arith.constant 0 : index
    %get3A_27 = vector.load %arg6[%get3A_25, %get3A_26] : memref<256x128xf32, #tpu.memory_space<vmem>>, vector<256x128xf32>
    %dot_general3A_28 = arith.constant dense<0.000000e+00> : vector<64x128xf32>
    %dot_general3A_29 = tpu.matmul %select_n3A, %get3A_27, %dot_general3A_28 {dimension_numbers = #tpu.dot_dimension_numbers<[1], [0], [0], [1], [0, 0, 1, 1], [], []>, transpose_lhs_hint = false} : vector<64x256xf32>, vector<256x128xf32>, vector<64x128xf32> -> vector<64x128xf32>
    %get3A_30 = arith.constant 0 : index
    %get3A_31 = arith.constant 0 : index
    %get3A_32 = vector.load %arg7[%get3A_30, %get3A_31] : memref<1x128xf32, #tpu.memory_space<vmem>>, vector<1x128xf32>
    %add3A_33 = vector.broadcast %get3A_32 : vector<1x128xf32> to vector<64x128xf32>
    %add3A_34 = arith.addf %dot_general3A_29, %add3A_33 : vector<64x128xf32>
    %gt3A_35 = arith.constant 0.000000e+00 : f32
    %gt3A_36 = vector.broadcast %gt3A_35 : f32 to vector<64x128xf32>
    %gt3A_37 = arith.cmpf ogt, %add3A_34, %gt3A_36 : vector<64x128xf32>
    %min3A_38 = arith.constant 0.000000e+00 : f32
    %min3A_39 = vector.broadcast %min3A_38 : f32 to vector<64x128xf32>
    %min3A_40 = arith.minimumf %add3A_34, %min3A_39 : vector<64x128xf32>
    %exp3A_41 = math.exp %min3A_40 : vector<64x128xf32>
    %sub3A_42 = arith.constant 1.000000e+00 : f32
    %sub3A_43 = vector.broadcast %sub3A_42 : f32 to vector<64x128xf32>
    %sub3A_44 = arith.subf %exp3A_41, %sub3A_43 : vector<64x128xf32>
    %select_n3A_45 = arith.select %gt3A_37, %add3A_34, %sub3A_44 : vector<64x128xi1>, vector<64x128xf32>
    %get3A_46 = arith.constant 0 : index
    %get3A_47 = arith.constant 0 : index
    %get3A_48 = vector.load %arg8[%get3A_46, %get3A_47] : memref<128x128xf32, #tpu.memory_space<vmem>>, vector<128x128xf32>
    %dot_general3A_49 = arith.constant dense<0.000000e+00> : vector<64x128xf32>
    %dot_general3A_50 = tpu.matmul %select_n3A_45, %get3A_48, %dot_general3A_49 {dimension_numbers = #tpu.dot_dimension_numbers<[1], [0], [0], [1], [0, 0, 1, 1], [], []>, transpose_lhs_hint = false} : vector<64x128xf32>, vector<128x128xf32>, vector<64x128xf32> -> vector<64x128xf32>
    %get3A_51 = arith.constant 0 : index
    %get3A_52 = arith.constant 0 : index
    %get3A_53 = vector.load %arg9[%get3A_51, %get3A_52] : memref<1x128xf32, #tpu.memory_space<vmem>>, vector<1x128xf32>
    %add3A_54 = vector.broadcast %get3A_53 : vector<1x128xf32> to vector<64x128xf32>
    %add3A_55 = arith.addf %dot_general3A_50, %add3A_54 : vector<64x128xf32>
    %swap3A = arith.constant 0 : index
    %swap3A_56 = arith.constant 0 : index
    %swap3A_57 = vector.load %arg10[%swap3A, %swap3A_56] : memref<64x128xf32, #tpu.memory_space<vmem>>, vector<64x128xf32>
    tpu.vector_store %arg10[%swap3A, %swap3A_56], %add3A_55 {strides = array<i32>} : memref<64x128xf32, #tpu.memory_space<vmem>>, vector<64x128xf32>,
    return
  }
  func.func @transform_0(%arg0: i32) -> (i32, i32) {
    %c0_i32 = arith.constant 0 : i32
    %c0_i32_0 = arith.constant 0 : i32
    %c0_i32_1 = arith.constant 0 : i32
    return %c0_i32, %c0_i32_0 : i32, i32
  }
  func.func @transform_1(%arg0: i32) -> (i32, i32) {
    %c0_i32 = arith.constant 0 : i32
    %c0_i32_0 = arith.constant 0 : i32
    %c0_i32_1 = arith.constant 0 : i32
    return %c0_i32, %c0_i32_0 : i32, i32
  }
  func.func @transform_2(%arg0: i32) -> (i32, i32) {
    %c0_i32 = arith.constant 0 : i32
    %c0_i32_0 = arith.constant 0 : i32
    %c0_i32_1 = arith.constant 0 : i32
    return %c0_i32, %c0_i32_0 : i32, i32
  }
  func.func @transform_3(%arg0: i32) -> (i32, i32) {
    %c0_i32 = arith.constant 0 : i32
    %c0_i32_0 = arith.constant 0 : i32
    %c0_i32_1 = arith.constant 0 : i32
    return %c0_i32, %c0_i32_0 : i32, i32
  }
  func.func @transform_4(%arg0: i32) -> (i32, i32) {
    %c0_i32 = arith.constant 0 : i32
    %c0_i32_0 = arith.constant 0 : i32
    %c0_i32_1 = arith.constant 0 : i32
    return %c0_i32, %c0_i32_0 : i32, i32
  }
  func.func @transform_5(%arg0: i32) -> (i32, i32) {
    %c0_i32 = arith.constant 0 : i32
    %c0_i32_0 = arith.constant 0 : i32
    %c0_i32_1 = arith.constant 0 : i32
    return %c0_i32, %c0_i32_0 : i32, i32
  }
  func.func @transform_6(%arg0: i32) -> (i32, i32) {
    %c0_i32 = arith.constant 0 : i32
    %c0_i32_0 = arith.constant 0 : i32
    %c0_i32_1 = arith.constant 0 : i32
    return %c0_i32, %c0_i32_0 : i32, i32
  }
  func.func @transform_7(%arg0: i32) -> (i32, i32) {
    %c0_i32 = arith.constant 0 : i32
    %c0_i32_0 = arith.constant 0 : i32
    %c0_i32_1 = arith.constant 0 : i32
    return %c0_i32, %c0_i32_0 : i32, i32
  }
  func.func @transform_8(%arg0: i32) -> (i32, i32) {
    %c0_i32 = arith.constant 0 : i32
    %c0_i32_0 = arith.constant 0 : i32
    %c0_i32_1 = arith.constant 0 : i32
    return %c0_i32, %c0_i32_0 : i32, i32
  }
  func.func @transform_9(%arg0: i32) -> (i32, i32) {
    %c0_i32 = arith.constant 0 : i32
    %c0_i32_0 = arith.constant 0 : i32
    %c0_i32_1 = arith.constant 0 : i32
    return %c0_i32, %c0_i32_0 : i32, i32
  }
}

</mosaic_0001>

<sc_bundles>
// kernel: kernel.13.cloned.1.call-start
scs
__scs_entry_jumppad:
0x0: {  	(pc) =	sbr.rel $0x88, $3  }
0x1: {  	(tag) =	ssettag $0x0;
	lr =	simm.s32 $0x1  }
0x2: {  	[smem:$0x3F92] =	sst lr;
	_ =	strace $0xD0000000  }
0x3: {  	_ = 	snop  }
0x4: {  	_ = 	snop  }
0x5: {  	_ = 	snop  }
0x6: {  	_ = 	snop  }
0x7: {  	_ = 	snop  }
__scs_overlays_trampoline_lowered:
0x8: {  	[smem:$0x3FA1] =	sst s0  }
0x9: {  	[smem:$0x3FA2] =	sst s1  }
0xa: {  	[smem:$0x3FA3] =	sst s2  }
0xb: {  	[smem:$0x3FA4] =	sst s3  }
0xc: {  	[smem:$0x3FA5] =	sst s4  }
0xd: {  	[smem:$0x3FA6] =	sst s5  }
0xe: {  	[smem:$0x3FA7] =	sst s6  }
0xf: {  	[smem:$0x3FA8] =	sst s7  }
0x10: {  	[smem:$0x3FA9] =	sst s8  }
0x11: {  	[smem:$0x3FAA] =	sst s9;
	s0 =	simm.s32 @!p0 $0x0  }
0x12: {  	s1 =	sld [smem:$0x3F90];
	s0 =	simm.s32 @p0 $0x1  }
0x13: {  	[smem:$0x3FAB] =	sst s0;
	s0 =	simm.s32 @!p1 $0x0  }
0x14: {  	s2 =	sld [smem:$0x3F8F];
	s0 =	simm.s32 @p1 $0x1  }
0x15: {  	[smem:$0x3FAC] =	sst s0;
	s0 =	simm.s32 @!p2 $0x0  }
0x16: {  	s3 =	sld [smem:$0x3FDB];
	s0 =	simm.s32 @p2 $0x1  }
0x17: {  	s4 =	simm.s32 $0x1BF5;
	[smem:$0x3FAE] =	sst s0  }
0x18: {  	s0 =	sld [smem:$0x3F91];
	_ =	swait.ge [sflag:s4], $0x0  }
0x19: {  	s7 =	sld [smem:$0x3F92]  }
0x1a: {  	s8 =	sadd.s32 $0xFFFFE003, lr  }
0x1b: {  	s9 =	sadd.s32 $0xFFFFFEF7, lr;
	s5 =	simm.s32 $0xFFFFFFFF;
	p2 =	slt.u32 s8, $0xFFFFF086  }
0x1c: {  	p1 =	slt.u32 s9, $0xF7A;
	s5 =	simm.s32 @!p2 $0x0  }
0x1d: {  	s5 =	simm.s32 @p1 $0x1;
	p0 =	seq.s32 s7, s2  }
0x1e: {  	s7 =	smul.u32 @!p0 $0xF7A, s2;
	p2 =	seq.s32 @!p0 s5, $0x0  }
0x1f: {  	s9 =	smul.u32 $0xF7A, s1;
	s8 =	simm.s32 @!p0 $0x1BF5;
	p2 =	por !p2, p0  }
0x20: {  	[sflag:s8] =	ssyncset.s32 @!p0 $0xFFFFF086;
	s6 =	sadd.s32 @!p0 s3, s7;
	s7 =	simm.s32 @!p0 $0x108  }
0x21: {  	s3 =	sadd.s32 s3, s9;
	s6 =	sadd.s32 @!p0 $0x88, s6;
	s7 =	simm.s32 @p2 $0x1082  }
0x22: {  	[simem:s7], [sflag:s8] =	dma.local @!p0 [hbm:s6], $0xF7A  }
0x23: {  	s9 =	sor.u32 $0xD0000000, s2;
	s6 =	simm.s32 $0x108;
	_ =	swait.ge @!p0 [sflag:s8], $0x0  }
0x24: {  	s3 =	sadd.s32 $0x88, s3;
	s6 =	simm.s32 @!p1 $0x1082;
	[sflag:s4] =	ssyncset.s32 $0xFFFFF086  }
0x25: {  	[simem:s6], [sflag:s4] =	dma.local [hbm:s3], $0xF7A  }
0x26: {  	[smem:$0x3F92] =	sst s1;
	(tag) =	ssettag s2;
	_ =	strace s9  }
0x27: {  	s1 =	sld [smem:$0x3FA2]  }
0x28: {  	s2 =	sld [smem:$0x3FA3]  }
0x29: {  	s4 =	sld [smem:$0x3FA5]  }
0x2a: {  	p0 =	seq.s32 s5, $0x0;
	s5 =	sld [smem:$0x3FA6]  }
0x2b: {  	s6 =	sld [smem:$0x3FA7]  }
0x2c: {  	s7 =	sld [smem:$0x3FA8]  }
0x2d: {  	s3 =	simm.s32 $0x108;
	s8 =	sld [smem:$0x3FA9]  }
0x2e: {  	s3 =	simm.s32 @!p0 $0x1082;
	s9 =	sld [smem:$0x3FAA]  }
0x2f: {  	lr =	sadd.s32 s0, s3;
	s0 =	sld [smem:$0x3FA1]  }
0x30: {  	s3 =	sld [smem:$0x3FA4]  }
0x31: {  	[smem:$0x3FAD] =	sst s10  }
0x32: {  	s10 =	sld [smem:$0x3FAB];
	_ =	sdelay $0x3  }
0x33: {  	p0 =	seq.s32 s10, $0x1;
	s10 =	sld [smem:$0x3FAD];
	_ =	sdelay $0x3  }
0x34: {  	[smem:$0x3FAD] =	sst s10  }
0x35: {  	s10 =	sld [smem:$0x3FAC];
	_ =	sdelay $0x3  }
0x36: {  	p1 =	seq.s32 s10, $0x1;
	s10 =	sld [smem:$0x3FAD];
	_ =	sdelay $0x3  }
0x37: {  	[smem:$0x3FAD] =	sst s10  }
0x38: {  	s10 =	sld [smem:$0x3FAE]  }
0x39: {  	_ = 	snop;
	(pc) =	sbr.ind lr, $3  }
0x3a: {  	_ = 	snop  }
0x3b: {  	_ = 	snop  }
0x3c: {  	p2 =	seq.s32 s10, $0x1;
	s10 =	sld [smem:$0x3FAD]  }
0x3d: {  	_ =	shalt  }
0x3e: {  	_ =	shalt  }
0x3f: {  	_ =	shalt  }
0x40: {  	_ =	shalt  }
0x41: {  	_ =	shalt  }
0x42: {  	_ =	shalt  }
0x43: {  	_ =	shalt  }
0x44: {  	_ =	shalt  }
0x45: {  	_ =	shalt  }
0x46: {  	_ =	shalt  }
0x47: {  	_ =	shalt  }
0x48: {  	_ =	shalt  }
0x49: {  	_ =	shalt  }
0x4a: {  	_ =	shalt  }
0x4b: {  	_ =	shalt  }
0x4c: {  	_ =	shalt  }
0x4d: {  	_ =	shalt  }
0x4e: {  	_ =	shalt  }
0x4f: {  	_ =	shalt  }
0x50: {  	_ =	shalt  }
0x51: {  	_ =	shalt  }
0x52: {  	_ =	shalt  }
0x53: {  	_ =	shalt  }
0x54: {  	_ =	shalt  }
0x55: {  	_ =	shalt  }
0x56: {  	_ =	shalt  }
0x57: {  	_ =	shalt  }
0x58: {  	_ =	shalt  }
0x59: {  	_ =	shalt  }
0x5a: {  	_ =	shalt  }
0x5b: {  	_ =	shalt  }
0x5c: {  	_ =	shalt  }
0x5d: {  	_ =	shalt  }
0x5e: {  	_ =	shalt  }
0x5f: {  	_ =	shalt  }
0x60: {  	_ =	shalt  }
0x61: {  	_ =	shalt  }
0x62: {  	_ =	shalt  }
0x63: {  	_ =	shalt  }
0x64: {  	_ =	shalt  }
0x65: {  	_ =	shalt  }
0x66: {  	_ =	shalt  }
0x67: {  	_ =	shalt  }
0x68: {  	_ =	shalt  }
0x69: {  	_ =	shalt  }
0x6a: {  	_ =	shalt  }
0x6b: {  	_ =	shalt  }
0x6c: {  	_ =	shalt  }
0x6d: {  	_ =	shalt  }
0x6e: {  	_ =	shalt  }
0x6f: {  	_ =	shalt  }
0x70: {  	_ =	shalt  }
0x71: {  	_ =	shalt  }
0x72: {  	_ =	shalt  }
0x73: {  	_ =	shalt  }
0x74: {  	_ =	shalt  }
0x75: {  	_ =	shalt  }
0x76: {  	_ =	shalt  }
0x77: {  	_ =	shalt  }
0x78: {  	_ =	shalt  }
0x79: {  	_ =	shalt  }
0x7a: {  	_ =	shalt  }
0x7b: {  	_ =	shalt  }
0x7c: {  	_ =	shalt  }
0x7d: {  	_ =	shalt  }
0x7e: {  	_ =	shalt  }
0x7f: {  	_ =	shalt  }
0x80: {  	_ =	shalt  }
0x81: {  	_ =	shalt  }
0x82: {  	_ =	shalt  }
0x83: {  	_ =	shalt  }
0x84: {  	_ =	shalt  }
0x85: {  	_ =	shalt  }
0x86: {  	_ =	shalt  }
0x87: {  	_ =	shalt  }
.Lfunc_end0:
.L_simem_size_0:
called_computation_lowered:
.L_overlay_start_0:
0x88: {  	s2 =	sld [smem:$0x3FD9]  }
0x89: {  	s3 =	sld [smem:$0x3FFE];
	_ =	sdelay $0x1  }
0x8a: {  	s1 =	srdreg.scid  }
0x8b: {  	s0 =	sand.u32 $0x1, s1  }
0x8c: {  	s16 =	sshll.u32 s0, $0xA;
	s2 =	sadd.s32 s3, s2  }
0x8d: {  	s2 =	sadd.s32 s2, s16  }
0x8e: {  	[smem:$0x3FB9] =	sst s2  }
0x8f: {  	_ = 	snop  }
0x90: {  	(tm) =	ssettm $0x1  }
0x91: {  	s17 =	sld [smem:$0x3FFB];
	_ =	sdelay $0x3  }
0x92: {  	_ =	strace s17  }
0x93: {  	s2 =	sld [smem:$0x3FFC];
	_ =	sdelay $0x3  }
0x94: {  	_ =	strace s2  }
0x95: {  	s2 =	sld [smem:$0x3FFD];
	_ =	sdelay $0x3  }
0x96: {  	_ =	strace s2  }
0x97: {  	_ =	strace $0x8FFFFFFF  }
0x98: {  	s18 =	sld [smem:$0x3FDB];
	_ =	sdelay $0x1  }
0x99: {  	s19 =	simm.s32 $_scs_section_size  }
0x9a: {  	s4 =	simm.s32 $_size__tile_overlayer_lowered;
	s5 =	simm.s32 $_tile_overlayer_lowered  }
0x9b: {  	s22 =	simm.s32 $0x1BFF;
	s21 =	sshll.u32 s5, $0x1;
	s2 =	sadd.s32 s19, s18  }
0x9c: {  	s6 =	simm.s32 $0x0;
	s20 =	sshll.u32 s4, $0x1;
	s4 =	sadd.s32 s21, s2  }
0x9d: {  	[timem:s6], [sflag:s22] =	dma.local [hbm:s4], s20  }
0x9e: {  	_ =	swait.ge [sflag:s22], s20  }
0x9f: {  	s3 =	ssub.s32 $0x0, s20;
	[sflag:s22] =	ssyncset.done $0x0  }
0xa0: {  	[sflag:s22] =	ssyncadd.s32 s3;
	_ =	sdelay $0x1  }
0xa1: {  	s23 =	simm.s32 $0x1B8B  }
0xa2: {  	_ =	swait.ge [sflag:s23], $0x1  }
0xa3: {  	[sflag:s23] =	ssyncset.done $0x0  }
0xa4: {  	s25 =	simm.s32 $0x1B8E;
	s24 =	sld [smem:$0x3FFE];
	[sflag:s23] =	ssyncadd.s32 $0xFFFFFFFF  }
0xa5: {  	s26 =	simm.s32 $execute0_lowered;
	[smem:$0x3FD2] =	sst s25  }
0xa6: {  	s4 =	sshll.u32 s26, $0x1;
	_ =	strace $0x80000046;
	[dreg:$0x1] =	wrdreg $0xFFFFFFFF  }
0xa7: {  	s28 =	simm.s32 $_size_execute0_lowered;
	s2 =	sadd.s32 s2, s4;
	[dreg:$0x0] =	wrdreg $0x0  }
0xa8: {  	s4 =	sshll.u32 s28, $0x1;
	[dreg:$0x2] =	wrdreg s2  }
0xa9: {  	[dreg:$0x3] =	wrdreg s4  }
0xaa: {  	[dreg:$0x4] =	wrdreg $0xC0  }
0xab: {  	_ =	task [dreg:s6], $0x5FFFF  }
0xac: {  	[dreg:$0x1] =	wrdreg $0xFFFFFFFF  }
0xad: {  	[dreg:$0x0] =	wrdreg $0x60  }
0xae: {  	[dreg:$0x2] =	wrdreg s24  }
0xaf: {  	[dreg:$0x3] =	wrdreg $0x3800  }
0xb0: {  	[dreg:$0x4] =	wrdreg $0x9  }
0xb1: {  	_ =	task.clear_ibuf [dreg:s6], $0x5FFFF;
	_ =	strace $0x90000046  }
0xb2: {  	s29 =	simm.s32 $0x9;
	_ =	strace $0x80000048  }
0xb3: {  	_ =	swait.ge [sflag:s29], $0x1  }
0xb4: {  	[sflag:s29] =	ssyncadd.s32 $0xFFFFFFFF  }
0xb5: {  	_ =	strace $0x90000048  }
0xb6: {  	_ =	sfence  }
0xb7: {  	s30 =	sld [smem:$0x0];
	_ =	sdelay $0x2  }
0xb8: {  	s31 =	sshll.u32 s1, $0xD;
	s1 =	sshrl.u32 s1, $0x2  }
0xb9: {  	s3 =	sand.u32 $0x4000, s31;
	s1 =	sadd.s32 s1, s30  }
0xba: {  	s0 =	sor.u32 s3, s0;
	s1 =	sshll.u32 s1, $0x11  }
0xbb: {  	s0 =	sor.u32 s1, s0  }
0xbc: {  	s0 =	sadd.s32 $0x8F2B, s0  }
0xbd: {  	[sflag:s0] =	ssyncadd.remote.s32 $0x1  }
0xbe: {  	_ =	sfence.sel $0xFFFF  }
0xbf: {  	[dreg:$0x0] =	wrdreg $0xFFFFFFFF;
	(pc) =	sbr.abs _section_cstart, $3  }
0xc0: {  	[dreg:$0x1] =	wrdreg $0xFFFFFFFF  }
0xc1: {  	_ =	task.clear_ibuf [dreg:s6], $0x2FFFF;
	_ =	strace $0x9FFFFFFF  }
0xc2: {  	(tm) =	ssettm $0x7FFFFFFF  }
0xc3: {  	_ =	shalt  }
tec
execute0_lowered:
.L_overlay_start_1:
0x0: {  	(tag) =	ssettag $0x1  }
0x1: {  	s4 =	rddreg [dreg:$0x0]  }
0x2: {  	s2 =	rddreg [dreg:$0x1]  }
0x3: {  	s0 =	srdreg.scid;
	s1 =	rddreg [dreg:$0x2];
	s3 =	simm.s32 $0x0  }
0x4: {  	s11 =	simm.s32 $0x80;
	s5 =	sand.u32 $0x1, s0;
	s0 =	stileid.u32  }
0x5: {  	s14 =	simm.s32 $0x0;
	[smem:$0x7FF] =	sst s3;
	s6 =	smul.u32 $0x13880, s5  }
0x6: {  	s7 =	smul.u32 $0x1388, s0;
	_ =	strace $0x80000047;
	s29 =	ssub.s32 $0x2, s5  }
0x7: {  	s8 =	smul.u32 $0x280, s0;
	p0 =	seq.s32 s5, $0x1;
	s5 =	simm.s32 $0x11200  }
0x8: {  	s12 =	sshll.u32 s0, $0x6;
	s30 =	sshrl.u32 s29, $0x1;
	s6 =	sadd.s32 s7, s6  }
0x9: {  	s5 =	simm.s32 @!p0 $0x10C00;
	s12 =	sor.u32 $0x1C01, s12;
	s6 =	sshrl.u32 s6, $0x3  }
0xa: {  	s31 =	sshrl.u32 s8, $0x3;
	s10 =	sadd.s32 s5, s4;
	s9 =	sadd.s32 s6, s4  }
0xb: {  	s6 =	ssub.s32 s29, s30;
	s4 =	sadd.s32 s8, s2;
	s8 =	simm.s32 $0x100  }
0xc: {  	s5 =	smax.u32 s6, $0x1;
	s6 =	sadd.s32 s10, s31;
	s7 =	sadd.s32 $0xBC00, s9  }
0xd: {  	v0 =	vimm.f32 $1.000000000e+00;
	v1 =	vimm.f32 $0.0e+00;
	s9 =	simm.s32 $0x1;
	s10 =	simm.s32 $0x28;
	s13 =	sshrl.u32 s4, $0x3  }
.LBB2_1:
0xe: {  	[tilespmem:$0x80] =	vst v0  }
0xf: {  	[tilespmem:$0x90] =	vst v0  }
0x10: {  	[tilespmem:$0xA0] =	vst v0  }
0x11: {  	[tilespmem:$0x100] =	vst v1  }
0x12: {  	[tilespmem:$0x110] =	vst v1  }
0x13: {  	[tilespmem:$0x120] =	vst v1  }
0x14: {  	[tilespmem:$0x130] =	vst v1  }
0x15: {  	[tilespmem:$0x140] =	vst v1  }
0x16: {  	[tilespmem:$0x150] =	vst v1  }
0x17: {  	[tilespmem:$0x160] =	vst v1  }
0x18: {  	[tilespmem:$0x170] =	vst v1  }
0x19: {  	[tilespmem:$0x180] =	vst v1  }
0x1a: {  	[tilespmem:$0x190] =	vst v1  }
0x1b: {  	[tilespmem:$0x1A0] =	vst v1  }
0x1c: {  	[tilespmem:$0x1B0] =	vst v1  }
0x1d: {  	[tilespmem:$0x1C0] =	vst v1  }
0x1e: {  	[tilespmem:$0x1D0] =	vst v1  }
0x1f: {  	[tilespmem:$0x1E0] =	vst v1  }
0x20: {  	[tilespmem:$0x1F0] =	vst v1  }
0x21: {  	[tilespmem:$0x200] =	vst v1  }
0x22: {  	[tilespmem:$0x210] =	vst v1  }
0x23: {  	[tilespmem:$0x220] =	vst v1  }
0x24: {  	[tilespmem:$0x230] =	vst v1  }
0x25: {  	[tilespmem:$0x240] =	vst v1  }
0x26: {  	[tilespmem:$0x250] =	vst v1  }
0x27: {  	[tilespmem:$0x260] =	vst v1  }
0x28: {  	[tilespmem:$0x270] =	vst v1  }
0x29: {  	[tilespmem:$0x280] =	vst v1  }
0x2a: {  	[tilespmem:$0x290] =	vst v1  }
0x2b: {  	[tilespmem:$0x2A0] =	vst v1  }
0x2c: {  	[tilespmem:$0x2B0] =	vst v1  }
0x2d: {  	[tilespmem:$0x2C0] =	vst v1  }
0x2e: {  	[tilespmem:$0x2D0] =	vst v1  }
0x2f: {  	[tilespmem:$0x2E0] =	vst v1  }
0x30: {  	[tilespmem:$0x2F0] =	vst v1  }
0x31: {  	[tilespmem:$0x300] =	vst v1  }
0x32: {  	[tilespmem:$0x310] =	vst v1  }
0x33: {  	[tilespmem:$0x320] =	vst v1  }
0x34: {  	[tilespmem:$0x330] =	vst v1  }
0x35: {  	[tilespmem:$0x340] =	vst v1  }
0x36: {  	[tilespmem:$0x350] =	vst v1  }
0x37: {  	[tilespmem:$0x360] =	vst v1  }
0x38: {  	[tilespmem:$0x370] =	vst v1  }
0x39: {  	[spmem:s4] =	stream.linear.scatter [tilespmem:s8], [sflag:$0x1], $0x280, $0x38;
	[tilespmem:$0x600] =	vst v63  }
0x3a: {  	_ =	swait.ge [sflag:s9], $0x280  }
0x3b: {  	[sflag:s9] =	ssyncset.done $0x0  }
0x3c: {  	[sflag:s9] =	ssyncadd.s32 $0xFFFFFD80  }
0x3d: {  	s15 =	sadd.s32 $0x0, s7;
	[bflag:$0x0] =	sbarrier.arrive $0xFFFF  }
0x3e: {  	[tilespmem:s3], [sflag:$0x1] =	stream.linear.gather [hbm4b:s15+s3], $0x28, $0x38;
	[tilespmem:$0x600] =	vst v63  }
0x3f: {  	_ =	swait.ge [sflag:s9], $0x28  }
0x40: {  	[sflag:s9] =	ssyncset.done $0x0  }
0x41: {  	[sflag:s9] =	ssyncadd.s32 $0xFFFFFFD8  }
0x42: {  	[spmem:s2] =	stream.indirect.scatter.add.f32 [tilespmem:s11], [sflag:$0x1], $0x1, s3, s10, $0xb8;
	[tilespmem:$0x600] =	vst v63  }
0x43: {  	_ =	swait.ge [sflag:s9], $0x28  }
0x44: {  	s16 =	simm.s32 $0xA;
	s15 =	simm.s32 $0x5;
	[sflag:s9] =	ssyncset.done $0x0  }
.LBB2_2:
0x45: {  	s17 =	sadd.s32 s15, s7  }
0x46: {  	[sflag:s9] =	ssyncadd.s32 $0xFFFFFFD8;
	s15 =	smov.u32 s16;
	s18 =	sadd.s32 $0x5, s16  }
0x47: {  	[tilespmem:s3], [sflag:$0x1] =	stream.linear.gather [hbm4b:s17+s3], $0x28, $0x38;
	[tilespmem:$0x600] =	vst v63  }
0x48: {  	p0 =	sne.s32 s16, $0x26C;
	_ =	swait.ge [sflag:s9], $0x28  }
.Ltmp0:
0x49: {  	[sflag:s9] =	ssyncset.done $0x0;
	(pc) =	sbr.rel @p0 .LBB2_2-.Ltmp0, $4  }
0x4a: {  	[sflag:s9] =	ssyncadd.s32 $0xFFFFFFD8  }
0x4b: {  	[spmem:s2] =	stream.indirect.scatter.add.f32 [tilespmem:s11], [sflag:$0x1], $0x1, s3, s10, $0xb8;
	[tilespmem:$0x600] =	vst v63  }
0x4c: {  	_ =	swait.ge [sflag:s9], $0x28  }
0x4d: {  	s16 =	smov.u32 s18;
	[sflag:s9] =	ssyncset.done $0x0  }
0x4e: {  	s15 =	sadd.s32 s15, s7;
	[sflag:s9] =	ssyncadd.s32 $0xFFFFFFD8  }
0x4f: {  	[tilespmem:s3], [sflag:$0x1] =	stream.linear.gather [hbm4b:s15+s3], $0x28, $0x38;
	[tilespmem:$0x600] =	vst v63  }
0x50: {  	_ =	swait.ge [sflag:s9], $0x28  }
0x51: {  	[sflag:s9] =	ssyncset.done $0x0  }
0x52: {  	[sflag:s9] =	ssyncadd.s32 $0xFFFFFFD8  }
0x53: {  	[spmem:s2] =	stream.indirect.scatter.add.f32 [tilespmem:s11], [sflag:$0x1], $0x1, s3, s10, $0xb8;
	[tilespmem:$0x600] =	vst v63  }
0x54: {  	_ =	swait.ge [sflag:s9], $0x28  }
0x55: {  	s14 =	sadd.s32 $0x1, s14;
	[sflag:s9] =	ssyncset.done $0x0  }
0x56: {  	p0 =	sne.s32 s14, s5;
	[sflag:s9] =	ssyncadd.s32 $0xFFFFFFD8  }
.Ltmp1:
0x57: {  	[bflag:$0x0] =	sbarrier.arrive $0xFFFF;
	(pc) =	sbr.rel @p0 .LBB2_1-.Ltmp1, $4  }
0x58: {  	[hbm:s6], [sflag:s12] =	dma.local [spmem:s13], $0x50  }
0x59: {  	_ =	swait.ge [sflag:s9], $0x50  }
0x5a: {  	[sflag:s9] =	ssyncset.done $0x0  }
0x5b: {  	[sflag:s9] =	ssyncadd.s32 $0xFFFFFFB0  }
0x5c: {  	_ =	sfence.sel $0x180000  }
0x5d: {  	[bflag:$0x0] =	sbarrier.arrive $0xFFFF  }
0x5e: {  	p0 =	sne.s32 s0, $0x0;
	_ =	strace $0x90000047  }
0x5f: {  	s0 =	sadd.s32 @!p0 $0x100000, s1;
	[bflag:$0x2] =	sbarrier.arrive $0xFFFF  }
0x60: {  	[sflag:s0] =	ssyncadd.tile.s32 @!p0 $0x1;
	_ =	shalt  }
.Lfunc_end2:
_tile_overlayer_lowered:
.L_overlay_start_2:
0x61: {  	(tag) =	ssettag $0x2  }
0x62: {  	s0 =	rddreg [dreg:$0x0];
	s2 =	stileid.u32  }
0x63: {  	s1 =	rddreg [dreg:$0x1];
	p0 =	sne.s32 s2, $0x0  }
0x64: {  	s3 =	rddreg [dreg:$0x2];
	[bflag:$0x3] =	sbarrier.arrive $0xFFFF;
	s2 =	simm.s32 @!p0 $0x1C01  }
0x65: {  	[timem:s3], [sflag:s2] =	dma.local @!p0 [hbm:s0], s1  }
0x66: {  	s0 =	simm.s32 @!p0 $0x1  }
0x67: {  	_ =	swait.ge @!p0 [sflag:s0], s1  }
0x68: {  	s1 =	ssub.s32 @!p0 $0x0, s1;
	[sflag:s0] =	ssyncset.done @!p0 $0x0  }
0x69: {  	[sflag:s0] =	ssyncadd.s32 @!p0 s1  }
0x6a: {  	[bflag:$0x3] =	sbarrier.arrive $0xFFFF  }
0x6b: {  	_ =	shalt  }

// kernel: kernel.16.cloned.1.call-start
scs
__scs_entry_jumppad:
0x0: {  	(pc) =	sbr.rel $0x88, $3  }
0x1: {  	(tag) =	ssettag $0x0;
	lr =	simm.s32 $0x1  }
0x2: {  	[smem:$0x3F92] =	sst lr;
	_ =	strace $0xD0000000  }
0x3: {  	_ = 	snop  }
0x4: {  	_ = 	snop  }
0x5: {  	_ = 	snop  }
0x6: {  	_ = 	snop  }
0x7: {  	_ = 	snop  }
__scs_overlays_trampoline_lowered:
0x8: {  	[smem:$0x3FA1] =	sst s0  }
0x9: {  	[smem:$0x3FA2] =	sst s1  }
0xa: {  	[smem:$0x3FA3] =	sst s2  }
0xb: {  	[smem:$0x3FA4] =	sst s3  }
0xc: {  	[smem:$0x3FA5] =	sst s4  }
0xd: {  	[smem:$0x3FA6] =	sst s5  }
0xe: {  	[smem:$0x3FA7] =	sst s6  }
0xf: {  	[smem:$0x3FA8] =	sst s7  }
0x10: {  	[smem:$0x3FA9] =	sst s8  }
0x11: {  	[smem:$0x3FAA] =	sst s9;
	s0 =	simm.s32 @!p0 $0x0  }
0x12: {  	s1 =	sld [smem:$0x3F90];
	s0 =	simm.s32 @p0 $0x1  }
0x13: {  	[smem:$0x3FAB] =	sst s0;
	s0 =	simm.s32 @!p1 $0x0  }
0x14: {  	s2 =	sld [smem:$0x3F8F];
	s0 =	simm.s32 @p1 $0x1  }
0x15: {  	[smem:$0x3FAC] =	sst s0;
	s0 =	simm.s32 @!p2 $0x0  }
0x16: {  	s3 =	sld [smem:$0x3FDB];
	s0 =	simm.s32 @p2 $0x1  }
0x17: {  	s4 =	simm.s32 $0x1BF5;
	[smem:$0x3FAE] =	sst s0  }
0x18: {  	s0 =	sld [smem:$0x3F91];
	_ =	swait.ge [sflag:s4], $0x0  }
0x19: {  	s7 =	sld [smem:$0x3F92]  }
0x1a: {  	s8 =	sadd.s32 $0xFFFFE003, lr  }
0x1b: {  	s9 =	sadd.s32 $0xFFFFFEF7, lr;
	s5 =	simm.s32 $0xFFFFFFFF;
	p2 =	slt.u32 s8, $0xFFFFF086  }
0x1c: {  	p1 =	slt.u32 s9, $0xF7A;
	s5 =	simm.s32 @!p2 $0x0  }
0x1d: {  	s5 =	simm.s32 @p1 $0x1;
	p0 =	seq.s32 s7, s2  }
0x1e: {  	s7 =	smul.u32 @!p0 $0xF7A, s2;
	p2 =	seq.s32 @!p0 s5, $0x0  }
0x1f: {  	s9 =	smul.u32 $0xF7A, s1;
	s8 =	simm.s32 @!p0 $0x1BF5;
	p2 =	por !p2, p0  }
0x20: {  	[sflag:s8] =	ssyncset.s32 @!p0 $0xFFFFF086;
	s6 =	sadd.s32 @!p0 s3, s7;
	s7 =	simm.s32 @!p0 $0x108  }
0x21: {  	s3 =	sadd.s32 s3, s9;
	s6 =	sadd.s32 @!p0 $0x88, s6;
	s7 =	simm.s32 @p2 $0x1082  }
0x22: {  	[simem:s7], [sflag:s8] =	dma.local @!p0 [hbm:s6], $0xF7A  }
0x23: {  	s9 =	sor.u32 $0xD0000000, s2;
	s6 =	simm.s32 $0x108;
	_ =	swait.ge @!p0 [sflag:s8], $0x0  }
0x24: {  	s3 =	sadd.s32 $0x88, s3;
	s6 =	simm.s32 @!p1 $0x1082;
	[sflag:s4] =	ssyncset.s32 $0xFFFFF086  }
0x25: {  	[simem:s6], [sflag:s4] =	dma.local [hbm:s3], $0xF7A  }
0x26: {  	[smem:$0x3F92] =	sst s1;
	(tag) =	ssettag s2;
	_ =	strace s9  }
0x27: {  	s1 =	sld [smem:$0x3FA2]  }
0x28: {  	s2 =	sld [smem:$0x3FA3]  }
0x29: {  	s4 =	sld [smem:$0x3FA5]  }
0x2a: {  	p0 =	seq.s32 s5, $0x0;
	s5 =	sld [smem:$0x3FA6]  }
0x2b: {  	s6 =	sld [smem:$0x3FA7]  }
0x2c: {  	s7 =	sld [smem:$0x3FA8]  }
0x2d: {  	s3 =	simm.s32 $0x108;
	s8 =	sld [smem:$0x3FA9]  }
0x2e: {  	s3 =	simm.s32 @!p0 $0x1082;
	s9 =	sld [smem:$0x3FAA]  }
0x2f: {  	lr =	sadd.s32 s0, s3;
	s0 =	sld [smem:$0x3FA1]  }
0x30: {  	s3 =	sld [smem:$0x3FA4]  }
0x31: {  	[smem:$0x3FAD] =	sst s10  }
0x32: {  	s10 =	sld [smem:$0x3FAB];
	_ =	sdelay $0x3  }
0x33: {  	p0 =	seq.s32 s10, $0x1;
	s10 =	sld [smem:$0x3FAD];
	_ =	sdelay $0x3  }
0x34: {  	[smem:$0x3FAD] =	sst s10  }
0x35: {  	s10 =	sld [smem:$0x3FAC];
	_ =	sdelay $0x3  }
0x36: {  	p1 =	seq.s32 s10, $0x1;
	s10 =	sld [smem:$0x3FAD];
	_ =	sdelay $0x3  }
0x37: {  	[smem:$0x3FAD] =	sst s10  }
0x38: {  	s10 =	sld [smem:$0x3FAE]  }
0x39: {  	_ = 	snop;
	(pc) =	sbr.ind lr, $3  }
0x3a: {  	_ = 	snop  }
0x3b: {  	_ = 	snop  }
0x3c: {  	p2 =	seq.s32 s10, $0x1;
	s10 =	sld [smem:$0x3FAD]  }
0x3d: {  	_ =	shalt  }
0x3e: {  	_ =	shalt  }
0x3f: {  	_ =	shalt  }
0x40: {  	_ =	shalt  }
0x41: {  	_ =	shalt  }
0x42: {  	_ =	shalt  }
0x43: {  	_ =	shalt  }
0x44: {  	_ =	shalt  }
0x45: {  	_ =	shalt  }
0x46: {  	_ =	shalt  }
0x47: {  	_ =	shalt  }
0x48: {  	_ =	shalt  }
0x49: {  	_ =	shalt  }
0x4a: {  	_ =	shalt  }
0x4b: {  	_ =	shalt  }
0x4c: {  	_ =	shalt  }
0x4d: {  	_ =	shalt  }
0x4e: {  	_ =	shalt  }
0x4f: {  	_ =	shalt  }
0x50: {  	_ =	shalt  }
0x51: {  	_ =	shalt  }
0x52: {  	_ =	shalt  }
0x53: {  	_ =	shalt  }
0x54: {  	_ =	shalt  }
0x55: {  	_ =	shalt  }
0x56: {  	_ =	shalt  }
0x57: {  	_ =	shalt  }
0x58: {  	_ =	shalt  }
0x59: {  	_ =	shalt  }
0x5a: {  	_ =	shalt  }
0x5b: {  	_ =	shalt  }
0x5c: {  	_ =	shalt  }
0x5d: {  	_ =	shalt  }
0x5e: {  	_ =	shalt  }
0x5f: {  	_ =	shalt  }
0x60: {  	_ =	shalt  }
0x61: {  	_ =	shalt  }
0x62: {  	_ =	shalt  }
0x63: {  	_ =	shalt  }
0x64: {  	_ =	shalt  }
0x65: {  	_ =	shalt  }
0x66: {  	_ =	shalt  }
0x67: {  	_ =	shalt  }
0x68: {  	_ =	shalt  }
0x69: {  	_ =	shalt  }
0x6a: {  	_ =	shalt  }
0x6b: {  	_ =	shalt  }
0x6c: {  	_ =	shalt  }
0x6d: {  	_ =	shalt  }
0x6e: {  	_ =	shalt  }
0x6f: {  	_ =	shalt  }
0x70: {  	_ =	shalt  }
0x71: {  	_ =	shalt  }
0x72: {  	_ =	shalt  }
0x73: {  	_ =	shalt  }
0x74: {  	_ =	shalt  }
0x75: {  	_ =	shalt  }
0x76: {  	_ =	shalt  }
0x77: {  	_ =	shalt  }
0x78: {  	_ =	shalt  }
0x79: {  	_ =	shalt  }
0x7a: {  	_ =	shalt  }
0x7b: {  	_ =	shalt  }
0x7c: {  	_ =	shalt  }
0x7d: {  	_ =	shalt  }
0x7e: {  	_ =	shalt  }
0x7f: {  	_ =	shalt  }
0x80: {  	_ =	shalt  }
0x81: {  	_ =	shalt  }
0x82: {  	_ =	shalt  }
0x83: {  	_ =	shalt  }
0x84: {  	_ =	shalt  }
0x85: {  	_ =	shalt  }
0x86: {  	_ =	shalt  }
0x87: {  	_ =	shalt  }
.Lfunc_end0:
.L_simem_size_0:
called_computation.1_lowered:
.L_overlay_start_0:
0x88: {  	s2 =	sld [smem:$0x3FD9]  }
0x89: {  	s3 =	sld [smem:$0x3FFE];
	_ =	sdelay $0x1  }
0x8a: {  	s1 =	srdreg.scid  }
0x8b: {  	s0 =	sand.u32 $0x1, s1  }
0x8c: {  	s16 =	sshll.u32 s0, $0xA;
	s2 =	sadd.s32 s3, s2  }
0x8d: {  	s2 =	sadd.s32 s2, s16  }
0x8e: {  	[smem:$0x3FB9] =	sst s2  }
0x8f: {  	_ = 	snop  }
0x90: {  	(tm) =	ssettm $0x1  }
0x91: {  	s17 =	sld [smem:$0x3FFB];
	_ =	sdelay $0x3  }
0x92: {  	_ =	strace s17  }
0x93: {  	s2 =	sld [smem:$0x3FFC];
	_ =	sdelay $0x3  }
0x94: {  	_ =	strace s2  }
0x95: {  	s2 =	sld [smem:$0x3FFD];
	_ =	sdelay $0x3  }
0x96: {  	_ =	strace s2  }
0x97: {  	_ =	strace $0x8FFFFFFF  }
0x98: {  	s18 =	sld [smem:$0x3FDB];
	_ =	sdelay $0x1  }
0x99: {  	s19 =	simm.s32 $_scs_section_size  }
0x9a: {  	s4 =	simm.s32 $_size__tile_overlayer_lowered;
	s5 =	simm.s32 $_tile_overlayer_lowered  }
0x9b: {  	s22 =	simm.s32 $0x1BFF;
	s21 =	sshll.u32 s5, $0x1;
	s2 =	sadd.s32 s19, s18  }
0x9c: {  	s6 =	simm.s32 $0x0;
	s20 =	sshll.u32 s4, $0x1;
	s4 =	sadd.s32 s21, s2  }
0x9d: {  	[timem:s6], [sflag:s22] =	dma.local [hbm:s4], s20  }
0x9e: {  	_ =	swait.ge [sflag:s22], s20  }
0x9f: {  	s3 =	ssub.s32 $0x0, s20;
	[sflag:s22] =	ssyncset.done $0x0  }
0xa0: {  	[sflag:s22] =	ssyncadd.s32 s3;
	_ =	sdelay $0x1  }
0xa1: {  	s23 =	simm.s32 $0x1B8B  }
0xa2: {  	_ =	swait.ge [sflag:s23], $0x1  }
0xa3: {  	[sflag:s23] =	ssyncset.done $0x0  }
0xa4: {  	s25 =	simm.s32 $0x1B8E;
	s24 =	sld [smem:$0x3FFE];
	[sflag:s23] =	ssyncadd.s32 $0xFFFFFFFF  }
0xa5: {  	s26 =	simm.s32 $execute0_lowered;
	[smem:$0x3FD2] =	sst s25  }
0xa6: {  	s4 =	sshll.u32 s26, $0x1;
	_ =	strace $0x80000049;
	[dreg:$0x1] =	wrdreg $0xFFFFFFFF  }
0xa7: {  	s28 =	simm.s32 $_size_execute0_lowered;
	s2 =	sadd.s32 s2, s4;
	[dreg:$0x0] =	wrdreg $0x0  }
0xa8: {  	s4 =	sshll.u32 s28, $0x1;
	[dreg:$0x2] =	wrdreg s2  }
0xa9: {  	[dreg:$0x3] =	wrdreg s4  }
0xaa: {  	[dreg:$0x4] =	wrdreg $0xC0  }
0xab: {  	_ =	task [dreg:s6], $0x5FFFF  }
0xac: {  	[dreg:$0x1] =	wrdreg $0xFFFFFFFF  }
0xad: {  	[dreg:$0x0] =	wrdreg $0x60  }
0xae: {  	[dreg:$0x2] =	wrdreg s24  }
0xaf: {  	[dreg:$0x3] =	wrdreg $0x29000  }
0xb0: {  	[dreg:$0x4] =	wrdreg $0x9  }
0xb1: {  	_ =	task.clear_ibuf [dreg:s6], $0x5FFFF;
	_ =	strace $0x90000049  }
0xb2: {  	s29 =	simm.s32 $0x9;
	_ =	strace $0x8000004B  }
0xb3: {  	_ =	swait.ge [sflag:s29], $0x1  }
0xb4: {  	[sflag:s29] =	ssyncadd.s32 $0xFFFFFFFF  }
0xb5: {  	_ =	strace $0x9000004B  }
0xb6: {  	_ =	sfence  }
0xb7: {  	s30 =	sld [smem:$0x0];
	_ =	sdelay $0x2  }
0xb8: {  	s31 =	sshll.u32 s1, $0xD;
	s1 =	sshrl.u32 s1, $0x2  }
0xb9: {  	s3 =	sand.u32 $0x4000, s31;
	s1 =	sadd.s32 s1, s30  }
0xba: {  	s0 =	sor.u32 s3, s0;
	s1 =	sshll.u32 s1, $0x11  }
0xbb: {  	s0 =	sor.u32 s1, s0  }
0xbc: {  	s0 =	sadd.s32 $0x8F2B, s0  }
0xbd: {  	[sflag:s0] =	ssyncadd.remote.s32 $0x1  }
0xbe: {  	_ =	sfence.sel $0xFFFF  }
0xbf: {  	[dreg:$0x0] =	wrdreg $0xFFFFFFFF;
	(pc) =	sbr.abs _section_cstart, $3  }
0xc0: {  	[dreg:$0x1] =	wrdreg $0xFFFFFFFF  }
0xc1: {  	_ =	task.clear_ibuf [dreg:s6], $0x2FFFF;
	_ =	strace $0x9FFFFFFF  }
0xc2: {  	(tm) =	ssettm $0x7FFFFFFF  }
0xc3: {  	_ =	shalt  }
tec
execute0_lowered:
.L_overlay_start_1:
0x0: {  	(tag) =	ssettag $0x1  }
0x1: {  	s7 =	rddreg [dreg:$0x0]  }
0x2: {  	s2 =	rddreg [dreg:$0x1]  }
0x3: {  	s0 =	rddreg [dreg:$0x2];
	s3 =	simm.s32 $0x0  }
0x4: {  	s1 =	stileid.u32;
	s5 =	srdreg.scid;
	s21 =	simm.s32 $0x2  }
0x5: {  	s22 =	simm.s32 $0x80;
	s23 =	simm.s32 $0x50;
	s24 =	simm.s32 $0x1  }
0x6: {  	s25 =	simm.s32 $0x0;
	[smem:$0x7FF] =	sst s3;
	s6 =	smul.u32 $0x4E2, s1  }
0x7: {  	s4 =	sadd.s32 $0x10C00, s7;
	s20 =	sand.u32 $0x1, s5;
	s8 =	smul.u32 $0x50000, s1  }
0x8: {  	s5 =	sadd.s32 $0x37E00, s7;
	s16 =	smul.u32 $0x2800, s1;
	_ =	strace $0x8000004A  }
0x9: {  	s9 =	ssub.s32 $0x2, s20;
	p0 =	sne.s32 s20, $0x0;
	s20 =	simm.s32 $0x100  }
0xa: {  	s19 =	sadd.s32 s6, s7;
	s6 =	sadd.s32 $0xADE00, s7;
	s10 =	sshrl.u32 s9, $0x1  }
.Ltmp0:
0xb: {  	s8 =	sshrl.u32 s8, $0x2;
	s7 =	sadd.s32 $0xD5E00, s7;
	(pc) =	sbr.rel .LBB2_1-.Ltmp0, $4  }
0xc: {  	s17 =	ssub.s32 s9, s10;
	s8 =	sadd.s32 s8, s2;
	s18 =	sadd.s32 $0xBC00, s19  }
0xd: {  	s19 =	sadd.s32 $0x6C00, s19;
	s9 =	sadd.s32 $0x2800, s8;
	s10 =	sadd.s32 $0x5000, s8  }
0xe: {  	s11 =	sadd.s32 $0x7800, s8;
	s12 =	sadd.s32 $0xA000, s8;
	s13 =	sadd.s32 $0xC800, s8  }
0xf: {  	v0 =	vimm.f32 $0.0e+00;
	s14 =	sadd.s32 $0xF000, s8;
	s15 =	sadd.s32 $0x11800, s8;
	s17 =	smax.u32 s17, $0x1  }
.LBB2_9:
0x10: {  	s28 =	sadd.s32 s26, s19;
	[sflag:s21] =	ssyncadd.s32 $0xFFFFD800  }
0x11: {  	[tilespmem:s3], [sflag:$0x2] =	stream.linear.gather [hbm4b:s28+s3], $0x50, $0x38;
	[tilespmem:$0x16900] =	vst v63  }
0x12: {  	_ =	swait.ge [sflag:s21], $0x50  }
0x13: {  	[sflag:s21] =	ssyncset.done $0x0  }
0x14: {  	s31 =	sadd.s32 s26, s18;
	[sflag:s21] =	ssyncadd.s32 $0xFFFFFFB0  }
0x15: {  	[tilespmem:s22], [sflag:$0x2] =	stream.linear.gather [hbm4b:s31+s3], $0x50, $0x38;
	[tilespmem:$0x16900] =	vst v63  }
0x16: {  	_ =	swait.ge [sflag:s21], $0x50  }
0x17: {  	[sflag:s21] =	ssyncset.done $0x0  }
0x18: {  	[sflag:s21] =	ssyncadd.s32 $0xFFFFFFB0  }
0x19: {  	[tilespmem:s20], [sflag:$0x1] =	stream.indirect.gather [hbm4b:s5+s23], $0x80, s3, s23, $0xb8;
	[tilespmem:$0x16900] =	vst v63  }
0x1a: {  	_ =	swait.ge [sflag:s24], $0x2800  }
0x1b: {  	[sflag:s24] =	ssyncset.done $0x0  }
0x1c: {  	[sflag:s24] =	ssyncadd.s32 $0xFFFFD800  }
0x1d: {  	[spmem:s2] =	stream.indirect.scatter.add.f32 [tilespmem:s20], [sflag:$0x2], $0x80, s22, s23, $0xb8;
	[tilespmem:$0x16900] =	vst v63  }
0x1e: {  	_ =	swait.ge [sflag:s21], $0x2800  }
0x1f: {  	[sflag:s21] =	ssyncset.done $0x0  }
0x20: {  	s26 =	smov.u32 s7;
	[sflag:s21] =	ssyncadd.s32 $0xFFFFD800  }
.LBB2_10:
0x21: {  	s26 =	sadd.s32 s26, s16;
	s25 =	sadd.s32 $0x1, s25  }
0x22: {  	s28 =	sshll.u32 s1, $0x6;
	[bflag:$0x0] =	sbarrier.arrive $0xFFFF;
	p1 =	sne.s32 s25, s17  }
.Ltmp1:
0x23: {  	s29 =	sshrl.u32 s8, $0x3;
	s28 =	sor.u32 $0x1C02, s28;
	(pc) =	sbr.rel @!p1 .LBB2_11-.Ltmp1, $4  }
0x24: {  	[hbm:s26], [sflag:s28] =	dma.local [spmem:s29], $0x2800  }
0x25: {  	_ =	swait.ge [sflag:s21], $0x2800  }
0x26: {  	[sflag:s21] =	ssyncset.done $0x0  }
0x27: {  	[sflag:s21] =	ssyncadd.s32 $0xFFFFD800  }
.LBB2_1:
0x28: {  	s26 =	simm.s32 $0x0;
	s28 =	simm.s32 $0x200  }
.LBB2_2:
0x29: {  	p1 =	sne.s32 s28, $0x9E00;
	[tilespmem:s26+$0x170] =	vst v0  }
0x2a: {  	[tilespmem:s26+$0x100] =	vst v0  }
0x2b: {  	[tilespmem:s26+$0x110] =	vst v0  }
.Ltmp2:
0x2c: {  	[tilespmem:s26+$0x120] =	vst v0;
	(pc) =	sbr.rel @p1 .LBB2_2-.Ltmp2, $4  }
0x2d: {  	[tilespmem:s26+$0x130] =	vst v0  }
0x2e: {  	[tilespmem:s26+$0x140] =	vst v0  }
0x2f: {  	[tilespmem:s26+$0x150] =	vst v0  }
0x30: {  	[tilespmem:s26+$0x160] =	vst v0;
	s26 =	sshra.s32 s28, $0x2;
	s28 =	sadd.s32 $0x200, s28  }
0x31: {  	[tilespmem:s26+$0x170] =	vst v0  }
0x32: {  	[tilespmem:s26+$0x100] =	vst v0  }
0x33: {  	[tilespmem:s26+$0x110] =	vst v0  }
0x34: {  	[tilespmem:s26+$0x120] =	vst v0  }
0x35: {  	[tilespmem:s26+$0x130] =	vst v0  }
0x36: {  	[tilespmem:s26+$0x140] =	vst v0  }
0x37: {  	[tilespmem:s26+$0x150] =	vst v0  }
0x38: {  	[tilespmem:s26+$0x160] =	vst v0  }
0x39: {  	[spmem:s8] =	stream.linear.scatter [tilespmem:s20], [sflag:$0x2], $0x2800, $0x38;
	[tilespmem:$0x16900] =	vst v63  }
0x3a: {  	_ =	swait.ge [sflag:s21], $0x2800  }
0x3b: {  	[sflag:s21] =	ssyncset.done $0x0  }
0x3c: {  	[sflag:s21] =	ssyncadd.s32 $0xFFFFD800  }
0x3d: {  	[spmem:s9] =	stream.linear.scatter [tilespmem:s20], [sflag:$0x2], $0x2800, $0x38;
	[tilespmem:$0x16900] =	vst v63  }
0x3e: {  	_ =	swait.ge [sflag:s21], $0x2800  }
0x3f: {  	[sflag:s21] =	ssyncset.done $0x0  }
0x40: {  	[sflag:s21] =	ssyncadd.s32 $0xFFFFD800  }
0x41: {  	[spmem:s10] =	stream.linear.scatter [tilespmem:s20], [sflag:$0x2], $0x2800, $0x38;
	[tilespmem:$0x16900] =	vst v63  }
0x42: {  	_ =	swait.ge [sflag:s21], $0x2800  }
0x43: {  	[sflag:s21] =	ssyncset.done $0x0  }
0x44: {  	[sflag:s21] =	ssyncadd.s32 $0xFFFFD800  }
0x45: {  	[spmem:s11] =	stream.linear.scatter [tilespmem:s20], [sflag:$0x2], $0x2800, $0x38;
	[tilespmem:$0x16900] =	vst v63  }
0x46: {  	_ =	swait.ge [sflag:s21], $0x2800  }
0x47: {  	[sflag:s21] =	ssyncset.done $0x0  }
0x48: {  	[sflag:s21] =	ssyncadd.s32 $0xFFFFD800  }
0x49: {  	[spmem:s12] =	stream.linear.scatter [tilespmem:s20], [sflag:$0x2], $0x2800, $0x38;
	[tilespmem:$0x16900] =	vst v63  }
0x4a: {  	_ =	swait.ge [sflag:s21], $0x2800  }
0x4b: {  	[sflag:s21] =	ssyncset.done $0x0  }
0x4c: {  	[sflag:s21] =	ssyncadd.s32 $0xFFFFD800  }
0x4d: {  	[spmem:s13] =	stream.linear.scatter [tilespmem:s20], [sflag:$0x2], $0x2800, $0x38;
	[tilespmem:$0x16900] =	vst v63  }
0x4e: {  	_ =	swait.ge [sflag:s21], $0x2800  }
0x4f: {  	[sflag:s21] =	ssyncset.done $0x0  }
0x50: {  	[sflag:s21] =	ssyncadd.s32 $0xFFFFD800  }
0x51: {  	[spmem:s14] =	stream.linear.scatter [tilespmem:s20], [sflag:$0x2], $0x2800, $0x38;
	[tilespmem:$0x16900] =	vst v63  }
0x52: {  	_ =	swait.ge [sflag:s21], $0x2800  }
0x53: {  	[sflag:s21] =	ssyncset.done $0x0  }
0x54: {  	[sflag:s21] =	ssyncadd.s32 $0xFFFFD800  }
0x55: {  	[spmem:s15] =	stream.linear.scatter [tilespmem:s20], [sflag:$0x2], $0x2800, $0x38;
	[tilespmem:$0x16900] =	vst v63  }
.Ltmp3:
0x56: {  	_ =	swait.ge [sflag:s21], $0x2800;
	(pc) =	sbr.rel @p0 .LBB2_7-.Ltmp3, $4  }
0x57: {  	[sflag:s21] =	ssyncset.done $0x0  }
0x58: {  	[sflag:s21] =	ssyncadd.s32 $0xFFFFD800  }
0x59: {  	[bflag:$0x0] =	sbarrier.arrive $0xFFFF  }
0x5a: {  	s26 =	sadd.s32 $0x0, s19  }
0x5b: {  	[tilespmem:s3], [sflag:$0x2] =	stream.linear.gather [hbm4b:s26+s3], $0x50, $0x38;
	[tilespmem:$0x16900] =	vst v63  }
0x5c: {  	_ =	swait.ge [sflag:s21], $0x50  }
0x5d: {  	[sflag:s21] =	ssyncset.done $0x0  }
0x5e: {  	s31 =	sadd.s32 $0x0, s18;
	[sflag:s21] =	ssyncadd.s32 $0xFFFFFFB0  }
0x5f: {  	[tilespmem:s22], [sflag:$0x2] =	stream.linear.gather [hbm4b:s31+s3], $0x50, $0x38;
	[tilespmem:$0x16900] =	vst v63  }
0x60: {  	_ =	swait.ge [sflag:s21], $0x50  }
0x61: {  	[sflag:s21] =	ssyncset.done $0x0  }
0x62: {  	[sflag:s21] =	ssyncadd.s32 $0xFFFFFFB0  }
0x63: {  	[tilespmem:s20], [sflag:$0x1] =	stream.indirect.gather [hbm4b:s4+s23], $0x80, s3, s23, $0xb8;
	[tilespmem:$0x16900] =	vst v63  }
0x64: {  	_ =	swait.ge [sflag:s24], $0x2800  }
0x65: {  	[sflag:s24] =	ssyncset.done $0x0  }
0x66: {  	[sflag:s24] =	ssyncadd.s32 $0xFFFFD800  }
0x67: {  	[spmem:s2] =	stream.indirect.scatter.add.f32 [tilespmem:s20], [sflag:$0x2], $0x80, s22, s23, $0xb8;
	[tilespmem:$0x16900] =	vst v63  }
0x68: {  	_ =	swait.ge [sflag:s21], $0x2800  }
0x69: {  	s26 =	simm.s32 $0xA;
	s28 =	simm.s32 $0x14;
	[sflag:s21] =	ssyncset.done $0x0  }
.LBB2_5:
0x6a: {  	s29 =	sadd.s32 s26, s19  }
0x6b: {  	[sflag:s21] =	ssyncadd.s32 $0xFFFFD800;
	s30 =	smov.u32 s28;
	s31 =	sadd.s32 $0xA, s28  }
0x6c: {  	[tilespmem:s3], [sflag:$0x2] =	stream.linear.gather [hbm4b:s29+s3], $0x50, $0x38;
	[tilespmem:$0x16900] =	vst v63  }
0x6d: {  	p1 =	seq.s32 s28, $0x4D8;
	_ =	swait.ge [sflag:s21], $0x50  }
0x6e: {  	[sflag:s21] =	ssyncset.done $0x0  }
0x6f: {  	s28 =	sadd.s32 s26, s18;
	s26 =	smov.u32 s30;
	[sflag:s21] =	ssyncadd.s32 $0xFFFFFFB0  }
0x70: {  	[tilespmem:s22], [sflag:$0x2] =	stream.linear.gather [hbm4b:s28+s3], $0x50, $0x38;
	[tilespmem:$0x16900] =	vst v63  }
0x71: {  	_ =	swait.ge [sflag:s21], $0x50  }
0x72: {  	[sflag:s21] =	ssyncset.done $0x0  }
0x73: {  	[sflag:s21] =	ssyncadd.s32 $0xFFFFFFB0  }
0x74: {  	[tilespmem:s20], [sflag:$0x1] =	stream.indirect.gather [hbm4b:s4+s23], $0x80, s3, s23, $0xb8;
	[tilespmem:$0x16900] =	vst v63  }
0x75: {  	_ =	swait.ge [sflag:s24], $0x2800  }
.Ltmp4:
0x76: {  	[sflag:s24] =	ssyncset.done $0x0;
	(pc) =	sbr.rel @!p1 .LBB2_5-.Ltmp4, $4  }
0x77: {  	[sflag:s24] =	ssyncadd.s32 $0xFFFFD800  }
0x78: {  	[spmem:s2] =	stream.indirect.scatter.add.f32 [tilespmem:s20], [sflag:$0x2], $0x80, s22, s23, $0xb8;
	[tilespmem:$0x16900] =	vst v63  }
0x79: {  	_ =	swait.ge [sflag:s21], $0x2800  }
0x7a: {  	s28 =	smov.u32 s31;
	[sflag:s21] =	ssyncset.done $0x0  }
0x7b: {  	s28 =	sadd.s32 s26, s19;
	[sflag:s21] =	ssyncadd.s32 $0xFFFFD800  }
0x7c: {  	[tilespmem:s3], [sflag:$0x2] =	stream.linear.gather [hbm4b:s28+s3], $0x50, $0x38;
	[tilespmem:$0x16900] =	vst v63  }
0x7d: {  	_ =	swait.ge [sflag:s21], $0x50  }
0x7e: {  	[sflag:s21] =	ssyncset.done $0x0  }
0x7f: {  	s31 =	sadd.s32 s26, s18;
	[sflag:s21] =	ssyncadd.s32 $0xFFFFFFB0  }
0x80: {  	[tilespmem:s22], [sflag:$0x2] =	stream.linear.gather [hbm4b:s31+s3], $0x50, $0x38;
	[tilespmem:$0x16900] =	vst v63  }
0x81: {  	_ =	swait.ge [sflag:s21], $0x50  }
0x82: {  	[sflag:s21] =	ssyncset.done $0x0  }
0x83: {  	[sflag:s21] =	ssyncadd.s32 $0xFFFFFFB0  }
0x84: {  	[tilespmem:s20], [sflag:$0x1] =	stream.indirect.gather [hbm4b:s4+s23], $0x80, s3, s23, $0xb8;
	[tilespmem:$0x16900] =	vst v63  }
0x85: {  	_ =	swait.ge [sflag:s24], $0x2800  }
0x86: {  	[sflag:s24] =	ssyncset.done $0x0  }
.Ltmp5:
0x87: {  	[sflag:s24] =	ssyncadd.s32 $0xFFFFD800;
	(pc) =	sbr.rel .LBB2_10-.Ltmp5, $4  }
0x88: {  	[spmem:s2] =	stream.indirect.scatter.add.f32 [tilespmem:s20], [sflag:$0x2], $0x80, s22, s23, $0xb8;
	[tilespmem:$0x16900] =	vst v63  }
0x89: {  	_ =	swait.ge [sflag:s21], $0x2800  }
0x8a: {  	[sflag:s21] =	ssyncset.done $0x0  }
0x8b: {  	s26 =	smov.u32 s6;
	[sflag:s21] =	ssyncadd.s32 $0xFFFFD800  }
.LBB2_7:
0x8c: {  	[tilespmem:s3], [sflag:$0x2] =	stream.linear.gather [hbm4b:s26+s3], $0x50, $0x38;
	[tilespmem:$0x16900] =	vst v63  }
0x8d: {  	_ =	swait.ge [sflag:s21], $0x50  }
0x8e: {  	[sflag:s21] =	ssyncset.done $0x0  }
0x8f: {  	s31 =	sadd.s32 $0x0, s18;
	[sflag:s21] =	ssyncadd.s32 $0xFFFFFFB0  }
0x90: {  	[tilespmem:s22], [sflag:$0x2] =	stream.linear.gather [hbm4b:s31+s3], $0x50, $0x38;
	[tilespmem:$0x16900] =	vst v63  }
0x91: {  	_ =	swait.ge [sflag:s21], $0x50  }
0x92: {  	[sflag:s21] =	ssyncset.done $0x0  }
0x93: {  	[sflag:s21] =	ssyncadd.s32 $0xFFFFFFB0  }
0x94: {  	[tilespmem:s20], [sflag:$0x1] =	stream.indirect.gather [hbm4b:s5+s23], $0x80, s3, s23, $0xb8;
	[tilespmem:$0x16900] =	vst v63  }
0x95: {  	_ =	swait.ge [sflag:s24], $0x2800  }
0x96: {  	[sflag:s24] =	ssyncset.done $0x0  }
0x97: {  	[sflag:s24] =	ssyncadd.s32 $0xFFFFD800  }
0x98: {  	[spmem:s2] =	stream.indirect.scatter.add.f32 [tilespmem:s20], [sflag:$0x2], $0x80, s22, s23, $0xb8;
	[tilespmem:$0x16900] =	vst v63  }
0x99: {  	_ =	swait.ge [sflag:s21], $0x2800  }
0x9a: {  	s26 =	simm.s32 $0xA;
	s28 =	simm.s32 $0x14;
	[sflag:s21] =	ssyncset.done $0x0  }
.LBB2_8:
0x9b: {  	s29 =	sadd.s32 s26, s19  }
0x9c: {  	[sflag:s21] =	ssyncadd.s32 $0xFFFFD800;
	s30 =	smov.u32 s28;
	s31 =	sadd.s32 $0xA, s28  }
0x9d: {  	[tilespmem:s3], [sflag:$0x2] =	stream.linear.gather [hbm4b:s29+s3], $0x50, $0x38;
	[tilespmem:$0x16900] =	vst v63  }
0x9e: {  	p1 =	sne.s32 s28, $0x4D8;
	_ =	swait.ge [sflag:s21], $0x50  }
0x9f: {  	[sflag:s21] =	ssyncset.done $0x0  }
0xa0: {  	s28 =	sadd.s32 s26, s18;
	s26 =	smov.u32 s30;
	[sflag:s21] =	ssyncadd.s32 $0xFFFFFFB0  }
0xa1: {  	[tilespmem:s22], [sflag:$0x2] =	stream.linear.gather [hbm4b:s28+s3], $0x50, $0x38;
	[tilespmem:$0x16900] =	vst v63  }
0xa2: {  	_ =	swait.ge [sflag:s21], $0x50  }
0xa3: {  	[sflag:s21] =	ssyncset.done $0x0  }
0xa4: {  	[sflag:s21] =	ssyncadd.s32 $0xFFFFFFB0  }
0xa5: {  	[tilespmem:s20], [sflag:$0x1] =	stream.indirect.gather [hbm4b:s5+s23], $0x80, s3, s23, $0xb8;
	[tilespmem:$0x16900] =	vst v63  }
0xa6: {  	_ =	swait.ge [sflag:s24], $0x2800  }
.Ltmp6:
0xa7: {  	[sflag:s24] =	ssyncset.done $0x0;
	(pc) =	sbr.rel @p1 .LBB2_8-.Ltmp6, $4  }
0xa8: {  	[sflag:s24] =	ssyncadd.s32 $0xFFFFD800  }
0xa9: {  	[spmem:s2] =	stream.indirect.scatter.add.f32 [tilespmem:s20], [sflag:$0x2], $0x80, s22, s23, $0xb8;
	[tilespmem:$0x16900] =	vst v63  }
0xaa: {  	_ =	swait.ge [sflag:s21], $0x2800  }
0xab: {  	s28 =	smov.u32 s31;
	[sflag:s21] =	ssyncset.done $0x0  }
.Ltmp7:
0xac: {  	_ = 	snop;
	(pc) =	sbr.rel .LBB2_9-.Ltmp7, $1  }
0xad: {  	_ =	sdelay $0x3  }
.LBB2_11:
0xae: {  	_ =	sfence.sel $0x180000  }
0xaf: {  	[bflag:$0x0] =	sbarrier.arrive $0xFFFF  }
0xb0: {  	p0 =	sne.s32 s1, $0x0;
	_ =	strace $0x9000004A  }
0xb1: {  	s0 =	sadd.s32 @!p0 $0x100000, s0;
	[bflag:$0x2] =	sbarrier.arrive $0xFFFF  }
0xb2: {  	[sflag:s0] =	ssyncadd.tile.s32 @!p0 $0x1;
	_ =	shalt  }
.Lfunc_end2:
_tile_overlayer_lowered:
.L_overlay_start_2:
0xb3: {  	(tag) =	ssettag $0x2  }
0xb4: {  	s0 =	rddreg [dreg:$0x0];
	s2 =	stileid.u32  }
0xb5: {  	s1 =	rddreg [dreg:$0x1];
	p0 =	sne.s32 s2, $0x0  }
0xb6: {  	s3 =	rddreg [dreg:$0x2];
	[bflag:$0x3] =	sbarrier.arrive $0xFFFF;
	s2 =	simm.s32 @!p0 $0x1C02  }
0xb7: {  	[timem:s3], [sflag:s2] =	dma.local @!p0 [hbm:s0], s1  }
0xb8: {  	s0 =	simm.s32 @!p0 $0x2  }
0xb9: {  	_ =	swait.ge @!p0 [sflag:s0], s1  }
0xba: {  	s1 =	ssub.s32 @!p0 $0x0, s1;
	[sflag:s0] =	ssyncset.done @!p0 $0x0  }
0xbb: {  	[sflag:s0] =	ssyncadd.s32 @!p0 s1  }
0xbc: {  	[bflag:$0x3] =	sbarrier.arrive $0xFFFF  }
0xbd: {  	_ =	shalt  }

// kernel: kernel.19.cloned.1.call-start
scs
__scs_entry_jumppad:
0x0: {  	(pc) =	sbr.rel $0x88, $3  }
0x1: {  	(tag) =	ssettag $0x0;
	lr =	simm.s32 $0x1  }
0x2: {  	[smem:$0x3F92] =	sst lr;
	_ =	strace $0xD0000000  }
0x3: {  	_ = 	snop  }
0x4: {  	_ = 	snop  }
0x5: {  	_ = 	snop  }
0x6: {  	_ = 	snop  }
0x7: {  	_ = 	snop  }
__scs_overlays_trampoline_lowered:
0x8: {  	[smem:$0x3FA1] =	sst s0  }
0x9: {  	[smem:$0x3FA2] =	sst s1  }
0xa: {  	[smem:$0x3FA3] =	sst s2  }
0xb: {  	[smem:$0x3FA4] =	sst s3  }
0xc: {  	[smem:$0x3FA5] =	sst s4  }
0xd: {  	[smem:$0x3FA6] =	sst s5  }
0xe: {  	[smem:$0x3FA7] =	sst s6  }
0xf: {  	[smem:$0x3FA8] =	sst s7  }
0x10: {  	[smem:$0x3FA9] =	sst s8  }
0x11: {  	[smem:$0x3FAA] =	sst s9;
	s0 =	simm.s32 @!p0 $0x0  }
0x12: {  	s1 =	sld [smem:$0x3F90];
	s0 =	simm.s32 @p0 $0x1  }
0x13: {  	[smem:$0x3FAB] =	sst s0;
	s0 =	simm.s32 @!p1 $0x0  }
0x14: {  	s2 =	sld [smem:$0x3F8F];
	s0 =	simm.s32 @p1 $0x1  }
0x15: {  	[smem:$0x3FAC] =	sst s0;
	s0 =	simm.s32 @!p2 $0x0  }
0x16: {  	s3 =	sld [smem:$0x3FDB];
	s0 =	simm.s32 @p2 $0x1  }
0x17: {  	s4 =	simm.s32 $0x1BF5;
	[smem:$0x3FAE] =	sst s0  }
0x18: {  	s0 =	sld [smem:$0x3F91];
	_ =	swait.ge [sflag:s4], $0x0  }
0x19: {  	s7 =	sld [smem:$0x3F92]  }
0x1a: {  	s8 =	sadd.s32 $0xFFFFE003, lr  }
0x1b: {  	s9 =	sadd.s32 $0xFFFFFEF7, lr;
	s5 =	simm.s32 $0xFFFFFFFF;
	p2 =	slt.u32 s8, $0xFFFFF086  }
0x1c: {  	p1 =	slt.u32 s9, $0xF7A;
	s5 =	simm.s32 @!p2 $0x0  }
0x1d: {  	s5 =	simm.s32 @p1 $0x1;
	p0 =	seq.s32 s7, s2  }
0x1e: {  	s7 =	smul.u32 @!p0 $0xF7A, s2;
	p2 =	seq.s32 @!p0 s5, $0x0  }
0x1f: {  	s9 =	smul.u32 $0xF7A, s1;
	s8 =	simm.s32 @!p0 $0x1BF5;
	p2 =	por !p2, p0  }
0x20: {  	[sflag:s8] =	ssyncset.s32 @!p0 $0xFFFFF086;
	s6 =	sadd.s32 @!p0 s3, s7;
	s7 =	simm.s32 @!p0 $0x108  }
0x21: {  	s3 =	sadd.s32 s3, s9;
	s6 =	sadd.s32 @!p0 $0x88, s6;
	s7 =	simm.s32 @p2 $0x1082  }
0x22: {  	[simem:s7], [sflag:s8] =	dma.local @!p0 [hbm:s6], $0xF7A  }
0x23: {  	s9 =	sor.u32 $0xD0000000, s2;
	s6 =	simm.s32 $0x108;
	_ =	swait.ge @!p0 [sflag:s8], $0x0  }
0x24: {  	s3 =	sadd.s32 $0x88, s3;
	s6 =	simm.s32 @!p1 $0x1082;
	[sflag:s4] =	ssyncset.s32 $0xFFFFF086  }
0x25: {  	[simem:s6], [sflag:s4] =	dma.local [hbm:s3], $0xF7A  }
0x26: {  	[smem:$0x3F92] =	sst s1;
	(tag) =	ssettag s2;
	_ =	strace s9  }
0x27: {  	s1 =	sld [smem:$0x3FA2]  }
0x28: {  	s2 =	sld [smem:$0x3FA3]  }
0x29: {  	s4 =	sld [smem:$0x3FA5]  }
0x2a: {  	p0 =	seq.s32 s5, $0x0;
	s5 =	sld [smem:$0x3FA6]  }
0x2b: {  	s6 =	sld [smem:$0x3FA7]  }
0x2c: {  	s7 =	sld [smem:$0x3FA8]  }
0x2d: {  	s3 =	simm.s32 $0x108;
	s8 =	sld [smem:$0x3FA9]  }
0x2e: {  	s3 =	simm.s32 @!p0 $0x1082;
	s9 =	sld [smem:$0x3FAA]  }
0x2f: {  	lr =	sadd.s32 s0, s3;
	s0 =	sld [smem:$0x3FA1]  }
0x30: {  	s3 =	sld [smem:$0x3FA4]  }
0x31: {  	[smem:$0x3FAD] =	sst s10  }
0x32: {  	s10 =	sld [smem:$0x3FAB];
	_ =	sdelay $0x3  }
0x33: {  	p0 =	seq.s32 s10, $0x1;
	s10 =	sld [smem:$0x3FAD];
	_ =	sdelay $0x3  }
0x34: {  	[smem:$0x3FAD] =	sst s10  }
0x35: {  	s10 =	sld [smem:$0x3FAC];
	_ =	sdelay $0x3  }
0x36: {  	p1 =	seq.s32 s10, $0x1;
	s10 =	sld [smem:$0x3FAD];
	_ =	sdelay $0x3  }
0x37: {  	[smem:$0x3FAD] =	sst s10  }
0x38: {  	s10 =	sld [smem:$0x3FAE]  }
0x39: {  	_ = 	snop;
	(pc) =	sbr.ind lr, $3  }
0x3a: {  	_ = 	snop  }
0x3b: {  	_ = 	snop  }
0x3c: {  	p2 =	seq.s32 s10, $0x1;
	s10 =	sld [smem:$0x3FAD]  }
0x3d: {  	_ =	shalt  }
0x3e: {  	_ =	shalt  }
0x3f: {  	_ =	shalt  }
0x40: {  	_ =	shalt  }
0x41: {  	_ =	shalt  }
0x42: {  	_ =	shalt  }
0x43: {  	_ =	shalt  }
0x44: {  	_ =	shalt  }
0x45: {  	_ =	shalt  }
0x46: {  	_ =	shalt  }
0x47: {  	_ =	shalt  }
0x48: {  	_ =	shalt  }
0x49: {  	_ =	shalt  }
0x4a: {  	_ =	shalt  }
0x4b: {  	_ =	shalt  }
0x4c: {  	_ =	shalt  }
0x4d: {  	_ =	shalt  }
0x4e: {  	_ =	shalt  }
0x4f: {  	_ =	shalt  }
0x50: {  	_ =	shalt  }
0x51: {  	_ =	shalt  }
0x52: {  	_ =	shalt  }
0x53: {  	_ =	shalt  }
0x54: {  	_ =	shalt  }
0x55: {  	_ =	shalt  }
0x56: {  	_ =	shalt  }
0x57: {  	_ =	shalt  }
0x58: {  	_ =	shalt  }
0x59: {  	_ =	shalt  }
0x5a: {  	_ =	shalt  }
0x5b: {  	_ =	shalt  }
0x5c: {  	_ =	shalt  }
0x5d: {  	_ =	shalt  }
0x5e: {  	_ =	shalt  }
0x5f: {  	_ =	shalt  }
0x60: {  	_ =	shalt  }
0x61: {  	_ =	shalt  }
0x62: {  	_ =	shalt  }
0x63: {  	_ =	shalt  }
0x64: {  	_ =	shalt  }
0x65: {  	_ =	shalt  }
0x66: {  	_ =	shalt  }
0x67: {  	_ =	shalt  }
0x68: {  	_ =	shalt  }
0x69: {  	_ =	shalt  }
0x6a: {  	_ =	shalt  }
0x6b: {  	_ =	shalt  }
0x6c: {  	_ =	shalt  }
0x6d: {  	_ =	shalt  }
0x6e: {  	_ =	shalt  }
0x6f: {  	_ =	shalt  }
0x70: {  	_ =	shalt  }
0x71: {  	_ =	shalt  }
0x72: {  	_ =	shalt  }
0x73: {  	_ =	shalt  }
0x74: {  	_ =	shalt  }
0x75: {  	_ =	shalt  }
0x76: {  	_ =	shalt  }
0x77: {  	_ =	shalt  }
0x78: {  	_ =	shalt  }
0x79: {  	_ =	shalt  }
0x7a: {  	_ =	shalt  }
0x7b: {  	_ =	shalt  }
0x7c: {  	_ =	shalt  }
0x7d: {  	_ =	shalt  }
0x7e: {  	_ =	shalt  }
0x7f: {  	_ =	shalt  }
0x80: {  	_ =	shalt  }
0x81: {  	_ =	shalt  }
0x82: {  	_ =	shalt  }
0x83: {  	_ =	shalt  }
0x84: {  	_ =	shalt  }
0x85: {  	_ =	shalt  }
0x86: {  	_ =	shalt  }
0x87: {  	_ =	shalt  }
.Lfunc_end0:
.L_simem_size_0:
called_computation.2_lowered:
.L_overlay_start_0:
0x88: {  	s2 =	sld [smem:$0x3FD9]  }
0x89: {  	s3 =	sld [smem:$0x3FFE];
	_ =	sdelay $0x1  }
0x8a: {  	s1 =	srdreg.scid  }
0x8b: {  	s0 =	sand.u32 $0x1, s1  }
0x8c: {  	s16 =	sshll.u32 s0, $0xA;
	s2 =	sadd.s32 s3, s2  }
0x8d: {  	s2 =	sadd.s32 s2, s16  }
0x8e: {  	[smem:$0x3FB9] =	sst s2  }
0x8f: {  	_ = 	snop  }
0x90: {  	(tm) =	ssettm $0x1  }
0x91: {  	s17 =	sld [smem:$0x3FFB];
	_ =	sdelay $0x3  }
0x92: {  	_ =	strace s17  }
0x93: {  	s2 =	sld [smem:$0x3FFC];
	_ =	sdelay $0x3  }
0x94: {  	_ =	strace s2  }
0x95: {  	s2 =	sld [smem:$0x3FFD];
	_ =	sdelay $0x3  }
0x96: {  	_ =	strace s2  }
0x97: {  	_ =	strace $0x8FFFFFFF  }
0x98: {  	s18 =	sld [smem:$0x3FDB];
	_ =	sdelay $0x1  }
0x99: {  	s19 =	simm.s32 $_scs_section_size  }
0x9a: {  	s4 =	simm.s32 $_size__tile_overlayer_lowered;
	s5 =	simm.s32 $_tile_overlayer_lowered  }
0x9b: {  	s22 =	simm.s32 $0x1BFF;
	s21 =	sshll.u32 s5, $0x1;
	s2 =	sadd.s32 s19, s18  }
0x9c: {  	s6 =	simm.s32 $0x0;
	s20 =	sshll.u32 s4, $0x1;
	s4 =	sadd.s32 s21, s2  }
0x9d: {  	[timem:s6], [sflag:s22] =	dma.local [hbm:s4], s20  }
0x9e: {  	_ =	swait.ge [sflag:s22], s20  }
0x9f: {  	s3 =	ssub.s32 $0x0, s20;
	[sflag:s22] =	ssyncset.done $0x0  }
0xa0: {  	[sflag:s22] =	ssyncadd.s32 s3;
	_ =	sdelay $0x1  }
0xa1: {  	s23 =	simm.s32 $0x1B8B  }
0xa2: {  	_ =	swait.ge [sflag:s23], $0x1  }
0xa3: {  	[sflag:s23] =	ssyncset.done $0x0  }
0xa4: {  	s25 =	simm.s32 $0x1B8E;
	s24 =	sld [smem:$0x3FFE];
	[sflag:s23] =	ssyncadd.s32 $0xFFFFFFFF  }
0xa5: {  	s26 =	simm.s32 $execute0_lowered;
	[smem:$0x3FD2] =	sst s25  }
0xa6: {  	s4 =	sshll.u32 s26, $0x1;
	_ =	strace $0x8000004C;
	[dreg:$0x1] =	wrdreg $0xFFFFFFFF  }
0xa7: {  	s28 =	simm.s32 $_size_execute0_lowered;
	s2 =	sadd.s32 s2, s4;
	[dreg:$0x0] =	wrdreg $0x0  }
0xa8: {  	s4 =	sshll.u32 s28, $0x1;
	[dreg:$0x2] =	wrdreg s2  }
0xa9: {  	[dreg:$0x3] =	wrdreg s4  }
0xaa: {  	[dreg:$0x4] =	wrdreg $0xC0  }
0xab: {  	_ =	task [dreg:s6], $0x5FFFF  }
0xac: {  	[dreg:$0x1] =	wrdreg $0xFFFFFFFF  }
0xad: {  	[dreg:$0x0] =	wrdreg $0x60  }
0xae: {  	[dreg:$0x2] =	wrdreg s24  }
0xaf: {  	[dreg:$0x3] =	wrdreg $0x29000  }
0xb0: {  	[dreg:$0x4] =	wrdreg $0x9  }
0xb1: {  	_ =	task.clear_ibuf [dreg:s6], $0x5FFFF;
	_ =	strace $0x9000004C  }
0xb2: {  	s29 =	simm.s32 $0x9;
	_ =	strace $0x8000004E  }
0xb3: {  	_ =	swait.ge [sflag:s29], $0x1  }
0xb4: {  	[sflag:s29] =	ssyncadd.s32 $0xFFFFFFFF  }
0xb5: {  	_ =	strace $0x9000004E  }
0xb6: {  	_ =	sfence  }
0xb7: {  	s30 =	sld [smem:$0x0];
	_ =	sdelay $0x2  }
0xb8: {  	s31 =	sshll.u32 s1, $0xD;
	s1 =	sshrl.u32 s1, $0x2  }
0xb9: {  	s3 =	sand.u32 $0x4000, s31;
	s1 =	sadd.s32 s1, s30  }
0xba: {  	s0 =	sor.u32 s3, s0;
	s1 =	sshll.u32 s1, $0x11  }
0xbb: {  	s0 =	sor.u32 s1, s0  }
0xbc: {  	s0 =	sadd.s32 $0x8F2B, s0  }
0xbd: {  	[sflag:s0] =	ssyncadd.remote.s32 $0x1  }
0xbe: {  	_ =	sfence.sel $0xFFFF  }
0xbf: {  	[dreg:$0x0] =	wrdreg $0xFFFFFFFF;
	(pc) =	sbr.abs _section_cstart, $3  }
0xc0: {  	[dreg:$0x1] =	wrdreg $0xFFFFFFFF  }
0xc1: {  	_ =	task.clear_ibuf [dreg:s6], $0x2FFFF;
	_ =	strace $0x9FFFFFFF  }
0xc2: {  	(tm) =	ssettm $0x7FFFFFFF  }
0xc3: {  	_ =	shalt  }
tec
execute0_lowered:
.L_overlay_start_1:
0x0: {  	(tag) =	ssettag $0x1  }
0x1: {  	s7 =	rddreg [dreg:$0x0]  }
0x2: {  	s2 =	rddreg [dreg:$0x1]  }
0x3: {  	s0 =	rddreg [dreg:$0x2];
	s3 =	simm.s32 $0x0  }
0x4: {  	s1 =	stileid.u32;
	s5 =	srdreg.scid;
	s21 =	simm.s32 $0x2  }
0x5: {  	s22 =	simm.s32 $0x80;
	s23 =	simm.s32 $0x50;
	s24 =	simm.s32 $0x1  }
0x6: {  	s25 =	simm.s32 $0x0;
	[smem:$0x7FF] =	sst s3;
	s6 =	smul.u32 $0x4E2, s1  }
0x7: {  	s4 =	sadd.s32 $0x10C00, s7;
	s20 =	sand.u32 $0x1, s5;
	s8 =	smul.u32 $0x50000, s1  }
0x8: {  	s5 =	sadd.s32 $0x37E00, s7;
	s16 =	smul.u32 $0x2800, s1;
	_ =	strace $0x8000004D  }
0x9: {  	s9 =	ssub.s32 $0x2, s20;
	p0 =	sne.s32 s20, $0x0;
	s20 =	simm.s32 $0x100  }
0xa: {  	s19 =	sadd.s32 s6, s7;
	s6 =	sadd.s32 $0xADE00, s7;
	s10 =	sshrl.u32 s9, $0x1  }
.Ltmp0:
0xb: {  	s8 =	sshrl.u32 s8, $0x2;
	s7 =	sadd.s32 $0xD5E00, s7;
	(pc) =	sbr.rel .LBB2_1-.Ltmp0, $4  }
0xc: {  	s17 =	ssub.s32 s9, s10;
	s8 =	sadd.s32 s8, s2;
	s18 =	sadd.s32 $0xBC00, s19  }
0xd: {  	s19 =	sadd.s32 $0x6C00, s19;
	s9 =	sadd.s32 $0x2800, s8;
	s10 =	sadd.s32 $0x5000, s8  }
0xe: {  	s11 =	sadd.s32 $0x7800, s8;
	s12 =	sadd.s32 $0xA000, s8;
	s13 =	sadd.s32 $0xC800, s8  }
0xf: {  	v0 =	vimm.f32 $0.0e+00;
	s14 =	sadd.s32 $0xF000, s8;
	s15 =	sadd.s32 $0x11800, s8;
	s17 =	smax.u32 s17, $0x1  }
.LBB2_9:
0x10: {  	s28 =	sadd.s32 s26, s19;
	[sflag:s21] =	ssyncadd.s32 $0xFFFFD800  }
0x11: {  	[tilespmem:s3], [sflag:$0x2] =	stream.linear.gather [hbm4b:s28+s3], $0x50, $0x38;
	[tilespmem:$0x16900] =	vst v63  }
0x12: {  	_ =	swait.ge [sflag:s21], $0x50  }
0x13: {  	[sflag:s21] =	ssyncset.done $0x0  }
0x14: {  	s31 =	sadd.s32 s26, s18;
	[sflag:s21] =	ssyncadd.s32 $0xFFFFFFB0  }
0x15: {  	[tilespmem:s22], [sflag:$0x2] =	stream.linear.gather [hbm4b:s31+s3], $0x50, $0x38;
	[tilespmem:$0x16900] =	vst v63  }
0x16: {  	_ =	swait.ge [sflag:s21], $0x50  }
0x17: {  	[sflag:s21] =	ssyncset.done $0x0  }
0x18: {  	[sflag:s21] =	ssyncadd.s32 $0xFFFFFFB0  }
0x19: {  	[tilespmem:s20], [sflag:$0x1] =	stream.indirect.gather [hbm4b:s5+s23], $0x80, s3, s23, $0xb8;
	[tilespmem:$0x16900] =	vst v63  }
0x1a: {  	_ =	swait.ge [sflag:s24], $0x2800  }
0x1b: {  	[sflag:s24] =	ssyncset.done $0x0  }
0x1c: {  	[sflag:s24] =	ssyncadd.s32 $0xFFFFD800  }
0x1d: {  	[spmem:s2] =	stream.indirect.scatter.add.f32 [tilespmem:s20], [sflag:$0x2], $0x80, s22, s23, $0xb8;
	[tilespmem:$0x16900] =	vst v63  }
0x1e: {  	_ =	swait.ge [sflag:s21], $0x2800  }
0x1f: {  	[sflag:s21] =	ssyncset.done $0x0  }
0x20: {  	s26 =	smov.u32 s7;
	[sflag:s21] =	ssyncadd.s32 $0xFFFFD800  }
.LBB2_10:
0x21: {  	s26 =	sadd.s32 s26, s16;
	s25 =	sadd.s32 $0x1, s25  }
0x22: {  	s28 =	sshll.u32 s1, $0x6;
	[bflag:$0x0] =	sbarrier.arrive $0xFFFF;
	p1 =	sne.s32 s25, s17  }
.Ltmp1:
0x23: {  	s29 =	sshrl.u32 s8, $0x3;
	s28 =	sor.u32 $0x1C02, s28;
	(pc) =	sbr.rel @!p1 .LBB2_11-.Ltmp1, $4  }
0x24: {  	[hbm:s26], [sflag:s28] =	dma.local [spmem:s29], $0x2800  }
0x25: {  	_ =	swait.ge [sflag:s21], $0x2800  }
0x26: {  	[sflag:s21] =	ssyncset.done $0x0  }
0x27: {  	[sflag:s21] =	ssyncadd.s32 $0xFFFFD800  }
.LBB2_1:
0x28: {  	s26 =	simm.s32 $0x0;
	s28 =	simm.s32 $0x200  }
.LBB2_2:
0x29: {  	p1 =	sne.s32 s28, $0x9E00;
	[tilespmem:s26+$0x170] =	vst v0  }
0x2a: {  	[tilespmem:s26+$0x100] =	vst v0  }
0x2b: {  	[tilespmem:s26+$0x110] =	vst v0  }
.Ltmp2:
0x2c: {  	[tilespmem:s26+$0x120] =	vst v0;
	(pc) =	sbr.rel @p1 .LBB2_2-.Ltmp2, $4  }
0x2d: {  	[tilespmem:s26+$0x130] =	vst v0  }
0x2e: {  	[tilespmem:s26+$0x140] =	vst v0  }
0x2f: {  	[tilespmem:s26+$0x150] =	vst v0  }
0x30: {  	[tilespmem:s26+$0x160] =	vst v0;
	s26 =	sshra.s32 s28, $0x2;
	s28 =	sadd.s32 $0x200, s28  }
0x31: {  	[tilespmem:s26+$0x170] =	vst v0  }
0x32: {  	[tilespmem:s26+$0x100] =	vst v0  }
0x33: {  	[tilespmem:s26+$0x110] =	vst v0  }
0x34: {  	[tilespmem:s26+$0x120] =	vst v0  }
0x35: {  	[tilespmem:s26+$0x130] =	vst v0  }
0x36: {  	[tilespmem:s26+$0x140] =	vst v0  }
0x37: {  	[tilespmem:s26+$0x150] =	vst v0  }
0x38: {  	[tilespmem:s26+$0x160] =	vst v0  }
0x39: {  	[spmem:s8] =	stream.linear.scatter [tilespmem:s20], [sflag:$0x2], $0x2800, $0x38;
	[tilespmem:$0x16900] =	vst v63  }
0x3a: {  	_ =	swait.ge [sflag:s21], $0x2800  }
0x3b: {  	[sflag:s21] =	ssyncset.done $0x0  }
0x3c: {  	[sflag:s21] =	ssyncadd.s32 $0xFFFFD800  }
0x3d: {  	[spmem:s9] =	stream.linear.scatter [tilespmem:s20], [sflag:$0x2], $0x2800, $0x38;
	[tilespmem:$0x16900] =	vst v63  }
0x3e: {  	_ =	swait.ge [sflag:s21], $0x2800  }
0x3f: {  	[sflag:s21] =	ssyncset.done $0x0  }
0x40: {  	[sflag:s21] =	ssyncadd.s32 $0xFFFFD800  }
0x41: {  	[spmem:s10] =	stream.linear.scatter [tilespmem:s20], [sflag:$0x2], $0x2800, $0x38;
	[tilespmem:$0x16900] =	vst v63  }
0x42: {  	_ =	swait.ge [sflag:s21], $0x2800  }
0x43: {  	[sflag:s21] =	ssyncset.done $0x0  }
0x44: {  	[sflag:s21] =	ssyncadd.s32 $0xFFFFD800  }
0x45: {  	[spmem:s11] =	stream.linear.scatter [tilespmem:s20], [sflag:$0x2], $0x2800, $0x38;
	[tilespmem:$0x16900] =	vst v63  }
0x46: {  	_ =	swait.ge [sflag:s21], $0x2800  }
0x47: {  	[sflag:s21] =	ssyncset.done $0x0  }
0x48: {  	[sflag:s21] =	ssyncadd.s32 $0xFFFFD800  }
0x49: {  	[spmem:s12] =	stream.linear.scatter [tilespmem:s20], [sflag:$0x2], $0x2800, $0x38;
	[tilespmem:$0x16900] =	vst v63  }
0x4a: {  	_ =	swait.ge [sflag:s21], $0x2800  }
0x4b: {  	[sflag:s21] =	ssyncset.done $0x0  }
0x4c: {  	[sflag:s21] =	ssyncadd.s32 $0xFFFFD800  }
0x4d: {  	[spmem:s13] =	stream.linear.scatter [tilespmem:s20], [sflag:$0x2], $0x2800, $0x38;
	[tilespmem:$0x16900] =	vst v63  }
0x4e: {  	_ =	swait.ge [sflag:s21], $0x2800  }
0x4f: {  	[sflag:s21] =	ssyncset.done $0x0  }
0x50: {  	[sflag:s21] =	ssyncadd.s32 $0xFFFFD800  }
0x51: {  	[spmem:s14] =	stream.linear.scatter [tilespmem:s20], [sflag:$0x2], $0x2800, $0x38;
	[tilespmem:$0x16900] =	vst v63  }
0x52: {  	_ =	swait.ge [sflag:s21], $0x2800  }
0x53: {  	[sflag:s21] =	ssyncset.done $0x0  }
0x54: {  	[sflag:s21] =	ssyncadd.s32 $0xFFFFD800  }
0x55: {  	[spmem:s15] =	stream.linear.scatter [tilespmem:s20], [sflag:$0x2], $0x2800, $0x38;
	[tilespmem:$0x16900] =	vst v63  }
.Ltmp3:
0x56: {  	_ =	swait.ge [sflag:s21], $0x2800;
	(pc) =	sbr.rel @p0 .LBB2_7-.Ltmp3, $4  }
0x57: {  	[sflag:s21] =	ssyncset.done $0x0  }
0x58: {  	[sflag:s21] =	ssyncadd.s32 $0xFFFFD800  }
0x59: {  	[bflag:$0x0] =	sbarrier.arrive $0xFFFF  }
0x5a: {  	s26 =	sadd.s32 $0x0, s19  }
0x5b: {  	[tilespmem:s3], [sflag:$0x2] =	stream.linear.gather [hbm4b:s26+s3], $0x50, $0x38;
	[tilespmem:$0x16900] =	vst v63  }
0x5c: {  	_ =	swait.ge [sflag:s21], $0x50  }
0x5d: {  	[sflag:s21] =	ssyncset.done $0x0  }
0x5e: {  	s31 =	sadd.s32 $0x0, s18;
	[sflag:s21] =	ssyncadd.s32 $0xFFFFFFB0  }
0x5f: {  	[tilespmem:s22], [sflag:$0x2] =	stream.linear.gather [hbm4b:s31+s3], $0x50, $0x38;
	[tilespmem:$0x16900] =	vst v63  }
0x60: {  	_ =	swait.ge [sflag:s21], $0x50  }
0x61: {  	[sflag:s21] =	ssyncset.done $0x0  }
0x62: {  	[sflag:s21] =	ssyncadd.s32 $0xFFFFFFB0  }
0x63: {  	[tilespmem:s20], [sflag:$0x1] =	stream.indirect.gather [hbm4b:s4+s23], $0x80, s3, s23, $0xb8;
	[tilespmem:$0x16900] =	vst v63  }
0x64: {  	_ =	swait.ge [sflag:s24], $0x2800  }
0x65: {  	[sflag:s24] =	ssyncset.done $0x0  }
0x66: {  	[sflag:s24] =	ssyncadd.s32 $0xFFFFD800  }
0x67: {  	[spmem:s2] =	stream.indirect.scatter.add.f32 [tilespmem:s20], [sflag:$0x2], $0x80, s22, s23, $0xb8;
	[tilespmem:$0x16900] =	vst v63  }
0x68: {  	_ =	swait.ge [sflag:s21], $0x2800  }
0x69: {  	s26 =	simm.s32 $0xA;
	s28 =	simm.s32 $0x14;
	[sflag:s21] =	ssyncset.done $0x0  }
.LBB2_5:
0x6a: {  	s29 =	sadd.s32 s26, s19  }
0x6b: {  	[sflag:s21] =	ssyncadd.s32 $0xFFFFD800;
	s30 =	smov.u32 s28;
	s31 =	sadd.s32 $0xA, s28  }
0x6c: {  	[tilespmem:s3], [sflag:$0x2] =	stream.linear.gather [hbm4b:s29+s3], $0x50, $0x38;
	[tilespmem:$0x16900] =	vst v63  }
0x6d: {  	p1 =	seq.s32 s28, $0x4D8;
	_ =	swait.ge [sflag:s21], $0x50  }
0x6e: {  	[sflag:s21] =	ssyncset.done $0x0  }
0x6f: {  	s28 =	sadd.s32 s26, s18;
	s26 =	smov.u32 s30;
	[sflag:s21] =	ssyncadd.s32 $0xFFFFFFB0  }
0x70: {  	[tilespmem:s22], [sflag:$0x2] =	stream.linear.gather [hbm4b:s28+s3], $0x50, $0x38;
	[tilespmem:$0x16900] =	vst v63  }
0x71: {  	_ =	swait.ge [sflag:s21], $0x50  }
0x72: {  	[sflag:s21] =	ssyncset.done $0x0  }
0x73: {  	[sflag:s21] =	ssyncadd.s32 $0xFFFFFFB0  }
0x74: {  	[tilespmem:s20], [sflag:$0x1] =	stream.indirect.gather [hbm4b:s4+s23], $0x80, s3, s23, $0xb8;
	[tilespmem:$0x16900] =	vst v63  }
0x75: {  	_ =	swait.ge [sflag:s24], $0x2800  }
.Ltmp4:
0x76: {  	[sflag:s24] =	ssyncset.done $0x0;
	(pc) =	sbr.rel @!p1 .LBB2_5-.Ltmp4, $4  }
0x77: {  	[sflag:s24] =	ssyncadd.s32 $0xFFFFD800  }
0x78: {  	[spmem:s2] =	stream.indirect.scatter.add.f32 [tilespmem:s20], [sflag:$0x2], $0x80, s22, s23, $0xb8;
	[tilespmem:$0x16900] =	vst v63  }
0x79: {  	_ =	swait.ge [sflag:s21], $0x2800  }
0x7a: {  	s28 =	smov.u32 s31;
	[sflag:s21] =	ssyncset.done $0x0  }
0x7b: {  	s28 =	sadd.s32 s26, s19;
	[sflag:s21] =	ssyncadd.s32 $0xFFFFD800  }
0x7c: {  	[tilespmem:s3], [sflag:$0x2] =	stream.linear.gather [hbm4b:s28+s3], $0x50, $0x38;
	[tilespmem:$0x16900] =	vst v63  }
0x7d: {  	_ =	swait.ge [sflag:s21], $0x50  }
0x7e: {  	[sflag:s21] =	ssyncset.done $0x0  }
0x7f: {  	s31 =	sadd.s32 s26, s18;
	[sflag:s21] =	ssyncadd.s32 $0xFFFFFFB0  }
0x80: {  	[tilespmem:s22], [sflag:$0x2] =	stream.linear.gather [hbm4b:s31+s3], $0x50, $0x38;
	[tilespmem:$0x16900] =	vst v63  }
0x81: {  	_ =	swait.ge [sflag:s21], $0x50  }
0x82: {  	[sflag:s21] =	ssyncset.done $0x0  }
0x83: {  	[sflag:s21] =	ssyncadd.s32 $0xFFFFFFB0  }
0x84: {  	[tilespmem:s20], [sflag:$0x1] =	stream.indirect.gather [hbm4b:s4+s23], $0x80, s3, s23, $0xb8;
	[tilespmem:$0x16900] =	vst v63  }
0x85: {  	_ =	swait.ge [sflag:s24], $0x2800  }
0x86: {  	[sflag:s24] =	ssyncset.done $0x0  }
.Ltmp5:
0x87: {  	[sflag:s24] =	ssyncadd.s32 $0xFFFFD800;
	(pc) =	sbr.rel .LBB2_10-.Ltmp5, $4  }
0x88: {  	[spmem:s2] =	stream.indirect.scatter.add.f32 [tilespmem:s20], [sflag:$0x2], $0x80, s22, s23, $0xb8;
	[tilespmem:$0x16900] =	vst v63  }
0x89: {  	_ =	swait.ge [sflag:s21], $0x2800  }
0x8a: {  	[sflag:s21] =	ssyncset.done $0x0  }
0x8b: {  	s26 =	smov.u32 s6;
	[sflag:s21] =	ssyncadd.s32 $0xFFFFD800  }
.LBB2_7:
0x8c: {  	[tilespmem:s3], [sflag:$0x2] =	stream.linear.gather [hbm4b:s26+s3], $0x50, $0x38;
	[tilespmem:$0x16900] =	vst v63  }
0x8d: {  	_ =	swait.ge [sflag:s21], $0x50  }
0x8e: {  	[sflag:s21] =	ssyncset.done $0x0  }
0x8f: {  	s31 =	sadd.s32 $0x0, s18;
	[sflag:s21] =	ssyncadd.s32 $0xFFFFFFB0  }
0x90: {  	[tilespmem:s22], [sflag:$0x2] =	stream.linear.gather [hbm4b:s31+s3], $0x50, $0x38;
	[tilespmem:$0x16900] =	vst v63  }
0x91: {  	_ =	swait.ge [sflag:s21], $0x50  }
0x92: {  	[sflag:s21] =	ssyncset.done $0x0  }
0x93: {  	[sflag:s21] =	ssyncadd.s32 $0xFFFFFFB0  }
0x94: {  	[tilespmem:s20], [sflag:$0x1] =	stream.indirect.gather [hbm4b:s5+s23], $0x80, s3, s23, $0xb8;
	[tilespmem:$0x16900] =	vst v63  }
0x95: {  	_ =	swait.ge [sflag:s24], $0x2800  }
0x96: {  	[sflag:s24] =	ssyncset.done $0x0  }
0x97: {  	[sflag:s24] =	ssyncadd.s32 $0xFFFFD800  }
0x98: {  	[spmem:s2] =	stream.indirect.scatter.add.f32 [tilespmem:s20], [sflag:$0x2], $0x80, s22, s23, $0xb8;
	[tilespmem:$0x16900] =	vst v63  }
0x99: {  	_ =	swait.ge [sflag:s21], $0x2800  }
0x9a: {  	s26 =	simm.s32 $0xA;
	s28 =	simm.s32 $0x14;
	[sflag:s21] =	ssyncset.done $0x0  }
.LBB2_8:
0x9b: {  	s29 =	sadd.s32 s26, s19  }
0x9c: {  	[sflag:s21] =	ssyncadd.s32 $0xFFFFD800;
	s30 =	smov.u32 s28;
	s31 =	sadd.s32 $0xA, s28  }
0x9d: {  	[tilespmem:s3], [sflag:$0x2] =	stream.linear.gather [hbm4b:s29+s3], $0x50, $0x38;
	[tilespmem:$0x16900] =	vst v63  }
0x9e: {  	p1 =	sne.s32 s28, $0x4D8;
	_ =	swait.ge [sflag:s21], $0x50  }
0x9f: {  	[sflag:s21] =	ssyncset.done $0x0  }
0xa0: {  	s28 =	sadd.s32 s26, s18;
	s26 =	smov.u32 s30;
	[sflag:s21] =	ssyncadd.s32 $0xFFFFFFB0  }
0xa1: {  	[tilespmem:s22], [sflag:$0x2] =	stream.linear.gather [hbm4b:s28+s3], $0x50, $0x38;
	[tilespmem:$0x16900] =	vst v63  }
0xa2: {  	_ =	swait.ge [sflag:s21], $0x50  }
0xa3: {  	[sflag:s21] =	ssyncset.done $0x0  }
0xa4: {  	[sflag:s21] =	ssyncadd.s32 $0xFFFFFFB0  }
0xa5: {  	[tilespmem:s20], [sflag:$0x1] =	stream.indirect.gather [hbm4b:s5+s23], $0x80, s3, s23, $0xb8;
	[tilespmem:$0x16900] =	vst v63  }
0xa6: {  	_ =	swait.ge [sflag:s24], $0x2800  }
.Ltmp6:
0xa7: {  	[sflag:s24] =	ssyncset.done $0x0;
	(pc) =	sbr.rel @p1 .LBB2_8-.Ltmp6, $4  }
0xa8: {  	[sflag:s24] =	ssyncadd.s32 $0xFFFFD800  }
0xa9: {  	[spmem:s2] =	stream.indirect.scatter.add.f32 [tilespmem:s20], [sflag:$0x2], $0x80, s22, s23, $0xb8;
	[tilespmem:$0x16900] =	vst v63  }
0xaa: {  	_ =	swait.ge [sflag:s21], $0x2800  }
0xab: {  	s28 =	smov.u32 s31;
	[sflag:s21] =	ssyncset.done $0x0  }
.Ltmp7:
0xac: {  	_ = 	snop;
	(pc) =	sbr.rel .LBB2_9-.Ltmp7, $1  }
0xad: {  	_ =	sdelay $0x3  }
.LBB2_11:
0xae: {  	_ =	sfence.sel $0x180000  }
0xaf: {  	[bflag:$0x0] =	sbarrier.arrive $0xFFFF  }
0xb0: {  	p0 =	sne.s32 s1, $0x0;
	_ =	strace $0x9000004D  }
0xb1: {  	s0 =	sadd.s32 @!p0 $0x100000, s0;
	[bflag:$0x2] =	sbarrier.arrive $0xFFFF  }
0xb2: {  	[sflag:s0] =	ssyncadd.tile.s32 @!p0 $0x1;
	_ =	shalt  }
.Lfunc_end2:
_tile_overlayer_lowered:
.L_overlay_start_2:
0xb3: {  	(tag) =	ssettag $0x2  }
0xb4: {  	s0 =	rddreg [dreg:$0x0];
	s2 =	stileid.u32  }
0xb5: {  	s1 =	rddreg [dreg:$0x1];
	p0 =	sne.s32 s2, $0x0  }
0xb6: {  	s3 =	rddreg [dreg:$0x2];
	[bflag:$0x3] =	sbarrier.arrive $0xFFFF;
	s2 =	simm.s32 @!p0 $0x1C02  }
0xb7: {  	[timem:s3], [sflag:s2] =	dma.local @!p0 [hbm:s0], s1  }
0xb8: {  	s0 =	simm.s32 @!p0 $0x2  }
0xb9: {  	_ =	swait.ge @!p0 [sflag:s0], s1  }
0xba: {  	s1 =	ssub.s32 @!p0 $0x0, s1;
	[sflag:s0] =	ssyncset.done @!p0 $0x0  }
0xbb: {  	[sflag:s0] =	ssyncadd.s32 @!p0 s1  }
0xbc: {  	[bflag:$0x3] =	sbarrier.arrive $0xFFFF  }
0xbd: {  	_ =	shalt  }

// kernel: kernel.22.cloned.1.call-start
scs
__scs_entry_jumppad:
0x0: {  	(pc) =	sbr.rel $0x88, $3  }
0x1: {  	(tag) =	ssettag $0x0;
	lr =	simm.s32 $0x1  }
0x2: {  	[smem:$0x3F92] =	sst lr;
	_ =	strace $0xD0000000  }
0x3: {  	_ = 	snop  }
0x4: {  	_ = 	snop  }
0x5: {  	_ = 	snop  }
0x6: {  	_ = 	snop  }
0x7: {  	_ = 	snop  }
__scs_overlays_trampoline_lowered:
0x8: {  	[smem:$0x3FA1] =	sst s0  }
0x9: {  	[smem:$0x3FA2] =	sst s1  }
0xa: {  	[smem:$0x3FA3] =	sst s2  }
0xb: {  	[smem:$0x3FA4] =	sst s3  }
0xc: {  	[smem:$0x3FA5] =	sst s4  }
0xd: {  	[smem:$0x3FA6] =	sst s5  }
0xe: {  	[smem:$0x3FA7] =	sst s6  }
0xf: {  	[smem:$0x3FA8] =	sst s7  }
0x10: {  	[smem:$0x3FA9] =	sst s8  }
0x11: {  	[smem:$0x3FAA] =	sst s9;
	s0 =	simm.s32 @!p0 $0x0  }
0x12: {  	s1 =	sld [smem:$0x3F90];
	s0 =	simm.s32 @p0 $0x1  }
0x13: {  	[smem:$0x3FAB] =	sst s0;
	s0 =	simm.s32 @!p1 $0x0  }
0x14: {  	s2 =	sld [smem:$0x3F8F];
	s0 =	simm.s32 @p1 $0x1  }
0x15: {  	[smem:$0x3FAC] =	sst s0;
	s0 =	simm.s32 @!p2 $0x0  }
0x16: {  	s3 =	sld [smem:$0x3FDB];
	s0 =	simm.s32 @p2 $0x1  }
0x17: {  	s4 =	simm.s32 $0x1BF5;
	[smem:$0x3FAE] =	sst s0  }
0x18: {  	s0 =	sld [smem:$0x3F91];
	_ =	swait.ge [sflag:s4], $0x0  }
0x19: {  	s7 =	sld [smem:$0x3F92]  }
0x1a: {  	s8 =	sadd.s32 $0xFFFFE003, lr  }
0x1b: {  	s9 =	sadd.s32 $0xFFFFFEF7, lr;
	s5 =	simm.s32 $0xFFFFFFFF;
	p2 =	slt.u32 s8, $0xFFFFF086  }
0x1c: {  	p1 =	slt.u32 s9, $0xF7A;
	s5 =	simm.s32 @!p2 $0x0  }
0x1d: {  	s5 =	simm.s32 @p1 $0x1;
	p0 =	seq.s32 s7, s2  }
0x1e: {  	s7 =	smul.u32 @!p0 $0xF7A, s2;
	p2 =	seq.s32 @!p0 s5, $0x0  }
0x1f: {  	s9 =	smul.u32 $0xF7A, s1;
	s8 =	simm.s32 @!p0 $0x1BF5;
	p2 =	por !p2, p0  }
0x20: {  	[sflag:s8] =	ssyncset.s32 @!p0 $0xFFFFF086;
	s6 =	sadd.s32 @!p0 s3, s7;
	s7 =	simm.s32 @!p0 $0x108  }
0x21: {  	s3 =	sadd.s32 s3, s9;
	s6 =	sadd.s32 @!p0 $0x88, s6;
	s7 =	simm.s32 @p2 $0x1082  }
0x22: {  	[simem:s7], [sflag:s8] =	dma.local @!p0 [hbm:s6], $0xF7A  }
0x23: {  	s9 =	sor.u32 $0xD0000000, s2;
	s6 =	simm.s32 $0x108;
	_ =	swait.ge @!p0 [sflag:s8], $0x0  }
0x24: {  	s3 =	sadd.s32 $0x88, s3;
	s6 =	simm.s32 @!p1 $0x1082;
	[sflag:s4] =	ssyncset.s32 $0xFFFFF086  }
0x25: {  	[simem:s6], [sflag:s4] =	dma.local [hbm:s3], $0xF7A  }
0x26: {  	[smem:$0x3F92] =	sst s1;
	(tag) =	ssettag s2;
	_ =	strace s9  }
0x27: {  	s1 =	sld [smem:$0x3FA2]  }
0x28: {  	s2 =	sld [smem:$0x3FA3]  }
0x29: {  	s4 =	sld [smem:$0x3FA5]  }
0x2a: {  	p0 =	seq.s32 s5, $0x0;
	s5 =	sld [smem:$0x3FA6]  }
0x2b: {  	s6 =	sld [smem:$0x3FA7]  }
0x2c: {  	s7 =	sld [smem:$0x3FA8]  }
0x2d: {  	s3 =	simm.s32 $0x108;
	s8 =	sld [smem:$0x3FA9]  }
0x2e: {  	s3 =	simm.s32 @!p0 $0x1082;
	s9 =	sld [smem:$0x3FAA]  }
0x2f: {  	lr =	sadd.s32 s0, s3;
	s0 =	sld [smem:$0x3FA1]  }
0x30: {  	s3 =	sld [smem:$0x3FA4]  }
0x31: {  	[smem:$0x3FAD] =	sst s10  }
0x32: {  	s10 =	sld [smem:$0x3FAB];
	_ =	sdelay $0x3  }
0x33: {  	p0 =	seq.s32 s10, $0x1;
	s10 =	sld [smem:$0x3FAD];
	_ =	sdelay $0x3  }
0x34: {  	[smem:$0x3FAD] =	sst s10  }
0x35: {  	s10 =	sld [smem:$0x3FAC];
	_ =	sdelay $0x3  }
0x36: {  	p1 =	seq.s32 s10, $0x1;
	s10 =	sld [smem:$0x3FAD];
	_ =	sdelay $0x3  }
0x37: {  	[smem:$0x3FAD] =	sst s10  }
0x38: {  	s10 =	sld [smem:$0x3FAE]  }
0x39: {  	_ = 	snop;
	(pc) =	sbr.ind lr, $3  }
0x3a: {  	_ = 	snop  }
0x3b: {  	_ = 	snop  }
0x3c: {  	p2 =	seq.s32 s10, $0x1;
	s10 =	sld [smem:$0x3FAD]  }
0x3d: {  	_ =	shalt  }
0x3e: {  	_ =	shalt  }
0x3f: {  	_ =	shalt  }
0x40: {  	_ =	shalt  }
0x41: {  	_ =	shalt  }
0x42: {  	_ =	shalt  }
0x43: {  	_ =	shalt  }
0x44: {  	_ =	shalt  }
0x45: {  	_ =	shalt  }
0x46: {  	_ =	shalt  }
0x47: {  	_ =	shalt  }
0x48: {  	_ =	shalt  }
0x49: {  	_ =	shalt  }
0x4a: {  	_ =	shalt  }
0x4b: {  	_ =	shalt  }
0x4c: {  	_ =	shalt  }
0x4d: {  	_ =	shalt  }
0x4e: {  	_ =	shalt  }
0x4f: {  	_ =	shalt  }
0x50: {  	_ =	shalt  }
0x51: {  	_ =	shalt  }
0x52: {  	_ =	shalt  }
0x53: {  	_ =	shalt  }
0x54: {  	_ =	shalt  }
0x55: {  	_ =	shalt  }
0x56: {  	_ =	shalt  }
0x57: {  	_ =	shalt  }
0x58: {  	_ =	shalt  }
0x59: {  	_ =	shalt  }
0x5a: {  	_ =	shalt  }
0x5b: {  	_ =	shalt  }
0x5c: {  	_ =	shalt  }
0x5d: {  	_ =	shalt  }
0x5e: {  	_ =	shalt  }
0x5f: {  	_ =	shalt  }
0x60: {  	_ =	shalt  }
0x61: {  	_ =	shalt  }
0x62: {  	_ =	shalt  }
0x63: {  	_ =	shalt  }
0x64: {  	_ =	shalt  }
0x65: {  	_ =	shalt  }
0x66: {  	_ =	shalt  }
0x67: {  	_ =	shalt  }
0x68: {  	_ =	shalt  }
0x69: {  	_ =	shalt  }
0x6a: {  	_ =	shalt  }
0x6b: {  	_ =	shalt  }
0x6c: {  	_ =	shalt  }
0x6d: {  	_ =	shalt  }
0x6e: {  	_ =	shalt  }
0x6f: {  	_ =	shalt  }
0x70: {  	_ =	shalt  }
0x71: {  	_ =	shalt  }
0x72: {  	_ =	shalt  }
0x73: {  	_ =	shalt  }
0x74: {  	_ =	shalt  }
0x75: {  	_ =	shalt  }
0x76: {  	_ =	shalt  }
0x77: {  	_ =	shalt  }
0x78: {  	_ =	shalt  }
0x79: {  	_ =	shalt  }
0x7a: {  	_ =	shalt  }
0x7b: {  	_ =	shalt  }
0x7c: {  	_ =	shalt  }
0x7d: {  	_ =	shalt  }
0x7e: {  	_ =	shalt  }
0x7f: {  	_ =	shalt  }
0x80: {  	_ =	shalt  }
0x81: {  	_ =	shalt  }
0x82: {  	_ =	shalt  }
0x83: {  	_ =	shalt  }
0x84: {  	_ =	shalt  }
0x85: {  	_ =	shalt  }
0x86: {  	_ =	shalt  }
0x87: {  	_ =	shalt  }
.Lfunc_end0:
.L_simem_size_0:
called_computation.3_lowered:
.L_overlay_start_0:
0x88: {  	s2 =	sld [smem:$0x3FD9]  }
0x89: {  	s3 =	sld [smem:$0x3FFE];
	_ =	sdelay $0x1  }
0x8a: {  	s1 =	srdreg.scid  }
0x8b: {  	s0 =	sand.u32 $0x1, s1  }
0x8c: {  	s16 =	sshll.u32 s0, $0xA;
	s2 =	sadd.s32 s3, s2  }
0x8d: {  	s2 =	sadd.s32 s2, s16  }
0x8e: {  	[smem:$0x3FB9] =	sst s2  }
0x8f: {  	_ = 	snop  }
0x90: {  	(tm) =	ssettm $0x1  }
0x91: {  	s17 =	sld [smem:$0x3FFB];
	_ =	sdelay $0x3  }
0x92: {  	_ =	strace s17  }
0x93: {  	s2 =	sld [smem:$0x3FFC];
	_ =	sdelay $0x3  }
0x94: {  	_ =	strace s2  }
0x95: {  	s2 =	sld [smem:$0x3FFD];
	_ =	sdelay $0x3  }
0x96: {  	_ =	strace s2  }
0x97: {  	_ =	strace $0x8FFFFFFF  }
0x98: {  	s18 =	sld [smem:$0x3FDB];
	_ =	sdelay $0x1  }
0x99: {  	s19 =	simm.s32 $_scs_section_size  }
0x9a: {  	s4 =	simm.s32 $_size__tile_overlayer_lowered;
	s5 =	simm.s32 $_tile_overlayer_lowered  }
0x9b: {  	s22 =	simm.s32 $0x1BFF;
	s21 =	sshll.u32 s5, $0x1;
	s2 =	sadd.s32 s19, s18  }
0x9c: {  	s6 =	simm.s32 $0x0;
	s20 =	sshll.u32 s4, $0x1;
	s4 =	sadd.s32 s21, s2  }
0x9d: {  	[timem:s6], [sflag:s22] =	dma.local [hbm:s4], s20  }
0x9e: {  	_ =	swait.ge [sflag:s22], s20  }
0x9f: {  	s3 =	ssub.s32 $0x0, s20;
	[sflag:s22] =	ssyncset.done $0x0  }
0xa0: {  	[sflag:s22] =	ssyncadd.s32 s3;
	_ =	sdelay $0x1  }
0xa1: {  	s23 =	simm.s32 $0x1B8B  }
0xa2: {  	_ =	swait.ge [sflag:s23], $0x1  }
0xa3: {  	[sflag:s23] =	ssyncset.done $0x0  }
0xa4: {  	s25 =	simm.s32 $0x1B8E;
	s24 =	sld [smem:$0x3FFE];
	[sflag:s23] =	ssyncadd.s32 $0xFFFFFFFF  }
0xa5: {  	s26 =	simm.s32 $execute0_lowered;
	[smem:$0x3FD2] =	sst s25  }
0xa6: {  	s4 =	sshll.u32 s26, $0x1;
	_ =	strace $0x8000004F;
	[dreg:$0x1] =	wrdreg $0xFFFFFFFF  }
0xa7: {  	s28 =	simm.s32 $_size_execute0_lowered;
	s2 =	sadd.s32 s2, s4;
	[dreg:$0x0] =	wrdreg $0x0  }
0xa8: {  	s4 =	sshll.u32 s28, $0x1;
	[dreg:$0x2] =	wrdreg s2  }
0xa9: {  	[dreg:$0x3] =	wrdreg s4  }
0xaa: {  	[dreg:$0x4] =	wrdreg $0xC0  }
0xab: {  	_ =	task [dreg:s6], $0x5FFFF  }
0xac: {  	[dreg:$0x1] =	wrdreg $0xFFFFFFFF  }
0xad: {  	[dreg:$0x0] =	wrdreg $0x60  }
0xae: {  	[dreg:$0x2] =	wrdreg s24  }
0xaf: {  	[dreg:$0x3] =	wrdreg $0x29000  }
0xb0: {  	[dreg:$0x4] =	wrdreg $0x9  }
0xb1: {  	_ =	task.clear_ibuf [dreg:s6], $0x5FFFF;
	_ =	strace $0x9000004F  }
0xb2: {  	s29 =	simm.s32 $0x9;
	_ =	strace $0x80000051  }
0xb3: {  	_ =	swait.ge [sflag:s29], $0x1  }
0xb4: {  	[sflag:s29] =	ssyncadd.s32 $0xFFFFFFFF  }
0xb5: {  	_ =	strace $0x90000051  }
0xb6: {  	_ =	sfence  }
0xb7: {  	s30 =	sld [smem:$0x0];
	_ =	sdelay $0x2  }
0xb8: {  	s31 =	sshll.u32 s1, $0xD;
	s1 =	sshrl.u32 s1, $0x2  }
0xb9: {  	s3 =	sand.u32 $0x4000, s31;
	s1 =	sadd.s32 s1, s30  }
0xba: {  	s0 =	sor.u32 s3, s0;
	s1 =	sshll.u32 s1, $0x11  }
0xbb: {  	s0 =	sor.u32 s1, s0  }
0xbc: {  	s0 =	sadd.s32 $0x8F2B, s0  }
0xbd: {  	[sflag:s0] =	ssyncadd.remote.s32 $0x1  }
0xbe: {  	_ =	sfence.sel $0xFFFF  }
0xbf: {  	[dreg:$0x0] =	wrdreg $0xFFFFFFFF;
	(pc) =	sbr.abs _section_cstart, $3  }
0xc0: {  	[dreg:$0x1] =	wrdreg $0xFFFFFFFF  }
0xc1: {  	_ =	task.clear_ibuf [dreg:s6], $0x2FFFF;
	_ =	strace $0x9FFFFFFF  }
0xc2: {  	(tm) =	ssettm $0x7FFFFFFF  }
0xc3: {  	_ =	shalt  }
tec
execute0_lowered:
.L_overlay_start_1:
0x0: {  	(tag) =	ssettag $0x1  }
0x1: {  	s7 =	rddreg [dreg:$0x0]  }
0x2: {  	s2 =	rddreg [dreg:$0x1]  }
0x3: {  	s0 =	rddreg [dreg:$0x2];
	s3 =	simm.s32 $0x0  }
0x4: {  	s1 =	stileid.u32;
	s5 =	srdreg.scid;
	s21 =	simm.s32 $0x2  }
0x5: {  	s22 =	simm.s32 $0x80;
	s23 =	simm.s32 $0x50;
	s24 =	simm.s32 $0x1  }
0x6: {  	s25 =	simm.s32 $0x0;
	[smem:$0x7FF] =	sst s3;
	s6 =	smul.u32 $0x4E2, s1  }
0x7: {  	s4 =	sadd.s32 $0x10C00, s7;
	s20 =	sand.u32 $0x1, s5;
	s8 =	smul.u32 $0x50000, s1  }
0x8: {  	s5 =	sadd.s32 $0x37E00, s7;
	s16 =	smul.u32 $0x2800, s1;
	_ =	strace $0x80000050  }
0x9: {  	s9 =	ssub.s32 $0x2, s20;
	p0 =	sne.s32 s20, $0x0;
	s20 =	simm.s32 $0x100  }
0xa: {  	s19 =	sadd.s32 s6, s7;
	s6 =	sadd.s32 $0xADE00, s7;
	s10 =	sshrl.u32 s9, $0x1  }
.Ltmp0:
0xb: {  	s8 =	sshrl.u32 s8, $0x2;
	s7 =	sadd.s32 $0xD5E00, s7;
	(pc) =	sbr.rel .LBB2_1-.Ltmp0, $4  }
0xc: {  	s17 =	ssub.s32 s9, s10;
	s8 =	sadd.s32 s8, s2;
	s18 =	sadd.s32 $0xBC00, s19  }
0xd: {  	s19 =	sadd.s32 $0x6C00, s19;
	s9 =	sadd.s32 $0x2800, s8;
	s10 =	sadd.s32 $0x5000, s8  }
0xe: {  	s11 =	sadd.s32 $0x7800, s8;
	s12 =	sadd.s32 $0xA000, s8;
	s13 =	sadd.s32 $0xC800, s8  }
0xf: {  	v0 =	vimm.f32 $0.0e+00;
	s14 =	sadd.s32 $0xF000, s8;
	s15 =	sadd.s32 $0x11800, s8;
	s17 =	smax.u32 s17, $0x1  }
.LBB2_9:
0x10: {  	s28 =	sadd.s32 s26, s19;
	[sflag:s21] =	ssyncadd.s32 $0xFFFFD800  }
0x11: {  	[tilespmem:s3], [sflag:$0x2] =	stream.linear.gather [hbm4b:s28+s3], $0x50, $0x38;
	[tilespmem:$0x16900] =	vst v63  }
0x12: {  	_ =	swait.ge [sflag:s21], $0x50  }
0x13: {  	[sflag:s21] =	ssyncset.done $0x0  }
0x14: {  	s31 =	sadd.s32 s26, s18;
	[sflag:s21] =	ssyncadd.s32 $0xFFFFFFB0  }
0x15: {  	[tilespmem:s22], [sflag:$0x2] =	stream.linear.gather [hbm4b:s31+s3], $0x50, $0x38;
	[tilespmem:$0x16900] =	vst v63  }
0x16: {  	_ =	swait.ge [sflag:s21], $0x50  }
0x17: {  	[sflag:s21] =	ssyncset.done $0x0  }
0x18: {  	[sflag:s21] =	ssyncadd.s32 $0xFFFFFFB0  }
0x19: {  	[tilespmem:s20], [sflag:$0x1] =	stream.indirect.gather [hbm4b:s5+s23], $0x80, s3, s23, $0xb8;
	[tilespmem:$0x16900] =	vst v63  }
0x1a: {  	_ =	swait.ge [sflag:s24], $0x2800  }
0x1b: {  	[sflag:s24] =	ssyncset.done $0x0  }
0x1c: {  	[sflag:s24] =	ssyncadd.s32 $0xFFFFD800  }
0x1d: {  	[spmem:s2] =	stream.indirect.scatter.add.f32 [tilespmem:s20], [sflag:$0x2], $0x80, s22, s23, $0xb8;
	[tilespmem:$0x16900] =	vst v63  }
0x1e: {  	_ =	swait.ge [sflag:s21], $0x2800  }
0x1f: {  	[sflag:s21] =	ssyncset.done $0x0  }
0x20: {  	s26 =	smov.u32 s7;
	[sflag:s21] =	ssyncadd.s32 $0xFFFFD800  }
.LBB2_10:
0x21: {  	s26 =	sadd.s32 s26, s16;
	s25 =	sadd.s32 $0x1, s25  }
0x22: {  	s28 =	sshll.u32 s1, $0x6;
	[bflag:$0x0] =	sbarrier.arrive $0xFFFF;
	p1 =	sne.s32 s25, s17  }
.Ltmp1:
0x23: {  	s29 =	sshrl.u32 s8, $0x3;
	s28 =	sor.u32 $0x1C02, s28;
	(pc) =	sbr.rel @!p1 .LBB2_11-.Ltmp1, $4  }
0x24: {  	[hbm:s26], [sflag:s28] =	dma.local [spmem:s29], $0x2800  }
0x25: {  	_ =	swait.ge [sflag:s21], $0x2800  }
0x26: {  	[sflag:s21] =	ssyncset.done $0x0  }
0x27: {  	[sflag:s21] =	ssyncadd.s32 $0xFFFFD800  }
.LBB2_1:
0x28: {  	s26 =	simm.s32 $0x0;
	s28 =	simm.s32 $0x200  }
.LBB2_2:
0x29: {  	p1 =	sne.s32 s28, $0x9E00;
	[tilespmem:s26+$0x170] =	vst v0  }
0x2a: {  	[tilespmem:s26+$0x100] =	vst v0  }
0x2b: {  	[tilespmem:s26+$0x110] =	vst v0  }
.Ltmp2:
0x2c: {  	[tilespmem:s26+$0x120] =	vst v0;
	(pc) =	sbr.rel @p1 .LBB2_2-.Ltmp2, $4  }
0x2d: {  	[tilespmem:s26+$0x130] =	vst v0  }
0x2e: {  	[tilespmem:s26+$0x140] =	vst v0  }
0x2f: {  	[tilespmem:s26+$0x150] =	vst v0  }
0x30: {  	[tilespmem:s26+$0x160] =	vst v0;
	s26 =	sshra.s32 s28, $0x2;
	s28 =	sadd.s32 $0x200, s28  }
0x31: {  	[tilespmem:s26+$0x170] =	vst v0  }
0x32: {  	[tilespmem:s26+$0x100] =	vst v0  }
0x33: {  	[tilespmem:s26+$0x110] =	vst v0  }
0x34: {  	[tilespmem:s26+$0x120] =	vst v0  }
0x35: {  	[tilespmem:s26+$0x130] =	vst v0  }
0x36: {  	[tilespmem:s26+$0x140] =	vst v0  }
0x37: {  	[tilespmem:s26+$0x150] =	vst v0  }
0x38: {  	[tilespmem:s26+$0x160] =	vst v0  }
0x39: {  	[spmem:s8] =	stream.linear.scatter [tilespmem:s20], [sflag:$0x2], $0x2800, $0x38;
	[tilespmem:$0x16900] =	vst v63  }
0x3a: {  	_ =	swait.ge [sflag:s21], $0x2800  }
0x3b: {  	[sflag:s21] =	ssyncset.done $0x0  }
0x3c: {  	[sflag:s21] =	ssyncadd.s32 $0xFFFFD800  }
0x3d: {  	[spmem:s9] =	stream.linear.scatter [tilespmem:s20], [sflag:$0x2], $0x2800, $0x38;
	[tilespmem:$0x16900] =	vst v63  }
0x3e: {  	_ =	swait.ge [sflag:s21], $0x2800  }
0x3f: {  	[sflag:s21] =	ssyncset.done $0x0  }
0x40: {  	[sflag:s21] =	ssyncadd.s32 $0xFFFFD800  }
0x41: {  	[spmem:s10] =	stream.linear.scatter [tilespmem:s20], [sflag:$0x2], $0x2800, $0x38;
	[tilespmem:$0x16900] =	vst v63  }
0x42: {  	_ =	swait.ge [sflag:s21], $0x2800  }
0x43: {  	[sflag:s21] =	ssyncset.done $0x0  }
0x44: {  	[sflag:s21] =	ssyncadd.s32 $0xFFFFD800  }
0x45: {  	[spmem:s11] =	stream.linear.scatter [tilespmem:s20], [sflag:$0x2], $0x2800, $0x38;
	[tilespmem:$0x16900] =	vst v63  }
0x46: {  	_ =	swait.ge [sflag:s21], $0x2800  }
0x47: {  	[sflag:s21] =	ssyncset.done $0x0  }
0x48: {  	[sflag:s21] =	ssyncadd.s32 $0xFFFFD800  }
0x49: {  	[spmem:s12] =	stream.linear.scatter [tilespmem:s20], [sflag:$0x2], $0x2800, $0x38;
	[tilespmem:$0x16900] =	vst v63  }
0x4a: {  	_ =	swait.ge [sflag:s21], $0x2800  }
0x4b: {  	[sflag:s21] =	ssyncset.done $0x0  }
0x4c: {  	[sflag:s21] =	ssyncadd.s32 $0xFFFFD800  }
0x4d: {  	[spmem:s13] =	stream.linear.scatter [tilespmem:s20], [sflag:$0x2], $0x2800, $0x38;
	[tilespmem:$0x16900] =	vst v63  }
0x4e: {  	_ =	swait.ge [sflag:s21], $0x2800  }
0x4f: {  	[sflag:s21] =	ssyncset.done $0x0  }
0x50: {  	[sflag:s21] =	ssyncadd.s32 $0xFFFFD800  }
0x51: {  	[spmem:s14] =	stream.linear.scatter [tilespmem:s20], [sflag:$0x2], $0x2800, $0x38;
	[tilespmem:$0x16900] =	vst v63  }
0x52: {  	_ =	swait.ge [sflag:s21], $0x2800  }
0x53: {  	[sflag:s21] =	ssyncset.done $0x0  }
0x54: {  	[sflag:s21] =	ssyncadd.s32 $0xFFFFD800  }
0x55: {  	[spmem:s15] =	stream.linear.scatter [tilespmem:s20], [sflag:$0x2], $0x2800, $0x38;
	[tilespmem:$0x16900] =	vst v63  }
.Ltmp3:
0x56: {  	_ =	swait.ge [sflag:s21], $0x2800;
	(pc) =	sbr.rel @p0 .LBB2_7-.Ltmp3, $4  }
0x57: {  	[sflag:s21] =	ssyncset.done $0x0  }
0x58: {  	[sflag:s21] =	ssyncadd.s32 $0xFFFFD800  }
0x59: {  	[bflag:$0x0] =	sbarrier.arrive $0xFFFF  }
0x5a: {  	s26 =	sadd.s32 $0x0, s19  }
0x5b: {  	[tilespmem:s3], [sflag:$0x2] =	stream.linear.gather [hbm4b:s26+s3], $0x50, $0x38;
	[tilespmem:$0x16900] =	vst v63  }
0x5c: {  	_ =	swait.ge [sflag:s21], $0x50  }
0x5d: {  	[sflag:s21] =	ssyncset.done $0x0  }
0x5e: {  	s31 =	sadd.s32 $0x0, s18;
	[sflag:s21] =	ssyncadd.s32 $0xFFFFFFB0  }
0x5f: {  	[tilespmem:s22], [sflag:$0x2] =	stream.linear.gather [hbm4b:s31+s3], $0x50, $0x38;
	[tilespmem:$0x16900] =	vst v63  }
0x60: {  	_ =	swait.ge [sflag:s21], $0x50  }
0x61: {  	[sflag:s21] =	ssyncset.done $0x0  }
0x62: {  	[sflag:s21] =	ssyncadd.s32 $0xFFFFFFB0  }
0x63: {  	[tilespmem:s20], [sflag:$0x1] =	stream.indirect.gather [hbm4b:s4+s23], $0x80, s3, s23, $0xb8;
	[tilespmem:$0x16900] =	vst v63  }
0x64: {  	_ =	swait.ge [sflag:s24], $0x2800  }
0x65: {  	[sflag:s24] =	ssyncset.done $0x0  }
0x66: {  	[sflag:s24] =	ssyncadd.s32 $0xFFFFD800  }
0x67: {  	[spmem:s2] =	stream.indirect.scatter.add.f32 [tilespmem:s20], [sflag:$0x2], $0x80, s22, s23, $0xb8;
	[tilespmem:$0x16900] =	vst v63  }
0x68: {  	_ =	swait.ge [sflag:s21], $0x2800  }
0x69: {  	s26 =	simm.s32 $0xA;
	s28 =	simm.s32 $0x14;
	[sflag:s21] =	ssyncset.done $0x0  }
.LBB2_5:
0x6a: {  	s29 =	sadd.s32 s26, s19  }
0x6b: {  	[sflag:s21] =	ssyncadd.s32 $0xFFFFD800;
	s30 =	smov.u32 s28;
	s31 =	sadd.s32 $0xA, s28  }
0x6c: {  	[tilespmem:s3], [sflag:$0x2] =	stream.linear.gather [hbm4b:s29+s3], $0x50, $0x38;
	[tilespmem:$0x16900] =	vst v63  }
0x6d: {  	p1 =	seq.s32 s28, $0x4D8;
	_ =	swait.ge [sflag:s21], $0x50  }
0x6e: {  	[sflag:s21] =	ssyncset.done $0x0  }
0x6f: {  	s28 =	sadd.s32 s26, s18;
	s26 =	smov.u32 s30;
	[sflag:s21] =	ssyncadd.s32 $0xFFFFFFB0  }
0x70: {  	[tilespmem:s22], [sflag:$0x2] =	stream.linear.gather [hbm4b:s28+s3], $0x50, $0x38;
	[tilespmem:$0x16900] =	vst v63  }
0x71: {  	_ =	swait.ge [sflag:s21], $0x50  }
0x72: {  	[sflag:s21] =	ssyncset.done $0x0  }
0x73: {  	[sflag:s21] =	ssyncadd.s32 $0xFFFFFFB0  }
0x74: {  	[tilespmem:s20], [sflag:$0x1] =	stream.indirect.gather [hbm4b:s4+s23], $0x80, s3, s23, $0xb8;
	[tilespmem:$0x16900] =	vst v63  }
0x75: {  	_ =	swait.ge [sflag:s24], $0x2800  }
.Ltmp4:
0x76: {  	[sflag:s24] =	ssyncset.done $0x0;
	(pc) =	sbr.rel @!p1 .LBB2_5-.Ltmp4, $4  }
0x77: {  	[sflag:s24] =	ssyncadd.s32 $0xFFFFD800  }
0x78: {  	[spmem:s2] =	stream.indirect.scatter.add.f32 [tilespmem:s20], [sflag:$0x2], $0x80, s22, s23, $0xb8;
	[tilespmem:$0x16900] =	vst v63  }
0x79: {  	_ =	swait.ge [sflag:s21], $0x2800  }
0x7a: {  	s28 =	smov.u32 s31;
	[sflag:s21] =	ssyncset.done $0x0  }
0x7b: {  	s28 =	sadd.s32 s26, s19;
	[sflag:s21] =	ssyncadd.s32 $0xFFFFD800  }
0x7c: {  	[tilespmem:s3], [sflag:$0x2] =	stream.linear.gather [hbm4b:s28+s3], $0x50, $0x38;
	[tilespmem:$0x16900] =	vst v63  }
0x7d: {  	_ =	swait.ge [sflag:s21], $0x50  }
0x7e: {  	[sflag:s21] =	ssyncset.done $0x0  }
0x7f: {  	s31 =	sadd.s32 s26, s18;
	[sflag:s21] =	ssyncadd.s32 $0xFFFFFFB0  }
0x80: {  	[tilespmem:s22], [sflag:$0x2] =	stream.linear.gather [hbm4b:s31+s3], $0x50, $0x38;
	[tilespmem:$0x16900] =	vst v63  }
0x81: {  	_ =	swait.ge [sflag:s21], $0x50  }
0x82: {  	[sflag:s21] =	ssyncset.done $0x0  }
0x83: {  	[sflag:s21] =	ssyncadd.s32 $0xFFFFFFB0  }
0x84: {  	[tilespmem:s20], [sflag:$0x1] =	stream.indirect.gather [hbm4b:s4+s23], $0x80, s3, s23, $0xb8;
	[tilespmem:$0x16900] =	vst v63  }
0x85: {  	_ =	swait.ge [sflag:s24], $0x2800  }
0x86: {  	[sflag:s24] =	ssyncset.done $0x0  }
.Ltmp5:
0x87: {  	[sflag:s24] =	ssyncadd.s32 $0xFFFFD800;
	(pc) =	sbr.rel .LBB2_10-.Ltmp5, $4  }
0x88: {  	[spmem:s2] =	stream.indirect.scatter.add.f32 [tilespmem:s20], [sflag:$0x2], $0x80, s22, s23, $0xb8;
	[tilespmem:$0x16900] =	vst v63  }
0x89: {  	_ =	swait.ge [sflag:s21], $0x2800  }
0x8a: {  	[sflag:s21] =	ssyncset.done $0x0  }
0x8b: {  	s26 =	smov.u32 s6;
	[sflag:s21] =	ssyncadd.s32 $0xFFFFD800  }
.LBB2_7:
0x8c: {  	[tilespmem:s3], [sflag:$0x2] =	stream.linear.gather [hbm4b:s26+s3], $0x50, $0x38;
	[tilespmem:$0x16900] =	vst v63  }
0x8d: {  	_ =	swait.ge [sflag:s21], $0x50  }
0x8e: {  	[sflag:s21] =	ssyncset.done $0x0  }
0x8f: {  	s31 =	sadd.s32 $0x0, s18;
	[sflag:s21] =	ssyncadd.s32 $0xFFFFFFB0  }
0x90: {  	[tilespmem:s22], [sflag:$0x2] =	stream.linear.gather [hbm4b:s31+s3], $0x50, $0x38;
	[tilespmem:$0x16900] =	vst v63  }
0x91: {  	_ =	swait.ge [sflag:s21], $0x50  }
0x92: {  	[sflag:s21] =	ssyncset.done $0x0  }
0x93: {  	[sflag:s21] =	ssyncadd.s32 $0xFFFFFFB0  }
0x94: {  	[tilespmem:s20], [sflag:$0x1] =	stream.indirect.gather [hbm4b:s5+s23], $0x80, s3, s23, $0xb8;
	[tilespmem:$0x16900] =	vst v63  }
0x95: {  	_ =	swait.ge [sflag:s24], $0x2800  }
0x96: {  	[sflag:s24] =	ssyncset.done $0x0  }
0x97: {  	[sflag:s24] =	ssyncadd.s32 $0xFFFFD800  }
0x98: {  	[spmem:s2] =	stream.indirect.scatter.add.f32 [tilespmem:s20], [sflag:$0x2], $0x80, s22, s23, $0xb8;
	[tilespmem:$0x16900] =	vst v63  }
0x99: {  	_ =	swait.ge [sflag:s21], $0x2800  }
0x9a: {  	s26 =	simm.s32 $0xA;
	s28 =	simm.s32 $0x14;
	[sflag:s21] =	ssyncset.done $0x0  }
.LBB2_8:
0x9b: {  	s29 =	sadd.s32 s26, s19  }
0x9c: {  	[sflag:s21] =	ssyncadd.s32 $0xFFFFD800;
	s30 =	smov.u32 s28;
	s31 =	sadd.s32 $0xA, s28  }
0x9d: {  	[tilespmem:s3], [sflag:$0x2] =	stream.linear.gather [hbm4b:s29+s3], $0x50, $0x38;
	[tilespmem:$0x16900] =	vst v63  }
0x9e: {  	p1 =	sne.s32 s28, $0x4D8;
	_ =	swait.ge [sflag:s21], $0x50  }
0x9f: {  	[sflag:s21] =	ssyncset.done $0x0  }
0xa0: {  	s28 =	sadd.s32 s26, s18;
	s26 =	smov.u32 s30;
	[sflag:s21] =	ssyncadd.s32 $0xFFFFFFB0  }
0xa1: {  	[tilespmem:s22], [sflag:$0x2] =	stream.linear.gather [hbm4b:s28+s3], $0x50, $0x38;
	[tilespmem:$0x16900] =	vst v63  }
0xa2: {  	_ =	swait.ge [sflag:s21], $0x50  }
0xa3: {  	[sflag:s21] =	ssyncset.done $0x0  }
0xa4: {  	[sflag:s21] =	ssyncadd.s32 $0xFFFFFFB0  }
0xa5: {  	[tilespmem:s20], [sflag:$0x1] =	stream.indirect.gather [hbm4b:s5+s23], $0x80, s3, s23, $0xb8;
	[tilespmem:$0x16900] =	vst v63  }
0xa6: {  	_ =	swait.ge [sflag:s24], $0x2800  }
.Ltmp6:
0xa7: {  	[sflag:s24] =	ssyncset.done $0x0;
	(pc) =	sbr.rel @p1 .LBB2_8-.Ltmp6, $4  }
0xa8: {  	[sflag:s24] =	ssyncadd.s32 $0xFFFFD800  }
0xa9: {  	[spmem:s2] =	stream.indirect.scatter.add.f32 [tilespmem:s20], [sflag:$0x2], $0x80, s22, s23, $0xb8;
	[tilespmem:$0x16900] =	vst v63  }
0xaa: {  	_ =	swait.ge [sflag:s21], $0x2800  }
0xab: {  	s28 =	smov.u32 s31;
	[sflag:s21] =	ssyncset.done $0x0  }
.Ltmp7:
0xac: {  	_ = 	snop;
	(pc) =	sbr.rel .LBB2_9-.Ltmp7, $1  }
0xad: {  	_ =	sdelay $0x3  }
.LBB2_11:
0xae: {  	_ =	sfence.sel $0x180000  }
0xaf: {  	[bflag:$0x0] =	sbarrier.arrive $0xFFFF  }
0xb0: {  	p0 =	sne.s32 s1, $0x0;
	_ =	strace $0x90000050  }
0xb1: {  	s0 =	sadd.s32 @!p0 $0x100000, s0;
	[bflag:$0x2] =	sbarrier.arrive $0xFFFF  }
0xb2: {  	[sflag:s0] =	ssyncadd.tile.s32 @!p0 $0x1;
	_ =	shalt  }
.Lfunc_end2:
_tile_overlayer_lowered:
.L_overlay_start_2:
0xb3: {  	(tag) =	ssettag $0x2  }
0xb4: {  	s0 =	rddreg [dreg:$0x0];
	s2 =	stileid.u32  }
0xb5: {  	s1 =	rddreg [dreg:$0x1];
	p0 =	sne.s32 s2, $0x0  }
0xb6: {  	s3 =	rddreg [dreg:$0x2];
	[bflag:$0x3] =	sbarrier.arrive $0xFFFF;
	s2 =	simm.s32 @!p0 $0x1C02  }
0xb7: {  	[timem:s3], [sflag:s2] =	dma.local @!p0 [hbm:s0], s1  }
0xb8: {  	s0 =	simm.s32 @!p0 $0x2  }
0xb9: {  	_ =	swait.ge @!p0 [sflag:s0], s1  }
0xba: {  	s1 =	ssub.s32 @!p0 $0x0, s1;
	[sflag:s0] =	ssyncset.done @!p0 $0x0  }
0xbb: {  	[sflag:s0] =	ssyncadd.s32 @!p0 s1  }
0xbc: {  	[bflag:$0x3] =	sbarrier.arrive $0xFFFF  }
0xbd: {  	_ =	shalt  }

</sc_bundles>
